<compile_context>
chip_gen: v7x
topology: tpu7x:2x2x1
jax: 0.10.2.dev20260603
libtpu: 0.0.44.dev20260713+nightly
codegen_flags: <defaults>
</compile_context>

<pallas_src>
import functools

import jax
import jax.numpy as jnp
from jax import lax
from jax.experimental import pallas as pl
from jax.experimental.pallas import tpu as pltpu
from jax.experimental.pallas import tpu_sc as plsc

NC = 2
NS = 16
NW = NC * NS
LANES = 16

N = 10000
NP = 10240
E = 320000
K = 128
EPT = 10240
EPAD = NW * EPT
NB = EPT // K
STRIPE = NP // NS

_MESH = plsc.VectorSubcoreMesh(
    core_axis_name="c", subcore_axis_name="s", num_cores=NC, num_subcores=NS
)

HW = 16
F2 = 40


HNBUF = 5
HROUNDS = NB // HNBUF


def _hist_body(dst3, hparts, acc, ones_v, dstv, fbuf, *sems):
    cid = lax.axis_index("c")
    sid = lax.axis_index("s")
    wid = cid * NS + sid

    z16 = jnp.zeros((LANES,), jnp.float32)
    o16 = jnp.ones((LANES,), jnp.float32)

    def init_rows(r, _):
        ones_v[lax.rem(r, K), :] = o16
        fbuf[r, :] = z16
        return 0

    lax.fori_loop(0, STRIPE, init_rows, 0)
    pltpu.sync_copy(fbuf, acc.at[pl.ds(sid * STRIPE, STRIPE)])
    plsc.subcore_barrier()

    pltpu.sync_copy(dst3.at[wid], dstv)

    def issue(b, j):
        pltpu.async_copy(ones_v, acc.at[dstv.at[b]], sems[j], add=True)

    def drain(j):
        pltpu.make_async_copy(ones_v, acc.at[dstv.at[0]], sems[j]).wait()

    for j in range(HNBUF):
        issue(j, j)

    def round_body(o, _):
        for j in range(HNBUF):
            drain(j)
            issue((o + 1) * HNBUF + j, j)
        return 0

    lax.fori_loop(0, HROUNDS - 1, round_body, 0)
    for j in range(HNBUF):
        drain(j)

    plsc.subcore_barrier()
    pltpu.sync_copy(acc.at[pl.ds(sid * STRIPE, STRIPE)], fbuf)
    pltpu.sync_copy(fbuf, hparts.at[cid, pl.ds(sid * STRIPE, STRIPE)])


_hist = functools.partial(
    pl.kernel,
    out_type=jax.ShapeDtypeStruct((NC, NP, HW), jnp.float32),
    mesh=_MESH,
    scratch_types=[
        pltpu.VMEM_SHARED((NP, HW), jnp.float32),
        pltpu.VMEM((K, HW), jnp.float32),
        pltpu.VMEM((NB, K), jnp.int32),
        pltpu.VMEM((STRIPE, HW), jnp.float32),
    ]
    + [pltpu.SemaphoreType.DMA] * HNBUF,
)(_hist_body)


def _ring(nbuf, nb, u_src, acc, src4, dst4, ibuf, rows, gsems, ssems, isems,
          wid):
    ib0 = ibuf[0]
    rounds = nb // nbuf

    def iload(o, p):
        pltpu.async_copy(src4.at[wid, o], ibuf[p].at[0], isems[p])
        pltpu.async_copy(dst4.at[wid, o], ibuf[p].at[1], isems[p])

    def iwait(p):
        pltpu.make_async_copy(src4.at[wid, 0], ibuf[p].at[0], isems[p]).wait()
        pltpu.make_async_copy(dst4.at[wid, 0], ibuf[p].at[1], isems[p]).wait()

    def gather(ib, j):
        pltpu.async_copy(u_src.at[ib.at[0, j]], rows[j], gsems[j])

    def gwait(j):
        pltpu.make_async_copy(u_src.at[ib0.at[0, 0]], rows[j], gsems[j]).wait()

    def scat(ib, j):
        pltpu.async_copy(rows[j], acc.at[ib.at[1, j]], ssems[j], add=True)

    def swait(j):
        pltpu.make_async_copy(rows[j], acc.at[ib0.at[1, 0]], ssems[j]).wait()

    iload(0, 0)
    iload(1, 1)
    iwait(0)
    for j in range(nbuf):
        gather(ib0, j)

    def pair_body(o2, _):
        for p in range(2):
            ro = o2 * 2 + p
            for j in range(nbuf):
                gwait(j)
                scat(ibuf[p], j)
            iwait(1 - p)
            for j in range(nbuf):
                swait(j)
                gather(ibuf[1 - p], j)
            iload(lax.rem(ro + 2, rounds), p)
        return 0

    lax.fori_loop(0, rounds // 2, pair_body, 0)

    for j in range(nbuf):
        gwait(j)
    iwait((rounds - 1) % 2)


K1 = 40
NB1 = 10000 // K1
ANBUF = 5


def _agg128_body(u, src4, dst4, zrows, parts, acc, ib0, ib1, *bufs_sems):
    rows = bufs_sems[:ANBUF]
    gsems = bufs_sems[ANBUF:2 * ANBUF]
    ssems = bufs_sems[2 * ANBUF:3 * ANBUF]
    isems = bufs_sems[3 * ANBUF:3 * ANBUF + 2]

    cid = lax.axis_index("c")
    sid = lax.axis_index("s")
    wid = cid * NS + sid

    @pl.when(cid == 0)
    def _():
        pltpu.sync_copy(u.at[pl.ds(sid * STRIPE, STRIPE)],
                        acc.at[pl.ds(sid * STRIPE, STRIPE)])

    @pl.when(cid == 1)
    def _():
        pltpu.sync_copy(zrows, acc.at[pl.ds(sid * STRIPE, STRIPE)])

    plsc.subcore_barrier()
    _ring(ANBUF, NB1, u, acc, src4, dst4, (ib0, ib1), rows, gsems, ssems,
          isems, wid)
    plsc.subcore_barrier()

    for q in range(STRIPE // K1):
        r0 = sid * STRIPE + q * K1
        pltpu.sync_copy(acc.at[pl.ds(r0, K1)], rows[0])
        pltpu.sync_copy(rows[0], parts.at[cid, pl.ds(r0, K1)])


_agg128 = functools.partial(
    pl.kernel,
    out_type=jax.ShapeDtypeStruct((NC, NP, 128), jnp.float32),
    mesh=_MESH,
    scratch_types=[
        pltpu.VMEM_SHARED((NP, 128), jnp.float32),
        pltpu.VMEM((2, ANBUF, K1), jnp.int32),
        pltpu.VMEM((2, ANBUF, K1), jnp.int32),
    ]
    + [pltpu.VMEM((K1, 128), jnp.float32)] * ANBUF
    + [pltpu.SemaphoreType.DMA] * (2 * ANBUF + 2),
)(_agg128_body)


SNBUF = 4


def _agg40s_body(u, src4, dst4, zrows, parts, acc, usp, ib0, ib1,
                 *bufs_sems):
    rows = bufs_sems[:SNBUF]
    gsems = bufs_sems[SNBUF:2 * SNBUF]
    ssems = bufs_sems[2 * SNBUF:3 * SNBUF]
    isems = bufs_sems[3 * SNBUF:3 * SNBUF + 2]

    cid = lax.axis_index("c")
    sid = lax.axis_index("s")
    wid = cid * NS + sid

    pltpu.sync_copy(u.at[pl.ds(sid * STRIPE, STRIPE)],
                    usp.at[pl.ds(sid * STRIPE, STRIPE)])

    @pl.when(cid == 0)
    def _():
        pltpu.sync_copy(u.at[pl.ds(sid * STRIPE, STRIPE)],
                        acc.at[pl.ds(sid * STRIPE, STRIPE)])

    @pl.when(cid == 1)
    def _():
        pltpu.sync_copy(zrows, acc.at[pl.ds(sid * STRIPE, STRIPE)])

    plsc.subcore_barrier()
    _ring(SNBUF, NB, usp, acc, src4, dst4, (ib0, ib1), rows, gsems, ssems,
          isems, wid)
    plsc.subcore_barrier()

    for q in range(STRIPE // K):
        r0 = sid * STRIPE + q * K
        pltpu.sync_copy(acc.at[pl.ds(r0, K)], rows[0])
        pltpu.sync_copy(rows[0], parts.at[cid, pl.ds(r0, K)])


_agg40s = functools.partial(
    pl.kernel,
    out_type=jax.ShapeDtypeStruct((NC, NP, F2), jnp.float32),
    mesh=_MESH,
    scratch_types=[
        pltpu.VMEM_SHARED((NP, F2), jnp.float32),
        pltpu.VMEM_SHARED((NP, F2), jnp.float32),
        pltpu.VMEM((2, SNBUF, K), jnp.int32),
        pltpu.VMEM((2, SNBUF, K), jnp.int32),
    ]
    + [pltpu.VMEM((K, F2), jnp.float32)] * SNBUF
    + [pltpu.SemaphoreType.DMA] * (2 * SNBUF + 2),
)(_agg40s_body)


def _prescale_body(hp_ref, x_ref, u1_ref, dis_ref):
    deg = hp_ref[0] + hp_ref[1] + 1.0
    dis = lax.rsqrt(deg)[:, 0:1]
    u1 = x_ref[...] * dis[:N]
    u1_ref[...] = jnp.concatenate(
        [u1, jnp.zeros((NP - N, 128), jnp.float32)], axis=0
    )
    dis_ref[...] = dis


def _prescale(hp, x):
    return pl.pallas_call(
        _prescale_body,
        out_shape=(
            jax.ShapeDtypeStruct((NP, 128), jnp.float32),
            jax.ShapeDtypeStruct((NP, 1), jnp.float32),
        ),
    )(hp, x)


_DOT = dict(preferred_element_type=jnp.float32, precision=lax.Precision.HIGHEST)

DBLK = 2048


def _dense_body(p1_ref, dis_ref, w1_ref, b1_ref, w2_ref, u2_ref):
    agg1 = (p1_ref[0] + p1_ref[1]) * dis_ref[...]
    h = jnp.maximum(jnp.dot(agg1, w1_ref[...], **_DOT) + b1_ref[...], 0.0)
    t = jnp.dot(h, w2_ref[...], **_DOT)
    u2_ref[...] = t * dis_ref[...]


def _dense_body_bf16(p1_ref, dis_ref, w1_ref, b1_ref, w2_ref, u2_ref):
    agg1 = (p1_ref[0] + p1_ref[1]) * dis_ref[...]
    h = jnp.maximum(
        jnp.dot(agg1.astype(jnp.bfloat16), w1_ref[...],
                preferred_element_type=jnp.float32) + b1_ref[...], 0.0)
    t = jnp.dot(h.astype(jnp.bfloat16), w2_ref[...],
                preferred_element_type=jnp.float32)
    u2_ref[...] = t * dis_ref[...]


def _dense(p1, dis, W1, b1, W2):
    grid = NP // DBLK
    return pl.pallas_call(
        _dense_body_bf16,
        grid=(grid,),
        in_specs=[
            pl.BlockSpec((NC, DBLK, 128), lambda i: (0, i, 0)),
            pl.BlockSpec((DBLK, 1), lambda i: (i, 0)),
            pl.BlockSpec((128, 256), lambda i: (0, 0)),
            pl.BlockSpec((256,), lambda i: (0,)),
            pl.BlockSpec((256, F2), lambda i: (0, 0)),
        ],
        out_specs=pl.BlockSpec((DBLK, F2), lambda i: (i, 0)),
        out_shape=jax.ShapeDtypeStruct((NP, F2), jnp.float32),
    )(p1, dis, W1, b1, W2)


def _finish_body(p2_ref, dis_ref, b2_ref, out_ref):
    s = (p2_ref[0] + p2_ref[1]) * dis_ref[...]
    logits = s[:N] + b2_ref[...]
    z = logits - jnp.max(logits, axis=1, keepdims=True)
    out_ref[...] = z - jnp.log(jnp.sum(jnp.exp(z), axis=1, keepdims=True))


def _finish(p2, dis, b2):
    return pl.pallas_call(
        _finish_body,
        out_shape=jax.ShapeDtypeStruct((N, F2), jnp.float32),
    )(p2, dis, b2)


def kernel(x, edge_index, W1, b1, W2, b2):
    ei = edge_index.astype(jnp.int32)
    pad = N + (jnp.arange(EPAD - E, dtype=jnp.int32) % (NP - N))
    ep = jnp.concatenate([ei, jnp.broadcast_to(pad, (2, EPAD - E))], axis=1)
    dst3 = ep[1].reshape(NW, NB, K)
    src4a = ei[0].reshape(NW, NB1 // ANBUF, ANBUF, K1)
    dst4a = ei[1].reshape(NW, NB1 // ANBUF, ANBUF, K1)
    src4s = ep[0].reshape(NW, NB // SNBUF, SNBUF, K)
    dst4s = ep[1].reshape(NW, NB // SNBUF, SNBUF, K)
    z128 = jnp.zeros((STRIPE, 128), jnp.float32)
    z40 = jnp.zeros((STRIPE, F2), jnp.float32)

    hp = _hist(dst3)
    u1, dis = _prescale(hp, x)
    p1 = _agg128(u1, src4a, dst4a, z128)
    u2 = _dense(p1, dis, W1.astype(jnp.bfloat16), b1,
                W2.astype(jnp.bfloat16))
    p2 = _agg40s(u2, src4s, dst4s, z40)
    return _finish(p2, dis, b2)

# --- scband reference (transcript-rebuilt; emitter-appended) ---
"""Pipeline reference for scband-gcn-24283745091814 (READ-ONLY COPY).

The authoritative reference and input builder live on the scoring server;
editing this copy changes nothing except your own understanding.
"""

import jax, jax.numpy as jnp
import numpy as np

N_NODES = 10000


def gcn_conv(x, edge_index, W, b):
    n = x.shape[0]
    src = edge_index[0]
    dst = edge_index[1]
    loop = jnp.arange(n, dtype=edge_index.dtype)
    src = jnp.concatenate([src, loop])
    dst = jnp.concatenate([dst, loop])
    # symmetric normalization D^{-1/2} (A+I) D^{-1/2}
    deg = jnp.zeros((n,), dtype=x.dtype).at[dst].add(1.0)
    deg_inv_sqrt = jnp.where(deg > 0, 1.0 / jnp.sqrt(deg), 0.0)
    norm = deg_inv_sqrt[src] * deg_inv_sqrt[dst]
    xw = x @ W
    msgs = xw[src] * norm[:, None]
    out = jax.ops.segment_sum(msgs, dst, num_segments=n)
    return out + b


def setup_inputs(seed: int = 0) -> dict:
    key = jax.random.key(seed)
    k1, k2, k3, k4, k5 = jax.random.split(key, 5)
    x = jax.random.normal(k1, (N_NODES, 128), dtype=jnp.float32)
    edge_index = jax.random.randint(k2, (2, 320000), 0, N_NODES, dtype=jnp.int64)
    W1 = jax.random.normal(k3, (128, 256), dtype=jnp.float32) * (1.0 / np.sqrt(128))
    b1 = jnp.zeros((256,), dtype=jnp.float32)
    W2 = jax.random.normal(k4, (256, 40), dtype=jnp.float32) * (1.0 / np.sqrt(256))
    b2 = jnp.zeros((40,), dtype=jnp.float32)
    return {"x": x, "edge_index": edge_index, "W1": W1, "b1": b1, "W2": W2, "b2": b2}


def reference(x, edge_index, W1, b1, W2, b2):
    h = gcn_conv(x, edge_index, W1, b1)
    h = jax.nn.relu(h)
    # F.dropout(training=self.training): identity in eval mode
    out = gcn_conv(h, edge_index, W2, b2)
    return jax.nn.log_softmax(out, axis=1)

if __name__ == "__main__":
    import jax
    _d = setup_inputs()
    print(jax.jit(kernel)(*tuple(_d.values())))

</pallas_src>

<mosaic_0001>
#map = affine_map<(d0, d1) -> (0, 0, 0)>
module attributes {stable_mosaic.version = 14 : i64} {
  func.func @_hist_body(%arg0: i32, %arg1: i32, %arg2: memref<32x80x128xi32, #tpu.memory_space<hbm>>, %arg3: memref<2x10240x16xf32, #tpu.memory_space<hbm>>, %arg4: memref<10240x16xf32, #tpu.memory_space<vmem_shared>>, %arg5: memref<128x16xf32, #tpu.memory_space<vmem>>, %arg6: memref<80x128xi32, #tpu.memory_space<vmem>>, %arg7: memref<640x16xf32, #tpu.memory_space<vmem>>, %arg8: memref<!tpu.dma_semaphore, #tpu.memory_space<semaphore_mem>>, %arg9: memref<!tpu.dma_semaphore, #tpu.memory_space<semaphore_mem>>, %arg10: memref<!tpu.dma_semaphore, #tpu.memory_space<semaphore_mem>>, %arg11: memref<!tpu.dma_semaphore, #tpu.memory_space<semaphore_mem>>, %arg12: memref<!tpu.dma_semaphore, #tpu.memory_space<semaphore_mem>>) attributes {dimension_semantics = [#tpu.dimension_semantics<core_parallel>, #tpu.dimension_semantics<subcore_parallel>], iteration_bounds = array<i64: 2, 16>, scalar_prefetch = 0 : i64, scratch_operands = 9 : i64, tpu.core_type = #tpu.core_type<sc_vector_subcore>, window_params = [{transform_indices = #map}, {transform_indices = #map}]} {
    %mul3A = arith.constant 16 : i32
    %mul3A_0 = arith.muli %arg0, %mul3A : i32
    %add3A = arith.addi %mul3A_0, %arg1 : i32
    %broadcast_in_dim3A = arith.constant 0.000000e+00 : f32
    %broadcast_in_dim3A_1 = vector.broadcast %broadcast_in_dim3A : f32 to vector<16xf32>
    %broadcast_in_dim3A_2 = arith.constant 1.000000e+00 : f32
    %broadcast_in_dim3A_3 = vector.broadcast %broadcast_in_dim3A_2 : f32 to vector<16xf32>
    %scan3A = arith.constant 0 : i32
    %scan3A_4 = arith.constant 0 : i32
    %scan3A_5 = arith.constant 640 : i32
    %scan3A_6 = arith.addi %scan3A_4, %scan3A_5 : i32
    %scan3A_7 = arith.constant 1 : i32
    %scan3A_8 = scf.for %scan3A_92 = %scan3A_4 to %scan3A_6 step %scan3A_7 iter_args(%scan3A_93 = %scan3A) -> (i32)  : i32 {
      %rem3A = arith.constant 128 : i32
      %rem3A_94 = arith.remsi %scan3A_92, %rem3A : i32
      %swap3A = arith.index_cast %rem3A_94 : i32 to index
      %swap3A_95 = arith.constant 0 : index
      %swap3A_96 = tpu.vector_load %arg5[%swap3A, %swap3A_95] {strides = array<i32>} : memref<128x16xf32, #tpu.memory_space<vmem>>, vector<1x16xf32>,
      %swap3A_97 = vector.shape_cast %swap3A_96 : vector<1x16xf32> to vector<16xf32>
      %swap3A_98 = vector.shape_cast %broadcast_in_dim3A_3 : vector<16xf32> to vector<1x16xf32>
      tpu.vector_store %arg5[%swap3A, %swap3A_95], %swap3A_98 {strides = array<i32>} : memref<128x16xf32, #tpu.memory_space<vmem>>, vector<1x16xf32>,
      %swap3A_99 = arith.index_cast %scan3A_92 : i32 to index
      %swap3A_100 = arith.constant 0 : index
      %swap3A_101 = tpu.vector_load %arg7[%swap3A_99, %swap3A_100] {strides = array<i32>} : memref<640x16xf32, #tpu.memory_space<vmem>>, vector<1x16xf32>,
      %swap3A_102 = vector.shape_cast %swap3A_101 : vector<1x16xf32> to vector<16xf32>
      %swap3A_103 = vector.shape_cast %broadcast_in_dim3A_1 : vector<16xf32> to vector<1x16xf32>
      tpu.vector_store %arg7[%swap3A_99, %swap3A_100], %swap3A_103 {strides = array<i32>} : memref<640x16xf32, #tpu.memory_space<vmem>>, vector<1x16xf32>,
      %scan3A_104 = arith.constant 0 : i32
      scf.yield %scan3A_104 : i32
    }
    %scan3A_9 = arith.constant 640 : i32
    %mul3A_10 = arith.constant 640 : i32
    %mul3A_11 = arith.muli %arg1, %mul3A_10 : i32
    "tpu.region"() ({
      %run_scoped3A = tpu.sem_alloc : memref<!tpu.dma_semaphore, #tpu.memory_space<semaphore_mem>>
      %dma_start3A_92 = arith.constant 0 : i32
      %dma_start3A_93 = tpu.memref_slice %arg4[%mul3A_11, %dma_start3A_92] : memref<10240x16xf32, #tpu.memory_space<vmem_shared>> -> memref<640x16xf32, #tpu.memory_space<vmem_shared>>
      %dma_start3A_94 = arith.constant 0 : i32
      %dma_start3A_95 = tpu.memref_slice %arg4[%mul3A_11, %dma_start3A_94] : memref<10240x16xf32, #tpu.memory_space<vmem_shared>> -> memref<640x16xf32, #tpu.memory_space<vmem_shared>>
      tpu.enqueue_dma source(%arg7 : memref<640x16xf32, #tpu.memory_space<vmem>>) target(%dma_start3A_95 : memref<640x16xf32, #tpu.memory_space<vmem_shared>>) target_semaphore(%run_scoped3A : memref<!tpu.dma_semaphore, #tpu.memory_space<semaphore_mem>>)
      %dma_wait3A_96 = arith.constant 0 : i32
      %dma_wait3A_97 = tpu.memref_slice %arg4[%mul3A_11, %dma_wait3A_96] : memref<10240x16xf32, #tpu.memory_space<vmem_shared>> -> memref<640x16xf32, #tpu.memory_space<vmem_shared>>
      %dma_wait3A_98 = arith.constant 0 : i32
      %dma_wait3A_99 = tpu.memref_slice %arg4[%mul3A_11, %dma_wait3A_98] : memref<10240x16xf32, #tpu.memory_space<vmem_shared>> -> memref<640x16xf32, #tpu.memory_space<vmem_shared>>
      tpu.wait_dma2 semaphore(%run_scoped3A : memref<!tpu.dma_semaphore, #tpu.memory_space<semaphore_mem>>) src(%arg7 : memref<640x16xf32, #tpu.memory_space<vmem>>) dst(%dma_wait3A_99 : memref<640x16xf32, #tpu.memory_space<vmem_shared>>)
      tpu.yield
    }) : () -> ()
    %barrier3A = arith.constant 0 : index
    tpu.barrier barrier_id(%barrier3A)
    "tpu.region"() ({
      %run_scoped3A = tpu.sem_alloc : memref<!tpu.dma_semaphore, #tpu.memory_space<semaphore_mem>>
      %dma_start3A_92 = arith.constant 0 : i32
      %dma_start3A_93 = arith.constant 0 : i32
      %dma_start3A_94 = tpu.memref_slice %arg2[%add3A, %dma_start3A_92, %dma_start3A_93] : memref<32x80x128xi32, #tpu.memory_space<hbm>> -> memref<1x80x128xi32, #tpu.memory_space<hbm>>
      %dma_start3A_95 = tpu.memref_squeeze %dma_start3A_94 : memref<1x80x128xi32, #tpu.memory_space<hbm>> -> memref<80x128xi32, #tpu.memory_space<hbm>>
      %dma_start3A_96 = arith.constant 0 : i32
      %dma_start3A_97 = arith.constant 0 : i32
      %dma_start3A_98 = tpu.memref_slice %arg2[%add3A, %dma_start3A_96, %dma_start3A_97] : memref<32x80x128xi32, #tpu.memory_space<hbm>> -> memref<1x80x128xi32, #tpu.memory_space<hbm>>
      %dma_start3A_99 = tpu.memref_squeeze %dma_start3A_98 : memref<1x80x128xi32, #tpu.memory_space<hbm>> -> memref<80x128xi32, #tpu.memory_space<hbm>>
      tpu.enqueue_dma source(%dma_start3A_99 : memref<80x128xi32, #tpu.memory_space<hbm>>) target(%arg6 : memref<80x128xi32, #tpu.memory_space<vmem>>) target_semaphore(%run_scoped3A : memref<!tpu.dma_semaphore, #tpu.memory_space<semaphore_mem>>)
      %dma_wait3A_100 = arith.constant 0 : i32
      %dma_wait3A_101 = arith.constant 0 : i32
      %dma_wait3A_102 = tpu.memref_slice %arg2[%add3A, %dma_wait3A_100, %dma_wait3A_101] : memref<32x80x128xi32, #tpu.memory_space<hbm>> -> memref<1x80x128xi32, #tpu.memory_space<hbm>>
      %dma_wait3A_103 = tpu.memref_squeeze %dma_wait3A_102 : memref<1x80x128xi32, #tpu.memory_space<hbm>> -> memref<80x128xi32, #tpu.memory_space<hbm>>
      %dma_wait3A_104 = arith.constant 0 : i32
      %dma_wait3A_105 = arith.constant 0 : i32
      %dma_wait3A_106 = tpu.memref_slice %arg2[%add3A, %dma_wait3A_104, %dma_wait3A_105] : memref<32x80x128xi32, #tpu.memory_space<hbm>> -> memref<1x80x128xi32, #tpu.memory_space<hbm>>
      %dma_wait3A_107 = tpu.memref_squeeze %dma_wait3A_106 : memref<1x80x128xi32, #tpu.memory_space<hbm>> -> memref<80x128xi32, #tpu.memory_space<hbm>>
      tpu.wait_dma2 semaphore(%run_scoped3A : memref<!tpu.dma_semaphore, #tpu.memory_space<semaphore_mem>>) src(%dma_wait3A_107 : memref<80x128xi32, #tpu.memory_space<hbm>>) dst(%arg6 : memref<80x128xi32, #tpu.memory_space<vmem>>)
      tpu.yield
    }) : () -> ()
    %dma_start3A = arith.constant 0 : i32
    %dma_start3A_12 = arith.constant 0 : i32
    %dma_start3A_13 = tpu.memref_slice %arg6[%dma_start3A, %dma_start3A_12] : memref<80x128xi32, #tpu.memory_space<vmem>> -> memref<1x128xi32, #tpu.memory_space<vmem>>
    %dma_start3A_14 = tpu.memref_squeeze %dma_start3A_13 : memref<1x128xi32, #tpu.memory_space<vmem>> -> memref<128xi32, #tpu.memory_space<vmem>>
    %dma_start3A_15 = arith.constant 0 : i32
    %dma_start3A_16 = arith.constant 0 : i32
    %dma_start3A_17 = tpu.memref_slice %arg4[%dma_start3A_15, %dma_start3A_16] : memref<10240x16xf32, #tpu.memory_space<vmem_shared>> -> memref<10240x16xf32, #tpu.memory_space<vmem_shared>>
    tpu.enqueue_indirect_dma source(%arg5 : memref<128x16xf32, #tpu.memory_space<vmem>>) target(%dma_start3A_17 : memref<10240x16xf32, #tpu.memory_space<vmem_shared>>) offsets(%dma_start3A_14 : memref<128xi32, #tpu.memory_space<vmem>>) semaphore(%arg8 : memref<!tpu.dma_semaphore, #tpu.memory_space<semaphore_mem>>) {add = true}
    %dma_start3A_18 = arith.constant 1 : i32
    %dma_start3A_19 = arith.constant 0 : i32
    %dma_start3A_20 = tpu.memref_slice %arg6[%dma_start3A_18, %dma_start3A_19] : memref<80x128xi32, #tpu.memory_space<vmem>> -> memref<1x128xi32, #tpu.memory_space<vmem>>
    %dma_start3A_21 = tpu.memref_squeeze %dma_start3A_20 : memref<1x128xi32, #tpu.memory_space<vmem>> -> memref<128xi32, #tpu.memory_space<vmem>>
    %dma_start3A_22 = arith.constant 0 : i32
    %dma_start3A_23 = arith.constant 0 : i32
    %dma_start3A_24 = tpu.memref_slice %arg4[%dma_start3A_22, %dma_start3A_23] : memref<10240x16xf32, #tpu.memory_space<vmem_shared>> -> memref<10240x16xf32, #tpu.memory_space<vmem_shared>>
    tpu.enqueue_indirect_dma source(%arg5 : memref<128x16xf32, #tpu.memory_space<vmem>>) target(%dma_start3A_24 : memref<10240x16xf32, #tpu.memory_space<vmem_shared>>) offsets(%dma_start3A_21 : memref<128xi32, #tpu.memory_space<vmem>>) semaphore(%arg9 : memref<!tpu.dma_semaphore, #tpu.memory_space<semaphore_mem>>) {add = true}
    %dma_start3A_25 = arith.constant 2 : i32
    %dma_start3A_26 = arith.constant 0 : i32
    %dma_start3A_27 = tpu.memref_slice %arg6[%dma_start3A_25, %dma_start3A_26] : memref<80x128xi32, #tpu.memory_space<vmem>> -> memref<1x128xi32, #tpu.memory_space<vmem>>
    %dma_start3A_28 = tpu.memref_squeeze %dma_start3A_27 : memref<1x128xi32, #tpu.memory_space<vmem>> -> memref<128xi32, #tpu.memory_space<vmem>>
    %dma_start3A_29 = arith.constant 0 : i32
    %dma_start3A_30 = arith.constant 0 : i32
    %dma_start3A_31 = tpu.memref_slice %arg4[%dma_start3A_29, %dma_start3A_30] : memref<10240x16xf32, #tpu.memory_space<vmem_shared>> -> memref<10240x16xf32, #tpu.memory_space<vmem_shared>>
    tpu.enqueue_indirect_dma source(%arg5 : memref<128x16xf32, #tpu.memory_space<vmem>>) target(%dma_start3A_31 : memref<10240x16xf32, #tpu.memory_space<vmem_shared>>) offsets(%dma_start3A_28 : memref<128xi32, #tpu.memory_space<vmem>>) semaphore(%arg10 : memref<!tpu.dma_semaphore, #tpu.memory_space<semaphore_mem>>) {add = true}
    %dma_start3A_32 = arith.constant 3 : i32
    %dma_start3A_33 = arith.constant 0 : i32
    %dma_start3A_34 = tpu.memref_slice %arg6[%dma_start3A_32, %dma_start3A_33] : memref<80x128xi32, #tpu.memory_space<vmem>> -> memref<1x128xi32, #tpu.memory_space<vmem>>
    %dma_start3A_35 = tpu.memref_squeeze %dma_start3A_34 : memref<1x128xi32, #tpu.memory_space<vmem>> -> memref<128xi32, #tpu.memory_space<vmem>>
    %dma_start3A_36 = arith.constant 0 : i32
    %dma_start3A_37 = arith.constant 0 : i32
    %dma_start3A_38 = tpu.memref_slice %arg4[%dma_start3A_36, %dma_start3A_37] : memref<10240x16xf32, #tpu.memory_space<vmem_shared>> -> memref<10240x16xf32, #tpu.memory_space<vmem_shared>>
    tpu.enqueue_indirect_dma source(%arg5 : memref<128x16xf32, #tpu.memory_space<vmem>>) target(%dma_start3A_38 : memref<10240x16xf32, #tpu.memory_space<vmem_shared>>) offsets(%dma_start3A_35 : memref<128xi32, #tpu.memory_space<vmem>>) semaphore(%arg11 : memref<!tpu.dma_semaphore, #tpu.memory_space<semaphore_mem>>) {add = true}
    %dma_start3A_39 = arith.constant 4 : i32
    %dma_start3A_40 = arith.constant 0 : i32
    %dma_start3A_41 = tpu.memref_slice %arg6[%dma_start3A_39, %dma_start3A_40] : memref<80x128xi32, #tpu.memory_space<vmem>> -> memref<1x128xi32, #tpu.memory_space<vmem>>
    %dma_start3A_42 = tpu.memref_squeeze %dma_start3A_41 : memref<1x128xi32, #tpu.memory_space<vmem>> -> memref<128xi32, #tpu.memory_space<vmem>>
    %dma_start3A_43 = arith.constant 0 : i32
    %dma_start3A_44 = arith.constant 0 : i32
    %dma_start3A_45 = tpu.memref_slice %arg4[%dma_start3A_43, %dma_start3A_44] : memref<10240x16xf32, #tpu.memory_space<vmem_shared>> -> memref<10240x16xf32, #tpu.memory_space<vmem_shared>>
    tpu.enqueue_indirect_dma source(%arg5 : memref<128x16xf32, #tpu.memory_space<vmem>>) target(%dma_start3A_45 : memref<10240x16xf32, #tpu.memory_space<vmem_shared>>) offsets(%dma_start3A_42 : memref<128xi32, #tpu.memory_space<vmem>>) semaphore(%arg12 : memref<!tpu.dma_semaphore, #tpu.memory_space<semaphore_mem>>) {add = true}
    %scan3A_46 = arith.constant 0 : i32
    %scan3A_47 = arith.constant 0 : i32
    %scan3A_48 = arith.constant 15 : i32
    %scan3A_49 = arith.addi %scan3A_47, %scan3A_48 : i32
    %scan3A_50 = arith.constant 1 : i32
    %scan3A_51 = scf.for %scan3A_92 = %scan3A_47 to %scan3A_49 step %scan3A_50 iter_args(%scan3A_93 = %scan3A_46) -> (i32)  : i32 {
      %dma_wait3A_94 = arith.constant 0 : i32
      %dma_wait3A_95 = arith.constant 0 : i32
      %dma_wait3A_96 = tpu.memref_slice %arg6[%dma_wait3A_94, %dma_wait3A_95] : memref<80x128xi32, #tpu.memory_space<vmem>> -> memref<1x128xi32, #tpu.memory_space<vmem>>
      %dma_wait3A_97 = tpu.memref_squeeze %dma_wait3A_96 : memref<1x128xi32, #tpu.memory_space<vmem>> -> memref<128xi32, #tpu.memory_space<vmem>>
      %dma_wait3A_98 = arith.constant 0 : i32
      %dma_wait3A_99 = arith.constant 0 : i32
      %dma_wait3A_100 = tpu.memref_slice %arg4[%dma_wait3A_98, %dma_wait3A_99] : memref<10240x16xf32, #tpu.memory_space<vmem_shared>> -> memref<10240x16xf32, #tpu.memory_space<vmem_shared>>
      tpu.wait_indirect_dma semaphore(%arg8 : memref<!tpu.dma_semaphore, #tpu.memory_space<semaphore_mem>>) src(%arg5 : memref<128x16xf32, #tpu.memory_space<vmem>>) dst(%dma_wait3A_100 : memref<10240x16xf32, #tpu.memory_space<vmem_shared>>)
      %add3A_101 = arith.constant 1 : i32
      %add3A_102 = arith.addi %scan3A_92, %add3A_101 : i32
      %mul3A_103 = arith.constant 5 : i32
      %mul3A_104 = arith.muli %add3A_102, %mul3A_103 : i32
      %add3A_105 = arith.constant 0 : i32
      %add3A_106 = arith.addi %mul3A_104, %add3A_105 : i32
      %dma_start3A_107 = arith.constant 0 : i32
      %dma_start3A_108 = tpu.memref_slice %arg6[%add3A_106, %dma_start3A_107] : memref<80x128xi32, #tpu.memory_space<vmem>> -> memref<1x128xi32, #tpu.memory_space<vmem>>
      %dma_start3A_109 = tpu.memref_squeeze %dma_start3A_108 : memref<1x128xi32, #tpu.memory_space<vmem>> -> memref<128xi32, #tpu.memory_space<vmem>>
      %dma_start3A_110 = arith.constant 0 : i32
      %dma_start3A_111 = arith.constant 0 : i32
      %dma_start3A_112 = tpu.memref_slice %arg4[%dma_start3A_110, %dma_start3A_111] : memref<10240x16xf32, #tpu.memory_space<vmem_shared>> -> memref<10240x16xf32, #tpu.memory_space<vmem_shared>>
      tpu.enqueue_indirect_dma source(%arg5 : memref<128x16xf32, #tpu.memory_space<vmem>>) target(%dma_start3A_112 : memref<10240x16xf32, #tpu.memory_space<vmem_shared>>) offsets(%dma_start3A_109 : memref<128xi32, #tpu.memory_space<vmem>>) semaphore(%arg8 : memref<!tpu.dma_semaphore, #tpu.memory_space<semaphore_mem>>) {add = true}
      %dma_wait3A_113 = arith.constant 0 : i32
      %dma_wait3A_114 = arith.constant 0 : i32
      %dma_wait3A_115 = tpu.memref_slice %arg6[%dma_wait3A_113, %dma_wait3A_114] : memref<80x128xi32, #tpu.memory_space<vmem>> -> memref<1x128xi32, #tpu.memory_space<vmem>>
      %dma_wait3A_116 = tpu.memref_squeeze %dma_wait3A_115 : memref<1x128xi32, #tpu.memory_space<vmem>> -> memref<128xi32, #tpu.memory_space<vmem>>
      %dma_wait3A_117 = arith.constant 0 : i32
      %dma_wait3A_118 = arith.constant 0 : i32
      %dma_wait3A_119 = tpu.memref_slice %arg4[%dma_wait3A_117, %dma_wait3A_118] : memref<10240x16xf32, #tpu.memory_space<vmem_shared>> -> memref<10240x16xf32, #tpu.memory_space<vmem_shared>>
      tpu.wait_indirect_dma semaphore(%arg9 : memref<!tpu.dma_semaphore, #tpu.memory_space<semaphore_mem>>) src(%arg5 : memref<128x16xf32, #tpu.memory_space<vmem>>) dst(%dma_wait3A_119 : memref<10240x16xf32, #tpu.memory_space<vmem_shared>>)
      %add3A_120 = arith.constant 1 : i32
      %add3A_121 = arith.addi %scan3A_92, %add3A_120 : i32
      %mul3A_122 = arith.constant 5 : i32
      %mul3A_123 = arith.muli %add3A_121, %mul3A_122 : i32
      %add3A_124 = arith.constant 1 : i32
      %add3A_125 = arith.addi %mul3A_123, %add3A_124 : i32
      %dma_start3A_126 = arith.constant 0 : i32
      %dma_start3A_127 = tpu.memref_slice %arg6[%add3A_125, %dma_start3A_126] : memref<80x128xi32, #tpu.memory_space<vmem>> -> memref<1x128xi32, #tpu.memory_space<vmem>>
      %dma_start3A_128 = tpu.memref_squeeze %dma_start3A_127 : memref<1x128xi32, #tpu.memory_space<vmem>> -> memref<128xi32, #tpu.memory_space<vmem>>
      %dma_start3A_129 = arith.constant 0 : i32
      %dma_start3A_130 = arith.constant 0 : i32
      %dma_start3A_131 = tpu.memref_slice %arg4[%dma_start3A_129, %dma_start3A_130] : memref<10240x16xf32, #tpu.memory_space<vmem_shared>> -> memref<10240x16xf32, #tpu.memory_space<vmem_shared>>
      tpu.enqueue_indirect_dma source(%arg5 : memref<128x16xf32, #tpu.memory_space<vmem>>) target(%dma_start3A_131 : memref<10240x16xf32, #tpu.memory_space<vmem_shared>>) offsets(%dma_start3A_128 : memref<128xi32, #tpu.memory_space<vmem>>) semaphore(%arg9 : memref<!tpu.dma_semaphore, #tpu.memory_space<semaphore_mem>>) {add = true}
      %dma_wait3A_132 = arith.constant 0 : i32
      %dma_wait3A_133 = arith.constant 0 : i32
      %dma_wait3A_134 = tpu.memref_slice %arg6[%dma_wait3A_132, %dma_wait3A_133] : memref<80x128xi32, #tpu.memory_space<vmem>> -> memref<1x128xi32, #tpu.memory_space<vmem>>
      %dma_wait3A_135 = tpu.memref_squeeze %dma_wait3A_134 : memref<1x128xi32, #tpu.memory_space<vmem>> -> memref<128xi32, #tpu.memory_space<vmem>>
      %dma_wait3A_136 = arith.constant 0 : i32
      %dma_wait3A_137 = arith.constant 0 : i32
      %dma_wait3A_138 = tpu.memref_slice %arg4[%dma_wait3A_136, %dma_wait3A_137] : memref<10240x16xf32, #tpu.memory_space<vmem_shared>> -> memref<10240x16xf32, #tpu.memory_space<vmem_shared>>
      tpu.wait_indirect_dma semaphore(%arg10 : memref<!tpu.dma_semaphore, #tpu.memory_space<semaphore_mem>>) src(%arg5 : memref<128x16xf32, #tpu.memory_space<vmem>>) dst(%dma_wait3A_138 : memref<10240x16xf32, #tpu.memory_space<vmem_shared>>)
      %add3A_139 = arith.constant 1 : i32
      %add3A_140 = arith.addi %scan3A_92, %add3A_139 : i32
      %mul3A_141 = arith.constant 5 : i32
      %mul3A_142 = arith.muli %add3A_140, %mul3A_141 : i32
      %add3A_143 = arith.constant 2 : i32
      %add3A_144 = arith.addi %mul3A_142, %add3A_143 : i32
      %dma_start3A_145 = arith.constant 0 : i32
      %dma_start3A_146 = tpu.memref_slice %arg6[%add3A_144, %dma_start3A_145] : memref<80x128xi32, #tpu.memory_space<vmem>> -> memref<1x128xi32, #tpu.memory_space<vmem>>
      %dma_start3A_147 = tpu.memref_squeeze %dma_start3A_146 : memref<1x128xi32, #tpu.memory_space<vmem>> -> memref<128xi32, #tpu.memory_space<vmem>>
      %dma_start3A_148 = arith.constant 0 : i32
      %dma_start3A_149 = arith.constant 0 : i32
      %dma_start3A_150 = tpu.memref_slice %arg4[%dma_start3A_148, %dma_start3A_149] : memref<10240x16xf32, #tpu.memory_space<vmem_shared>> -> memref<10240x16xf32, #tpu.memory_space<vmem_shared>>
      tpu.enqueue_indirect_dma source(%arg5 : memref<128x16xf32, #tpu.memory_space<vmem>>) target(%dma_start3A_150 : memref<10240x16xf32, #tpu.memory_space<vmem_shared>>) offsets(%dma_start3A_147 : memref<128xi32, #tpu.memory_space<vmem>>) semaphore(%arg10 : memref<!tpu.dma_semaphore, #tpu.memory_space<semaphore_mem>>) {add = true}
      %dma_wait3A_151 = arith.constant 0 : i32
      %dma_wait3A_152 = arith.constant 0 : i32
      %dma_wait3A_153 = tpu.memref_slice %arg6[%dma_wait3A_151, %dma_wait3A_152] : memref<80x128xi32, #tpu.memory_space<vmem>> -> memref<1x128xi32, #tpu.memory_space<vmem>>
      %dma_wait3A_154 = tpu.memref_squeeze %dma_wait3A_153 : memref<1x128xi32, #tpu.memory_space<vmem>> -> memref<128xi32, #tpu.memory_space<vmem>>
      %dma_wait3A_155 = arith.constant 0 : i32
      %dma_wait3A_156 = arith.constant 0 : i32
      %dma_wait3A_157 = tpu.memref_slice %arg4[%dma_wait3A_155, %dma_wait3A_156] : memref<10240x16xf32, #tpu.memory_space<vmem_shared>> -> memref<10240x16xf32, #tpu.memory_space<vmem_shared>>
      tpu.wait_indirect_dma semaphore(%arg11 : memref<!tpu.dma_semaphore, #tpu.memory_space<semaphore_mem>>) src(%arg5 : memref<128x16xf32, #tpu.memory_space<vmem>>) dst(%dma_wait3A_157 : memref<10240x16xf32, #tpu.memory_space<vmem_shared>>)
      %add3A_158 = arith.constant 1 : i32
      %add3A_159 = arith.addi %scan3A_92, %add3A_158 : i32
      %mul3A_160 = arith.constant 5 : i32
      %mul3A_161 = arith.muli %add3A_159, %mul3A_160 : i32
      %add3A_162 = arith.constant 3 : i32
      %add3A_163 = arith.addi %mul3A_161, %add3A_162 : i32
      %dma_start3A_164 = arith.constant 0 : i32
      %dma_start3A_165 = tpu.memref_slice %arg6[%add3A_163, %dma_start3A_164] : memref<80x128xi32, #tpu.memory_space<vmem>> -> memref<1x128xi32, #tpu.memory_space<vmem>>
      %dma_start3A_166 = tpu.memref_squeeze %dma_start3A_165 : memref<1x128xi32, #tpu.memory_space<vmem>> -> memref<128xi32, #tpu.memory_space<vmem>>
      %dma_start3A_167 = arith.constant 0 : i32
      %dma_start3A_168 = arith.constant 0 : i32
      %dma_start3A_169 = tpu.memref_slice %arg4[%dma_start3A_167, %dma_start3A_168] : memref<10240x16xf32, #tpu.memory_space<vmem_shared>> -> memref<10240x16xf32, #tpu.memory_space<vmem_shared>>
      tpu.enqueue_indirect_dma source(%arg5 : memref<128x16xf32, #tpu.memory_space<vmem>>) target(%dma_start3A_169 : memref<10240x16xf32, #tpu.memory_space<vmem_shared>>) offsets(%dma_start3A_166 : memref<128xi32, #tpu.memory_space<vmem>>) semaphore(%arg11 : memref<!tpu.dma_semaphore, #tpu.memory_space<semaphore_mem>>) {add = true}
      %dma_wait3A_170 = arith.constant 0 : i32
      %dma_wait3A_171 = arith.constant 0 : i32
      %dma_wait3A_172 = tpu.memref_slice %arg6[%dma_wait3A_170, %dma_wait3A_171] : memref<80x128xi32, #tpu.memory_space<vmem>> -> memref<1x128xi32, #tpu.memory_space<vmem>>
      %dma_wait3A_173 = tpu.memref_squeeze %dma_wait3A_172 : memref<1x128xi32, #tpu.memory_space<vmem>> -> memref<128xi32, #tpu.memory_space<vmem>>
      %dma_wait3A_174 = arith.constant 0 : i32
      %dma_wait3A_175 = arith.constant 0 : i32
      %dma_wait3A_176 = tpu.memref_slice %arg4[%dma_wait3A_174, %dma_wait3A_175] : memref<10240x16xf32, #tpu.memory_space<vmem_shared>> -> memref<10240x16xf32, #tpu.memory_space<vmem_shared>>
      tpu.wait_indirect_dma semaphore(%arg12 : memref<!tpu.dma_semaphore, #tpu.memory_space<semaphore_mem>>) src(%arg5 : memref<128x16xf32, #tpu.memory_space<vmem>>) dst(%dma_wait3A_176 : memref<10240x16xf32, #tpu.memory_space<vmem_shared>>)
      %add3A_177 = arith.constant 1 : i32
      %add3A_178 = arith.addi %scan3A_92, %add3A_177 : i32
      %mul3A_179 = arith.constant 5 : i32
      %mul3A_180 = arith.muli %add3A_178, %mul3A_179 : i32
      %add3A_181 = arith.constant 4 : i32
      %add3A_182 = arith.addi %mul3A_180, %add3A_181 : i32
      %dma_start3A_183 = arith.constant 0 : i32
      %dma_start3A_184 = tpu.memref_slice %arg6[%add3A_182, %dma_start3A_183] : memref<80x128xi32, #tpu.memory_space<vmem>> -> memref<1x128xi32, #tpu.memory_space<vmem>>
      %dma_start3A_185 = tpu.memref_squeeze %dma_start3A_184 : memref<1x128xi32, #tpu.memory_space<vmem>> -> memref<128xi32, #tpu.memory_space<vmem>>
      %dma_start3A_186 = arith.constant 0 : i32
      %dma_start3A_187 = arith.constant 0 : i32
      %dma_start3A_188 = tpu.memref_slice %arg4[%dma_start3A_186, %dma_start3A_187] : memref<10240x16xf32, #tpu.memory_space<vmem_shared>> -> memref<10240x16xf32, #tpu.memory_space<vmem_shared>>
      tpu.enqueue_indirect_dma source(%arg5 : memref<128x16xf32, #tpu.memory_space<vmem>>) target(%dma_start3A_188 : memref<10240x16xf32, #tpu.memory_space<vmem_shared>>) offsets(%dma_start3A_185 : memref<128xi32, #tpu.memory_space<vmem>>) semaphore(%arg12 : memref<!tpu.dma_semaphore, #tpu.memory_space<semaphore_mem>>) {add = true}
      %scan3A_189 = arith.constant 0 : i32
      scf.yield %scan3A_189 : i32
    }
    %scan3A_52 = arith.constant 15 : i32
    %dma_wait3A = arith.constant 0 : i32
    %dma_wait3A_53 = arith.constant 0 : i32
    %dma_wait3A_54 = tpu.memref_slice %arg6[%dma_wait3A, %dma_wait3A_53] : memref<80x128xi32, #tpu.memory_space<vmem>> -> memref<1x128xi32, #tpu.memory_space<vmem>>
    %dma_wait3A_55 = tpu.memref_squeeze %dma_wait3A_54 : memref<1x128xi32, #tpu.memory_space<vmem>> -> memref<128xi32, #tpu.memory_space<vmem>>
    %dma_wait3A_56 = arith.constant 0 : i32
    %dma_wait3A_57 = arith.constant 0 : i32
    %dma_wait3A_58 = tpu.memref_slice %arg4[%dma_wait3A_56, %dma_wait3A_57] : memref<10240x16xf32, #tpu.memory_space<vmem_shared>> -> memref<10240x16xf32, #tpu.memory_space<vmem_shared>>
    tpu.wait_indirect_dma semaphore(%arg8 : memref<!tpu.dma_semaphore, #tpu.memory_space<semaphore_mem>>) src(%arg5 : memref<128x16xf32, #tpu.memory_space<vmem>>) dst(%dma_wait3A_58 : memref<10240x16xf32, #tpu.memory_space<vmem_shared>>)
    %dma_wait3A_59 = arith.constant 0 : i32
    %dma_wait3A_60 = arith.constant 0 : i32
    %dma_wait3A_61 = tpu.memref_slice %arg6[%dma_wait3A_59, %dma_wait3A_60] : memref<80x128xi32, #tpu.memory_space<vmem>> -> memref<1x128xi32, #tpu.memory_space<vmem>>
    %dma_wait3A_62 = tpu.memref_squeeze %dma_wait3A_61 : memref<1x128xi32, #tpu.memory_space<vmem>> -> memref<128xi32, #tpu.memory_space<vmem>>
    %dma_wait3A_63 = arith.constant 0 : i32
    %dma_wait3A_64 = arith.constant 0 : i32
    %dma_wait3A_65 = tpu.memref_slice %arg4[%dma_wait3A_63, %dma_wait3A_64] : memref<10240x16xf32, #tpu.memory_space<vmem_shared>> -> memref<10240x16xf32, #tpu.memory_space<vmem_shared>>
    tpu.wait_indirect_dma semaphore(%arg9 : memref<!tpu.dma_semaphore, #tpu.memory_space<semaphore_mem>>) src(%arg5 : memref<128x16xf32, #tpu.memory_space<vmem>>) dst(%dma_wait3A_65 : memref<10240x16xf32, #tpu.memory_space<vmem_shared>>)
    %dma_wait3A_66 = arith.constant 0 : i32
    %dma_wait3A_67 = arith.constant 0 : i32
    %dma_wait3A_68 = tpu.memref_slice %arg6[%dma_wait3A_66, %dma_wait3A_67] : memref<80x128xi32, #tpu.memory_space<vmem>> -> memref<1x128xi32, #tpu.memory_space<vmem>>
    %dma_wait3A_69 = tpu.memref_squeeze %dma_wait3A_68 : memref<1x128xi32, #tpu.memory_space<vmem>> -> memref<128xi32, #tpu.memory_space<vmem>>
    %dma_wait3A_70 = arith.constant 0 : i32
    %dma_wait3A_71 = arith.constant 0 : i32
    %dma_wait3A_72 = tpu.memref_slice %arg4[%dma_wait3A_70, %dma_wait3A_71] : memref<10240x16xf32, #tpu.memory_space<vmem_shared>> -> memref<10240x16xf32, #tpu.memory_space<vmem_shared>>
    tpu.wait_indirect_dma semaphore(%arg10 : memref<!tpu.dma_semaphore, #tpu.memory_space<semaphore_mem>>) src(%arg5 : memref<128x16xf32, #tpu.memory_space<vmem>>) dst(%dma_wait3A_72 : memref<10240x16xf32, #tpu.memory_space<vmem_shared>>)
    %dma_wait3A_73 = arith.constant 0 : i32
    %dma_wait3A_74 = arith.constant 0 : i32
    %dma_wait3A_75 = tpu.memref_slice %arg6[%dma_wait3A_73, %dma_wait3A_74] : memref<80x128xi32, #tpu.memory_space<vmem>> -> memref<1x128xi32, #tpu.memory_space<vmem>>
    %dma_wait3A_76 = tpu.memref_squeeze %dma_wait3A_75 : memref<1x128xi32, #tpu.memory_space<vmem>> -> memref<128xi32, #tpu.memory_space<vmem>>
    %dma_wait3A_77 = arith.constant 0 : i32
    %dma_wait3A_78 = arith.constant 0 : i32
    %dma_wait3A_79 = tpu.memref_slice %arg4[%dma_wait3A_77, %dma_wait3A_78] : memref<10240x16xf32, #tpu.memory_space<vmem_shared>> -> memref<10240x16xf32, #tpu.memory_space<vmem_shared>>
    tpu.wait_indirect_dma semaphore(%arg11 : memref<!tpu.dma_semaphore, #tpu.memory_space<semaphore_mem>>) src(%arg5 : memref<128x16xf32, #tpu.memory_space<vmem>>) dst(%dma_wait3A_79 : memref<10240x16xf32, #tpu.memory_space<vmem_shared>>)
    %dma_wait3A_80 = arith.constant 0 : i32
    %dma_wait3A_81 = arith.constant 0 : i32
    %dma_wait3A_82 = tpu.memref_slice %arg6[%dma_wait3A_80, %dma_wait3A_81] : memref<80x128xi32, #tpu.memory_space<vmem>> -> memref<1x128xi32, #tpu.memory_space<vmem>>
    %dma_wait3A_83 = tpu.memref_squeeze %dma_wait3A_82 : memref<1x128xi32, #tpu.memory_space<vmem>> -> memref<128xi32, #tpu.memory_space<vmem>>
    %dma_wait3A_84 = arith.constant 0 : i32
    %dma_wait3A_85 = arith.constant 0 : i32
    %dma_wait3A_86 = tpu.memref_slice %arg4[%dma_wait3A_84, %dma_wait3A_85] : memref<10240x16xf32, #tpu.memory_space<vmem_shared>> -> memref<10240x16xf32, #tpu.memory_space<vmem_shared>>
    tpu.wait_indirect_dma semaphore(%arg12 : memref<!tpu.dma_semaphore, #tpu.memory_space<semaphore_mem>>) src(%arg5 : memref<128x16xf32, #tpu.memory_space<vmem>>) dst(%dma_wait3A_86 : memref<10240x16xf32, #tpu.memory_space<vmem_shared>>)
    %barrier3A_87 = arith.constant 0 : index
    tpu.barrier barrier_id(%barrier3A_87)
    %mul3A_88 = arith.constant 640 : i32
    %mul3A_89 = arith.muli %arg1, %mul3A_88 : i32
    "tpu.region"() ({
      %run_scoped3A = tpu.sem_alloc : memref<!tpu.dma_semaphore, #tpu.memory_space<semaphore_mem>>
      %dma_start3A_92 = arith.constant 0 : i32
      %dma_start3A_93 = tpu.memref_slice %arg4[%mul3A_89, %dma_start3A_92] : memref<10240x16xf32, #tpu.memory_space<vmem_shared>> -> memref<640x16xf32, #tpu.memory_space<vmem_shared>>
      %dma_start3A_94 = arith.constant 0 : i32
      %dma_start3A_95 = tpu.memref_slice %arg4[%mul3A_89, %dma_start3A_94] : memref<10240x16xf32, #tpu.memory_space<vmem_shared>> -> memref<640x16xf32, #tpu.memory_space<vmem_shared>>
      tpu.enqueue_dma source(%dma_start3A_95 : memref<640x16xf32, #tpu.memory_space<vmem_shared>>) target(%arg7 : memref<640x16xf32, #tpu.memory_space<vmem>>) target_semaphore(%run_scoped3A : memref<!tpu.dma_semaphore, #tpu.memory_space<semaphore_mem>>)
      %dma_wait3A_96 = arith.constant 0 : i32
      %dma_wait3A_97 = tpu.memref_slice %arg4[%mul3A_89, %dma_wait3A_96] : memref<10240x16xf32, #tpu.memory_space<vmem_shared>> -> memref<640x16xf32, #tpu.memory_space<vmem_shared>>
      %dma_wait3A_98 = arith.constant 0 : i32
      %dma_wait3A_99 = tpu.memref_slice %arg4[%mul3A_89, %dma_wait3A_98] : memref<10240x16xf32, #tpu.memory_space<vmem_shared>> -> memref<640x16xf32, #tpu.memory_space<vmem_shared>>
      tpu.wait_dma2 semaphore(%run_scoped3A : memref<!tpu.dma_semaphore, #tpu.memory_space<semaphore_mem>>) src(%dma_wait3A_99 : memref<640x16xf32, #tpu.memory_space<vmem_shared>>) dst(%arg7 : memref<640x16xf32, #tpu.memory_space<vmem>>)
      tpu.yield
    }) : () -> ()
    %mul3A_90 = arith.constant 640 : i32
    %mul3A_91 = arith.muli %arg1, %mul3A_90 : i32
    "tpu.region"() ({
      %run_scoped3A = tpu.sem_alloc : memref<!tpu.dma_semaphore, #tpu.memory_space<semaphore_mem>>
      %dma_start3A_92 = arith.constant 0 : i32
      %dma_start3A_93 = tpu.memref_slice %arg3[%arg0, %mul3A_91, %dma_start3A_92] : memref<2x10240x16xf32, #tpu.memory_space<hbm>> -> memref<1x640x16xf32, #tpu.memory_space<hbm>>
      %dma_start3A_94 = tpu.memref_squeeze %dma_start3A_93 : memref<1x640x16xf32, #tpu.memory_space<hbm>> -> memref<640x16xf32, #tpu.memory_space<hbm>>
      %dma_start3A_95 = arith.constant 0 : i32
      %dma_start3A_96 = tpu.memref_slice %arg3[%arg0, %mul3A_91, %dma_start3A_95] : memref<2x10240x16xf32, #tpu.memory_space<hbm>> -> memref<1x640x16xf32, #tpu.memory_space<hbm>>
      %dma_start3A_97 = tpu.memref_squeeze %dma_start3A_96 : memref<1x640x16xf32, #tpu.memory_space<hbm>> -> memref<640x16xf32, #tpu.memory_space<hbm>>
      tpu.enqueue_dma source(%arg7 : memref<640x16xf32, #tpu.memory_space<vmem>>) target(%dma_start3A_97 : memref<640x16xf32, #tpu.memory_space<hbm>>) target_semaphore(%run_scoped3A : memref<!tpu.dma_semaphore, #tpu.memory_space<semaphore_mem>>)
      %dma_wait3A_98 = arith.constant 0 : i32
      %dma_wait3A_99 = tpu.memref_slice %arg3[%arg0, %mul3A_91, %dma_wait3A_98] : memref<2x10240x16xf32, #tpu.memory_space<hbm>> -> memref<1x640x16xf32, #tpu.memory_space<hbm>>
      %dma_wait3A_100 = tpu.memref_squeeze %dma_wait3A_99 : memref<1x640x16xf32, #tpu.memory_space<hbm>> -> memref<640x16xf32, #tpu.memory_space<hbm>>
      %dma_wait3A_101 = arith.constant 0 : i32
      %dma_wait3A_102 = tpu.memref_slice %arg3[%arg0, %mul3A_91, %dma_wait3A_101] : memref<2x10240x16xf32, #tpu.memory_space<hbm>> -> memref<1x640x16xf32, #tpu.memory_space<hbm>>
      %dma_wait3A_103 = tpu.memref_squeeze %dma_wait3A_102 : memref<1x640x16xf32, #tpu.memory_space<hbm>> -> memref<640x16xf32, #tpu.memory_space<hbm>>
      tpu.wait_dma2 semaphore(%run_scoped3A : memref<!tpu.dma_semaphore, #tpu.memory_space<semaphore_mem>>) src(%arg7 : memref<640x16xf32, #tpu.memory_space<vmem>>) dst(%dma_wait3A_103 : memref<640x16xf32, #tpu.memory_space<hbm>>)
      tpu.yield
    }) : () -> ()
    return
  }
}

#map = affine_map<(d0, d1) -> (0, 0)>
#map1 = affine_map<(d0, d1) -> (0, 0, 0, 0)>
#map2 = affine_map<(d0, d1) -> (0, 0, 0)>
module attributes {stable_mosaic.version = 14 : i64} {
  func.func @_agg128_body(%arg0: i32, %arg1: i32, %arg2: memref<10240x128xf32, #tpu.memory_space<hbm>>, %arg3: memref<32x50x5x40xi32, #tpu.memory_space<hbm>>, %arg4: memref<32x50x5x40xi32, #tpu.memory_space<hbm>>, %arg5: memref<640x128xf32, #tpu.memory_space<hbm>>, %arg6: memref<2x10240x128xf32, #tpu.memory_space<hbm>>, %arg7: memref<10240x128xf32, #tpu.memory_space<vmem_shared>>, %arg8: memref<2x5x40xi32, #tpu.memory_space<vmem>>, %arg9: memref<2x5x40xi32, #tpu.memory_space<vmem>>, %arg10: memref<40x128xf32, #tpu.memory_space<vmem>>, %arg11: memref<40x128xf32, #tpu.memory_space<vmem>>, %arg12: memref<40x128xf32, #tpu.memory_space<vmem>>, %arg13: memref<40x128xf32, #tpu.memory_space<vmem>>, %arg14: memref<40x128xf32, #tpu.memory_space<vmem>>, %arg15: memref<!tpu.dma_semaphore, #tpu.memory_space<semaphore_mem>>, %arg16: memref<!tpu.dma_semaphore, #tpu.memory_space<semaphore_mem>>, %arg17: memref<!tpu.dma_semaphore, #tpu.memory_space<semaphore_mem>>, %arg18: memref<!tpu.dma_semaphore, #tpu.memory_space<semaphore_mem>>, %arg19: memref<!tpu.dma_semaphore, #tpu.memory_space<semaphore_mem>>, %arg20: memref<!tpu.dma_semaphore, #tpu.memory_space<semaphore_mem>>, %arg21: memref<!tpu.dma_semaphore, #tpu.memory_space<semaphore_mem>>, %arg22: memref<!tpu.dma_semaphore, #tpu.memory_space<semaphore_mem>>, %arg23: memref<!tpu.dma_semaphore, #tpu.memory_space<semaphore_mem>>, %arg24: memref<!tpu.dma_semaphore, #tpu.memory_space<semaphore_mem>>, %arg25: memref<!tpu.dma_semaphore, #tpu.memory_space<semaphore_mem>>, %arg26: memref<!tpu.dma_semaphore, #tpu.memory_space<semaphore_mem>>) attributes {dimension_semantics = [#tpu.dimension_semantics<core_parallel>, #tpu.dimension_semantics<subcore_parallel>], iteration_bounds = array<i64: 2, 16>, scalar_prefetch = 0 : i64, scratch_operands = 20 : i64, tpu.core_type = #tpu.core_type<sc_vector_subcore>, window_params = [{transform_indices = #map}, {transform_indices = #map1}, {transform_indices = #map1}, {transform_indices = #map}, {transform_indices = #map2}]} {
    %mul3A = arith.constant 16 : i32
    %mul3A_0 = arith.muli %arg0, %mul3A : i32
    %add3A = arith.addi %mul3A_0, %arg1 : i32
    %eq3A = arith.constant 0 : i32
    %eq3A_1 = arith.cmpi eq, %arg0, %eq3A : i32
    %convert_element_type3A = arith.extui %eq3A_1 : i1 to i32
    %cond3A = arith.constant 0 : i32
    %cond3A_2 = arith.cmpi ne, %convert_element_type3A, %cond3A : i32
    scf.if %cond3A_2 {
      %mul3A_301 = arith.constant 640 : i32
      %mul3A_302 = arith.muli %arg1, %mul3A_301 : i32
      %mul3A_303 = arith.constant 640 : i32
      %mul3A_304 = arith.muli %arg1, %mul3A_303 : i32
      "tpu.region"() ({
        %run_scoped3A = tpu.sem_alloc : memref<!tpu.dma_semaphore, #tpu.memory_space<semaphore_mem>>
        %dma_start3A_305 = arith.constant 0 : i32
        %dma_start3A_306 = tpu.memref_slice %arg7[%mul3A_304, %dma_start3A_305] : memref<10240x128xf32, #tpu.memory_space<vmem_shared>> -> memref<640x128xf32, #tpu.memory_space<vmem_shared>>
        %dma_start3A_307 = arith.constant 0 : i32
        %dma_start3A_308 = tpu.memref_slice %arg2[%mul3A_302, %dma_start3A_307] : memref<10240x128xf32, #tpu.memory_space<hbm>> -> memref<640x128xf32, #tpu.memory_space<hbm>>
        tpu.enqueue_dma source(%dma_start3A_308 : memref<640x128xf32, #tpu.memory_space<hbm>>) target(%dma_start3A_306 : memref<640x128xf32, #tpu.memory_space<vmem_shared>>) target_semaphore(%run_scoped3A : memref<!tpu.dma_semaphore, #tpu.memory_space<semaphore_mem>>)
        %dma_wait3A_309 = arith.constant 0 : i32
        %dma_wait3A_310 = tpu.memref_slice %arg7[%mul3A_304, %dma_wait3A_309] : memref<10240x128xf32, #tpu.memory_space<vmem_shared>> -> memref<640x128xf32, #tpu.memory_space<vmem_shared>>
        %dma_wait3A_311 = arith.constant 0 : i32
        %dma_wait3A_312 = tpu.memref_slice %arg2[%mul3A_302, %dma_wait3A_311] : memref<10240x128xf32, #tpu.memory_space<hbm>> -> memref<640x128xf32, #tpu.memory_space<hbm>>
        tpu.wait_dma2 semaphore(%run_scoped3A : memref<!tpu.dma_semaphore, #tpu.memory_space<semaphore_mem>>) src(%dma_wait3A_312 : memref<640x128xf32, #tpu.memory_space<hbm>>) dst(%dma_wait3A_310 : memref<640x128xf32, #tpu.memory_space<vmem_shared>>)
        tpu.yield
      }) : () -> ()
    } else {
    }
    %eq3A_3 = arith.constant 1 : i32
    %eq3A_4 = arith.cmpi eq, %arg0, %eq3A_3 : i32
    %convert_element_type3A_5 = arith.extui %eq3A_4 : i1 to i32
    %cond3A_6 = arith.constant 0 : i32
    %cond3A_7 = arith.cmpi ne, %convert_element_type3A_5, %cond3A_6 : i32
    scf.if %cond3A_7 {
      %mul3A_301 = arith.constant 640 : i32
      %mul3A_302 = arith.muli %arg1, %mul3A_301 : i32
      "tpu.region"() ({
        %run_scoped3A = tpu.sem_alloc : memref<!tpu.dma_semaphore, #tpu.memory_space<semaphore_mem>>
        %dma_start3A_303 = arith.constant 0 : i32
        %dma_start3A_304 = tpu.memref_slice %arg7[%mul3A_302, %dma_start3A_303] : memref<10240x128xf32, #tpu.memory_space<vmem_shared>> -> memref<640x128xf32, #tpu.memory_space<vmem_shared>>
        tpu.enqueue_dma source(%arg5 : memref<640x128xf32, #tpu.memory_space<hbm>>) target(%dma_start3A_304 : memref<640x128xf32, #tpu.memory_space<vmem_shared>>) target_semaphore(%run_scoped3A : memref<!tpu.dma_semaphore, #tpu.memory_space<semaphore_mem>>)
        %dma_wait3A_305 = arith.constant 0 : i32
        %dma_wait3A_306 = tpu.memref_slice %arg7[%mul3A_302, %dma_wait3A_305] : memref<10240x128xf32, #tpu.memory_space<vmem_shared>> -> memref<640x128xf32, #tpu.memory_space<vmem_shared>>
        tpu.wait_dma2 semaphore(%run_scoped3A : memref<!tpu.dma_semaphore, #tpu.memory_space<semaphore_mem>>) src(%arg5 : memref<640x128xf32, #tpu.memory_space<hbm>>) dst(%dma_wait3A_306 : memref<640x128xf32, #tpu.memory_space<vmem_shared>>)
        tpu.yield
      }) : () -> ()
    } else {
    }
    %barrier3A = arith.constant 0 : index
    tpu.barrier barrier_id(%barrier3A)
    %dma_start3A = arith.constant 0 : i32
    %dma_start3A_8 = arith.constant 0 : i32
    %dma_start3A_9 = arith.constant 0 : i32
    %dma_start3A_10 = arith.constant 0 : i32
    %dma_start3A_11 = tpu.memref_slice %arg8[%dma_start3A_8, %dma_start3A_9, %dma_start3A_10] : memref<2x5x40xi32, #tpu.memory_space<vmem>> -> memref<1x5x40xi32, #tpu.memory_space<vmem>>
    %dma_start3A_12 = tpu.memref_squeeze %dma_start3A_11 : memref<1x5x40xi32, #tpu.memory_space<vmem>> -> memref<5x40xi32, #tpu.memory_space<vmem>>
    %dma_start3A_13 = arith.constant 0 : i32
    %dma_start3A_14 = arith.constant 0 : i32
    %dma_start3A_15 = tpu.memref_slice %arg3[%add3A, %dma_start3A, %dma_start3A_13, %dma_start3A_14] : memref<32x50x5x40xi32, #tpu.memory_space<hbm>> -> memref<1x1x5x40xi32, #tpu.memory_space<hbm>>
    %dma_start3A_16 = tpu.memref_squeeze %dma_start3A_15 : memref<1x1x5x40xi32, #tpu.memory_space<hbm>> -> memref<5x40xi32, #tpu.memory_space<hbm>>
    %dma_start3A_17 = arith.constant 0 : i32
    %dma_start3A_18 = arith.constant 0 : i32
    %dma_start3A_19 = tpu.memref_slice %arg8[%dma_start3A_8, %dma_start3A_17, %dma_start3A_18] : memref<2x5x40xi32, #tpu.memory_space<vmem>> -> memref<1x5x40xi32, #tpu.memory_space<vmem>>
    %dma_start3A_20 = tpu.memref_squeeze %dma_start3A_19 : memref<1x5x40xi32, #tpu.memory_space<vmem>> -> memref<5x40xi32, #tpu.memory_space<vmem>>
    %dma_start3A_21 = arith.constant 0 : i32
    %dma_start3A_22 = arith.constant 0 : i32
    %dma_start3A_23 = tpu.memref_slice %arg3[%add3A, %dma_start3A, %dma_start3A_21, %dma_start3A_22] : memref<32x50x5x40xi32, #tpu.memory_space<hbm>> -> memref<1x1x5x40xi32, #tpu.memory_space<hbm>>
    %dma_start3A_24 = tpu.memref_squeeze %dma_start3A_23 : memref<1x1x5x40xi32, #tpu.memory_space<hbm>> -> memref<5x40xi32, #tpu.memory_space<hbm>>
    tpu.enqueue_dma source(%dma_start3A_24 : memref<5x40xi32, #tpu.memory_space<hbm>>) target(%dma_start3A_20 : memref<5x40xi32, #tpu.memory_space<vmem>>) target_semaphore(%arg25 : memref<!tpu.dma_semaphore, #tpu.memory_space<semaphore_mem>>)
    %dma_start3A_25 = arith.constant 0 : i32
    %dma_start3A_26 = arith.constant 1 : i32
    %dma_start3A_27 = arith.constant 0 : i32
    %dma_start3A_28 = arith.constant 0 : i32
    %dma_start3A_29 = tpu.memref_slice %arg8[%dma_start3A_26, %dma_start3A_27, %dma_start3A_28] : memref<2x5x40xi32, #tpu.memory_space<vmem>> -> memref<1x5x40xi32, #tpu.memory_space<vmem>>
    %dma_start3A_30 = tpu.memref_squeeze %dma_start3A_29 : memref<1x5x40xi32, #tpu.memory_space<vmem>> -> memref<5x40xi32, #tpu.memory_space<vmem>>
    %dma_start3A_31 = arith.constant 0 : i32
    %dma_start3A_32 = arith.constant 0 : i32
    %dma_start3A_33 = tpu.memref_slice %arg4[%add3A, %dma_start3A_25, %dma_start3A_31, %dma_start3A_32] : memref<32x50x5x40xi32, #tpu.memory_space<hbm>> -> memref<1x1x5x40xi32, #tpu.memory_space<hbm>>
    %dma_start3A_34 = tpu.memref_squeeze %dma_start3A_33 : memref<1x1x5x40xi32, #tpu.memory_space<hbm>> -> memref<5x40xi32, #tpu.memory_space<hbm>>
    %dma_start3A_35 = arith.constant 0 : i32
    %dma_start3A_36 = arith.constant 0 : i32
    %dma_start3A_37 = tpu.memref_slice %arg8[%dma_start3A_26, %dma_start3A_35, %dma_start3A_36] : memref<2x5x40xi32, #tpu.memory_space<vmem>> -> memref<1x5x40xi32, #tpu.memory_space<vmem>>
    %dma_start3A_38 = tpu.memref_squeeze %dma_start3A_37 : memref<1x5x40xi32, #tpu.memory_space<vmem>> -> memref<5x40xi32, #tpu.memory_space<vmem>>
    %dma_start3A_39 = arith.constant 0 : i32
    %dma_start3A_40 = arith.constant 0 : i32
    %dma_start3A_41 = tpu.memref_slice %arg4[%add3A, %dma_start3A_25, %dma_start3A_39, %dma_start3A_40] : memref<32x50x5x40xi32, #tpu.memory_space<hbm>> -> memref<1x1x5x40xi32, #tpu.memory_space<hbm>>
    %dma_start3A_42 = tpu.memref_squeeze %dma_start3A_41 : memref<1x1x5x40xi32, #tpu.memory_space<hbm>> -> memref<5x40xi32, #tpu.memory_space<hbm>>
    tpu.enqueue_dma source(%dma_start3A_42 : memref<5x40xi32, #tpu.memory_space<hbm>>) target(%dma_start3A_38 : memref<5x40xi32, #tpu.memory_space<vmem>>) target_semaphore(%arg25 : memref<!tpu.dma_semaphore, #tpu.memory_space<semaphore_mem>>)
    %dma_start3A_43 = arith.constant 1 : i32
    %dma_start3A_44 = arith.constant 0 : i32
    %dma_start3A_45 = arith.constant 0 : i32
    %dma_start3A_46 = arith.constant 0 : i32
    %dma_start3A_47 = tpu.memref_slice %arg9[%dma_start3A_44, %dma_start3A_45, %dma_start3A_46] : memref<2x5x40xi32, #tpu.memory_space<vmem>> -> memref<1x5x40xi32, #tpu.memory_space<vmem>>
    %dma_start3A_48 = tpu.memref_squeeze %dma_start3A_47 : memref<1x5x40xi32, #tpu.memory_space<vmem>> -> memref<5x40xi32, #tpu.memory_space<vmem>>
    %dma_start3A_49 = arith.constant 0 : i32
    %dma_start3A_50 = arith.constant 0 : i32
    %dma_start3A_51 = tpu.memref_slice %arg3[%add3A, %dma_start3A_43, %dma_start3A_49, %dma_start3A_50] : memref<32x50x5x40xi32, #tpu.memory_space<hbm>> -> memref<1x1x5x40xi32, #tpu.memory_space<hbm>>
    %dma_start3A_52 = tpu.memref_squeeze %dma_start3A_51 : memref<1x1x5x40xi32, #tpu.memory_space<hbm>> -> memref<5x40xi32, #tpu.memory_space<hbm>>
    %dma_start3A_53 = arith.constant 0 : i32
    %dma_start3A_54 = arith.constant 0 : i32
    %dma_start3A_55 = tpu.memref_slice %arg9[%dma_start3A_44, %dma_start3A_53, %dma_start3A_54] : memref<2x5x40xi32, #tpu.memory_space<vmem>> -> memref<1x5x40xi32, #tpu.memory_space<vmem>>
    %dma_start3A_56 = tpu.memref_squeeze %dma_start3A_55 : memref<1x5x40xi32, #tpu.memory_space<vmem>> -> memref<5x40xi32, #tpu.memory_space<vmem>>
    %dma_start3A_57 = arith.constant 0 : i32
    %dma_start3A_58 = arith.constant 0 : i32
    %dma_start3A_59 = tpu.memref_slice %arg3[%add3A, %dma_start3A_43, %dma_start3A_57, %dma_start3A_58] : memref<32x50x5x40xi32, #tpu.memory_space<hbm>> -> memref<1x1x5x40xi32, #tpu.memory_space<hbm>>
    %dma_start3A_60 = tpu.memref_squeeze %dma_start3A_59 : memref<1x1x5x40xi32, #tpu.memory_space<hbm>> -> memref<5x40xi32, #tpu.memory_space<hbm>>
    tpu.enqueue_dma source(%dma_start3A_60 : memref<5x40xi32, #tpu.memory_space<hbm>>) target(%dma_start3A_56 : memref<5x40xi32, #tpu.memory_space<vmem>>) target_semaphore(%arg26 : memref<!tpu.dma_semaphore, #tpu.memory_space<semaphore_mem>>)
    %dma_start3A_61 = arith.constant 1 : i32
    %dma_start3A_62 = arith.constant 1 : i32
    %dma_start3A_63 = arith.constant 0 : i32
    %dma_start3A_64 = arith.constant 0 : i32
    %dma_start3A_65 = tpu.memref_slice %arg9[%dma_start3A_62, %dma_start3A_63, %dma_start3A_64] : memref<2x5x40xi32, #tpu.memory_space<vmem>> -> memref<1x5x40xi32, #tpu.memory_space<vmem>>
    %dma_start3A_66 = tpu.memref_squeeze %dma_start3A_65 : memref<1x5x40xi32, #tpu.memory_space<vmem>> -> memref<5x40xi32, #tpu.memory_space<vmem>>
    %dma_start3A_67 = arith.constant 0 : i32
    %dma_start3A_68 = arith.constant 0 : i32
    %dma_start3A_69 = tpu.memref_slice %arg4[%add3A, %dma_start3A_61, %dma_start3A_67, %dma_start3A_68] : memref<32x50x5x40xi32, #tpu.memory_space<hbm>> -> memref<1x1x5x40xi32, #tpu.memory_space<hbm>>
    %dma_start3A_70 = tpu.memref_squeeze %dma_start3A_69 : memref<1x1x5x40xi32, #tpu.memory_space<hbm>> -> memref<5x40xi32, #tpu.memory_space<hbm>>
    %dma_start3A_71 = arith.constant 0 : i32
    %dma_start3A_72 = arith.constant 0 : i32
    %dma_start3A_73 = tpu.memref_slice %arg9[%dma_start3A_62, %dma_start3A_71, %dma_start3A_72] : memref<2x5x40xi32, #tpu.memory_space<vmem>> -> memref<1x5x40xi32, #tpu.memory_space<vmem>>
    %dma_start3A_74 = tpu.memref_squeeze %dma_start3A_73 : memref<1x5x40xi32, #tpu.memory_space<vmem>> -> memref<5x40xi32, #tpu.memory_space<vmem>>
    %dma_start3A_75 = arith.constant 0 : i32
    %dma_start3A_76 = arith.constant 0 : i32
    %dma_start3A_77 = tpu.memref_slice %arg4[%add3A, %dma_start3A_61, %dma_start3A_75, %dma_start3A_76] : memref<32x50x5x40xi32, #tpu.memory_space<hbm>> -> memref<1x1x5x40xi32, #tpu.memory_space<hbm>>
    %dma_start3A_78 = tpu.memref_squeeze %dma_start3A_77 : memref<1x1x5x40xi32, #tpu.memory_space<hbm>> -> memref<5x40xi32, #tpu.memory_space<hbm>>
    tpu.enqueue_dma source(%dma_start3A_78 : memref<5x40xi32, #tpu.memory_space<hbm>>) target(%dma_start3A_74 : memref<5x40xi32, #tpu.memory_space<vmem>>) target_semaphore(%arg26 : memref<!tpu.dma_semaphore, #tpu.memory_space<semaphore_mem>>)
    %dma_wait3A = arith.constant 0 : i32
    %dma_wait3A_79 = arith.constant 0 : i32
    %dma_wait3A_80 = arith.constant 0 : i32
    %dma_wait3A_81 = arith.constant 0 : i32
    %dma_wait3A_82 = tpu.memref_slice %arg8[%dma_wait3A_79, %dma_wait3A_80, %dma_wait3A_81] : memref<2x5x40xi32, #tpu.memory_space<vmem>> -> memref<1x5x40xi32, #tpu.memory_space<vmem>>
    %dma_wait3A_83 = tpu.memref_squeeze %dma_wait3A_82 : memref<1x5x40xi32, #tpu.memory_space<vmem>> -> memref<5x40xi32, #tpu.memory_space<vmem>>
    %dma_wait3A_84 = arith.constant 0 : i32
    %dma_wait3A_85 = arith.constant 0 : i32
    %dma_wait3A_86 = tpu.memref_slice %arg3[%add3A, %dma_wait3A, %dma_wait3A_84, %dma_wait3A_85] : memref<32x50x5x40xi32, #tpu.memory_space<hbm>> -> memref<1x1x5x40xi32, #tpu.memory_space<hbm>>
    %dma_wait3A_87 = tpu.memref_squeeze %dma_wait3A_86 : memref<1x1x5x40xi32, #tpu.memory_space<hbm>> -> memref<5x40xi32, #tpu.memory_space<hbm>>
    %dma_wait3A_88 = arith.constant 0 : i32
    %dma_wait3A_89 = arith.constant 0 : i32
    %dma_wait3A_90 = tpu.memref_slice %arg8[%dma_wait3A_79, %dma_wait3A_88, %dma_wait3A_89] : memref<2x5x40xi32, #tpu.memory_space<vmem>> -> memref<1x5x40xi32, #tpu.memory_space<vmem>>
    %dma_wait3A_91 = tpu.memref_squeeze %dma_wait3A_90 : memref<1x5x40xi32, #tpu.memory_space<vmem>> -> memref<5x40xi32, #tpu.memory_space<vmem>>
    %dma_wait3A_92 = arith.constant 0 : i32
    %dma_wait3A_93 = arith.constant 0 : i32
    %dma_wait3A_94 = tpu.memref_slice %arg3[%add3A, %dma_wait3A, %dma_wait3A_92, %dma_wait3A_93] : memref<32x50x5x40xi32, #tpu.memory_space<hbm>> -> memref<1x1x5x40xi32, #tpu.memory_space<hbm>>
    %dma_wait3A_95 = tpu.memref_squeeze %dma_wait3A_94 : memref<1x1x5x40xi32, #tpu.memory_space<hbm>> -> memref<5x40xi32, #tpu.memory_space<hbm>>
    tpu.wait_dma2 semaphore(%arg25 : memref<!tpu.dma_semaphore, #tpu.memory_space<semaphore_mem>>) src(%dma_wait3A_95 : memref<5x40xi32, #tpu.memory_space<hbm>>) dst(%dma_wait3A_91 : memref<5x40xi32, #tpu.memory_space<vmem>>)
    %dma_wait3A_96 = arith.constant 0 : i32
    %dma_wait3A_97 = arith.constant 1 : i32
    %dma_wait3A_98 = arith.constant 0 : i32
    %dma_wait3A_99 = arith.constant 0 : i32
    %dma_wait3A_100 = tpu.memref_slice %arg8[%dma_wait3A_97, %dma_wait3A_98, %dma_wait3A_99] : memref<2x5x40xi32, #tpu.memory_space<vmem>> -> memref<1x5x40xi32, #tpu.memory_space<vmem>>
    %dma_wait3A_101 = tpu.memref_squeeze %dma_wait3A_100 : memref<1x5x40xi32, #tpu.memory_space<vmem>> -> memref<5x40xi32, #tpu.memory_space<vmem>>
    %dma_wait3A_102 = arith.constant 0 : i32
    %dma_wait3A_103 = arith.constant 0 : i32
    %dma_wait3A_104 = tpu.memref_slice %arg4[%add3A, %dma_wait3A_96, %dma_wait3A_102, %dma_wait3A_103] : memref<32x50x5x40xi32, #tpu.memory_space<hbm>> -> memref<1x1x5x40xi32, #tpu.memory_space<hbm>>
    %dma_wait3A_105 = tpu.memref_squeeze %dma_wait3A_104 : memref<1x1x5x40xi32, #tpu.memory_space<hbm>> -> memref<5x40xi32, #tpu.memory_space<hbm>>
    %dma_wait3A_106 = arith.constant 0 : i32
    %dma_wait3A_107 = arith.constant 0 : i32
    %dma_wait3A_108 = tpu.memref_slice %arg8[%dma_wait3A_97, %dma_wait3A_106, %dma_wait3A_107] : memref<2x5x40xi32, #tpu.memory_space<vmem>> -> memref<1x5x40xi32, #tpu.memory_space<vmem>>
    %dma_wait3A_109 = tpu.memref_squeeze %dma_wait3A_108 : memref<1x5x40xi32, #tpu.memory_space<vmem>> -> memref<5x40xi32, #tpu.memory_space<vmem>>
    %dma_wait3A_110 = arith.constant 0 : i32
    %dma_wait3A_111 = arith.constant 0 : i32
    %dma_wait3A_112 = tpu.memref_slice %arg4[%add3A, %dma_wait3A_96, %dma_wait3A_110, %dma_wait3A_111] : memref<32x50x5x40xi32, #tpu.memory_space<hbm>> -> memref<1x1x5x40xi32, #tpu.memory_space<hbm>>
    %dma_wait3A_113 = tpu.memref_squeeze %dma_wait3A_112 : memref<1x1x5x40xi32, #tpu.memory_space<hbm>> -> memref<5x40xi32, #tpu.memory_space<hbm>>
    tpu.wait_dma2 semaphore(%arg25 : memref<!tpu.dma_semaphore, #tpu.memory_space<semaphore_mem>>) src(%dma_wait3A_113 : memref<5x40xi32, #tpu.memory_space<hbm>>) dst(%dma_wait3A_109 : memref<5x40xi32, #tpu.memory_space<vmem>>)
    %dma_start3A_114 = arith.constant 0 : i32
    %dma_start3A_115 = arith.constant 0 : i32
    %dma_start3A_116 = arith.constant 0 : i32
    %dma_start3A_117 = tpu.memref_slice %arg8[%dma_start3A_114, %dma_start3A_115, %dma_start3A_116] : memref<2x5x40xi32, #tpu.memory_space<vmem>> -> memref<1x1x40xi32, #tpu.memory_space<vmem>>
    %dma_start3A_118 = tpu.memref_squeeze %dma_start3A_117 : memref<1x1x40xi32, #tpu.memory_space<vmem>> -> memref<40xi32, #tpu.memory_space<vmem>>
    %dma_start3A_119 = arith.constant 0 : i32
    %dma_start3A_120 = arith.constant 0 : i32
    %dma_start3A_121 = tpu.memref_slice %arg2[%dma_start3A_119, %dma_start3A_120] : memref<10240x128xf32, #tpu.memory_space<hbm>> -> memref<10240x128xf32, #tpu.memory_space<hbm>>
    tpu.enqueue_indirect_dma source(%dma_start3A_121 : memref<10240x128xf32, #tpu.memory_space<hbm>>) target(%arg10 : memref<40x128xf32, #tpu.memory_space<vmem>>) offsets(%dma_start3A_118 : memref<40xi32, #tpu.memory_space<vmem>>) semaphore(%arg15 : memref<!tpu.dma_semaphore, #tpu.memory_space<semaphore_mem>>)
    %dma_start3A_122 = arith.constant 0 : i32
    %dma_start3A_123 = arith.constant 1 : i32
    %dma_start3A_124 = arith.constant 0 : i32
    %dma_start3A_125 = tpu.memref_slice %arg8[%dma_start3A_122, %dma_start3A_123, %dma_start3A_124] : memref<2x5x40xi32, #tpu.memory_space<vmem>> -> memref<1x1x40xi32, #tpu.memory_space<vmem>>
    %dma_start3A_126 = tpu.memref_squeeze %dma_start3A_125 : memref<1x1x40xi32, #tpu.memory_space<vmem>> -> memref<40xi32, #tpu.memory_space<vmem>>
    %dma_start3A_127 = arith.constant 0 : i32
    %dma_start3A_128 = arith.constant 0 : i32
    %dma_start3A_129 = tpu.memref_slice %arg2[%dma_start3A_127, %dma_start3A_128] : memref<10240x128xf32, #tpu.memory_space<hbm>> -> memref<10240x128xf32, #tpu.memory_space<hbm>>
    tpu.enqueue_indirect_dma source(%dma_start3A_129 : memref<10240x128xf32, #tpu.memory_space<hbm>>) target(%arg11 : memref<40x128xf32, #tpu.memory_space<vmem>>) offsets(%dma_start3A_126 : memref<40xi32, #tpu.memory_space<vmem>>) semaphore(%arg16 : memref<!tpu.dma_semaphore, #tpu.memory_space<semaphore_mem>>)
    %dma_start3A_130 = arith.constant 0 : i32
    %dma_start3A_131 = arith.constant 2 : i32
    %dma_start3A_132 = arith.constant 0 : i32
    %dma_start3A_133 = tpu.memref_slice %arg8[%dma_start3A_130, %dma_start3A_131, %dma_start3A_132] : memref<2x5x40xi32, #tpu.memory_space<vmem>> -> memref<1x1x40xi32, #tpu.memory_space<vmem>>
    %dma_start3A_134 = tpu.memref_squeeze %dma_start3A_133 : memref<1x1x40xi32, #tpu.memory_space<vmem>> -> memref<40xi32, #tpu.memory_space<vmem>>
    %dma_start3A_135 = arith.constant 0 : i32
    %dma_start3A_136 = arith.constant 0 : i32
    %dma_start3A_137 = tpu.memref_slice %arg2[%dma_start3A_135, %dma_start3A_136] : memref<10240x128xf32, #tpu.memory_space<hbm>> -> memref<10240x128xf32, #tpu.memory_space<hbm>>
    tpu.enqueue_indirect_dma source(%dma_start3A_137 : memref<10240x128xf32, #tpu.memory_space<hbm>>) target(%arg12 : memref<40x128xf32, #tpu.memory_space<vmem>>) offsets(%dma_start3A_134 : memref<40xi32, #tpu.memory_space<vmem>>) semaphore(%arg17 : memref<!tpu.dma_semaphore, #tpu.memory_space<semaphore_mem>>)
    %dma_start3A_138 = arith.constant 0 : i32
    %dma_start3A_139 = arith.constant 3 : i32
    %dma_start3A_140 = arith.constant 0 : i32
    %dma_start3A_141 = tpu.memref_slice %arg8[%dma_start3A_138, %dma_start3A_139, %dma_start3A_140] : memref<2x5x40xi32, #tpu.memory_space<vmem>> -> memref<1x1x40xi32, #tpu.memory_space<vmem>>
    %dma_start3A_142 = tpu.memref_squeeze %dma_start3A_141 : memref<1x1x40xi32, #tpu.memory_space<vmem>> -> memref<40xi32, #tpu.memory_space<vmem>>
    %dma_start3A_143 = arith.constant 0 : i32
    %dma_start3A_144 = arith.constant 0 : i32
    %dma_start3A_145 = tpu.memref_slice %arg2[%dma_start3A_143, %dma_start3A_144] : memref<10240x128xf32, #tpu.memory_space<hbm>> -> memref<10240x128xf32, #tpu.memory_space<hbm>>
    tpu.enqueue_indirect_dma source(%dma_start3A_145 : memref<10240x128xf32, #tpu.memory_space<hbm>>) target(%arg13 : memref<40x128xf32, #tpu.memory_space<vmem>>) offsets(%dma_start3A_142 : memref<40xi32, #tpu.memory_space<vmem>>) semaphore(%arg18 : memref<!tpu.dma_semaphore, #tpu.memory_space<semaphore_mem>>)
    %dma_start3A_146 = arith.constant 0 : i32
    %dma_start3A_147 = arith.constant 4 : i32
    %dma_start3A_148 = arith.constant 0 : i32
    %dma_start3A_149 = tpu.memref_slice %arg8[%dma_start3A_146, %dma_start3A_147, %dma_start3A_148] : memref<2x5x40xi32, #tpu.memory_space<vmem>> -> memref<1x1x40xi32, #tpu.memory_space<vmem>>
    %dma_start3A_150 = tpu.memref_squeeze %dma_start3A_149 : memref<1x1x40xi32, #tpu.memory_space<vmem>> -> memref<40xi32, #tpu.memory_space<vmem>>
    %dma_start3A_151 = arith.constant 0 : i32
    %dma_start3A_152 = arith.constant 0 : i32
    %dma_start3A_153 = tpu.memref_slice %arg2[%dma_start3A_151, %dma_start3A_152] : memref<10240x128xf32, #tpu.memory_space<hbm>> -> memref<10240x128xf32, #tpu.memory_space<hbm>>
    tpu.enqueue_indirect_dma source(%dma_start3A_153 : memref<10240x128xf32, #tpu.memory_space<hbm>>) target(%arg14 : memref<40x128xf32, #tpu.memory_space<vmem>>) offsets(%dma_start3A_150 : memref<40xi32, #tpu.memory_space<vmem>>) semaphore(%arg19 : memref<!tpu.dma_semaphore, #tpu.memory_space<semaphore_mem>>)
    %scan3A = arith.constant 0 : i32
    %scan3A_154 = arith.constant 0 : i32
    %scan3A_155 = arith.constant 25 : i32
    %scan3A_156 = arith.addi %scan3A_154, %scan3A_155 : i32
    %scan3A_157 = arith.constant 1 : i32
    %scan3A_158 = scf.for %scan3A_301 = %scan3A_154 to %scan3A_156 step %scan3A_157 iter_args(%scan3A_302 = %scan3A) -> (i32)  : i32 {
      %mul3A_303 = arith.constant 2 : i32
      %mul3A_304 = arith.muli %scan3A_301, %mul3A_303 : i32
      %add3A_305 = arith.constant 0 : i32
      %add3A_306 = arith.addi %mul3A_304, %add3A_305 : i32
      %dma_wait3A_307 = arith.constant 0 : i32
      %dma_wait3A_308 = arith.constant 0 : i32
      %dma_wait3A_309 = arith.constant 0 : i32
      %dma_wait3A_310 = tpu.memref_slice %arg8[%dma_wait3A_307, %dma_wait3A_308, %dma_wait3A_309] : memref<2x5x40xi32, #tpu.memory_space<vmem>> -> memref<1x1x40xi32, #tpu.memory_space<vmem>>
      %dma_wait3A_311 = tpu.memref_squeeze %dma_wait3A_310 : memref<1x1x40xi32, #tpu.memory_space<vmem>> -> memref<40xi32, #tpu.memory_space<vmem>>
      %dma_wait3A_312 = arith.constant 0 : i32
      %dma_wait3A_313 = arith.constant 0 : i32
      %dma_wait3A_314 = tpu.memref_slice %arg2[%dma_wait3A_312, %dma_wait3A_313] : memref<10240x128xf32, #tpu.memory_space<hbm>> -> memref<10240x128xf32, #tpu.memory_space<hbm>>
      tpu.wait_indirect_dma semaphore(%arg15 : memref<!tpu.dma_semaphore, #tpu.memory_space<semaphore_mem>>) src(%dma_wait3A_314 : memref<10240x128xf32, #tpu.memory_space<hbm>>) dst(%arg10 : memref<40x128xf32, #tpu.memory_space<vmem>>)
      %dma_start3A_315 = arith.constant 1 : i32
      %dma_start3A_316 = arith.constant 0 : i32
      %dma_start3A_317 = arith.constant 0 : i32
      %dma_start3A_318 = tpu.memref_slice %arg8[%dma_start3A_315, %dma_start3A_316, %dma_start3A_317] : memref<2x5x40xi32, #tpu.memory_space<vmem>> -> memref<1x1x40xi32, #tpu.memory_space<vmem>>
      %dma_start3A_319 = tpu.memref_squeeze %dma_start3A_318 : memref<1x1x40xi32, #tpu.memory_space<vmem>> -> memref<40xi32, #tpu.memory_space<vmem>>
      %dma_start3A_320 = arith.constant 0 : i32
      %dma_start3A_321 = arith.constant 0 : i32
      %dma_start3A_322 = tpu.memref_slice %arg7[%dma_start3A_320, %dma_start3A_321] : memref<10240x128xf32, #tpu.memory_space<vmem_shared>> -> memref<10240x128xf32, #tpu.memory_space<vmem_shared>>
      tpu.enqueue_indirect_dma source(%arg10 : memref<40x128xf32, #tpu.memory_space<vmem>>) target(%dma_start3A_322 : memref<10240x128xf32, #tpu.memory_space<vmem_shared>>) offsets(%dma_start3A_319 : memref<40xi32, #tpu.memory_space<vmem>>) semaphore(%arg20 : memref<!tpu.dma_semaphore, #tpu.memory_space<semaphore_mem>>) {add = true}
      %dma_wait3A_323 = arith.constant 0 : i32
      %dma_wait3A_324 = arith.constant 0 : i32
      %dma_wait3A_325 = arith.constant 0 : i32
      %dma_wait3A_326 = tpu.memref_slice %arg8[%dma_wait3A_323, %dma_wait3A_324, %dma_wait3A_325] : memref<2x5x40xi32, #tpu.memory_space<vmem>> -> memref<1x1x40xi32, #tpu.memory_space<vmem>>
      %dma_wait3A_327 = tpu.memref_squeeze %dma_wait3A_326 : memref<1x1x40xi32, #tpu.memory_space<vmem>> -> memref<40xi32, #tpu.memory_space<vmem>>
      %dma_wait3A_328 = arith.constant 0 : i32
      %dma_wait3A_329 = arith.constant 0 : i32
      %dma_wait3A_330 = tpu.memref_slice %arg2[%dma_wait3A_328, %dma_wait3A_329] : memref<10240x128xf32, #tpu.memory_space<hbm>> -> memref<10240x128xf32, #tpu.memory_space<hbm>>
      tpu.wait_indirect_dma semaphore(%arg16 : memref<!tpu.dma_semaphore, #tpu.memory_space<semaphore_mem>>) src(%dma_wait3A_330 : memref<10240x128xf32, #tpu.memory_space<hbm>>) dst(%arg11 : memref<40x128xf32, #tpu.memory_space<vmem>>)
      %dma_start3A_331 = arith.constant 1 : i32
      %dma_start3A_332 = arith.constant 1 : i32
      %dma_start3A_333 = arith.constant 0 : i32
      %dma_start3A_334 = tpu.memref_slice %arg8[%dma_start3A_331, %dma_start3A_332, %dma_start3A_333] : memref<2x5x40xi32, #tpu.memory_space<vmem>> -> memref<1x1x40xi32, #tpu.memory_space<vmem>>
      %dma_start3A_335 = tpu.memref_squeeze %dma_start3A_334 : memref<1x1x40xi32, #tpu.memory_space<vmem>> -> memref<40xi32, #tpu.memory_space<vmem>>
      %dma_start3A_336 = arith.constant 0 : i32
      %dma_start3A_337 = arith.constant 0 : i32
      %dma_start3A_338 = tpu.memref_slice %arg7[%dma_start3A_336, %dma_start3A_337] : memref<10240x128xf32, #tpu.memory_space<vmem_shared>> -> memref<10240x128xf32, #tpu.memory_space<vmem_shared>>
      tpu.enqueue_indirect_dma source(%arg11 : memref<40x128xf32, #tpu.memory_space<vmem>>) target(%dma_start3A_338 : memref<10240x128xf32, #tpu.memory_space<vmem_shared>>) offsets(%dma_start3A_335 : memref<40xi32, #tpu.memory_space<vmem>>) semaphore(%arg21 : memref<!tpu.dma_semaphore, #tpu.memory_space<semaphore_mem>>) {add = true}
      %dma_wait3A_339 = arith.constant 0 : i32
      %dma_wait3A_340 = arith.constant 0 : i32
      %dma_wait3A_341 = arith.constant 0 : i32
      %dma_wait3A_342 = tpu.memref_slice %arg8[%dma_wait3A_339, %dma_wait3A_340, %dma_wait3A_341] : memref<2x5x40xi32, #tpu.memory_space<vmem>> -> memref<1x1x40xi32, #tpu.memory_space<vmem>>
      %dma_wait3A_343 = tpu.memref_squeeze %dma_wait3A_342 : memref<1x1x40xi32, #tpu.memory_space<vmem>> -> memref<40xi32, #tpu.memory_space<vmem>>
      %dma_wait3A_344 = arith.constant 0 : i32
      %dma_wait3A_345 = arith.constant 0 : i32
      %dma_wait3A_346 = tpu.memref_slice %arg2[%dma_wait3A_344, %dma_wait3A_345] : memref<10240x128xf32, #tpu.memory_space<hbm>> -> memref<10240x128xf32, #tpu.memory_space<hbm>>
      tpu.wait_indirect_dma semaphore(%arg17 : memref<!tpu.dma_semaphore, #tpu.memory_space<semaphore_mem>>) src(%dma_wait3A_346 : memref<10240x128xf32, #tpu.memory_space<hbm>>) dst(%arg12 : memref<40x128xf32, #tpu.memory_space<vmem>>)
      %dma_start3A_347 = arith.constant 1 : i32
      %dma_start3A_348 = arith.constant 2 : i32
      %dma_start3A_349 = arith.constant 0 : i32
      %dma_start3A_350 = tpu.memref_slice %arg8[%dma_start3A_347, %dma_start3A_348, %dma_start3A_349] : memref<2x5x40xi32, #tpu.memory_space<vmem>> -> memref<1x1x40xi32, #tpu.memory_space<vmem>>
      %dma_start3A_351 = tpu.memref_squeeze %dma_start3A_350 : memref<1x1x40xi32, #tpu.memory_space<vmem>> -> memref<40xi32, #tpu.memory_space<vmem>>
      %dma_start3A_352 = arith.constant 0 : i32
      %dma_start3A_353 = arith.constant 0 : i32
      %dma_start3A_354 = tpu.memref_slice %arg7[%dma_start3A_352, %dma_start3A_353] : memref<10240x128xf32, #tpu.memory_space<vmem_shared>> -> memref<10240x128xf32, #tpu.memory_space<vmem_shared>>
      tpu.enqueue_indirect_dma source(%arg12 : memref<40x128xf32, #tpu.memory_space<vmem>>) target(%dma_start3A_354 : memref<10240x128xf32, #tpu.memory_space<vmem_shared>>) offsets(%dma_start3A_351 : memref<40xi32, #tpu.memory_space<vmem>>) semaphore(%arg22 : memref<!tpu.dma_semaphore, #tpu.memory_space<semaphore_mem>>) {add = true}
      %dma_wait3A_355 = arith.constant 0 : i32
      %dma_wait3A_356 = arith.constant 0 : i32
      %dma_wait3A_357 = arith.constant 0 : i32
      %dma_wait3A_358 = tpu.memref_slice %arg8[%dma_wait3A_355, %dma_wait3A_356, %dma_wait3A_357] : memref<2x5x40xi32, #tpu.memory_space<vmem>> -> memref<1x1x40xi32, #tpu.memory_space<vmem>>
      %dma_wait3A_359 = tpu.memref_squeeze %dma_wait3A_358 : memref<1x1x40xi32, #tpu.memory_space<vmem>> -> memref<40xi32, #tpu.memory_space<vmem>>
      %dma_wait3A_360 = arith.constant 0 : i32
      %dma_wait3A_361 = arith.constant 0 : i32
      %dma_wait3A_362 = tpu.memref_slice %arg2[%dma_wait3A_360, %dma_wait3A_361] : memref<10240x128xf32, #tpu.memory_space<hbm>> -> memref<10240x128xf32, #tpu.memory_space<hbm>>
      tpu.wait_indirect_dma semaphore(%arg18 : memref<!tpu.dma_semaphore, #tpu.memory_space<semaphore_mem>>) src(%dma_wait3A_362 : memref<10240x128xf32, #tpu.memory_space<hbm>>) dst(%arg13 : memref<40x128xf32, #tpu.memory_space<vmem>>)
      %dma_start3A_363 = arith.constant 1 : i32
      %dma_start3A_364 = arith.constant 3 : i32
      %dma_start3A_365 = arith.constant 0 : i32
      %dma_start3A_366 = tpu.memref_slice %arg8[%dma_start3A_363, %dma_start3A_364, %dma_start3A_365] : memref<2x5x40xi32, #tpu.memory_space<vmem>> -> memref<1x1x40xi32, #tpu.memory_space<vmem>>
      %dma_start3A_367 = tpu.memref_squeeze %dma_start3A_366 : memref<1x1x40xi32, #tpu.memory_space<vmem>> -> memref<40xi32, #tpu.memory_space<vmem>>
      %dma_start3A_368 = arith.constant 0 : i32
      %dma_start3A_369 = arith.constant 0 : i32
      %dma_start3A_370 = tpu.memref_slice %arg7[%dma_start3A_368, %dma_start3A_369] : memref<10240x128xf32, #tpu.memory_space<vmem_shared>> -> memref<10240x128xf32, #tpu.memory_space<vmem_shared>>
      tpu.enqueue_indirect_dma source(%arg13 : memref<40x128xf32, #tpu.memory_space<vmem>>) target(%dma_start3A_370 : memref<10240x128xf32, #tpu.memory_space<vmem_shared>>) offsets(%dma_start3A_367 : memref<40xi32, #tpu.memory_space<vmem>>) semaphore(%arg23 : memref<!tpu.dma_semaphore, #tpu.memory_space<semaphore_mem>>) {add = true}
      %dma_wait3A_371 = arith.constant 0 : i32
      %dma_wait3A_372 = arith.constant 0 : i32
      %dma_wait3A_373 = arith.constant 0 : i32
      %dma_wait3A_374 = tpu.memref_slice %arg8[%dma_wait3A_371, %dma_wait3A_372, %dma_wait3A_373] : memref<2x5x40xi32, #tpu.memory_space<vmem>> -> memref<1x1x40xi32, #tpu.memory_space<vmem>>
      %dma_wait3A_375 = tpu.memref_squeeze %dma_wait3A_374 : memref<1x1x40xi32, #tpu.memory_space<vmem>> -> memref<40xi32, #tpu.memory_space<vmem>>
      %dma_wait3A_376 = arith.constant 0 : i32
      %dma_wait3A_377 = arith.constant 0 : i32
      %dma_wait3A_378 = tpu.memref_slice %arg2[%dma_wait3A_376, %dma_wait3A_377] : memref<10240x128xf32, #tpu.memory_space<hbm>> -> memref<10240x128xf32, #tpu.memory_space<hbm>>
      tpu.wait_indirect_dma semaphore(%arg19 : memref<!tpu.dma_semaphore, #tpu.memory_space<semaphore_mem>>) src(%dma_wait3A_378 : memref<10240x128xf32, #tpu.memory_space<hbm>>) dst(%arg14 : memref<40x128xf32, #tpu.memory_space<vmem>>)
      %dma_start3A_379 = arith.constant 1 : i32
      %dma_start3A_380 = arith.constant 4 : i32
      %dma_start3A_381 = arith.constant 0 : i32
      %dma_start3A_382 = tpu.memref_slice %arg8[%dma_start3A_379, %dma_start3A_380, %dma_start3A_381] : memref<2x5x40xi32, #tpu.memory_space<vmem>> -> memref<1x1x40xi32, #tpu.memory_space<vmem>>
      %dma_start3A_383 = tpu.memref_squeeze %dma_start3A_382 : memref<1x1x40xi32, #tpu.memory_space<vmem>> -> memref<40xi32, #tpu.memory_space<vmem>>
      %dma_start3A_384 = arith.constant 0 : i32
      %dma_start3A_385 = arith.constant 0 : i32
      %dma_start3A_386 = tpu.memref_slice %arg7[%dma_start3A_384, %dma_start3A_385] : memref<10240x128xf32, #tpu.memory_space<vmem_shared>> -> memref<10240x128xf32, #tpu.memory_space<vmem_shared>>
      tpu.enqueue_indirect_dma source(%arg14 : memref<40x128xf32, #tpu.memory_space<vmem>>) target(%dma_start3A_386 : memref<10240x128xf32, #tpu.memory_space<vmem_shared>>) offsets(%dma_start3A_383 : memref<40xi32, #tpu.memory_space<vmem>>) semaphore(%arg24 : memref<!tpu.dma_semaphore, #tpu.memory_space<semaphore_mem>>) {add = true}
      %dma_wait3A_387 = arith.constant 0 : i32
      %dma_wait3A_388 = arith.constant 0 : i32
      %dma_wait3A_389 = arith.constant 0 : i32
      %dma_wait3A_390 = arith.constant 0 : i32
      %dma_wait3A_391 = tpu.memref_slice %arg9[%dma_wait3A_388, %dma_wait3A_389, %dma_wait3A_390] : memref<2x5x40xi32, #tpu.memory_space<vmem>> -> memref<1x5x40xi32, #tpu.memory_space<vmem>>
      %dma_wait3A_392 = tpu.memref_squeeze %dma_wait3A_391 : memref<1x5x40xi32, #tpu.memory_space<vmem>> -> memref<5x40xi32, #tpu.memory_space<vmem>>
      %dma_wait3A_393 = arith.constant 0 : i32
      %dma_wait3A_394 = arith.constant 0 : i32
      %dma_wait3A_395 = tpu.memref_slice %arg3[%add3A, %dma_wait3A_387, %dma_wait3A_393, %dma_wait3A_394] : memref<32x50x5x40xi32, #tpu.memory_space<hbm>> -> memref<1x1x5x40xi32, #tpu.memory_space<hbm>>
      %dma_wait3A_396 = tpu.memref_squeeze %dma_wait3A_395 : memref<1x1x5x40xi32, #tpu.memory_space<hbm>> -> memref<5x40xi32, #tpu.memory_space<hbm>>
      %dma_wait3A_397 = arith.constant 0 : i32
      %dma_wait3A_398 = arith.constant 0 : i32
      %dma_wait3A_399 = tpu.memref_slice %arg9[%dma_wait3A_388, %dma_wait3A_397, %dma_wait3A_398] : memref<2x5x40xi32, #tpu.memory_space<vmem>> -> memref<1x5x40xi32, #tpu.memory_space<vmem>>
      %dma_wait3A_400 = tpu.memref_squeeze %dma_wait3A_399 : memref<1x5x40xi32, #tpu.memory_space<vmem>> -> memref<5x40xi32, #tpu.memory_space<vmem>>
      %dma_wait3A_401 = arith.constant 0 : i32
      %dma_wait3A_402 = arith.constant 0 : i32
      %dma_wait3A_403 = tpu.memref_slice %arg3[%add3A, %dma_wait3A_387, %dma_wait3A_401, %dma_wait3A_402] : memref<32x50x5x40xi32, #tpu.memory_space<hbm>> -> memref<1x1x5x40xi32, #tpu.memory_space<hbm>>
      %dma_wait3A_404 = tpu.memref_squeeze %dma_wait3A_403 : memref<1x1x5x40xi32, #tpu.memory_space<hbm>> -> memref<5x40xi32, #tpu.memory_space<hbm>>
      tpu.wait_dma2 semaphore(%arg26 : memref<!tpu.dma_semaphore, #tpu.memory_space<semaphore_mem>>) src(%dma_wait3A_404 : memref<5x40xi32, #tpu.memory_space<hbm>>) dst(%dma_wait3A_400 : memref<5x40xi32, #tpu.memory_space<vmem>>)
      %dma_wait3A_405 = arith.constant 0 : i32
      %dma_wait3A_406 = arith.constant 1 : i32
      %dma_wait3A_407 = arith.constant 0 : i32
      %dma_wait3A_408 = arith.constant 0 : i32
      %dma_wait3A_409 = tpu.memref_slice %arg9[%dma_wait3A_406, %dma_wait3A_407, %dma_wait3A_408] : memref<2x5x40xi32, #tpu.memory_space<vmem>> -> memref<1x5x40xi32, #tpu.memory_space<vmem>>
      %dma_wait3A_410 = tpu.memref_squeeze %dma_wait3A_409 : memref<1x5x40xi32, #tpu.memory_space<vmem>> -> memref<5x40xi32, #tpu.memory_space<vmem>>
      %dma_wait3A_411 = arith.constant 0 : i32
      %dma_wait3A_412 = arith.constant 0 : i32
      %dma_wait3A_413 = tpu.memref_slice %arg4[%add3A, %dma_wait3A_405, %dma_wait3A_411, %dma_wait3A_412] : memref<32x50x5x40xi32, #tpu.memory_space<hbm>> -> memref<1x1x5x40xi32, #tpu.memory_space<hbm>>
      %dma_wait3A_414 = tpu.memref_squeeze %dma_wait3A_413 : memref<1x1x5x40xi32, #tpu.memory_space<hbm>> -> memref<5x40xi32, #tpu.memory_space<hbm>>
      %dma_wait3A_415 = arith.constant 0 : i32
      %dma_wait3A_416 = arith.constant 0 : i32
      %dma_wait3A_417 = tpu.memref_slice %arg9[%dma_wait3A_406, %dma_wait3A_415, %dma_wait3A_416] : memref<2x5x40xi32, #tpu.memory_space<vmem>> -> memref<1x5x40xi32, #tpu.memory_space<vmem>>
      %dma_wait3A_418 = tpu.memref_squeeze %dma_wait3A_417 : memref<1x5x40xi32, #tpu.memory_space<vmem>> -> memref<5x40xi32, #tpu.memory_space<vmem>>
      %dma_wait3A_419 = arith.constant 0 : i32
      %dma_wait3A_420 = arith.constant 0 : i32
      %dma_wait3A_421 = tpu.memref_slice %arg4[%add3A, %dma_wait3A_405, %dma_wait3A_419, %dma_wait3A_420] : memref<32x50x5x40xi32, #tpu.memory_space<hbm>> -> memref<1x1x5x40xi32, #tpu.memory_space<hbm>>
      %dma_wait3A_422 = tpu.memref_squeeze %dma_wait3A_421 : memref<1x1x5x40xi32, #tpu.memory_space<hbm>> -> memref<5x40xi32, #tpu.memory_space<hbm>>
      tpu.wait_dma2 semaphore(%arg26 : memref<!tpu.dma_semaphore, #tpu.memory_space<semaphore_mem>>) src(%dma_wait3A_422 : memref<5x40xi32, #tpu.memory_space<hbm>>) dst(%dma_wait3A_418 : memref<5x40xi32, #tpu.memory_space<vmem>>)
      %dma_wait3A_423 = arith.constant 1 : i32
      %dma_wait3A_424 = arith.constant 0 : i32
      %dma_wait3A_425 = arith.constant 0 : i32
      %dma_wait3A_426 = tpu.memref_slice %arg8[%dma_wait3A_423, %dma_wait3A_424, %dma_wait3A_425] : memref<2x5x40xi32, #tpu.memory_space<vmem>> -> memref<1x1x40xi32, #tpu.memory_space<vmem>>
      %dma_wait3A_427 = tpu.memref_squeeze %dma_wait3A_426 : memref<1x1x40xi32, #tpu.memory_space<vmem>> -> memref<40xi32, #tpu.memory_space<vmem>>
      %dma_wait3A_428 = arith.constant 0 : i32
      %dma_wait3A_429 = arith.constant 0 : i32
      %dma_wait3A_430 = tpu.memref_slice %arg7[%dma_wait3A_428, %dma_wait3A_429] : memref<10240x128xf32, #tpu.memory_space<vmem_shared>> -> memref<10240x128xf32, #tpu.memory_space<vmem_shared>>
      tpu.wait_indirect_dma semaphore(%arg20 : memref<!tpu.dma_semaphore, #tpu.memory_space<semaphore_mem>>) src(%arg10 : memref<40x128xf32, #tpu.memory_space<vmem>>) dst(%dma_wait3A_430 : memref<10240x128xf32, #tpu.memory_space<vmem_shared>>)
      %dma_start3A_431 = arith.constant 0 : i32
      %dma_start3A_432 = arith.constant 0 : i32
      %dma_start3A_433 = arith.constant 0 : i32
      %dma_start3A_434 = tpu.memref_slice %arg9[%dma_start3A_431, %dma_start3A_432, %dma_start3A_433] : memref<2x5x40xi32, #tpu.memory_space<vmem>> -> memref<1x1x40xi32, #tpu.memory_space<vmem>>
      %dma_start3A_435 = tpu.memref_squeeze %dma_start3A_434 : memref<1x1x40xi32, #tpu.memory_space<vmem>> -> memref<40xi32, #tpu.memory_space<vmem>>
      %dma_start3A_436 = arith.constant 0 : i32
      %dma_start3A_437 = arith.constant 0 : i32
      %dma_start3A_438 = tpu.memref_slice %arg2[%dma_start3A_436, %dma_start3A_437] : memref<10240x128xf32, #tpu.memory_space<hbm>> -> memref<10240x128xf32, #tpu.memory_space<hbm>>
      tpu.enqueue_indirect_dma source(%dma_start3A_438 : memref<10240x128xf32, #tpu.memory_space<hbm>>) target(%arg10 : memref<40x128xf32, #tpu.memory_space<vmem>>) offsets(%dma_start3A_435 : memref<40xi32, #tpu.memory_space<vmem>>) semaphore(%arg15 : memref<!tpu.dma_semaphore, #tpu.memory_space<semaphore_mem>>)
      %dma_wait3A_439 = arith.constant 1 : i32
      %dma_wait3A_440 = arith.constant 0 : i32
      %dma_wait3A_441 = arith.constant 0 : i32
      %dma_wait3A_442 = tpu.memref_slice %arg8[%dma_wait3A_439, %dma_wait3A_440, %dma_wait3A_441] : memref<2x5x40xi32, #tpu.memory_space<vmem>> -> memref<1x1x40xi32, #tpu.memory_space<vmem>>
      %dma_wait3A_443 = tpu.memref_squeeze %dma_wait3A_442 : memref<1x1x40xi32, #tpu.memory_space<vmem>> -> memref<40xi32, #tpu.memory_space<vmem>>
      %dma_wait3A_444 = arith.constant 0 : i32
      %dma_wait3A_445 = arith.constant 0 : i32
      %dma_wait3A_446 = tpu.memref_slice %arg7[%dma_wait3A_444, %dma_wait3A_445] : memref<10240x128xf32, #tpu.memory_space<vmem_shared>> -> memref<10240x128xf32, #tpu.memory_space<vmem_shared>>
      tpu.wait_indirect_dma semaphore(%arg21 : memref<!tpu.dma_semaphore, #tpu.memory_space<semaphore_mem>>) src(%arg11 : memref<40x128xf32, #tpu.memory_space<vmem>>) dst(%dma_wait3A_446 : memref<10240x128xf32, #tpu.memory_space<vmem_shared>>)
      %dma_start3A_447 = arith.constant 0 : i32
      %dma_start3A_448 = arith.constant 1 : i32
      %dma_start3A_449 = arith.constant 0 : i32
      %dma_start3A_450 = tpu.memref_slice %arg9[%dma_start3A_447, %dma_start3A_448, %dma_start3A_449] : memref<2x5x40xi32, #tpu.memory_space<vmem>> -> memref<1x1x40xi32, #tpu.memory_space<vmem>>
      %dma_start3A_451 = tpu.memref_squeeze %dma_start3A_450 : memref<1x1x40xi32, #tpu.memory_space<vmem>> -> memref<40xi32, #tpu.memory_space<vmem>>
      %dma_start3A_452 = arith.constant 0 : i32
      %dma_start3A_453 = arith.constant 0 : i32
      %dma_start3A_454 = tpu.memref_slice %arg2[%dma_start3A_452, %dma_start3A_453] : memref<10240x128xf32, #tpu.memory_space<hbm>> -> memref<10240x128xf32, #tpu.memory_space<hbm>>
      tpu.enqueue_indirect_dma source(%dma_start3A_454 : memref<10240x128xf32, #tpu.memory_space<hbm>>) target(%arg11 : memref<40x128xf32, #tpu.memory_space<vmem>>) offsets(%dma_start3A_451 : memref<40xi32, #tpu.memory_space<vmem>>) semaphore(%arg16 : memref<!tpu.dma_semaphore, #tpu.memory_space<semaphore_mem>>)
      %dma_wait3A_455 = arith.constant 1 : i32
      %dma_wait3A_456 = arith.constant 0 : i32
      %dma_wait3A_457 = arith.constant 0 : i32
      %dma_wait3A_458 = tpu.memref_slice %arg8[%dma_wait3A_455, %dma_wait3A_456, %dma_wait3A_457] : memref<2x5x40xi32, #tpu.memory_space<vmem>> -> memref<1x1x40xi32, #tpu.memory_space<vmem>>
      %dma_wait3A_459 = tpu.memref_squeeze %dma_wait3A_458 : memref<1x1x40xi32, #tpu.memory_space<vmem>> -> memref<40xi32, #tpu.memory_space<vmem>>
      %dma_wait3A_460 = arith.constant 0 : i32
      %dma_wait3A_461 = arith.constant 0 : i32
      %dma_wait3A_462 = tpu.memref_slice %arg7[%dma_wait3A_460, %dma_wait3A_461] : memref<10240x128xf32, #tpu.memory_space<vmem_shared>> -> memref<10240x128xf32, #tpu.memory_space<vmem_shared>>
      tpu.wait_indirect_dma semaphore(%arg22 : memref<!tpu.dma_semaphore, #tpu.memory_space<semaphore_mem>>) src(%arg12 : memref<40x128xf32, #tpu.memory_space<vmem>>) dst(%dma_wait3A_462 : memref<10240x128xf32, #tpu.memory_space<vmem_shared>>)
      %dma_start3A_463 = arith.constant 0 : i32
      %dma_start3A_464 = arith.constant 2 : i32
      %dma_start3A_465 = arith.constant 0 : i32
      %dma_start3A_466 = tpu.memref_slice %arg9[%dma_start3A_463, %dma_start3A_464, %dma_start3A_465] : memref<2x5x40xi32, #tpu.memory_space<vmem>> -> memref<1x1x40xi32, #tpu.memory_space<vmem>>
      %dma_start3A_467 = tpu.memref_squeeze %dma_start3A_466 : memref<1x1x40xi32, #tpu.memory_space<vmem>> -> memref<40xi32, #tpu.memory_space<vmem>>
      %dma_start3A_468 = arith.constant 0 : i32
      %dma_start3A_469 = arith.constant 0 : i32
      %dma_start3A_470 = tpu.memref_slice %arg2[%dma_start3A_468, %dma_start3A_469] : memref<10240x128xf32, #tpu.memory_space<hbm>> -> memref<10240x128xf32, #tpu.memory_space<hbm>>
      tpu.enqueue_indirect_dma source(%dma_start3A_470 : memref<10240x128xf32, #tpu.memory_space<hbm>>) target(%arg12 : memref<40x128xf32, #tpu.memory_space<vmem>>) offsets(%dma_start3A_467 : memref<40xi32, #tpu.memory_space<vmem>>) semaphore(%arg17 : memref<!tpu.dma_semaphore, #tpu.memory_space<semaphore_mem>>)
      %dma_wait3A_471 = arith.constant 1 : i32
      %dma_wait3A_472 = arith.constant 0 : i32
      %dma_wait3A_473 = arith.constant 0 : i32
      %dma_wait3A_474 = tpu.memref_slice %arg8[%dma_wait3A_471, %dma_wait3A_472, %dma_wait3A_473] : memref<2x5x40xi32, #tpu.memory_space<vmem>> -> memref<1x1x40xi32, #tpu.memory_space<vmem>>
      %dma_wait3A_475 = tpu.memref_squeeze %dma_wait3A_474 : memref<1x1x40xi32, #tpu.memory_space<vmem>> -> memref<40xi32, #tpu.memory_space<vmem>>
      %dma_wait3A_476 = arith.constant 0 : i32
      %dma_wait3A_477 = arith.constant 0 : i32
      %dma_wait3A_478 = tpu.memref_slice %arg7[%dma_wait3A_476, %dma_wait3A_477] : memref<10240x128xf32, #tpu.memory_space<vmem_shared>> -> memref<10240x128xf32, #tpu.memory_space<vmem_shared>>
      tpu.wait_indirect_dma semaphore(%arg23 : memref<!tpu.dma_semaphore, #tpu.memory_space<semaphore_mem>>) src(%arg13 : memref<40x128xf32, #tpu.memory_space<vmem>>) dst(%dma_wait3A_478 : memref<10240x128xf32, #tpu.memory_space<vmem_shared>>)
      %dma_start3A_479 = arith.constant 0 : i32
      %dma_start3A_480 = arith.constant 3 : i32
      %dma_start3A_481 = arith.constant 0 : i32
      %dma_start3A_482 = tpu.memref_slice %arg9[%dma_start3A_479, %dma_start3A_480, %dma_start3A_481] : memref<2x5x40xi32, #tpu.memory_space<vmem>> -> memref<1x1x40xi32, #tpu.memory_space<vmem>>
      %dma_start3A_483 = tpu.memref_squeeze %dma_start3A_482 : memref<1x1x40xi32, #tpu.memory_space<vmem>> -> memref<40xi32, #tpu.memory_space<vmem>>
      %dma_start3A_484 = arith.constant 0 : i32
      %dma_start3A_485 = arith.constant 0 : i32
      %dma_start3A_486 = tpu.memref_slice %arg2[%dma_start3A_484, %dma_start3A_485] : memref<10240x128xf32, #tpu.memory_space<hbm>> -> memref<10240x128xf32, #tpu.memory_space<hbm>>
      tpu.enqueue_indirect_dma source(%dma_start3A_486 : memref<10240x128xf32, #tpu.memory_space<hbm>>) target(%arg13 : memref<40x128xf32, #tpu.memory_space<vmem>>) offsets(%dma_start3A_483 : memref<40xi32, #tpu.memory_space<vmem>>) semaphore(%arg18 : memref<!tpu.dma_semaphore, #tpu.memory_space<semaphore_mem>>)
      %dma_wait3A_487 = arith.constant 1 : i32
      %dma_wait3A_488 = arith.constant 0 : i32
      %dma_wait3A_489 = arith.constant 0 : i32
      %dma_wait3A_490 = tpu.memref_slice %arg8[%dma_wait3A_487, %dma_wait3A_488, %dma_wait3A_489] : memref<2x5x40xi32, #tpu.memory_space<vmem>> -> memref<1x1x40xi32, #tpu.memory_space<vmem>>
      %dma_wait3A_491 = tpu.memref_squeeze %dma_wait3A_490 : memref<1x1x40xi32, #tpu.memory_space<vmem>> -> memref<40xi32, #tpu.memory_space<vmem>>
      %dma_wait3A_492 = arith.constant 0 : i32
      %dma_wait3A_493 = arith.constant 0 : i32
      %dma_wait3A_494 = tpu.memref_slice %arg7[%dma_wait3A_492, %dma_wait3A_493] : memref<10240x128xf32, #tpu.memory_space<vmem_shared>> -> memref<10240x128xf32, #tpu.memory_space<vmem_shared>>
      tpu.wait_indirect_dma semaphore(%arg24 : memref<!tpu.dma_semaphore, #tpu.memory_space<semaphore_mem>>) src(%arg14 : memref<40x128xf32, #tpu.memory_space<vmem>>) dst(%dma_wait3A_494 : memref<10240x128xf32, #tpu.memory_space<vmem_shared>>)
      %dma_start3A_495 = arith.constant 0 : i32
      %dma_start3A_496 = arith.constant 4 : i32
      %dma_start3A_497 = arith.constant 0 : i32
      %dma_start3A_498 = tpu.memref_slice %arg9[%dma_start3A_495, %dma_start3A_496, %dma_start3A_497] : memref<2x5x40xi32, #tpu.memory_space<vmem>> -> memref<1x1x40xi32, #tpu.memory_space<vmem>>
      %dma_start3A_499 = tpu.memref_squeeze %dma_start3A_498 : memref<1x1x40xi32, #tpu.memory_space<vmem>> -> memref<40xi32, #tpu.memory_space<vmem>>
      %dma_start3A_500 = arith.constant 0 : i32
      %dma_start3A_501 = arith.constant 0 : i32
      %dma_start3A_502 = tpu.memref_slice %arg2[%dma_start3A_500, %dma_start3A_501] : memref<10240x128xf32, #tpu.memory_space<hbm>> -> memref<10240x128xf32, #tpu.memory_space<hbm>>
      tpu.enqueue_indirect_dma source(%dma_start3A_502 : memref<10240x128xf32, #tpu.memory_space<hbm>>) target(%arg14 : memref<40x128xf32, #tpu.memory_space<vmem>>) offsets(%dma_start3A_499 : memref<40xi32, #tpu.memory_space<vmem>>) semaphore(%arg19 : memref<!tpu.dma_semaphore, #tpu.memory_space<semaphore_mem>>)
      %add3A_503 = arith.constant 2 : i32
      %add3A_504 = arith.addi %add3A_306, %add3A_503 : i32
      %rem3A = arith.constant 50 : i32
      %rem3A_505 = arith.remsi %add3A_504, %rem3A : i32
      %dma_start3A_506 = arith.constant 0 : i32
      %dma_start3A_507 = arith.constant 0 : i32
      %dma_start3A_508 = arith.constant 0 : i32
      %dma_start3A_509 = tpu.memref_slice %arg8[%dma_start3A_506, %dma_start3A_507, %dma_start3A_508] : memref<2x5x40xi32, #tpu.memory_space<vmem>> -> memref<1x5x40xi32, #tpu.memory_space<vmem>>
      %dma_start3A_510 = tpu.memref_squeeze %dma_start3A_509 : memref<1x5x40xi32, #tpu.memory_space<vmem>> -> memref<5x40xi32, #tpu.memory_space<vmem>>
      %dma_start3A_511 = arith.constant 0 : i32
      %dma_start3A_512 = arith.constant 0 : i32
      %dma_start3A_513 = tpu.memref_slice %arg3[%add3A, %rem3A_505, %dma_start3A_511, %dma_start3A_512] : memref<32x50x5x40xi32, #tpu.memory_space<hbm>> -> memref<1x1x5x40xi32, #tpu.memory_space<hbm>>
      %dma_start3A_514 = tpu.memref_squeeze %dma_start3A_513 : memref<1x1x5x40xi32, #tpu.memory_space<hbm>> -> memref<5x40xi32, #tpu.memory_space<hbm>>
      %dma_start3A_515 = arith.constant 0 : i32
      %dma_start3A_516 = arith.constant 0 : i32
      %dma_start3A_517 = tpu.memref_slice %arg8[%dma_start3A_506, %dma_start3A_515, %dma_start3A_516] : memref<2x5x40xi32, #tpu.memory_space<vmem>> -> memref<1x5x40xi32, #tpu.memory_space<vmem>>
      %dma_start3A_518 = tpu.memref_squeeze %dma_start3A_517 : memref<1x5x40xi32, #tpu.memory_space<vmem>> -> memref<5x40xi32, #tpu.memory_space<vmem>>
      %dma_start3A_519 = arith.constant 0 : i32
      %dma_start3A_520 = arith.constant 0 : i32
      %dma_start3A_521 = tpu.memref_slice %arg3[%add3A, %rem3A_505, %dma_start3A_519, %dma_start3A_520] : memref<32x50x5x40xi32, #tpu.memory_space<hbm>> -> memref<1x1x5x40xi32, #tpu.memory_space<hbm>>
      %dma_start3A_522 = tpu.memref_squeeze %dma_start3A_521 : memref<1x1x5x40xi32, #tpu.memory_space<hbm>> -> memref<5x40xi32, #tpu.memory_space<hbm>>
      tpu.enqueue_dma source(%dma_start3A_522 : memref<5x40xi32, #tpu.memory_space<hbm>>) target(%dma_start3A_518 : memref<5x40xi32, #tpu.memory_space<vmem>>) target_semaphore(%arg25 : memref<!tpu.dma_semaphore, #tpu.memory_space<semaphore_mem>>)
      %dma_start3A_523 = arith.constant 1 : i32
      %dma_start3A_524 = arith.constant 0 : i32
      %dma_start3A_525 = arith.constant 0 : i32
      %dma_start3A_526 = tpu.memref_slice %arg8[%dma_start3A_523, %dma_start3A_524, %dma_start3A_525] : memref<2x5x40xi32, #tpu.memory_space<vmem>> -> memref<1x5x40xi32, #tpu.memory_space<vmem>>
      %dma_start3A_527 = tpu.memref_squeeze %dma_start3A_526 : memref<1x5x40xi32, #tpu.memory_space<vmem>> -> memref<5x40xi32, #tpu.memory_space<vmem>>
      %dma_start3A_528 = arith.constant 0 : i32
      %dma_start3A_529 = arith.constant 0 : i32
      %dma_start3A_530 = tpu.memref_slice %arg4[%add3A, %rem3A_505, %dma_start3A_528, %dma_start3A_529] : memref<32x50x5x40xi32, #tpu.memory_space<hbm>> -> memref<1x1x5x40xi32, #tpu.memory_space<hbm>>
      %dma_start3A_531 = tpu.memref_squeeze %dma_start3A_530 : memref<1x1x5x40xi32, #tpu.memory_space<hbm>> -> memref<5x40xi32, #tpu.memory_space<hbm>>
      %dma_start3A_532 = arith.constant 0 : i32
      %dma_start3A_533 = arith.constant 0 : i32
      %dma_start3A_534 = tpu.memref_slice %arg8[%dma_start3A_523, %dma_start3A_532, %dma_start3A_533] : memref<2x5x40xi32, #tpu.memory_space<vmem>> -> memref<1x5x40xi32, #tpu.memory_space<vmem>>
      %dma_start3A_535 = tpu.memref_squeeze %dma_start3A_534 : memref<1x5x40xi32, #tpu.memory_space<vmem>> -> memref<5x40xi32, #tpu.memory_space<vmem>>
      %dma_start3A_536 = arith.constant 0 : i32
      %dma_start3A_537 = arith.constant 0 : i32
      %dma_start3A_538 = tpu.memref_slice %arg4[%add3A, %rem3A_505, %dma_start3A_536, %dma_start3A_537] : memref<32x50x5x40xi32, #tpu.memory_space<hbm>> -> memref<1x1x5x40xi32, #tpu.memory_space<hbm>>
      %dma_start3A_539 = tpu.memref_squeeze %dma_start3A_538 : memref<1x1x5x40xi32, #tpu.memory_space<hbm>> -> memref<5x40xi32, #tpu.memory_space<hbm>>
      tpu.enqueue_dma source(%dma_start3A_539 : memref<5x40xi32, #tpu.memory_space<hbm>>) target(%dma_start3A_535 : memref<5x40xi32, #tpu.memory_space<vmem>>) target_semaphore(%arg25 : memref<!tpu.dma_semaphore, #tpu.memory_space<semaphore_mem>>)
      %mul3A_540 = arith.constant 2 : i32
      %mul3A_541 = arith.muli %scan3A_301, %mul3A_540 : i32
      %add3A_542 = arith.constant 1 : i32
      %add3A_543 = arith.addi %mul3A_541, %add3A_542 : i32
      %dma_wait3A_544 = arith.constant 0 : i32
      %dma_wait3A_545 = arith.constant 0 : i32
      %dma_wait3A_546 = arith.constant 0 : i32
      %dma_wait3A_547 = tpu.memref_slice %arg8[%dma_wait3A_544, %dma_wait3A_545, %dma_wait3A_546] : memref<2x5x40xi32, #tpu.memory_space<vmem>> -> memref<1x1x40xi32, #tpu.memory_space<vmem>>
      %dma_wait3A_548 = tpu.memref_squeeze %dma_wait3A_547 : memref<1x1x40xi32, #tpu.memory_space<vmem>> -> memref<40xi32, #tpu.memory_space<vmem>>
      %dma_wait3A_549 = arith.constant 0 : i32
      %dma_wait3A_550 = arith.constant 0 : i32
      %dma_wait3A_551 = tpu.memref_slice %arg2[%dma_wait3A_549, %dma_wait3A_550] : memref<10240x128xf32, #tpu.memory_space<hbm>> -> memref<10240x128xf32, #tpu.memory_space<hbm>>
      tpu.wait_indirect_dma semaphore(%arg15 : memref<!tpu.dma_semaphore, #tpu.memory_space<semaphore_mem>>) src(%dma_wait3A_551 : memref<10240x128xf32, #tpu.memory_space<hbm>>) dst(%arg10 : memref<40x128xf32, #tpu.memory_space<vmem>>)
      %dma_start3A_552 = arith.constant 1 : i32
      %dma_start3A_553 = arith.constant 0 : i32
      %dma_start3A_554 = arith.constant 0 : i32
      %dma_start3A_555 = tpu.memref_slice %arg9[%dma_start3A_552, %dma_start3A_553, %dma_start3A_554] : memref<2x5x40xi32, #tpu.memory_space<vmem>> -> memref<1x1x40xi32, #tpu.memory_space<vmem>>
      %dma_start3A_556 = tpu.memref_squeeze %dma_start3A_555 : memref<1x1x40xi32, #tpu.memory_space<vmem>> -> memref<40xi32, #tpu.memory_space<vmem>>
      %dma_start3A_557 = arith.constant 0 : i32
      %dma_start3A_558 = arith.constant 0 : i32
      %dma_start3A_559 = tpu.memref_slice %arg7[%dma_start3A_557, %dma_start3A_558] : memref<10240x128xf32, #tpu.memory_space<vmem_shared>> -> memref<10240x128xf32, #tpu.memory_space<vmem_shared>>
      tpu.enqueue_indirect_dma source(%arg10 : memref<40x128xf32, #tpu.memory_space<vmem>>) target(%dma_start3A_559 : memref<10240x128xf32, #tpu.memory_space<vmem_shared>>) offsets(%dma_start3A_556 : memref<40xi32, #tpu.memory_space<vmem>>) semaphore(%arg20 : memref<!tpu.dma_semaphore, #tpu.memory_space<semaphore_mem>>) {add = true}
      %dma_wait3A_560 = arith.constant 0 : i32
      %dma_wait3A_561 = arith.constant 0 : i32
      %dma_wait3A_562 = arith.constant 0 : i32
      %dma_wait3A_563 = tpu.memref_slice %arg8[%dma_wait3A_560, %dma_wait3A_561, %dma_wait3A_562] : memref<2x5x40xi32, #tpu.memory_space<vmem>> -> memref<1x1x40xi32, #tpu.memory_space<vmem>>
      %dma_wait3A_564 = tpu.memref_squeeze %dma_wait3A_563 : memref<1x1x40xi32, #tpu.memory_space<vmem>> -> memref<40xi32, #tpu.memory_space<vmem>>
      %dma_wait3A_565 = arith.constant 0 : i32
      %dma_wait3A_566 = arith.constant 0 : i32
      %dma_wait3A_567 = tpu.memref_slice %arg2[%dma_wait3A_565, %dma_wait3A_566] : memref<10240x128xf32, #tpu.memory_space<hbm>> -> memref<10240x128xf32, #tpu.memory_space<hbm>>
      tpu.wait_indirect_dma semaphore(%arg16 : memref<!tpu.dma_semaphore, #tpu.memory_space<semaphore_mem>>) src(%dma_wait3A_567 : memref<10240x128xf32, #tpu.memory_space<hbm>>) dst(%arg11 : memref<40x128xf32, #tpu.memory_space<vmem>>)
      %dma_start3A_568 = arith.constant 1 : i32
      %dma_start3A_569 = arith.constant 1 : i32
      %dma_start3A_570 = arith.constant 0 : i32
      %dma_start3A_571 = tpu.memref_slice %arg9[%dma_start3A_568, %dma_start3A_569, %dma_start3A_570] : memref<2x5x40xi32, #tpu.memory_space<vmem>> -> memref<1x1x40xi32, #tpu.memory_space<vmem>>
      %dma_start3A_572 = tpu.memref_squeeze %dma_start3A_571 : memref<1x1x40xi32, #tpu.memory_space<vmem>> -> memref<40xi32, #tpu.memory_space<vmem>>
      %dma_start3A_573 = arith.constant 0 : i32
      %dma_start3A_574 = arith.constant 0 : i32
      %dma_start3A_575 = tpu.memref_slice %arg7[%dma_start3A_573, %dma_start3A_574] : memref<10240x128xf32, #tpu.memory_space<vmem_shared>> -> memref<10240x128xf32, #tpu.memory_space<vmem_shared>>
      tpu.enqueue_indirect_dma source(%arg11 : memref<40x128xf32, #tpu.memory_space<vmem>>) target(%dma_start3A_575 : memref<10240x128xf32, #tpu.memory_space<vmem_shared>>) offsets(%dma_start3A_572 : memref<40xi32, #tpu.memory_space<vmem>>) semaphore(%arg21 : memref<!tpu.dma_semaphore, #tpu.memory_space<semaphore_mem>>) {add = true}
      %dma_wait3A_576 = arith.constant 0 : i32
      %dma_wait3A_577 = arith.constant 0 : i32
      %dma_wait3A_578 = arith.constant 0 : i32
      %dma_wait3A_579 = tpu.memref_slice %arg8[%dma_wait3A_576, %dma_wait3A_577, %dma_wait3A_578] : memref<2x5x40xi32, #tpu.memory_space<vmem>> -> memref<1x1x40xi32, #tpu.memory_space<vmem>>
      %dma_wait3A_580 = tpu.memref_squeeze %dma_wait3A_579 : memref<1x1x40xi32, #tpu.memory_space<vmem>> -> memref<40xi32, #tpu.memory_space<vmem>>
      %dma_wait3A_581 = arith.constant 0 : i32
      %dma_wait3A_582 = arith.constant 0 : i32
      %dma_wait3A_583 = tpu.memref_slice %arg2[%dma_wait3A_581, %dma_wait3A_582] : memref<10240x128xf32, #tpu.memory_space<hbm>> -> memref<10240x128xf32, #tpu.memory_space<hbm>>
      tpu.wait_indirect_dma semaphore(%arg17 : memref<!tpu.dma_semaphore, #tpu.memory_space<semaphore_mem>>) src(%dma_wait3A_583 : memref<10240x128xf32, #tpu.memory_space<hbm>>) dst(%arg12 : memref<40x128xf32, #tpu.memory_space<vmem>>)
      %dma_start3A_584 = arith.constant 1 : i32
      %dma_start3A_585 = arith.constant 2 : i32
      %dma_start3A_586 = arith.constant 0 : i32
      %dma_start3A_587 = tpu.memref_slice %arg9[%dma_start3A_584, %dma_start3A_585, %dma_start3A_586] : memref<2x5x40xi32, #tpu.memory_space<vmem>> -> memref<1x1x40xi32, #tpu.memory_space<vmem>>
      %dma_start3A_588 = tpu.memref_squeeze %dma_start3A_587 : memref<1x1x40xi32, #tpu.memory_space<vmem>> -> memref<40xi32, #tpu.memory_space<vmem>>
      %dma_start3A_589 = arith.constant 0 : i32
      %dma_start3A_590 = arith.constant 0 : i32
      %dma_start3A_591 = tpu.memref_slice %arg7[%dma_start3A_589, %dma_start3A_590] : memref<10240x128xf32, #tpu.memory_space<vmem_shared>> -> memref<10240x128xf32, #tpu.memory_space<vmem_shared>>
      tpu.enqueue_indirect_dma source(%arg12 : memref<40x128xf32, #tpu.memory_space<vmem>>) target(%dma_start3A_591 : memref<10240x128xf32, #tpu.memory_space<vmem_shared>>) offsets(%dma_start3A_588 : memref<40xi32, #tpu.memory_space<vmem>>) semaphore(%arg22 : memref<!tpu.dma_semaphore, #tpu.memory_space<semaphore_mem>>) {add = true}
      %dma_wait3A_592 = arith.constant 0 : i32
      %dma_wait3A_593 = arith.constant 0 : i32
      %dma_wait3A_594 = arith.constant 0 : i32
      %dma_wait3A_595 = tpu.memref_slice %arg8[%dma_wait3A_592, %dma_wait3A_593, %dma_wait3A_594] : memref<2x5x40xi32, #tpu.memory_space<vmem>> -> memref<1x1x40xi32, #tpu.memory_space<vmem>>
      %dma_wait3A_596 = tpu.memref_squeeze %dma_wait3A_595 : memref<1x1x40xi32, #tpu.memory_space<vmem>> -> memref<40xi32, #tpu.memory_space<vmem>>
      %dma_wait3A_597 = arith.constant 0 : i32
      %dma_wait3A_598 = arith.constant 0 : i32
      %dma_wait3A_599 = tpu.memref_slice %arg2[%dma_wait3A_597, %dma_wait3A_598] : memref<10240x128xf32, #tpu.memory_space<hbm>> -> memref<10240x128xf32, #tpu.memory_space<hbm>>
      tpu.wait_indirect_dma semaphore(%arg18 : memref<!tpu.dma_semaphore, #tpu.memory_space<semaphore_mem>>) src(%dma_wait3A_599 : memref<10240x128xf32, #tpu.memory_space<hbm>>) dst(%arg13 : memref<40x128xf32, #tpu.memory_space<vmem>>)
      %dma_start3A_600 = arith.constant 1 : i32
      %dma_start3A_601 = arith.constant 3 : i32
      %dma_start3A_602 = arith.constant 0 : i32
      %dma_start3A_603 = tpu.memref_slice %arg9[%dma_start3A_600, %dma_start3A_601, %dma_start3A_602] : memref<2x5x40xi32, #tpu.memory_space<vmem>> -> memref<1x1x40xi32, #tpu.memory_space<vmem>>
      %dma_start3A_604 = tpu.memref_squeeze %dma_start3A_603 : memref<1x1x40xi32, #tpu.memory_space<vmem>> -> memref<40xi32, #tpu.memory_space<vmem>>
      %dma_start3A_605 = arith.constant 0 : i32
      %dma_start3A_606 = arith.constant 0 : i32
      %dma_start3A_607 = tpu.memref_slice %arg7[%dma_start3A_605, %dma_start3A_606] : memref<10240x128xf32, #tpu.memory_space<vmem_shared>> -> memref<10240x128xf32, #tpu.memory_space<vmem_shared>>
      tpu.enqueue_indirect_dma source(%arg13 : memref<40x128xf32, #tpu.memory_space<vmem>>) target(%dma_start3A_607 : memref<10240x128xf32, #tpu.memory_space<vmem_shared>>) offsets(%dma_start3A_604 : memref<40xi32, #tpu.memory_space<vmem>>) semaphore(%arg23 : memref<!tpu.dma_semaphore, #tpu.memory_space<semaphore_mem>>) {add = true}
      %dma_wait3A_608 = arith.constant 0 : i32
      %dma_wait3A_609 = arith.constant 0 : i32
      %dma_wait3A_610 = arith.constant 0 : i32
      %dma_wait3A_611 = tpu.memref_slice %arg8[%dma_wait3A_608, %dma_wait3A_609, %dma_wait3A_610] : memref<2x5x40xi32, #tpu.memory_space<vmem>> -> memref<1x1x40xi32, #tpu.memory_space<vmem>>
      %dma_wait3A_612 = tpu.memref_squeeze %dma_wait3A_611 : memref<1x1x40xi32, #tpu.memory_space<vmem>> -> memref<40xi32, #tpu.memory_space<vmem>>
      %dma_wait3A_613 = arith.constant 0 : i32
      %dma_wait3A_614 = arith.constant 0 : i32
      %dma_wait3A_615 = tpu.memref_slice %arg2[%dma_wait3A_613, %dma_wait3A_614] : memref<10240x128xf32, #tpu.memory_space<hbm>> -> memref<10240x128xf32, #tpu.memory_space<hbm>>
      tpu.wait_indirect_dma semaphore(%arg19 : memref<!tpu.dma_semaphore, #tpu.memory_space<semaphore_mem>>) src(%dma_wait3A_615 : memref<10240x128xf32, #tpu.memory_space<hbm>>) dst(%arg14 : memref<40x128xf32, #tpu.memory_space<vmem>>)
      %dma_start3A_616 = arith.constant 1 : i32
      %dma_start3A_617 = arith.constant 4 : i32
      %dma_start3A_618 = arith.constant 0 : i32
      %dma_start3A_619 = tpu.memref_slice %arg9[%dma_start3A_616, %dma_start3A_617, %dma_start3A_618] : memref<2x5x40xi32, #tpu.memory_space<vmem>> -> memref<1x1x40xi32, #tpu.memory_space<vmem>>
      %dma_start3A_620 = tpu.memref_squeeze %dma_start3A_619 : memref<1x1x40xi32, #tpu.memory_space<vmem>> -> memref<40xi32, #tpu.memory_space<vmem>>
      %dma_start3A_621 = arith.constant 0 : i32
      %dma_start3A_622 = arith.constant 0 : i32
      %dma_start3A_623 = tpu.memref_slice %arg7[%dma_start3A_621, %dma_start3A_622] : memref<10240x128xf32, #tpu.memory_space<vmem_shared>> -> memref<10240x128xf32, #tpu.memory_space<vmem_shared>>
      tpu.enqueue_indirect_dma source(%arg14 : memref<40x128xf32, #tpu.memory_space<vmem>>) target(%dma_start3A_623 : memref<10240x128xf32, #tpu.memory_space<vmem_shared>>) offsets(%dma_start3A_620 : memref<40xi32, #tpu.memory_space<vmem>>) semaphore(%arg24 : memref<!tpu.dma_semaphore, #tpu.memory_space<semaphore_mem>>) {add = true}
      %dma_wait3A_624 = arith.constant 0 : i32
      %dma_wait3A_625 = arith.constant 0 : i32
      %dma_wait3A_626 = arith.constant 0 : i32
      %dma_wait3A_627 = arith.constant 0 : i32
      %dma_wait3A_628 = tpu.memref_slice %arg8[%dma_wait3A_625, %dma_wait3A_626, %dma_wait3A_627] : memref<2x5x40xi32, #tpu.memory_space<vmem>> -> memref<1x5x40xi32, #tpu.memory_space<vmem>>
      %dma_wait3A_629 = tpu.memref_squeeze %dma_wait3A_628 : memref<1x5x40xi32, #tpu.memory_space<vmem>> -> memref<5x40xi32, #tpu.memory_space<vmem>>
      %dma_wait3A_630 = arith.constant 0 : i32
      %dma_wait3A_631 = arith.constant 0 : i32
      %dma_wait3A_632 = tpu.memref_slice %arg3[%add3A, %dma_wait3A_624, %dma_wait3A_630, %dma_wait3A_631] : memref<32x50x5x40xi32, #tpu.memory_space<hbm>> -> memref<1x1x5x40xi32, #tpu.memory_space<hbm>>
      %dma_wait3A_633 = tpu.memref_squeeze %dma_wait3A_632 : memref<1x1x5x40xi32, #tpu.memory_space<hbm>> -> memref<5x40xi32, #tpu.memory_space<hbm>>
      %dma_wait3A_634 = arith.constant 0 : i32
      %dma_wait3A_635 = arith.constant 0 : i32
      %dma_wait3A_636 = tpu.memref_slice %arg8[%dma_wait3A_625, %dma_wait3A_634, %dma_wait3A_635] : memref<2x5x40xi32, #tpu.memory_space<vmem>> -> memref<1x5x40xi32, #tpu.memory_space<vmem>>
      %dma_wait3A_637 = tpu.memref_squeeze %dma_wait3A_636 : memref<1x5x40xi32, #tpu.memory_space<vmem>> -> memref<5x40xi32, #tpu.memory_space<vmem>>
      %dma_wait3A_638 = arith.constant 0 : i32
      %dma_wait3A_639 = arith.constant 0 : i32
      %dma_wait3A_640 = tpu.memref_slice %arg3[%add3A, %dma_wait3A_624, %dma_wait3A_638, %dma_wait3A_639] : memref<32x50x5x40xi32, #tpu.memory_space<hbm>> -> memref<1x1x5x40xi32, #tpu.memory_space<hbm>>
      %dma_wait3A_641 = tpu.memref_squeeze %dma_wait3A_640 : memref<1x1x5x40xi32, #tpu.memory_space<hbm>> -> memref<5x40xi32, #tpu.memory_space<hbm>>
      tpu.wait_dma2 semaphore(%arg25 : memref<!tpu.dma_semaphore, #tpu.memory_space<semaphore_mem>>) src(%dma_wait3A_641 : memref<5x40xi32, #tpu.memory_space<hbm>>) dst(%dma_wait3A_637 : memref<5x40xi32, #tpu.memory_space<vmem>>)
      %dma_wait3A_642 = arith.constant 0 : i32
      %dma_wait3A_643 = arith.constant 1 : i32
      %dma_wait3A_644 = arith.constant 0 : i32
      %dma_wait3A_645 = arith.constant 0 : i32
      %dma_wait3A_646 = tpu.memref_slice %arg8[%dma_wait3A_643, %dma_wait3A_644, %dma_wait3A_645] : memref<2x5x40xi32, #tpu.memory_space<vmem>> -> memref<1x5x40xi32, #tpu.memory_space<vmem>>
      %dma_wait3A_647 = tpu.memref_squeeze %dma_wait3A_646 : memref<1x5x40xi32, #tpu.memory_space<vmem>> -> memref<5x40xi32, #tpu.memory_space<vmem>>
      %dma_wait3A_648 = arith.constant 0 : i32
      %dma_wait3A_649 = arith.constant 0 : i32
      %dma_wait3A_650 = tpu.memref_slice %arg4[%add3A, %dma_wait3A_642, %dma_wait3A_648, %dma_wait3A_649] : memref<32x50x5x40xi32, #tpu.memory_space<hbm>> -> memref<1x1x5x40xi32, #tpu.memory_space<hbm>>
      %dma_wait3A_651 = tpu.memref_squeeze %dma_wait3A_650 : memref<1x1x5x40xi32, #tpu.memory_space<hbm>> -> memref<5x40xi32, #tpu.memory_space<hbm>>
      %dma_wait3A_652 = arith.constant 0 : i32
      %dma_wait3A_653 = arith.constant 0 : i32
      %dma_wait3A_654 = tpu.memref_slice %arg8[%dma_wait3A_643, %dma_wait3A_652, %dma_wait3A_653] : memref<2x5x40xi32, #tpu.memory_space<vmem>> -> memref<1x5x40xi32, #tpu.memory_space<vmem>>
      %dma_wait3A_655 = tpu.memref_squeeze %dma_wait3A_654 : memref<1x5x40xi32, #tpu.memory_space<vmem>> -> memref<5x40xi32, #tpu.memory_space<vmem>>
      %dma_wait3A_656 = arith.constant 0 : i32
      %dma_wait3A_657 = arith.constant 0 : i32
      %dma_wait3A_658 = tpu.memref_slice %arg4[%add3A, %dma_wait3A_642, %dma_wait3A_656, %dma_wait3A_657] : memref<32x50x5x40xi32, #tpu.memory_space<hbm>> -> memref<1x1x5x40xi32, #tpu.memory_space<hbm>>
      %dma_wait3A_659 = tpu.memref_squeeze %dma_wait3A_658 : memref<1x1x5x40xi32, #tpu.memory_space<hbm>> -> memref<5x40xi32, #tpu.memory_space<hbm>>
      tpu.wait_dma2 semaphore(%arg25 : memref<!tpu.dma_semaphore, #tpu.memory_space<semaphore_mem>>) src(%dma_wait3A_659 : memref<5x40xi32, #tpu.memory_space<hbm>>) dst(%dma_wait3A_655 : memref<5x40xi32, #tpu.memory_space<vmem>>)
      %dma_wait3A_660 = arith.constant 1 : i32
      %dma_wait3A_661 = arith.constant 0 : i32
      %dma_wait3A_662 = arith.constant 0 : i32
      %dma_wait3A_663 = tpu.memref_slice %arg8[%dma_wait3A_660, %dma_wait3A_661, %dma_wait3A_662] : memref<2x5x40xi32, #tpu.memory_space<vmem>> -> memref<1x1x40xi32, #tpu.memory_space<vmem>>
      %dma_wait3A_664 = tpu.memref_squeeze %dma_wait3A_663 : memref<1x1x40xi32, #tpu.memory_space<vmem>> -> memref<40xi32, #tpu.memory_space<vmem>>
      %dma_wait3A_665 = arith.constant 0 : i32
      %dma_wait3A_666 = arith.constant 0 : i32
      %dma_wait3A_667 = tpu.memref_slice %arg7[%dma_wait3A_665, %dma_wait3A_666] : memref<10240x128xf32, #tpu.memory_space<vmem_shared>> -> memref<10240x128xf32, #tpu.memory_space<vmem_shared>>
      tpu.wait_indirect_dma semaphore(%arg20 : memref<!tpu.dma_semaphore, #tpu.memory_space<semaphore_mem>>) src(%arg10 : memref<40x128xf32, #tpu.memory_space<vmem>>) dst(%dma_wait3A_667 : memref<10240x128xf32, #tpu.memory_space<vmem_shared>>)
      %dma_start3A_668 = arith.constant 0 : i32
      %dma_start3A_669 = arith.constant 0 : i32
      %dma_start3A_670 = arith.constant 0 : i32
      %dma_start3A_671 = tpu.memref_slice %arg8[%dma_start3A_668, %dma_start3A_669, %dma_start3A_670] : memref<2x5x40xi32, #tpu.memory_space<vmem>> -> memref<1x1x40xi32, #tpu.memory_space<vmem>>
      %dma_start3A_672 = tpu.memref_squeeze %dma_start3A_671 : memref<1x1x40xi32, #tpu.memory_space<vmem>> -> memref<40xi32, #tpu.memory_space<vmem>>
      %dma_start3A_673 = arith.constant 0 : i32
      %dma_start3A_674 = arith.constant 0 : i32
      %dma_start3A_675 = tpu.memref_slice %arg2[%dma_start3A_673, %dma_start3A_674] : memref<10240x128xf32, #tpu.memory_space<hbm>> -> memref<10240x128xf32, #tpu.memory_space<hbm>>
      tpu.enqueue_indirect_dma source(%dma_start3A_675 : memref<10240x128xf32, #tpu.memory_space<hbm>>) target(%arg10 : memref<40x128xf32, #tpu.memory_space<vmem>>) offsets(%dma_start3A_672 : memref<40xi32, #tpu.memory_space<vmem>>) semaphore(%arg15 : memref<!tpu.dma_semaphore, #tpu.memory_space<semaphore_mem>>)
      %dma_wait3A_676 = arith.constant 1 : i32
      %dma_wait3A_677 = arith.constant 0 : i32
      %dma_wait3A_678 = arith.constant 0 : i32
      %dma_wait3A_679 = tpu.memref_slice %arg8[%dma_wait3A_676, %dma_wait3A_677, %dma_wait3A_678] : memref<2x5x40xi32, #tpu.memory_space<vmem>> -> memref<1x1x40xi32, #tpu.memory_space<vmem>>
      %dma_wait3A_680 = tpu.memref_squeeze %dma_wait3A_679 : memref<1x1x40xi32, #tpu.memory_space<vmem>> -> memref<40xi32, #tpu.memory_space<vmem>>
      %dma_wait3A_681 = arith.constant 0 : i32
      %dma_wait3A_682 = arith.constant 0 : i32
      %dma_wait3A_683 = tpu.memref_slice %arg7[%dma_wait3A_681, %dma_wait3A_682] : memref<10240x128xf32, #tpu.memory_space<vmem_shared>> -> memref<10240x128xf32, #tpu.memory_space<vmem_shared>>
      tpu.wait_indirect_dma semaphore(%arg21 : memref<!tpu.dma_semaphore, #tpu.memory_space<semaphore_mem>>) src(%arg11 : memref<40x128xf32, #tpu.memory_space<vmem>>) dst(%dma_wait3A_683 : memref<10240x128xf32, #tpu.memory_space<vmem_shared>>)
      %dma_start3A_684 = arith.constant 0 : i32
      %dma_start3A_685 = arith.constant 1 : i32
      %dma_start3A_686 = arith.constant 0 : i32
      %dma_start3A_687 = tpu.memref_slice %arg8[%dma_start3A_684, %dma_start3A_685, %dma_start3A_686] : memref<2x5x40xi32, #tpu.memory_space<vmem>> -> memref<1x1x40xi32, #tpu.memory_space<vmem>>
      %dma_start3A_688 = tpu.memref_squeeze %dma_start3A_687 : memref<1x1x40xi32, #tpu.memory_space<vmem>> -> memref<40xi32, #tpu.memory_space<vmem>>
      %dma_start3A_689 = arith.constant 0 : i32
      %dma_start3A_690 = arith.constant 0 : i32
      %dma_start3A_691 = tpu.memref_slice %arg2[%dma_start3A_689, %dma_start3A_690] : memref<10240x128xf32, #tpu.memory_space<hbm>> -> memref<10240x128xf32, #tpu.memory_space<hbm>>
      tpu.enqueue_indirect_dma source(%dma_start3A_691 : memref<10240x128xf32, #tpu.memory_space<hbm>>) target(%arg11 : memref<40x128xf32, #tpu.memory_space<vmem>>) offsets(%dma_start3A_688 : memref<40xi32, #tpu.memory_space<vmem>>) semaphore(%arg16 : memref<!tpu.dma_semaphore, #tpu.memory_space<semaphore_mem>>)
      %dma_wait3A_692 = arith.constant 1 : i32
      %dma_wait3A_693 = arith.constant 0 : i32
      %dma_wait3A_694 = arith.constant 0 : i32
      %dma_wait3A_695 = tpu.memref_slice %arg8[%dma_wait3A_692, %dma_wait3A_693, %dma_wait3A_694] : memref<2x5x40xi32, #tpu.memory_space<vmem>> -> memref<1x1x40xi32, #tpu.memory_space<vmem>>
      %dma_wait3A_696 = tpu.memref_squeeze %dma_wait3A_695 : memref<1x1x40xi32, #tpu.memory_space<vmem>> -> memref<40xi32, #tpu.memory_space<vmem>>
      %dma_wait3A_697 = arith.constant 0 : i32
      %dma_wait3A_698 = arith.constant 0 : i32
      %dma_wait3A_699 = tpu.memref_slice %arg7[%dma_wait3A_697, %dma_wait3A_698] : memref<10240x128xf32, #tpu.memory_space<vmem_shared>> -> memref<10240x128xf32, #tpu.memory_space<vmem_shared>>
      tpu.wait_indirect_dma semaphore(%arg22 : memref<!tpu.dma_semaphore, #tpu.memory_space<semaphore_mem>>) src(%arg12 : memref<40x128xf32, #tpu.memory_space<vmem>>) dst(%dma_wait3A_699 : memref<10240x128xf32, #tpu.memory_space<vmem_shared>>)
      %dma_start3A_700 = arith.constant 0 : i32
      %dma_start3A_701 = arith.constant 2 : i32
      %dma_start3A_702 = arith.constant 0 : i32
      %dma_start3A_703 = tpu.memref_slice %arg8[%dma_start3A_700, %dma_start3A_701, %dma_start3A_702] : memref<2x5x40xi32, #tpu.memory_space<vmem>> -> memref<1x1x40xi32, #tpu.memory_space<vmem>>
      %dma_start3A_704 = tpu.memref_squeeze %dma_start3A_703 : memref<1x1x40xi32, #tpu.memory_space<vmem>> -> memref<40xi32, #tpu.memory_space<vmem>>
      %dma_start3A_705 = arith.constant 0 : i32
      %dma_start3A_706 = arith.constant 0 : i32
      %dma_start3A_707 = tpu.memref_slice %arg2[%dma_start3A_705, %dma_start3A_706] : memref<10240x128xf32, #tpu.memory_space<hbm>> -> memref<10240x128xf32, #tpu.memory_space<hbm>>
      tpu.enqueue_indirect_dma source(%dma_start3A_707 : memref<10240x128xf32, #tpu.memory_space<hbm>>) target(%arg12 : memref<40x128xf32, #tpu.memory_space<vmem>>) offsets(%dma_start3A_704 : memref<40xi32, #tpu.memory_space<vmem>>) semaphore(%arg17 : memref<!tpu.dma_semaphore, #tpu.memory_space<semaphore_mem>>)
      %dma_wait3A_708 = arith.constant 1 : i32
      %dma_wait3A_709 = arith.constant 0 : i32
      %dma_wait3A_710 = arith.constant 0 : i32
      %dma_wait3A_711 = tpu.memref_slice %arg8[%dma_wait3A_708, %dma_wait3A_709, %dma_wait3A_710] : memref<2x5x40xi32, #tpu.memory_space<vmem>> -> memref<1x1x40xi32, #tpu.memory_space<vmem>>
      %dma_wait3A_712 = tpu.memref_squeeze %dma_wait3A_711 : memref<1x1x40xi32, #tpu.memory_space<vmem>> -> memref<40xi32, #tpu.memory_space<vmem>>
      %dma_wait3A_713 = arith.constant 0 : i32
      %dma_wait3A_714 = arith.constant 0 : i32
      %dma_wait3A_715 = tpu.memref_slice %arg7[%dma_wait3A_713, %dma_wait3A_714] : memref<10240x128xf32, #tpu.memory_space<vmem_shared>> -> memref<10240x128xf32, #tpu.memory_space<vmem_shared>>
      tpu.wait_indirect_dma semaphore(%arg23 : memref<!tpu.dma_semaphore, #tpu.memory_space<semaphore_mem>>) src(%arg13 : memref<40x128xf32, #tpu.memory_space<vmem>>) dst(%dma_wait3A_715 : memref<10240x128xf32, #tpu.memory_space<vmem_shared>>)
      %dma_start3A_716 = arith.constant 0 : i32
      %dma_start3A_717 = arith.constant 3 : i32
      %dma_start3A_718 = arith.constant 0 : i32
      %dma_start3A_719 = tpu.memref_slice %arg8[%dma_start3A_716, %dma_start3A_717, %dma_start3A_718] : memref<2x5x40xi32, #tpu.memory_space<vmem>> -> memref<1x1x40xi32, #tpu.memory_space<vmem>>
      %dma_start3A_720 = tpu.memref_squeeze %dma_start3A_719 : memref<1x1x40xi32, #tpu.memory_space<vmem>> -> memref<40xi32, #tpu.memory_space<vmem>>
      %dma_start3A_721 = arith.constant 0 : i32
      %dma_start3A_722 = arith.constant 0 : i32
      %dma_start3A_723 = tpu.memref_slice %arg2[%dma_start3A_721, %dma_start3A_722] : memref<10240x128xf32, #tpu.memory_space<hbm>> -> memref<10240x128xf32, #tpu.memory_space<hbm>>
      tpu.enqueue_indirect_dma source(%dma_start3A_723 : memref<10240x128xf32, #tpu.memory_space<hbm>>) target(%arg13 : memref<40x128xf32, #tpu.memory_space<vmem>>) offsets(%dma_start3A_720 : memref<40xi32, #tpu.memory_space<vmem>>) semaphore(%arg18 : memref<!tpu.dma_semaphore, #tpu.memory_space<semaphore_mem>>)
      %dma_wait3A_724 = arith.constant 1 : i32
      %dma_wait3A_725 = arith.constant 0 : i32
      %dma_wait3A_726 = arith.constant 0 : i32
      %dma_wait3A_727 = tpu.memref_slice %arg8[%dma_wait3A_724, %dma_wait3A_725, %dma_wait3A_726] : memref<2x5x40xi32, #tpu.memory_space<vmem>> -> memref<1x1x40xi32, #tpu.memory_space<vmem>>
      %dma_wait3A_728 = tpu.memref_squeeze %dma_wait3A_727 : memref<1x1x40xi32, #tpu.memory_space<vmem>> -> memref<40xi32, #tpu.memory_space<vmem>>
      %dma_wait3A_729 = arith.constant 0 : i32
      %dma_wait3A_730 = arith.constant 0 : i32
      %dma_wait3A_731 = tpu.memref_slice %arg7[%dma_wait3A_729, %dma_wait3A_730] : memref<10240x128xf32, #tpu.memory_space<vmem_shared>> -> memref<10240x128xf32, #tpu.memory_space<vmem_shared>>
      tpu.wait_indirect_dma semaphore(%arg24 : memref<!tpu.dma_semaphore, #tpu.memory_space<semaphore_mem>>) src(%arg14 : memref<40x128xf32, #tpu.memory_space<vmem>>) dst(%dma_wait3A_731 : memref<10240x128xf32, #tpu.memory_space<vmem_shared>>)
      %dma_start3A_732 = arith.constant 0 : i32
      %dma_start3A_733 = arith.constant 4 : i32
      %dma_start3A_734 = arith.constant 0 : i32
      %dma_start3A_735 = tpu.memref_slice %arg8[%dma_start3A_732, %dma_start3A_733, %dma_start3A_734] : memref<2x5x40xi32, #tpu.memory_space<vmem>> -> memref<1x1x40xi32, #tpu.memory_space<vmem>>
      %dma_start3A_736 = tpu.memref_squeeze %dma_start3A_735 : memref<1x1x40xi32, #tpu.memory_space<vmem>> -> memref<40xi32, #tpu.memory_space<vmem>>
      %dma_start3A_737 = arith.constant 0 : i32
      %dma_start3A_738 = arith.constant 0 : i32
      %dma_start3A_739 = tpu.memref_slice %arg2[%dma_start3A_737, %dma_start3A_738] : memref<10240x128xf32, #tpu.memory_space<hbm>> -> memref<10240x128xf32, #tpu.memory_space<hbm>>
      tpu.enqueue_indirect_dma source(%dma_start3A_739 : memref<10240x128xf32, #tpu.memory_space<hbm>>) target(%arg14 : memref<40x128xf32, #tpu.memory_space<vmem>>) offsets(%dma_start3A_736 : memref<40xi32, #tpu.memory_space<vmem>>) semaphore(%arg19 : memref<!tpu.dma_semaphore, #tpu.memory_space<semaphore_mem>>)
      %add3A_740 = arith.constant 2 : i32
      %add3A_741 = arith.addi %add3A_543, %add3A_740 : i32
      %rem3A_742 = arith.constant 50 : i32
      %rem3A_743 = arith.remsi %add3A_741, %rem3A_742 : i32
      %dma_start3A_744 = arith.constant 0 : i32
      %dma_start3A_745 = arith.constant 0 : i32
      %dma_start3A_746 = arith.constant 0 : i32
      %dma_start3A_747 = tpu.memref_slice %arg9[%dma_start3A_744, %dma_start3A_745, %dma_start3A_746] : memref<2x5x40xi32, #tpu.memory_space<vmem>> -> memref<1x5x40xi32, #tpu.memory_space<vmem>>
      %dma_start3A_748 = tpu.memref_squeeze %dma_start3A_747 : memref<1x5x40xi32, #tpu.memory_space<vmem>> -> memref<5x40xi32, #tpu.memory_space<vmem>>
      %dma_start3A_749 = arith.constant 0 : i32
      %dma_start3A_750 = arith.constant 0 : i32
      %dma_start3A_751 = tpu.memref_slice %arg3[%add3A, %rem3A_743, %dma_start3A_749, %dma_start3A_750] : memref<32x50x5x40xi32, #tpu.memory_space<hbm>> -> memref<1x1x5x40xi32, #tpu.memory_space<hbm>>
      %dma_start3A_752 = tpu.memref_squeeze %dma_start3A_751 : memref<1x1x5x40xi32, #tpu.memory_space<hbm>> -> memref<5x40xi32, #tpu.memory_space<hbm>>
      %dma_start3A_753 = arith.constant 0 : i32
      %dma_start3A_754 = arith.constant 0 : i32
      %dma_start3A_755 = tpu.memref_slice %arg9[%dma_start3A_744, %dma_start3A_753, %dma_start3A_754] : memref<2x5x40xi32, #tpu.memory_space<vmem>> -> memref<1x5x40xi32, #tpu.memory_space<vmem>>
      %dma_start3A_756 = tpu.memref_squeeze %dma_start3A_755 : memref<1x5x40xi32, #tpu.memory_space<vmem>> -> memref<5x40xi32, #tpu.memory_space<vmem>>
      %dma_start3A_757 = arith.constant 0 : i32
      %dma_start3A_758 = arith.constant 0 : i32
      %dma_start3A_759 = tpu.memref_slice %arg3[%add3A, %rem3A_743, %dma_start3A_757, %dma_start3A_758] : memref<32x50x5x40xi32, #tpu.memory_space<hbm>> -> memref<1x1x5x40xi32, #tpu.memory_space<hbm>>
      %dma_start3A_760 = tpu.memref_squeeze %dma_start3A_759 : memref<1x1x5x40xi32, #tpu.memory_space<hbm>> -> memref<5x40xi32, #tpu.memory_space<hbm>>
      tpu.enqueue_dma source(%dma_start3A_760 : memref<5x40xi32, #tpu.memory_space<hbm>>) target(%dma_start3A_756 : memref<5x40xi32, #tpu.memory_space<vmem>>) target_semaphore(%arg26 : memref<!tpu.dma_semaphore, #tpu.memory_space<semaphore_mem>>)
      %dma_start3A_761 = arith.constant 1 : i32
      %dma_start3A_762 = arith.constant 0 : i32
      %dma_start3A_763 = arith.constant 0 : i32
      %dma_start3A_764 = tpu.memref_slice %arg9[%dma_start3A_761, %dma_start3A_762, %dma_start3A_763] : memref<2x5x40xi32, #tpu.memory_space<vmem>> -> memref<1x5x40xi32, #tpu.memory_space<vmem>>
      %dma_start3A_765 = tpu.memref_squeeze %dma_start3A_764 : memref<1x5x40xi32, #tpu.memory_space<vmem>> -> memref<5x40xi32, #tpu.memory_space<vmem>>
      %dma_start3A_766 = arith.constant 0 : i32
      %dma_start3A_767 = arith.constant 0 : i32
      %dma_start3A_768 = tpu.memref_slice %arg4[%add3A, %rem3A_743, %dma_start3A_766, %dma_start3A_767] : memref<32x50x5x40xi32, #tpu.memory_space<hbm>> -> memref<1x1x5x40xi32, #tpu.memory_space<hbm>>
      %dma_start3A_769 = tpu.memref_squeeze %dma_start3A_768 : memref<1x1x5x40xi32, #tpu.memory_space<hbm>> -> memref<5x40xi32, #tpu.memory_space<hbm>>
      %dma_start3A_770 = arith.constant 0 : i32
      %dma_start3A_771 = arith.constant 0 : i32
      %dma_start3A_772 = tpu.memref_slice %arg9[%dma_start3A_761, %dma_start3A_770, %dma_start3A_771] : memref<2x5x40xi32, #tpu.memory_space<vmem>> -> memref<1x5x40xi32, #tpu.memory_space<vmem>>
      %dma_start3A_773 = tpu.memref_squeeze %dma_start3A_772 : memref<1x5x40xi32, #tpu.memory_space<vmem>> -> memref<5x40xi32, #tpu.memory_space<vmem>>
      %dma_start3A_774 = arith.constant 0 : i32
      %dma_start3A_775 = arith.constant 0 : i32
      %dma_start3A_776 = tpu.memref_slice %arg4[%add3A, %rem3A_743, %dma_start3A_774, %dma_start3A_775] : memref<32x50x5x40xi32, #tpu.memory_space<hbm>> -> memref<1x1x5x40xi32, #tpu.memory_space<hbm>>
      %dma_start3A_777 = tpu.memref_squeeze %dma_start3A_776 : memref<1x1x5x40xi32, #tpu.memory_space<hbm>> -> memref<5x40xi32, #tpu.memory_space<hbm>>
      tpu.enqueue_dma source(%dma_start3A_777 : memref<5x40xi32, #tpu.memory_space<hbm>>) target(%dma_start3A_773 : memref<5x40xi32, #tpu.memory_space<vmem>>) target_semaphore(%arg26 : memref<!tpu.dma_semaphore, #tpu.memory_space<semaphore_mem>>)
      %scan3A_778 = arith.constant 0 : i32
      scf.yield %scan3A_778 : i32
    }
    %scan3A_159 = arith.constant 25 : i32
    %dma_wait3A_160 = arith.constant 0 : i32
    %dma_wait3A_161 = arith.constant 0 : i32
    %dma_wait3A_162 = arith.constant 0 : i32
    %dma_wait3A_163 = tpu.memref_slice %arg8[%dma_wait3A_160, %dma_wait3A_161, %dma_wait3A_162] : memref<2x5x40xi32, #tpu.memory_space<vmem>> -> memref<1x1x40xi32, #tpu.memory_space<vmem>>
    %dma_wait3A_164 = tpu.memref_squeeze %dma_wait3A_163 : memref<1x1x40xi32, #tpu.memory_space<vmem>> -> memref<40xi32, #tpu.memory_space<vmem>>
    %dma_wait3A_165 = arith.constant 0 : i32
    %dma_wait3A_166 = arith.constant 0 : i32
    %dma_wait3A_167 = tpu.memref_slice %arg2[%dma_wait3A_165, %dma_wait3A_166] : memref<10240x128xf32, #tpu.memory_space<hbm>> -> memref<10240x128xf32, #tpu.memory_space<hbm>>
    tpu.wait_indirect_dma semaphore(%arg15 : memref<!tpu.dma_semaphore, #tpu.memory_space<semaphore_mem>>) src(%dma_wait3A_167 : memref<10240x128xf32, #tpu.memory_space<hbm>>) dst(%arg10 : memref<40x128xf32, #tpu.memory_space<vmem>>)
    %dma_wait3A_168 = arith.constant 0 : i32
    %dma_wait3A_169 = arith.constant 0 : i32
    %dma_wait3A_170 = arith.constant 0 : i32
    %dma_wait3A_171 = tpu.memref_slice %arg8[%dma_wait3A_168, %dma_wait3A_169, %dma_wait3A_170] : memref<2x5x40xi32, #tpu.memory_space<vmem>> -> memref<1x1x40xi32, #tpu.memory_space<vmem>>
    %dma_wait3A_172 = tpu.memref_squeeze %dma_wait3A_171 : memref<1x1x40xi32, #tpu.memory_space<vmem>> -> memref<40xi32, #tpu.memory_space<vmem>>
    %dma_wait3A_173 = arith.constant 0 : i32
    %dma_wait3A_174 = arith.constant 0 : i32
    %dma_wait3A_175 = tpu.memref_slice %arg2[%dma_wait3A_173, %dma_wait3A_174] : memref<10240x128xf32, #tpu.memory_space<hbm>> -> memref<10240x128xf32, #tpu.memory_space<hbm>>
    tpu.wait_indirect_dma semaphore(%arg16 : memref<!tpu.dma_semaphore, #tpu.memory_space<semaphore_mem>>) src(%dma_wait3A_175 : memref<10240x128xf32, #tpu.memory_space<hbm>>) dst(%arg11 : memref<40x128xf32, #tpu.memory_space<vmem>>)
    %dma_wait3A_176 = arith.constant 0 : i32
    %dma_wait3A_177 = arith.constant 0 : i32
    %dma_wait3A_178 = arith.constant 0 : i32
    %dma_wait3A_179 = tpu.memref_slice %arg8[%dma_wait3A_176, %dma_wait3A_177, %dma_wait3A_178] : memref<2x5x40xi32, #tpu.memory_space<vmem>> -> memref<1x1x40xi32, #tpu.memory_space<vmem>>
    %dma_wait3A_180 = tpu.memref_squeeze %dma_wait3A_179 : memref<1x1x40xi32, #tpu.memory_space<vmem>> -> memref<40xi32, #tpu.memory_space<vmem>>
    %dma_wait3A_181 = arith.constant 0 : i32
    %dma_wait3A_182 = arith.constant 0 : i32
    %dma_wait3A_183 = tpu.memref_slice %arg2[%dma_wait3A_181, %dma_wait3A_182] : memref<10240x128xf32, #tpu.memory_space<hbm>> -> memref<10240x128xf32, #tpu.memory_space<hbm>>
    tpu.wait_indirect_dma semaphore(%arg17 : memref<!tpu.dma_semaphore, #tpu.memory_space<semaphore_mem>>) src(%dma_wait3A_183 : memref<10240x128xf32, #tpu.memory_space<hbm>>) dst(%arg12 : memref<40x128xf32, #tpu.memory_space<vmem>>)
    %dma_wait3A_184 = arith.constant 0 : i32
    %dma_wait3A_185 = arith.constant 0 : i32
    %dma_wait3A_186 = arith.constant 0 : i32
    %dma_wait3A_187 = tpu.memref_slice %arg8[%dma_wait3A_184, %dma_wait3A_185, %dma_wait3A_186] : memref<2x5x40xi32, #tpu.memory_space<vmem>> -> memref<1x1x40xi32, #tpu.memory_space<vmem>>
    %dma_wait3A_188 = tpu.memref_squeeze %dma_wait3A_187 : memref<1x1x40xi32, #tpu.memory_space<vmem>> -> memref<40xi32, #tpu.memory_space<vmem>>
    %dma_wait3A_189 = arith.constant 0 : i32
    %dma_wait3A_190 = arith.constant 0 : i32
    %dma_wait3A_191 = tpu.memref_slice %arg2[%dma_wait3A_189, %dma_wait3A_190] : memref<10240x128xf32, #tpu.memory_space<hbm>> -> memref<10240x128xf32, #tpu.memory_space<hbm>>
    tpu.wait_indirect_dma semaphore(%arg18 : memref<!tpu.dma_semaphore, #tpu.memory_space<semaphore_mem>>) src(%dma_wait3A_191 : memref<10240x128xf32, #tpu.memory_space<hbm>>) dst(%arg13 : memref<40x128xf32, #tpu.memory_space<vmem>>)
    %dma_wait3A_192 = arith.constant 0 : i32
    %dma_wait3A_193 = arith.constant 0 : i32
    %dma_wait3A_194 = arith.constant 0 : i32
    %dma_wait3A_195 = tpu.memref_slice %arg8[%dma_wait3A_192, %dma_wait3A_193, %dma_wait3A_194] : memref<2x5x40xi32, #tpu.memory_space<vmem>> -> memref<1x1x40xi32, #tpu.memory_space<vmem>>
    %dma_wait3A_196 = tpu.memref_squeeze %dma_wait3A_195 : memref<1x1x40xi32, #tpu.memory_space<vmem>> -> memref<40xi32, #tpu.memory_space<vmem>>
    %dma_wait3A_197 = arith.constant 0 : i32
    %dma_wait3A_198 = arith.constant 0 : i32
    %dma_wait3A_199 = tpu.memref_slice %arg2[%dma_wait3A_197, %dma_wait3A_198] : memref<10240x128xf32, #tpu.memory_space<hbm>> -> memref<10240x128xf32, #tpu.memory_space<hbm>>
    tpu.wait_indirect_dma semaphore(%arg19 : memref<!tpu.dma_semaphore, #tpu.memory_space<semaphore_mem>>) src(%dma_wait3A_199 : memref<10240x128xf32, #tpu.memory_space<hbm>>) dst(%arg14 : memref<40x128xf32, #tpu.memory_space<vmem>>)
    %dma_wait3A_200 = arith.constant 0 : i32
    %dma_wait3A_201 = arith.constant 0 : i32
    %dma_wait3A_202 = arith.constant 0 : i32
    %dma_wait3A_203 = arith.constant 0 : i32
    %dma_wait3A_204 = tpu.memref_slice %arg9[%dma_wait3A_201, %dma_wait3A_202, %dma_wait3A_203] : memref<2x5x40xi32, #tpu.memory_space<vmem>> -> memref<1x5x40xi32, #tpu.memory_space<vmem>>
    %dma_wait3A_205 = tpu.memref_squeeze %dma_wait3A_204 : memref<1x5x40xi32, #tpu.memory_space<vmem>> -> memref<5x40xi32, #tpu.memory_space<vmem>>
    %dma_wait3A_206 = arith.constant 0 : i32
    %dma_wait3A_207 = arith.constant 0 : i32
    %dma_wait3A_208 = tpu.memref_slice %arg3[%add3A, %dma_wait3A_200, %dma_wait3A_206, %dma_wait3A_207] : memref<32x50x5x40xi32, #tpu.memory_space<hbm>> -> memref<1x1x5x40xi32, #tpu.memory_space<hbm>>
    %dma_wait3A_209 = tpu.memref_squeeze %dma_wait3A_208 : memref<1x1x5x40xi32, #tpu.memory_space<hbm>> -> memref<5x40xi32, #tpu.memory_space<hbm>>
    %dma_wait3A_210 = arith.constant 0 : i32
    %dma_wait3A_211 = arith.constant 0 : i32
    %dma_wait3A_212 = tpu.memref_slice %arg9[%dma_wait3A_201, %dma_wait3A_210, %dma_wait3A_211] : memref<2x5x40xi32, #tpu.memory_space<vmem>> -> memref<1x5x40xi32, #tpu.memory_space<vmem>>
    %dma_wait3A_213 = tpu.memref_squeeze %dma_wait3A_212 : memref<1x5x40xi32, #tpu.memory_space<vmem>> -> memref<5x40xi32, #tpu.memory_space<vmem>>
    %dma_wait3A_214 = arith.constant 0 : i32
    %dma_wait3A_215 = arith.constant 0 : i32
    %dma_wait3A_216 = tpu.memref_slice %arg3[%add3A, %dma_wait3A_200, %dma_wait3A_214, %dma_wait3A_215] : memref<32x50x5x40xi32, #tpu.memory_space<hbm>> -> memref<1x1x5x40xi32, #tpu.memory_space<hbm>>
    %dma_wait3A_217 = tpu.memref_squeeze %dma_wait3A_216 : memref<1x1x5x40xi32, #tpu.memory_space<hbm>> -> memref<5x40xi32, #tpu.memory_space<hbm>>
    tpu.wait_dma2 semaphore(%arg26 : memref<!tpu.dma_semaphore, #tpu.memory_space<semaphore_mem>>) src(%dma_wait3A_217 : memref<5x40xi32, #tpu.memory_space<hbm>>) dst(%dma_wait3A_213 : memref<5x40xi32, #tpu.memory_space<vmem>>)
    %dma_wait3A_218 = arith.constant 0 : i32
    %dma_wait3A_219 = arith.constant 1 : i32
    %dma_wait3A_220 = arith.constant 0 : i32
    %dma_wait3A_221 = arith.constant 0 : i32
    %dma_wait3A_222 = tpu.memref_slice %arg9[%dma_wait3A_219, %dma_wait3A_220, %dma_wait3A_221] : memref<2x5x40xi32, #tpu.memory_space<vmem>> -> memref<1x5x40xi32, #tpu.memory_space<vmem>>
    %dma_wait3A_223 = tpu.memref_squeeze %dma_wait3A_222 : memref<1x5x40xi32, #tpu.memory_space<vmem>> -> memref<5x40xi32, #tpu.memory_space<vmem>>
    %dma_wait3A_224 = arith.constant 0 : i32
    %dma_wait3A_225 = arith.constant 0 : i32
    %dma_wait3A_226 = tpu.memref_slice %arg4[%add3A, %dma_wait3A_218, %dma_wait3A_224, %dma_wait3A_225] : memref<32x50x5x40xi32, #tpu.memory_space<hbm>> -> memref<1x1x5x40xi32, #tpu.memory_space<hbm>>
    %dma_wait3A_227 = tpu.memref_squeeze %dma_wait3A_226 : memref<1x1x5x40xi32, #tpu.memory_space<hbm>> -> memref<5x40xi32, #tpu.memory_space<hbm>>
    %dma_wait3A_228 = arith.constant 0 : i32
    %dma_wait3A_229 = arith.constant 0 : i32
    %dma_wait3A_230 = tpu.memref_slice %arg9[%dma_wait3A_219, %dma_wait3A_228, %dma_wait3A_229] : memref<2x5x40xi32, #tpu.memory_space<vmem>> -> memref<1x5x40xi32, #tpu.memory_space<vmem>>
    %dma_wait3A_231 = tpu.memref_squeeze %dma_wait3A_230 : memref<1x5x40xi32, #tpu.memory_space<vmem>> -> memref<5x40xi32, #tpu.memory_space<vmem>>
    %dma_wait3A_232 = arith.constant 0 : i32
    %dma_wait3A_233 = arith.constant 0 : i32
    %dma_wait3A_234 = tpu.memref_slice %arg4[%add3A, %dma_wait3A_218, %dma_wait3A_232, %dma_wait3A_233] : memref<32x50x5x40xi32, #tpu.memory_space<hbm>> -> memref<1x1x5x40xi32, #tpu.memory_space<hbm>>
    %dma_wait3A_235 = tpu.memref_squeeze %dma_wait3A_234 : memref<1x1x5x40xi32, #tpu.memory_space<hbm>> -> memref<5x40xi32, #tpu.memory_space<hbm>>
    tpu.wait_dma2 semaphore(%arg26 : memref<!tpu.dma_semaphore, #tpu.memory_space<semaphore_mem>>) src(%dma_wait3A_235 : memref<5x40xi32, #tpu.memory_space<hbm>>) dst(%dma_wait3A_231 : memref<5x40xi32, #tpu.memory_space<vmem>>)
    %barrier3A_236 = arith.constant 0 : index
    tpu.barrier barrier_id(%barrier3A_236)
    %mul3A_237 = arith.constant 640 : i32
    %mul3A_238 = arith.muli %arg1, %mul3A_237 : i32
    %add3A_239 = arith.constant 0 : i32
    %add3A_240 = arith.addi %mul3A_238, %add3A_239 : i32
    "tpu.region"() ({
      %run_scoped3A = tpu.sem_alloc : memref<!tpu.dma_semaphore, #tpu.memory_space<semaphore_mem>>
      %dma_start3A_301 = arith.constant 0 : i32
      %dma_start3A_302 = tpu.memref_slice %arg7[%add3A_240, %dma_start3A_301] : memref<10240x128xf32, #tpu.memory_space<vmem_shared>> -> memref<40x128xf32, #tpu.memory_space<vmem_shared>>
      %dma_start3A_303 = arith.constant 0 : i32
      %dma_start3A_304 = tpu.memref_slice %arg7[%add3A_240, %dma_start3A_303] : memref<10240x128xf32, #tpu.memory_space<vmem_shared>> -> memref<40x128xf32, #tpu.memory_space<vmem_shared>>
      tpu.enqueue_dma source(%dma_start3A_304 : memref<40x128xf32, #tpu.memory_space<vmem_shared>>) target(%arg10 : memref<40x128xf32, #tpu.memory_space<vmem>>) target_semaphore(%run_scoped3A : memref<!tpu.dma_semaphore, #tpu.memory_space<semaphore_mem>>)
      %dma_wait3A_305 = arith.constant 0 : i32
      %dma_wait3A_306 = tpu.memref_slice %arg7[%add3A_240, %dma_wait3A_305] : memref<10240x128xf32, #tpu.memory_space<vmem_shared>> -> memref<40x128xf32, #tpu.memory_space<vmem_shared>>
      %dma_wait3A_307 = arith.constant 0 : i32
      %dma_wait3A_308 = tpu.memref_slice %arg7[%add3A_240, %dma_wait3A_307] : memref<10240x128xf32, #tpu.memory_space<vmem_shared>> -> memref<40x128xf32, #tpu.memory_space<vmem_shared>>
      tpu.wait_dma2 semaphore(%run_scoped3A : memref<!tpu.dma_semaphore, #tpu.memory_space<semaphore_mem>>) src(%dma_wait3A_308 : memref<40x128xf32, #tpu.memory_space<vmem_shared>>) dst(%arg10 : memref<40x128xf32, #tpu.memory_space<vmem>>)
      tpu.yield
    }) : () -> ()
    "tpu.region"() ({
      %run_scoped3A = tpu.sem_alloc : memref<!tpu.dma_semaphore, #tpu.memory_space<semaphore_mem>>
      %dma_start3A_301 = arith.constant 0 : i32
      %dma_start3A_302 = tpu.memref_slice %arg6[%arg0, %add3A_240, %dma_start3A_301] : memref<2x10240x128xf32, #tpu.memory_space<hbm>> -> memref<1x40x128xf32, #tpu.memory_space<hbm>>
      %dma_start3A_303 = tpu.memref_squeeze %dma_start3A_302 : memref<1x40x128xf32, #tpu.memory_space<hbm>> -> memref<40x128xf32, #tpu.memory_space<hbm>>
      %dma_start3A_304 = arith.constant 0 : i32
      %dma_start3A_305 = tpu.memref_slice %arg6[%arg0, %add3A_240, %dma_start3A_304] : memref<2x10240x128xf32, #tpu.memory_space<hbm>> -> memref<1x40x128xf32, #tpu.memory_space<hbm>>
      %dma_start3A_306 = tpu.memref_squeeze %dma_start3A_305 : memref<1x40x128xf32, #tpu.memory_space<hbm>> -> memref<40x128xf32, #tpu.memory_space<hbm>>
      tpu.enqueue_dma source(%arg10 : memref<40x128xf32, #tpu.memory_space<vmem>>) target(%dma_start3A_306 : memref<40x128xf32, #tpu.memory_space<hbm>>) target_semaphore(%run_scoped3A : memref<!tpu.dma_semaphore, #tpu.memory_space<semaphore_mem>>)
      %dma_wait3A_307 = arith.constant 0 : i32
      %dma_wait3A_308 = tpu.memref_slice %arg6[%arg0, %add3A_240, %dma_wait3A_307] : memref<2x10240x128xf32, #tpu.memory_space<hbm>> -> memref<1x40x128xf32, #tpu.memory_space<hbm>>
      %dma_wait3A_309 = tpu.memref_squeeze %dma_wait3A_308 : memref<1x40x128xf32, #tpu.memory_space<hbm>> -> memref<40x128xf32, #tpu.memory_space<hbm>>
      %dma_wait3A_310 = arith.constant 0 : i32
      %dma_wait3A_311 = tpu.memref_slice %arg6[%arg0, %add3A_240, %dma_wait3A_310] : memref<2x10240x128xf32, #tpu.memory_space<hbm>> -> memref<1x40x128xf32, #tpu.memory_space<hbm>>
      %dma_wait3A_312 = tpu.memref_squeeze %dma_wait3A_311 : memref<1x40x128xf32, #tpu.memory_space<hbm>> -> memref<40x128xf32, #tpu.memory_space<hbm>>
      tpu.wait_dma2 semaphore(%run_scoped3A : memref<!tpu.dma_semaphore, #tpu.memory_space<semaphore_mem>>) src(%arg10 : memref<40x128xf32, #tpu.memory_space<vmem>>) dst(%dma_wait3A_312 : memref<40x128xf32, #tpu.memory_space<hbm>>)
      tpu.yield
    }) : () -> ()
    %mul3A_241 = arith.constant 640 : i32
    %mul3A_242 = arith.muli %arg1, %mul3A_241 : i32
    %add3A_243 = arith.constant 40 : i32
    %add3A_244 = arith.addi %mul3A_242, %add3A_243 : i32
    "tpu.region"() ({
      %run_scoped3A = tpu.sem_alloc : memref<!tpu.dma_semaphore, #tpu.memory_space<semaphore_mem>>
      %dma_start3A_301 = arith.constant 0 : i32
      %dma_start3A_302 = tpu.memref_slice %arg7[%add3A_244, %dma_start3A_301] : memref<10240x128xf32, #tpu.memory_space<vmem_shared>> -> memref<40x128xf32, #tpu.memory_space<vmem_shared>>
      %dma_start3A_303 = arith.constant 0 : i32
      %dma_start3A_304 = tpu.memref_slice %arg7[%add3A_244, %dma_start3A_303] : memref<10240x128xf32, #tpu.memory_space<vmem_shared>> -> memref<40x128xf32, #tpu.memory_space<vmem_shared>>
      tpu.enqueue_dma source(%dma_start3A_304 : memref<40x128xf32, #tpu.memory_space<vmem_shared>>) target(%arg10 : memref<40x128xf32, #tpu.memory_space<vmem>>) target_semaphore(%run_scoped3A : memref<!tpu.dma_semaphore, #tpu.memory_space<semaphore_mem>>)
      %dma_wait3A_305 = arith.constant 0 : i32
      %dma_wait3A_306 = tpu.memref_slice %arg7[%add3A_244, %dma_wait3A_305] : memref<10240x128xf32, #tpu.memory_space<vmem_shared>> -> memref<40x128xf32, #tpu.memory_space<vmem_shared>>
      %dma_wait3A_307 = arith.constant 0 : i32
      %dma_wait3A_308 = tpu.memref_slice %arg7[%add3A_244, %dma_wait3A_307] : memref<10240x128xf32, #tpu.memory_space<vmem_shared>> -> memref<40x128xf32, #tpu.memory_space<vmem_shared>>
      tpu.wait_dma2 semaphore(%run_scoped3A : memref<!tpu.dma_semaphore, #tpu.memory_space<semaphore_mem>>) src(%dma_wait3A_308 : memref<40x128xf32, #tpu.memory_space<vmem_shared>>) dst(%arg10 : memref<40x128xf32, #tpu.memory_space<vmem>>)
      tpu.yield
    }) : () -> ()
    "tpu.region"() ({
      %run_scoped3A = tpu.sem_alloc : memref<!tpu.dma_semaphore, #tpu.memory_space<semaphore_mem>>
      %dma_start3A_301 = arith.constant 0 : i32
      %dma_start3A_302 = tpu.memref_slice %arg6[%arg0, %add3A_244, %dma_start3A_301] : memref<2x10240x128xf32, #tpu.memory_space<hbm>> -> memref<1x40x128xf32, #tpu.memory_space<hbm>>
      %dma_start3A_303 = tpu.memref_squeeze %dma_start3A_302 : memref<1x40x128xf32, #tpu.memory_space<hbm>> -> memref<40x128xf32, #tpu.memory_space<hbm>>
      %dma_start3A_304 = arith.constant 0 : i32
      %dma_start3A_305 = tpu.memref_slice %arg6[%arg0, %add3A_244, %dma_start3A_304] : memref<2x10240x128xf32, #tpu.memory_space<hbm>> -> memref<1x40x128xf32, #tpu.memory_space<hbm>>
      %dma_start3A_306 = tpu.memref_squeeze %dma_start3A_305 : memref<1x40x128xf32, #tpu.memory_space<hbm>> -> memref<40x128xf32, #tpu.memory_space<hbm>>
      tpu.enqueue_dma source(%arg10 : memref<40x128xf32, #tpu.memory_space<vmem>>) target(%dma_start3A_306 : memref<40x128xf32, #tpu.memory_space<hbm>>) target_semaphore(%run_scoped3A : memref<!tpu.dma_semaphore, #tpu.memory_space<semaphore_mem>>)
      %dma_wait3A_307 = arith.constant 0 : i32
      %dma_wait3A_308 = tpu.memref_slice %arg6[%arg0, %add3A_244, %dma_wait3A_307] : memref<2x10240x128xf32, #tpu.memory_space<hbm>> -> memref<1x40x128xf32, #tpu.memory_space<hbm>>
      %dma_wait3A_309 = tpu.memref_squeeze %dma_wait3A_308 : memref<1x40x128xf32, #tpu.memory_space<hbm>> -> memref<40x128xf32, #tpu.memory_space<hbm>>
      %dma_wait3A_310 = arith.constant 0 : i32
      %dma_wait3A_311 = tpu.memref_slice %arg6[%arg0, %add3A_244, %dma_wait3A_310] : memref<2x10240x128xf32, #tpu.memory_space<hbm>> -> memref<1x40x128xf32, #tpu.memory_space<hbm>>
      %dma_wait3A_312 = tpu.memref_squeeze %dma_wait3A_311 : memref<1x40x128xf32, #tpu.memory_space<hbm>> -> memref<40x128xf32, #tpu.memory_space<hbm>>
      tpu.wait_dma2 semaphore(%run_scoped3A : memref<!tpu.dma_semaphore, #tpu.memory_space<semaphore_mem>>) src(%arg10 : memref<40x128xf32, #tpu.memory_space<vmem>>) dst(%dma_wait3A_312 : memref<40x128xf32, #tpu.memory_space<hbm>>)
      tpu.yield
    }) : () -> ()
    %mul3A_245 = arith.constant 640 : i32
    %mul3A_246 = arith.muli %arg1, %mul3A_245 : i32
    %add3A_247 = arith.constant 80 : i32
    %add3A_248 = arith.addi %mul3A_246, %add3A_247 : i32
    "tpu.region"() ({
      %run_scoped3A = tpu.sem_alloc : memref<!tpu.dma_semaphore, #tpu.memory_space<semaphore_mem>>
      %dma_start3A_301 = arith.constant 0 : i32
      %dma_start3A_302 = tpu.memref_slice %arg7[%add3A_248, %dma_start3A_301] : memref<10240x128xf32, #tpu.memory_space<vmem_shared>> -> memref<40x128xf32, #tpu.memory_space<vmem_shared>>
      %dma_start3A_303 = arith.constant 0 : i32
      %dma_start3A_304 = tpu.memref_slice %arg7[%add3A_248, %dma_start3A_303] : memref<10240x128xf32, #tpu.memory_space<vmem_shared>> -> memref<40x128xf32, #tpu.memory_space<vmem_shared>>
      tpu.enqueue_dma source(%dma_start3A_304 : memref<40x128xf32, #tpu.memory_space<vmem_shared>>) target(%arg10 : memref<40x128xf32, #tpu.memory_space<vmem>>) target_semaphore(%run_scoped3A : memref<!tpu.dma_semaphore, #tpu.memory_space<semaphore_mem>>)
      %dma_wait3A_305 = arith.constant 0 : i32
      %dma_wait3A_306 = tpu.memref_slice %arg7[%add3A_248, %dma_wait3A_305] : memref<10240x128xf32, #tpu.memory_space<vmem_shared>> -> memref<40x128xf32, #tpu.memory_space<vmem_shared>>
      %dma_wait3A_307 = arith.constant 0 : i32
      %dma_wait3A_308 = tpu.memref_slice %arg7[%add3A_248, %dma_wait3A_307] : memref<10240x128xf32, #tpu.memory_space<vmem_shared>> -> memref<40x128xf32, #tpu.memory_space<vmem_shared>>
      tpu.wait_dma2 semaphore(%run_scoped3A : memref<!tpu.dma_semaphore, #tpu.memory_space<semaphore_mem>>) src(%dma_wait3A_308 : memref<40x128xf32, #tpu.memory_space<vmem_shared>>) dst(%arg10 : memref<40x128xf32, #tpu.memory_space<vmem>>)
      tpu.yield
    }) : () -> ()
    "tpu.region"() ({
      %run_scoped3A = tpu.sem_alloc : memref<!tpu.dma_semaphore, #tpu.memory_space<semaphore_mem>>
      %dma_start3A_301 = arith.constant 0 : i32
      %dma_start3A_302 = tpu.memref_slice %arg6[%arg0, %add3A_248, %dma_start3A_301] : memref<2x10240x128xf32, #tpu.memory_space<hbm>> -> memref<1x40x128xf32, #tpu.memory_space<hbm>>
      %dma_start3A_303 = tpu.memref_squeeze %dma_start3A_302 : memref<1x40x128xf32, #tpu.memory_space<hbm>> -> memref<40x128xf32, #tpu.memory_space<hbm>>
      %dma_start3A_304 = arith.constant 0 : i32
      %dma_start3A_305 = tpu.memref_slice %arg6[%arg0, %add3A_248, %dma_start3A_304] : memref<2x10240x128xf32, #tpu.memory_space<hbm>> -> memref<1x40x128xf32, #tpu.memory_space<hbm>>
      %dma_start3A_306 = tpu.memref_squeeze %dma_start3A_305 : memref<1x40x128xf32, #tpu.memory_space<hbm>> -> memref<40x128xf32, #tpu.memory_space<hbm>>
      tpu.enqueue_dma source(%arg10 : memref<40x128xf32, #tpu.memory_space<vmem>>) target(%dma_start3A_306 : memref<40x128xf32, #tpu.memory_space<hbm>>) target_semaphore(%run_scoped3A : memref<!tpu.dma_semaphore, #tpu.memory_space<semaphore_mem>>)
      %dma_wait3A_307 = arith.constant 0 : i32
      %dma_wait3A_308 = tpu.memref_slice %arg6[%arg0, %add3A_248, %dma_wait3A_307] : memref<2x10240x128xf32, #tpu.memory_space<hbm>> -> memref<1x40x128xf32, #tpu.memory_space<hbm>>
      %dma_wait3A_309 = tpu.memref_squeeze %dma_wait3A_308 : memref<1x40x128xf32, #tpu.memory_space<hbm>> -> memref<40x128xf32, #tpu.memory_space<hbm>>
      %dma_wait3A_310 = arith.constant 0 : i32
      %dma_wait3A_311 = tpu.memref_slice %arg6[%arg0, %add3A_248, %dma_wait3A_310] : memref<2x10240x128xf32, #tpu.memory_space<hbm>> -> memref<1x40x128xf32, #tpu.memory_space<hbm>>
      %dma_wait3A_312 = tpu.memref_squeeze %dma_wait3A_311 : memref<1x40x128xf32, #tpu.memory_space<hbm>> -> memref<40x128xf32, #tpu.memory_space<hbm>>
      tpu.wait_dma2 semaphore(%run_scoped3A : memref<!tpu.dma_semaphore, #tpu.memory_space<semaphore_mem>>) src(%arg10 : memref<40x128xf32, #tpu.memory_space<vmem>>) dst(%dma_wait3A_312 : memref<40x128xf32, #tpu.memory_space<hbm>>)
      tpu.yield
    }) : () -> ()
    %mul3A_249 = arith.constant 640 : i32
    %mul3A_250 = arith.muli %arg1, %mul3A_249 : i32
    %add3A_251 = arith.constant 120 : i32
    %add3A_252 = arith.addi %mul3A_250, %add3A_251 : i32
    "tpu.region"() ({
      %run_scoped3A = tpu.sem_alloc : memref<!tpu.dma_semaphore, #tpu.memory_space<semaphore_mem>>
      %dma_start3A_301 = arith.constant 0 : i32
      %dma_start3A_302 = tpu.memref_slice %arg7[%add3A_252, %dma_start3A_301] : memref<10240x128xf32, #tpu.memory_space<vmem_shared>> -> memref<40x128xf32, #tpu.memory_space<vmem_shared>>
      %dma_start3A_303 = arith.constant 0 : i32
      %dma_start3A_304 = tpu.memref_slice %arg7[%add3A_252, %dma_start3A_303] : memref<10240x128xf32, #tpu.memory_space<vmem_shared>> -> memref<40x128xf32, #tpu.memory_space<vmem_shared>>
      tpu.enqueue_dma source(%dma_start3A_304 : memref<40x128xf32, #tpu.memory_space<vmem_shared>>) target(%arg10 : memref<40x128xf32, #tpu.memory_space<vmem>>) target_semaphore(%run_scoped3A : memref<!tpu.dma_semaphore, #tpu.memory_space<semaphore_mem>>)
      %dma_wait3A_305 = arith.constant 0 : i32
      %dma_wait3A_306 = tpu.memref_slice %arg7[%add3A_252, %dma_wait3A_305] : memref<10240x128xf32, #tpu.memory_space<vmem_shared>> -> memref<40x128xf32, #tpu.memory_space<vmem_shared>>
      %dma_wait3A_307 = arith.constant 0 : i32
      %dma_wait3A_308 = tpu.memref_slice %arg7[%add3A_252, %dma_wait3A_307] : memref<10240x128xf32, #tpu.memory_space<vmem_shared>> -> memref<40x128xf32, #tpu.memory_space<vmem_shared>>
      tpu.wait_dma2 semaphore(%run_scoped3A : memref<!tpu.dma_semaphore, #tpu.memory_space<semaphore_mem>>) src(%dma_wait3A_308 : memref<40x128xf32, #tpu.memory_space<vmem_shared>>) dst(%arg10 : memref<40x128xf32, #tpu.memory_space<vmem>>)
      tpu.yield
    }) : () -> ()
    "tpu.region"() ({
      %run_scoped3A = tpu.sem_alloc : memref<!tpu.dma_semaphore, #tpu.memory_space<semaphore_mem>>
      %dma_start3A_301 = arith.constant 0 : i32
      %dma_start3A_302 = tpu.memref_slice %arg6[%arg0, %add3A_252, %dma_start3A_301] : memref<2x10240x128xf32, #tpu.memory_space<hbm>> -> memref<1x40x128xf32, #tpu.memory_space<hbm>>
      %dma_start3A_303 = tpu.memref_squeeze %dma_start3A_302 : memref<1x40x128xf32, #tpu.memory_space<hbm>> -> memref<40x128xf32, #tpu.memory_space<hbm>>
      %dma_start3A_304 = arith.constant 0 : i32
      %dma_start3A_305 = tpu.memref_slice %arg6[%arg0, %add3A_252, %dma_start3A_304] : memref<2x10240x128xf32, #tpu.memory_space<hbm>> -> memref<1x40x128xf32, #tpu.memory_space<hbm>>
      %dma_start3A_306 = tpu.memref_squeeze %dma_start3A_305 : memref<1x40x128xf32, #tpu.memory_space<hbm>> -> memref<40x128xf32, #tpu.memory_space<hbm>>
      tpu.enqueue_dma source(%arg10 : memref<40x128xf32, #tpu.memory_space<vmem>>) target(%dma_start3A_306 : memref<40x128xf32, #tpu.memory_space<hbm>>) target_semaphore(%run_scoped3A : memref<!tpu.dma_semaphore, #tpu.memory_space<semaphore_mem>>)
      %dma_wait3A_307 = arith.constant 0 : i32
      %dma_wait3A_308 = tpu.memref_slice %arg6[%arg0, %add3A_252, %dma_wait3A_307] : memref<2x10240x128xf32, #tpu.memory_space<hbm>> -> memref<1x40x128xf32, #tpu.memory_space<hbm>>
      %dma_wait3A_309 = tpu.memref_squeeze %dma_wait3A_308 : memref<1x40x128xf32, #tpu.memory_space<hbm>> -> memref<40x128xf32, #tpu.memory_space<hbm>>
      %dma_wait3A_310 = arith.constant 0 : i32
      %dma_wait3A_311 = tpu.memref_slice %arg6[%arg0, %add3A_252, %dma_wait3A_310] : memref<2x10240x128xf32, #tpu.memory_space<hbm>> -> memref<1x40x128xf32, #tpu.memory_space<hbm>>
      %dma_wait3A_312 = tpu.memref_squeeze %dma_wait3A_311 : memref<1x40x128xf32, #tpu.memory_space<hbm>> -> memref<40x128xf32, #tpu.memory_space<hbm>>
      tpu.wait_dma2 semaphore(%run_scoped3A : memref<!tpu.dma_semaphore, #tpu.memory_space<semaphore_mem>>) src(%arg10 : memref<40x128xf32, #tpu.memory_space<vmem>>) dst(%dma_wait3A_312 : memref<40x128xf32, #tpu.memory_space<hbm>>)
      tpu.yield
    }) : () -> ()
    %mul3A_253 = arith.constant 640 : i32
    %mul3A_254 = arith.muli %arg1, %mul3A_253 : i32
    %add3A_255 = arith.constant 160 : i32
    %add3A_256 = arith.addi %mul3A_254, %add3A_255 : i32
    "tpu.region"() ({
      %run_scoped3A = tpu.sem_alloc : memref<!tpu.dma_semaphore, #tpu.memory_space<semaphore_mem>>
      %dma_start3A_301 = arith.constant 0 : i32
      %dma_start3A_302 = tpu.memref_slice %arg7[%add3A_256, %dma_start3A_301] : memref<10240x128xf32, #tpu.memory_space<vmem_shared>> -> memref<40x128xf32, #tpu.memory_space<vmem_shared>>
      %dma_start3A_303 = arith.constant 0 : i32
      %dma_start3A_304 = tpu.memref_slice %arg7[%add3A_256, %dma_start3A_303] : memref<10240x128xf32, #tpu.memory_space<vmem_shared>> -> memref<40x128xf32, #tpu.memory_space<vmem_shared>>
      tpu.enqueue_dma source(%dma_start3A_304 : memref<40x128xf32, #tpu.memory_space<vmem_shared>>) target(%arg10 : memref<40x128xf32, #tpu.memory_space<vmem>>) target_semaphore(%run_scoped3A : memref<!tpu.dma_semaphore, #tpu.memory_space<semaphore_mem>>)
      %dma_wait3A_305 = arith.constant 0 : i32
      %dma_wait3A_306 = tpu.memref_slice %arg7[%add3A_256, %dma_wait3A_305] : memref<10240x128xf32, #tpu.memory_space<vmem_shared>> -> memref<40x128xf32, #tpu.memory_space<vmem_shared>>
      %dma_wait3A_307 = arith.constant 0 : i32
      %dma_wait3A_308 = tpu.memref_slice %arg7[%add3A_256, %dma_wait3A_307] : memref<10240x128xf32, #tpu.memory_space<vmem_shared>> -> memref<40x128xf32, #tpu.memory_space<vmem_shared>>
      tpu.wait_dma2 semaphore(%run_scoped3A : memref<!tpu.dma_semaphore, #tpu.memory_space<semaphore_mem>>) src(%dma_wait3A_308 : memref<40x128xf32, #tpu.memory_space<vmem_shared>>) dst(%arg10 : memref<40x128xf32, #tpu.memory_space<vmem>>)
      tpu.yield
    }) : () -> ()
    "tpu.region"() ({
      %run_scoped3A = tpu.sem_alloc : memref<!tpu.dma_semaphore, #tpu.memory_space<semaphore_mem>>
      %dma_start3A_301 = arith.constant 0 : i32
      %dma_start3A_302 = tpu.memref_slice %arg6[%arg0, %add3A_256, %dma_start3A_301] : memref<2x10240x128xf32, #tpu.memory_space<hbm>> -> memref<1x40x128xf32, #tpu.memory_space<hbm>>
      %dma_start3A_303 = tpu.memref_squeeze %dma_start3A_302 : memref<1x40x128xf32, #tpu.memory_space<hbm>> -> memref<40x128xf32, #tpu.memory_space<hbm>>
      %dma_start3A_304 = arith.constant 0 : i32
      %dma_start3A_305 = tpu.memref_slice %arg6[%arg0, %add3A_256, %dma_start3A_304] : memref<2x10240x128xf32, #tpu.memory_space<hbm>> -> memref<1x40x128xf32, #tpu.memory_space<hbm>>
      %dma_start3A_306 = tpu.memref_squeeze %dma_start3A_305 : memref<1x40x128xf32, #tpu.memory_space<hbm>> -> memref<40x128xf32, #tpu.memory_space<hbm>>
      tpu.enqueue_dma source(%arg10 : memref<40x128xf32, #tpu.memory_space<vmem>>) target(%dma_start3A_306 : memref<40x128xf32, #tpu.memory_space<hbm>>) target_semaphore(%run_scoped3A : memref<!tpu.dma_semaphore, #tpu.memory_space<semaphore_mem>>)
      %dma_wait3A_307 = arith.constant 0 : i32
      %dma_wait3A_308 = tpu.memref_slice %arg6[%arg0, %add3A_256, %dma_wait3A_307] : memref<2x10240x128xf32, #tpu.memory_space<hbm>> -> memref<1x40x128xf32, #tpu.memory_space<hbm>>
      %dma_wait3A_309 = tpu.memref_squeeze %dma_wait3A_308 : memref<1x40x128xf32, #tpu.memory_space<hbm>> -> memref<40x128xf32, #tpu.memory_space<hbm>>
      %dma_wait3A_310 = arith.constant 0 : i32
      %dma_wait3A_311 = tpu.memref_slice %arg6[%arg0, %add3A_256, %dma_wait3A_310] : memref<2x10240x128xf32, #tpu.memory_space<hbm>> -> memref<1x40x128xf32, #tpu.memory_space<hbm>>
      %dma_wait3A_312 = tpu.memref_squeeze %dma_wait3A_311 : memref<1x40x128xf32, #tpu.memory_space<hbm>> -> memref<40x128xf32, #tpu.memory_space<hbm>>
      tpu.wait_dma2 semaphore(%run_scoped3A : memref<!tpu.dma_semaphore, #tpu.memory_space<semaphore_mem>>) src(%arg10 : memref<40x128xf32, #tpu.memory_space<vmem>>) dst(%dma_wait3A_312 : memref<40x128xf32, #tpu.memory_space<hbm>>)
      tpu.yield
    }) : () -> ()
    %mul3A_257 = arith.constant 640 : i32
    %mul3A_258 = arith.muli %arg1, %mul3A_257 : i32
    %add3A_259 = arith.constant 200 : i32
    %add3A_260 = arith.addi %mul3A_258, %add3A_259 : i32
    "tpu.region"() ({
      %run_scoped3A = tpu.sem_alloc : memref<!tpu.dma_semaphore, #tpu.memory_space<semaphore_mem>>
      %dma_start3A_301 = arith.constant 0 : i32
      %dma_start3A_302 = tpu.memref_slice %arg7[%add3A_260, %dma_start3A_301] : memref<10240x128xf32, #tpu.memory_space<vmem_shared>> -> memref<40x128xf32, #tpu.memory_space<vmem_shared>>
      %dma_start3A_303 = arith.constant 0 : i32
      %dma_start3A_304 = tpu.memref_slice %arg7[%add3A_260, %dma_start3A_303] : memref<10240x128xf32, #tpu.memory_space<vmem_shared>> -> memref<40x128xf32, #tpu.memory_space<vmem_shared>>
      tpu.enqueue_dma source(%dma_start3A_304 : memref<40x128xf32, #tpu.memory_space<vmem_shared>>) target(%arg10 : memref<40x128xf32, #tpu.memory_space<vmem>>) target_semaphore(%run_scoped3A : memref<!tpu.dma_semaphore, #tpu.memory_space<semaphore_mem>>)
      %dma_wait3A_305 = arith.constant 0 : i32
      %dma_wait3A_306 = tpu.memref_slice %arg7[%add3A_260, %dma_wait3A_305] : memref<10240x128xf32, #tpu.memory_space<vmem_shared>> -> memref<40x128xf32, #tpu.memory_space<vmem_shared>>
      %dma_wait3A_307 = arith.constant 0 : i32
      %dma_wait3A_308 = tpu.memref_slice %arg7[%add3A_260, %dma_wait3A_307] : memref<10240x128xf32, #tpu.memory_space<vmem_shared>> -> memref<40x128xf32, #tpu.memory_space<vmem_shared>>
      tpu.wait_dma2 semaphore(%run_scoped3A : memref<!tpu.dma_semaphore, #tpu.memory_space<semaphore_mem>>) src(%dma_wait3A_308 : memref<40x128xf32, #tpu.memory_space<vmem_shared>>) dst(%arg10 : memref<40x128xf32, #tpu.memory_space<vmem>>)
      tpu.yield
    }) : () -> ()
    "tpu.region"() ({
      %run_scoped3A = tpu.sem_alloc : memref<!tpu.dma_semaphore, #tpu.memory_space<semaphore_mem>>
      %dma_start3A_301 = arith.constant 0 : i32
      %dma_start3A_302 = tpu.memref_slice %arg6[%arg0, %add3A_260, %dma_start3A_301] : memref<2x10240x128xf32, #tpu.memory_space<hbm>> -> memref<1x40x128xf32, #tpu.memory_space<hbm>>
      %dma_start3A_303 = tpu.memref_squeeze %dma_start3A_302 : memref<1x40x128xf32, #tpu.memory_space<hbm>> -> memref<40x128xf32, #tpu.memory_space<hbm>>
      %dma_start3A_304 = arith.constant 0 : i32
      %dma_start3A_305 = tpu.memref_slice %arg6[%arg0, %add3A_260, %dma_start3A_304] : memref<2x10240x128xf32, #tpu.memory_space<hbm>> -> memref<1x40x128xf32, #tpu.memory_space<hbm>>
      %dma_start3A_306 = tpu.memref_squeeze %dma_start3A_305 : memref<1x40x128xf32, #tpu.memory_space<hbm>> -> memref<40x128xf32, #tpu.memory_space<hbm>>
      tpu.enqueue_dma source(%arg10 : memref<40x128xf32, #tpu.memory_space<vmem>>) target(%dma_start3A_306 : memref<40x128xf32, #tpu.memory_space<hbm>>) target_semaphore(%run_scoped3A : memref<!tpu.dma_semaphore, #tpu.memory_space<semaphore_mem>>)
      %dma_wait3A_307 = arith.constant 0 : i32
      %dma_wait3A_308 = tpu.memref_slice %arg6[%arg0, %add3A_260, %dma_wait3A_307] : memref<2x10240x128xf32, #tpu.memory_space<hbm>> -> memref<1x40x128xf32, #tpu.memory_space<hbm>>
      %dma_wait3A_309 = tpu.memref_squeeze %dma_wait3A_308 : memref<1x40x128xf32, #tpu.memory_space<hbm>> -> memref<40x128xf32, #tpu.memory_space<hbm>>
      %dma_wait3A_310 = arith.constant 0 : i32
      %dma_wait3A_311 = tpu.memref_slice %arg6[%arg0, %add3A_260, %dma_wait3A_310] : memref<2x10240x128xf32, #tpu.memory_space<hbm>> -> memref<1x40x128xf32, #tpu.memory_space<hbm>>
      %dma_wait3A_312 = tpu.memref_squeeze %dma_wait3A_311 : memref<1x40x128xf32, #tpu.memory_space<hbm>> -> memref<40x128xf32, #tpu.memory_space<hbm>>
      tpu.wait_dma2 semaphore(%run_scoped3A : memref<!tpu.dma_semaphore, #tpu.memory_space<semaphore_mem>>) src(%arg10 : memref<40x128xf32, #tpu.memory_space<vmem>>) dst(%dma_wait3A_312 : memref<40x128xf32, #tpu.memory_space<hbm>>)
      tpu.yield
    }) : () -> ()
    %mul3A_261 = arith.constant 640 : i32
    %mul3A_262 = arith.muli %arg1, %mul3A_261 : i32
    %add3A_263 = arith.constant 240 : i32
    %add3A_264 = arith.addi %mul3A_262, %add3A_263 : i32
    "tpu.region"() ({
      %run_scoped3A = tpu.sem_alloc : memref<!tpu.dma_semaphore, #tpu.memory_space<semaphore_mem>>
      %dma_start3A_301 = arith.constant 0 : i32
      %dma_start3A_302 = tpu.memref_slice %arg7[%add3A_264, %dma_start3A_301] : memref<10240x128xf32, #tpu.memory_space<vmem_shared>> -> memref<40x128xf32, #tpu.memory_space<vmem_shared>>
      %dma_start3A_303 = arith.constant 0 : i32
      %dma_start3A_304 = tpu.memref_slice %arg7[%add3A_264, %dma_start3A_303] : memref<10240x128xf32, #tpu.memory_space<vmem_shared>> -> memref<40x128xf32, #tpu.memory_space<vmem_shared>>
      tpu.enqueue_dma source(%dma_start3A_304 : memref<40x128xf32, #tpu.memory_space<vmem_shared>>) target(%arg10 : memref<40x128xf32, #tpu.memory_space<vmem>>) target_semaphore(%run_scoped3A : memref<!tpu.dma_semaphore, #tpu.memory_space<semaphore_mem>>)
      %dma_wait3A_305 = arith.constant 0 : i32
      %dma_wait3A_306 = tpu.memref_slice %arg7[%add3A_264, %dma_wait3A_305] : memref<10240x128xf32, #tpu.memory_space<vmem_shared>> -> memref<40x128xf32, #tpu.memory_space<vmem_shared>>
      %dma_wait3A_307 = arith.constant 0 : i32
      %dma_wait3A_308 = tpu.memref_slice %arg7[%add3A_264, %dma_wait3A_307] : memref<10240x128xf32, #tpu.memory_space<vmem_shared>> -> memref<40x128xf32, #tpu.memory_space<vmem_shared>>
      tpu.wait_dma2 semaphore(%run_scoped3A : memref<!tpu.dma_semaphore, #tpu.memory_space<semaphore_mem>>) src(%dma_wait3A_308 : memref<40x128xf32, #tpu.memory_space<vmem_shared>>) dst(%arg10 : memref<40x128xf32, #tpu.memory_space<vmem>>)
      tpu.yield
    }) : () -> ()
    "tpu.region"() ({
      %run_scoped3A = tpu.sem_alloc : memref<!tpu.dma_semaphore, #tpu.memory_space<semaphore_mem>>
      %dma_start3A_301 = arith.constant 0 : i32
      %dma_start3A_302 = tpu.memref_slice %arg6[%arg0, %add3A_264, %dma_start3A_301] : memref<2x10240x128xf32, #tpu.memory_space<hbm>> -> memref<1x40x128xf32, #tpu.memory_space<hbm>>
      %dma_start3A_303 = tpu.memref_squeeze %dma_start3A_302 : memref<1x40x128xf32, #tpu.memory_space<hbm>> -> memref<40x128xf32, #tpu.memory_space<hbm>>
      %dma_start3A_304 = arith.constant 0 : i32
      %dma_start3A_305 = tpu.memref_slice %arg6[%arg0, %add3A_264, %dma_start3A_304] : memref<2x10240x128xf32, #tpu.memory_space<hbm>> -> memref<1x40x128xf32, #tpu.memory_space<hbm>>
      %dma_start3A_306 = tpu.memref_squeeze %dma_start3A_305 : memref<1x40x128xf32, #tpu.memory_space<hbm>> -> memref<40x128xf32, #tpu.memory_space<hbm>>
      tpu.enqueue_dma source(%arg10 : memref<40x128xf32, #tpu.memory_space<vmem>>) target(%dma_start3A_306 : memref<40x128xf32, #tpu.memory_space<hbm>>) target_semaphore(%run_scoped3A : memref<!tpu.dma_semaphore, #tpu.memory_space<semaphore_mem>>)
      %dma_wait3A_307 = arith.constant 0 : i32
      %dma_wait3A_308 = tpu.memref_slice %arg6[%arg0, %add3A_264, %dma_wait3A_307] : memref<2x10240x128xf32, #tpu.memory_space<hbm>> -> memref<1x40x128xf32, #tpu.memory_space<hbm>>
      %dma_wait3A_309 = tpu.memref_squeeze %dma_wait3A_308 : memref<1x40x128xf32, #tpu.memory_space<hbm>> -> memref<40x128xf32, #tpu.memory_space<hbm>>
      %dma_wait3A_310 = arith.constant 0 : i32
      %dma_wait3A_311 = tpu.memref_slice %arg6[%arg0, %add3A_264, %dma_wait3A_310] : memref<2x10240x128xf32, #tpu.memory_space<hbm>> -> memref<1x40x128xf32, #tpu.memory_space<hbm>>
      %dma_wait3A_312 = tpu.memref_squeeze %dma_wait3A_311 : memref<1x40x128xf32, #tpu.memory_space<hbm>> -> memref<40x128xf32, #tpu.memory_space<hbm>>
      tpu.wait_dma2 semaphore(%run_scoped3A : memref<!tpu.dma_semaphore, #tpu.memory_space<semaphore_mem>>) src(%arg10 : memref<40x128xf32, #tpu.memory_space<vmem>>) dst(%dma_wait3A_312 : memref<40x128xf32, #tpu.memory_space<hbm>>)
      tpu.yield
    }) : () -> ()
    %mul3A_265 = arith.constant 640 : i32
    %mul3A_266 = arith.muli %arg1, %mul3A_265 : i32
    %add3A_267 = arith.constant 280 : i32
    %add3A_268 = arith.addi %mul3A_266, %add3A_267 : i32
    "tpu.region"() ({
      %run_scoped3A = tpu.sem_alloc : memref<!tpu.dma_semaphore, #tpu.memory_space<semaphore_mem>>
      %dma_start3A_301 = arith.constant 0 : i32
      %dma_start3A_302 = tpu.memref_slice %arg7[%add3A_268, %dma_start3A_301] : memref<10240x128xf32, #tpu.memory_space<vmem_shared>> -> memref<40x128xf32, #tpu.memory_space<vmem_shared>>
      %dma_start3A_303 = arith.constant 0 : i32
      %dma_start3A_304 = tpu.memref_slice %arg7[%add3A_268, %dma_start3A_303] : memref<10240x128xf32, #tpu.memory_space<vmem_shared>> -> memref<40x128xf32, #tpu.memory_space<vmem_shared>>
      tpu.enqueue_dma source(%dma_start3A_304 : memref<40x128xf32, #tpu.memory_space<vmem_shared>>) target(%arg10 : memref<40x128xf32, #tpu.memory_space<vmem>>) target_semaphore(%run_scoped3A : memref<!tpu.dma_semaphore, #tpu.memory_space<semaphore_mem>>)
      %dma_wait3A_305 = arith.constant 0 : i32
      %dma_wait3A_306 = tpu.memref_slice %arg7[%add3A_268, %dma_wait3A_305] : memref<10240x128xf32, #tpu.memory_space<vmem_shared>> -> memref<40x128xf32, #tpu.memory_space<vmem_shared>>
      %dma_wait3A_307 = arith.constant 0 : i32
      %dma_wait3A_308 = tpu.memref_slice %arg7[%add3A_268, %dma_wait3A_307] : memref<10240x128xf32, #tpu.memory_space<vmem_shared>> -> memref<40x128xf32, #tpu.memory_space<vmem_shared>>
      tpu.wait_dma2 semaphore(%run_scoped3A : memref<!tpu.dma_semaphore, #tpu.memory_space<semaphore_mem>>) src(%dma_wait3A_308 : memref<40x128xf32, #tpu.memory_space<vmem_shared>>) dst(%arg10 : memref<40x128xf32, #tpu.memory_space<vmem>>)
      tpu.yield
    }) : () -> ()
    "tpu.region"() ({
      %run_scoped3A = tpu.sem_alloc : memref<!tpu.dma_semaphore, #tpu.memory_space<semaphore_mem>>
      %dma_start3A_301 = arith.constant 0 : i32
      %dma_start3A_302 = tpu.memref_slice %arg6[%arg0, %add3A_268, %dma_start3A_301] : memref<2x10240x128xf32, #tpu.memory_space<hbm>> -> memref<1x40x128xf32, #tpu.memory_space<hbm>>
      %dma_start3A_303 = tpu.memref_squeeze %dma_start3A_302 : memref<1x40x128xf32, #tpu.memory_space<hbm>> -> memref<40x128xf32, #tpu.memory_space<hbm>>
      %dma_start3A_304 = arith.constant 0 : i32
      %dma_start3A_305 = tpu.memref_slice %arg6[%arg0, %add3A_268, %dma_start3A_304] : memref<2x10240x128xf32, #tpu.memory_space<hbm>> -> memref<1x40x128xf32, #tpu.memory_space<hbm>>
      %dma_start3A_306 = tpu.memref_squeeze %dma_start3A_305 : memref<1x40x128xf32, #tpu.memory_space<hbm>> -> memref<40x128xf32, #tpu.memory_space<hbm>>
      tpu.enqueue_dma source(%arg10 : memref<40x128xf32, #tpu.memory_space<vmem>>) target(%dma_start3A_306 : memref<40x128xf32, #tpu.memory_space<hbm>>) target_semaphore(%run_scoped3A : memref<!tpu.dma_semaphore, #tpu.memory_space<semaphore_mem>>)
      %dma_wait3A_307 = arith.constant 0 : i32
      %dma_wait3A_308 = tpu.memref_slice %arg6[%arg0, %add3A_268, %dma_wait3A_307] : memref<2x10240x128xf32, #tpu.memory_space<hbm>> -> memref<1x40x128xf32, #tpu.memory_space<hbm>>
      %dma_wait3A_309 = tpu.memref_squeeze %dma_wait3A_308 : memref<1x40x128xf32, #tpu.memory_space<hbm>> -> memref<40x128xf32, #tpu.memory_space<hbm>>
      %dma_wait3A_310 = arith.constant 0 : i32
      %dma_wait3A_311 = tpu.memref_slice %arg6[%arg0, %add3A_268, %dma_wait3A_310] : memref<2x10240x128xf32, #tpu.memory_space<hbm>> -> memref<1x40x128xf32, #tpu.memory_space<hbm>>
      %dma_wait3A_312 = tpu.memref_squeeze %dma_wait3A_311 : memref<1x40x128xf32, #tpu.memory_space<hbm>> -> memref<40x128xf32, #tpu.memory_space<hbm>>
      tpu.wait_dma2 semaphore(%run_scoped3A : memref<!tpu.dma_semaphore, #tpu.memory_space<semaphore_mem>>) src(%arg10 : memref<40x128xf32, #tpu.memory_space<vmem>>) dst(%dma_wait3A_312 : memref<40x128xf32, #tpu.memory_space<hbm>>)
      tpu.yield
    }) : () -> ()
    %mul3A_269 = arith.constant 640 : i32
    %mul3A_270 = arith.muli %arg1, %mul3A_269 : i32
    %add3A_271 = arith.constant 320 : i32
    %add3A_272 = arith.addi %mul3A_270, %add3A_271 : i32
    "tpu.region"() ({
      %run_scoped3A = tpu.sem_alloc : memref<!tpu.dma_semaphore, #tpu.memory_space<semaphore_mem>>
      %dma_start3A_301 = arith.constant 0 : i32
      %dma_start3A_302 = tpu.memref_slice %arg7[%add3A_272, %dma_start3A_301] : memref<10240x128xf32, #tpu.memory_space<vmem_shared>> -> memref<40x128xf32, #tpu.memory_space<vmem_shared>>
      %dma_start3A_303 = arith.constant 0 : i32
      %dma_start3A_304 = tpu.memref_slice %arg7[%add3A_272, %dma_start3A_303] : memref<10240x128xf32, #tpu.memory_space<vmem_shared>> -> memref<40x128xf32, #tpu.memory_space<vmem_shared>>
      tpu.enqueue_dma source(%dma_start3A_304 : memref<40x128xf32, #tpu.memory_space<vmem_shared>>) target(%arg10 : memref<40x128xf32, #tpu.memory_space<vmem>>) target_semaphore(%run_scoped3A : memref<!tpu.dma_semaphore, #tpu.memory_space<semaphore_mem>>)
      %dma_wait3A_305 = arith.constant 0 : i32
      %dma_wait3A_306 = tpu.memref_slice %arg7[%add3A_272, %dma_wait3A_305] : memref<10240x128xf32, #tpu.memory_space<vmem_shared>> -> memref<40x128xf32, #tpu.memory_space<vmem_shared>>
      %dma_wait3A_307 = arith.constant 0 : i32
      %dma_wait3A_308 = tpu.memref_slice %arg7[%add3A_272, %dma_wait3A_307] : memref<10240x128xf32, #tpu.memory_space<vmem_shared>> -> memref<40x128xf32, #tpu.memory_space<vmem_shared>>
      tpu.wait_dma2 semaphore(%run_scoped3A : memref<!tpu.dma_semaphore, #tpu.memory_space<semaphore_mem>>) src(%dma_wait3A_308 : memref<40x128xf32, #tpu.memory_space<vmem_shared>>) dst(%arg10 : memref<40x128xf32, #tpu.memory_space<vmem>>)
      tpu.yield
    }) : () -> ()
    "tpu.region"() ({
      %run_scoped3A = tpu.sem_alloc : memref<!tpu.dma_semaphore, #tpu.memory_space<semaphore_mem>>
      %dma_start3A_301 = arith.constant 0 : i32
      %dma_start3A_302 = tpu.memref_slice %arg6[%arg0, %add3A_272, %dma_start3A_301] : memref<2x10240x128xf32, #tpu.memory_space<hbm>> -> memref<1x40x128xf32, #tpu.memory_space<hbm>>
      %dma_start3A_303 = tpu.memref_squeeze %dma_start3A_302 : memref<1x40x128xf32, #tpu.memory_space<hbm>> -> memref<40x128xf32, #tpu.memory_space<hbm>>
      %dma_start3A_304 = arith.constant 0 : i32
      %dma_start3A_305 = tpu.memref_slice %arg6[%arg0, %add3A_272, %dma_start3A_304] : memref<2x10240x128xf32, #tpu.memory_space<hbm>> -> memref<1x40x128xf32, #tpu.memory_space<hbm>>
      %dma_start3A_306 = tpu.memref_squeeze %dma_start3A_305 : memref<1x40x128xf32, #tpu.memory_space<hbm>> -> memref<40x128xf32, #tpu.memory_space<hbm>>
      tpu.enqueue_dma source(%arg10 : memref<40x128xf32, #tpu.memory_space<vmem>>) target(%dma_start3A_306 : memref<40x128xf32, #tpu.memory_space<hbm>>) target_semaphore(%run_scoped3A : memref<!tpu.dma_semaphore, #tpu.memory_space<semaphore_mem>>)
      %dma_wait3A_307 = arith.constant 0 : i32
      %dma_wait3A_308 = tpu.memref_slice %arg6[%arg0, %add3A_272, %dma_wait3A_307] : memref<2x10240x128xf32, #tpu.memory_space<hbm>> -> memref<1x40x128xf32, #tpu.memory_space<hbm>>
      %dma_wait3A_309 = tpu.memref_squeeze %dma_wait3A_308 : memref<1x40x128xf32, #tpu.memory_space<hbm>> -> memref<40x128xf32, #tpu.memory_space<hbm>>
      %dma_wait3A_310 = arith.constant 0 : i32
      %dma_wait3A_311 = tpu.memref_slice %arg6[%arg0, %add3A_272, %dma_wait3A_310] : memref<2x10240x128xf32, #tpu.memory_space<hbm>> -> memref<1x40x128xf32, #tpu.memory_space<hbm>>
      %dma_wait3A_312 = tpu.memref_squeeze %dma_wait3A_311 : memref<1x40x128xf32, #tpu.memory_space<hbm>> -> memref<40x128xf32, #tpu.memory_space<hbm>>
      tpu.wait_dma2 semaphore(%run_scoped3A : memref<!tpu.dma_semaphore, #tpu.memory_space<semaphore_mem>>) src(%arg10 : memref<40x128xf32, #tpu.memory_space<vmem>>) dst(%dma_wait3A_312 : memref<40x128xf32, #tpu.memory_space<hbm>>)
      tpu.yield
    }) : () -> ()
    %mul3A_273 = arith.constant 640 : i32
    %mul3A_274 = arith.muli %arg1, %mul3A_273 : i32
    %add3A_275 = arith.constant 360 : i32
    %add3A_276 = arith.addi %mul3A_274, %add3A_275 : i32
    "tpu.region"() ({
      %run_scoped3A = tpu.sem_alloc : memref<!tpu.dma_semaphore, #tpu.memory_space<semaphore_mem>>
      %dma_start3A_301 = arith.constant 0 : i32
      %dma_start3A_302 = tpu.memref_slice %arg7[%add3A_276, %dma_start3A_301] : memref<10240x128xf32, #tpu.memory_space<vmem_shared>> -> memref<40x128xf32, #tpu.memory_space<vmem_shared>>
      %dma_start3A_303 = arith.constant 0 : i32
      %dma_start3A_304 = tpu.memref_slice %arg7[%add3A_276, %dma_start3A_303] : memref<10240x128xf32, #tpu.memory_space<vmem_shared>> -> memref<40x128xf32, #tpu.memory_space<vmem_shared>>
      tpu.enqueue_dma source(%dma_start3A_304 : memref<40x128xf32, #tpu.memory_space<vmem_shared>>) target(%arg10 : memref<40x128xf32, #tpu.memory_space<vmem>>) target_semaphore(%run_scoped3A : memref<!tpu.dma_semaphore, #tpu.memory_space<semaphore_mem>>)
      %dma_wait3A_305 = arith.constant 0 : i32
      %dma_wait3A_306 = tpu.memref_slice %arg7[%add3A_276, %dma_wait3A_305] : memref<10240x128xf32, #tpu.memory_space<vmem_shared>> -> memref<40x128xf32, #tpu.memory_space<vmem_shared>>
      %dma_wait3A_307 = arith.constant 0 : i32
      %dma_wait3A_308 = tpu.memref_slice %arg7[%add3A_276, %dma_wait3A_307] : memref<10240x128xf32, #tpu.memory_space<vmem_shared>> -> memref<40x128xf32, #tpu.memory_space<vmem_shared>>
      tpu.wait_dma2 semaphore(%run_scoped3A : memref<!tpu.dma_semaphore, #tpu.memory_space<semaphore_mem>>) src(%dma_wait3A_308 : memref<40x128xf32, #tpu.memory_space<vmem_shared>>) dst(%arg10 : memref<40x128xf32, #tpu.memory_space<vmem>>)
      tpu.yield
    }) : () -> ()
    "tpu.region"() ({
      %run_scoped3A = tpu.sem_alloc : memref<!tpu.dma_semaphore, #tpu.memory_space<semaphore_mem>>
      %dma_start3A_301 = arith.constant 0 : i32
      %dma_start3A_302 = tpu.memref_slice %arg6[%arg0, %add3A_276, %dma_start3A_301] : memref<2x10240x128xf32, #tpu.memory_space<hbm>> -> memref<1x40x128xf32, #tpu.memory_space<hbm>>
      %dma_start3A_303 = tpu.memref_squeeze %dma_start3A_302 : memref<1x40x128xf32, #tpu.memory_space<hbm>> -> memref<40x128xf32, #tpu.memory_space<hbm>>
      %dma_start3A_304 = arith.constant 0 : i32
      %dma_start3A_305 = tpu.memref_slice %arg6[%arg0, %add3A_276, %dma_start3A_304] : memref<2x10240x128xf32, #tpu.memory_space<hbm>> -> memref<1x40x128xf32, #tpu.memory_space<hbm>>
      %dma_start3A_306 = tpu.memref_squeeze %dma_start3A_305 : memref<1x40x128xf32, #tpu.memory_space<hbm>> -> memref<40x128xf32, #tpu.memory_space<hbm>>
      tpu.enqueue_dma source(%arg10 : memref<40x128xf32, #tpu.memory_space<vmem>>) target(%dma_start3A_306 : memref<40x128xf32, #tpu.memory_space<hbm>>) target_semaphore(%run_scoped3A : memref<!tpu.dma_semaphore, #tpu.memory_space<semaphore_mem>>)
      %dma_wait3A_307 = arith.constant 0 : i32
      %dma_wait3A_308 = tpu.memref_slice %arg6[%arg0, %add3A_276, %dma_wait3A_307] : memref<2x10240x128xf32, #tpu.memory_space<hbm>> -> memref<1x40x128xf32, #tpu.memory_space<hbm>>
      %dma_wait3A_309 = tpu.memref_squeeze %dma_wait3A_308 : memref<1x40x128xf32, #tpu.memory_space<hbm>> -> memref<40x128xf32, #tpu.memory_space<hbm>>
      %dma_wait3A_310 = arith.constant 0 : i32
      %dma_wait3A_311 = tpu.memref_slice %arg6[%arg0, %add3A_276, %dma_wait3A_310] : memref<2x10240x128xf32, #tpu.memory_space<hbm>> -> memref<1x40x128xf32, #tpu.memory_space<hbm>>
      %dma_wait3A_312 = tpu.memref_squeeze %dma_wait3A_311 : memref<1x40x128xf32, #tpu.memory_space<hbm>> -> memref<40x128xf32, #tpu.memory_space<hbm>>
      tpu.wait_dma2 semaphore(%run_scoped3A : memref<!tpu.dma_semaphore, #tpu.memory_space<semaphore_mem>>) src(%arg10 : memref<40x128xf32, #tpu.memory_space<vmem>>) dst(%dma_wait3A_312 : memref<40x128xf32, #tpu.memory_space<hbm>>)
      tpu.yield
    }) : () -> ()
    %mul3A_277 = arith.constant 640 : i32
    %mul3A_278 = arith.muli %arg1, %mul3A_277 : i32
    %add3A_279 = arith.constant 400 : i32
    %add3A_280 = arith.addi %mul3A_278, %add3A_279 : i32
    "tpu.region"() ({
      %run_scoped3A = tpu.sem_alloc : memref<!tpu.dma_semaphore, #tpu.memory_space<semaphore_mem>>
      %dma_start3A_301 = arith.constant 0 : i32
      %dma_start3A_302 = tpu.memref_slice %arg7[%add3A_280, %dma_start3A_301] : memref<10240x128xf32, #tpu.memory_space<vmem_shared>> -> memref<40x128xf32, #tpu.memory_space<vmem_shared>>
      %dma_start3A_303 = arith.constant 0 : i32
      %dma_start3A_304 = tpu.memref_slice %arg7[%add3A_280, %dma_start3A_303] : memref<10240x128xf32, #tpu.memory_space<vmem_shared>> -> memref<40x128xf32, #tpu.memory_space<vmem_shared>>
      tpu.enqueue_dma source(%dma_start3A_304 : memref<40x128xf32, #tpu.memory_space<vmem_shared>>) target(%arg10 : memref<40x128xf32, #tpu.memory_space<vmem>>) target_semaphore(%run_scoped3A : memref<!tpu.dma_semaphore, #tpu.memory_space<semaphore_mem>>)
      %dma_wait3A_305 = arith.constant 0 : i32
      %dma_wait3A_306 = tpu.memref_slice %arg7[%add3A_280, %dma_wait3A_305] : memref<10240x128xf32, #tpu.memory_space<vmem_shared>> -> memref<40x128xf32, #tpu.memory_space<vmem_shared>>
      %dma_wait3A_307 = arith.constant 0 : i32
      %dma_wait3A_308 = tpu.memref_slice %arg7[%add3A_280, %dma_wait3A_307] : memref<10240x128xf32, #tpu.memory_space<vmem_shared>> -> memref<40x128xf32, #tpu.memory_space<vmem_shared>>
      tpu.wait_dma2 semaphore(%run_scoped3A : memref<!tpu.dma_semaphore, #tpu.memory_space<semaphore_mem>>) src(%dma_wait3A_308 : memref<40x128xf32, #tpu.memory_space<vmem_shared>>) dst(%arg10 : memref<40x128xf32, #tpu.memory_space<vmem>>)
      tpu.yield
    }) : () -> ()
    "tpu.region"() ({
      %run_scoped3A = tpu.sem_alloc : memref<!tpu.dma_semaphore, #tpu.memory_space<semaphore_mem>>
      %dma_start3A_301 = arith.constant 0 : i32
      %dma_start3A_302 = tpu.memref_slice %arg6[%arg0, %add3A_280, %dma_start3A_301] : memref<2x10240x128xf32, #tpu.memory_space<hbm>> -> memref<1x40x128xf32, #tpu.memory_space<hbm>>
      %dma_start3A_303 = tpu.memref_squeeze %dma_start3A_302 : memref<1x40x128xf32, #tpu.memory_space<hbm>> -> memref<40x128xf32, #tpu.memory_space<hbm>>
      %dma_start3A_304 = arith.constant 0 : i32
      %dma_start3A_305 = tpu.memref_slice %arg6[%arg0, %add3A_280, %dma_start3A_304] : memref<2x10240x128xf32, #tpu.memory_space<hbm>> -> memref<1x40x128xf32, #tpu.memory_space<hbm>>
      %dma_start3A_306 = tpu.memref_squeeze %dma_start3A_305 : memref<1x40x128xf32, #tpu.memory_space<hbm>> -> memref<40x128xf32, #tpu.memory_space<hbm>>
      tpu.enqueue_dma source(%arg10 : memref<40x128xf32, #tpu.memory_space<vmem>>) target(%dma_start3A_306 : memref<40x128xf32, #tpu.memory_space<hbm>>) target_semaphore(%run_scoped3A : memref<!tpu.dma_semaphore, #tpu.memory_space<semaphore_mem>>)
      %dma_wait3A_307 = arith.constant 0 : i32
      %dma_wait3A_308 = tpu.memref_slice %arg6[%arg0, %add3A_280, %dma_wait3A_307] : memref<2x10240x128xf32, #tpu.memory_space<hbm>> -> memref<1x40x128xf32, #tpu.memory_space<hbm>>
      %dma_wait3A_309 = tpu.memref_squeeze %dma_wait3A_308 : memref<1x40x128xf32, #tpu.memory_space<hbm>> -> memref<40x128xf32, #tpu.memory_space<hbm>>
      %dma_wait3A_310 = arith.constant 0 : i32
      %dma_wait3A_311 = tpu.memref_slice %arg6[%arg0, %add3A_280, %dma_wait3A_310] : memref<2x10240x128xf32, #tpu.memory_space<hbm>> -> memref<1x40x128xf32, #tpu.memory_space<hbm>>
      %dma_wait3A_312 = tpu.memref_squeeze %dma_wait3A_311 : memref<1x40x128xf32, #tpu.memory_space<hbm>> -> memref<40x128xf32, #tpu.memory_space<hbm>>
      tpu.wait_dma2 semaphore(%run_scoped3A : memref<!tpu.dma_semaphore, #tpu.memory_space<semaphore_mem>>) src(%arg10 : memref<40x128xf32, #tpu.memory_space<vmem>>) dst(%dma_wait3A_312 : memref<40x128xf32, #tpu.memory_space<hbm>>)
      tpu.yield
    }) : () -> ()
    %mul3A_281 = arith.constant 640 : i32
    %mul3A_282 = arith.muli %arg1, %mul3A_281 : i32
    %add3A_283 = arith.constant 440 : i32
    %add3A_284 = arith.addi %mul3A_282, %add3A_283 : i32
    "tpu.region"() ({
      %run_scoped3A = tpu.sem_alloc : memref<!tpu.dma_semaphore, #tpu.memory_space<semaphore_mem>>
      %dma_start3A_301 = arith.constant 0 : i32
      %dma_start3A_302 = tpu.memref_slice %arg7[%add3A_284, %dma_start3A_301] : memref<10240x128xf32, #tpu.memory_space<vmem_shared>> -> memref<40x128xf32, #tpu.memory_space<vmem_shared>>
      %dma_start3A_303 = arith.constant 0 : i32
      %dma_start3A_304 = tpu.memref_slice %arg7[%add3A_284, %dma_start3A_303] : memref<10240x128xf32, #tpu.memory_space<vmem_shared>> -> memref<40x128xf32, #tpu.memory_space<vmem_shared>>
      tpu.enqueue_dma source(%dma_start3A_304 : memref<40x128xf32, #tpu.memory_space<vmem_shared>>) target(%arg10 : memref<40x128xf32, #tpu.memory_space<vmem>>) target_semaphore(%run_scoped3A : memref<!tpu.dma_semaphore, #tpu.memory_space<semaphore_mem>>)
      %dma_wait3A_305 = arith.constant 0 : i32
      %dma_wait3A_306 = tpu.memref_slice %arg7[%add3A_284, %dma_wait3A_305] : memref<10240x128xf32, #tpu.memory_space<vmem_shared>> -> memref<40x128xf32, #tpu.memory_space<vmem_shared>>
      %dma_wait3A_307 = arith.constant 0 : i32
      %dma_wait3A_308 = tpu.memref_slice %arg7[%add3A_284, %dma_wait3A_307] : memref<10240x128xf32, #tpu.memory_space<vmem_shared>> -> memref<40x128xf32, #tpu.memory_space<vmem_shared>>
      tpu.wait_dma2 semaphore(%run_scoped3A : memref<!tpu.dma_semaphore, #tpu.memory_space<semaphore_mem>>) src(%dma_wait3A_308 : memref<40x128xf32, #tpu.memory_space<vmem_shared>>) dst(%arg10 : memref<40x128xf32, #tpu.memory_space<vmem>>)
      tpu.yield
    }) : () -> ()
    "tpu.region"() ({
      %run_scoped3A = tpu.sem_alloc : memref<!tpu.dma_semaphore, #tpu.memory_space<semaphore_mem>>
      %dma_start3A_301 = arith.constant 0 : i32
      %dma_start3A_302 = tpu.memref_slice %arg6[%arg0, %add3A_284, %dma_start3A_301] : memref<2x10240x128xf32, #tpu.memory_space<hbm>> -> memref<1x40x128xf32, #tpu.memory_space<hbm>>
      %dma_start3A_303 = tpu.memref_squeeze %dma_start3A_302 : memref<1x40x128xf32, #tpu.memory_space<hbm>> -> memref<40x128xf32, #tpu.memory_space<hbm>>
      %dma_start3A_304 = arith.constant 0 : i32
      %dma_start3A_305 = tpu.memref_slice %arg6[%arg0, %add3A_284, %dma_start3A_304] : memref<2x10240x128xf32, #tpu.memory_space<hbm>> -> memref<1x40x128xf32, #tpu.memory_space<hbm>>
      %dma_start3A_306 = tpu.memref_squeeze %dma_start3A_305 : memref<1x40x128xf32, #tpu.memory_space<hbm>> -> memref<40x128xf32, #tpu.memory_space<hbm>>
      tpu.enqueue_dma source(%arg10 : memref<40x128xf32, #tpu.memory_space<vmem>>) target(%dma_start3A_306 : memref<40x128xf32, #tpu.memory_space<hbm>>) target_semaphore(%run_scoped3A : memref<!tpu.dma_semaphore, #tpu.memory_space<semaphore_mem>>)
      %dma_wait3A_307 = arith.constant 0 : i32
      %dma_wait3A_308 = tpu.memref_slice %arg6[%arg0, %add3A_284, %dma_wait3A_307] : memref<2x10240x128xf32, #tpu.memory_space<hbm>> -> memref<1x40x128xf32, #tpu.memory_space<hbm>>
      %dma_wait3A_309 = tpu.memref_squeeze %dma_wait3A_308 : memref<1x40x128xf32, #tpu.memory_space<hbm>> -> memref<40x128xf32, #tpu.memory_space<hbm>>
      %dma_wait3A_310 = arith.constant 0 : i32
      %dma_wait3A_311 = tpu.memref_slice %arg6[%arg0, %add3A_284, %dma_wait3A_310] : memref<2x10240x128xf32, #tpu.memory_space<hbm>> -> memref<1x40x128xf32, #tpu.memory_space<hbm>>
      %dma_wait3A_312 = tpu.memref_squeeze %dma_wait3A_311 : memref<1x40x128xf32, #tpu.memory_space<hbm>> -> memref<40x128xf32, #tpu.memory_space<hbm>>
      tpu.wait_dma2 semaphore(%run_scoped3A : memref<!tpu.dma_semaphore, #tpu.memory_space<semaphore_mem>>) src(%arg10 : memref<40x128xf32, #tpu.memory_space<vmem>>) dst(%dma_wait3A_312 : memref<40x128xf32, #tpu.memory_space<hbm>>)
      tpu.yield
    }) : () -> ()
    %mul3A_285 = arith.constant 640 : i32
    %mul3A_286 = arith.muli %arg1, %mul3A_285 : i32
    %add3A_287 = arith.constant 480 : i32
    %add3A_288 = arith.addi %mul3A_286, %add3A_287 : i32
    "tpu.region"() ({
      %run_scoped3A = tpu.sem_alloc : memref<!tpu.dma_semaphore, #tpu.memory_space<semaphore_mem>>
      %dma_start3A_301 = arith.constant 0 : i32
      %dma_start3A_302 = tpu.memref_slice %arg7[%add3A_288, %dma_start3A_301] : memref<10240x128xf32, #tpu.memory_space<vmem_shared>> -> memref<40x128xf32, #tpu.memory_space<vmem_shared>>
      %dma_start3A_303 = arith.constant 0 : i32
      %dma_start3A_304 = tpu.memref_slice %arg7[%add3A_288, %dma_start3A_303] : memref<10240x128xf32, #tpu.memory_space<vmem_shared>> -> memref<40x128xf32, #tpu.memory_space<vmem_shared>>
      tpu.enqueue_dma source(%dma_start3A_304 : memref<40x128xf32, #tpu.memory_space<vmem_shared>>) target(%arg10 : memref<40x128xf32, #tpu.memory_space<vmem>>) target_semaphore(%run_scoped3A : memref<!tpu.dma_semaphore, #tpu.memory_space<semaphore_mem>>)
      %dma_wait3A_305 = arith.constant 0 : i32
      %dma_wait3A_306 = tpu.memref_slice %arg7[%add3A_288, %dma_wait3A_305] : memref<10240x128xf32, #tpu.memory_space<vmem_shared>> -> memref<40x128xf32, #tpu.memory_space<vmem_shared>>
      %dma_wait3A_307 = arith.constant 0 : i32
      %dma_wait3A_308 = tpu.memref_slice %arg7[%add3A_288, %dma_wait3A_307] : memref<10240x128xf32, #tpu.memory_space<vmem_shared>> -> memref<40x128xf32, #tpu.memory_space<vmem_shared>>
      tpu.wait_dma2 semaphore(%run_scoped3A : memref<!tpu.dma_semaphore, #tpu.memory_space<semaphore_mem>>) src(%dma_wait3A_308 : memref<40x128xf32, #tpu.memory_space<vmem_shared>>) dst(%arg10 : memref<40x128xf32, #tpu.memory_space<vmem>>)
      tpu.yield
    }) : () -> ()
    "tpu.region"() ({
      %run_scoped3A = tpu.sem_alloc : memref<!tpu.dma_semaphore, #tpu.memory_space<semaphore_mem>>
      %dma_start3A_301 = arith.constant 0 : i32
      %dma_start3A_302 = tpu.memref_slice %arg6[%arg0, %add3A_288, %dma_start3A_301] : memref<2x10240x128xf32, #tpu.memory_space<hbm>> -> memref<1x40x128xf32, #tpu.memory_space<hbm>>
      %dma_start3A_303 = tpu.memref_squeeze %dma_start3A_302 : memref<1x40x128xf32, #tpu.memory_space<hbm>> -> memref<40x128xf32, #tpu.memory_space<hbm>>
      %dma_start3A_304 = arith.constant 0 : i32
      %dma_start3A_305 = tpu.memref_slice %arg6[%arg0, %add3A_288, %dma_start3A_304] : memref<2x10240x128xf32, #tpu.memory_space<hbm>> -> memref<1x40x128xf32, #tpu.memory_space<hbm>>
      %dma_start3A_306 = tpu.memref_squeeze %dma_start3A_305 : memref<1x40x128xf32, #tpu.memory_space<hbm>> -> memref<40x128xf32, #tpu.memory_space<hbm>>
      tpu.enqueue_dma source(%arg10 : memref<40x128xf32, #tpu.memory_space<vmem>>) target(%dma_start3A_306 : memref<40x128xf32, #tpu.memory_space<hbm>>) target_semaphore(%run_scoped3A : memref<!tpu.dma_semaphore, #tpu.memory_space<semaphore_mem>>)
      %dma_wait3A_307 = arith.constant 0 : i32
      %dma_wait3A_308 = tpu.memref_slice %arg6[%arg0, %add3A_288, %dma_wait3A_307] : memref<2x10240x128xf32, #tpu.memory_space<hbm>> -> memref<1x40x128xf32, #tpu.memory_space<hbm>>
      %dma_wait3A_309 = tpu.memref_squeeze %dma_wait3A_308 : memref<1x40x128xf32, #tpu.memory_space<hbm>> -> memref<40x128xf32, #tpu.memory_space<hbm>>
      %dma_wait3A_310 = arith.constant 0 : i32
      %dma_wait3A_311 = tpu.memref_slice %arg6[%arg0, %add3A_288, %dma_wait3A_310] : memref<2x10240x128xf32, #tpu.memory_space<hbm>> -> memref<1x40x128xf32, #tpu.memory_space<hbm>>
      %dma_wait3A_312 = tpu.memref_squeeze %dma_wait3A_311 : memref<1x40x128xf32, #tpu.memory_space<hbm>> -> memref<40x128xf32, #tpu.memory_space<hbm>>
      tpu.wait_dma2 semaphore(%run_scoped3A : memref<!tpu.dma_semaphore, #tpu.memory_space<semaphore_mem>>) src(%arg10 : memref<40x128xf32, #tpu.memory_space<vmem>>) dst(%dma_wait3A_312 : memref<40x128xf32, #tpu.memory_space<hbm>>)
      tpu.yield
    }) : () -> ()
    %mul3A_289 = arith.constant 640 : i32
    %mul3A_290 = arith.muli %arg1, %mul3A_289 : i32
    %add3A_291 = arith.constant 520 : i32
    %add3A_292 = arith.addi %mul3A_290, %add3A_291 : i32
    "tpu.region"() ({
      %run_scoped3A = tpu.sem_alloc : memref<!tpu.dma_semaphore, #tpu.memory_space<semaphore_mem>>
      %dma_start3A_301 = arith.constant 0 : i32
      %dma_start3A_302 = tpu.memref_slice %arg7[%add3A_292, %dma_start3A_301] : memref<10240x128xf32, #tpu.memory_space<vmem_shared>> -> memref<40x128xf32, #tpu.memory_space<vmem_shared>>
      %dma_start3A_303 = arith.constant 0 : i32
      %dma_start3A_304 = tpu.memref_slice %arg7[%add3A_292, %dma_start3A_303] : memref<10240x128xf32, #tpu.memory_space<vmem_shared>> -> memref<40x128xf32, #tpu.memory_space<vmem_shared>>
      tpu.enqueue_dma source(%dma_start3A_304 : memref<40x128xf32, #tpu.memory_space<vmem_shared>>) target(%arg10 : memref<40x128xf32, #tpu.memory_space<vmem>>) target_semaphore(%run_scoped3A : memref<!tpu.dma_semaphore, #tpu.memory_space<semaphore_mem>>)
      %dma_wait3A_305 = arith.constant 0 : i32
      %dma_wait3A_306 = tpu.memref_slice %arg7[%add3A_292, %dma_wait3A_305] : memref<10240x128xf32, #tpu.memory_space<vmem_shared>> -> memref<40x128xf32, #tpu.memory_space<vmem_shared>>
      %dma_wait3A_307 = arith.constant 0 : i32
      %dma_wait3A_308 = tpu.memref_slice %arg7[%add3A_292, %dma_wait3A_307] : memref<10240x128xf32, #tpu.memory_space<vmem_shared>> -> memref<40x128xf32, #tpu.memory_space<vmem_shared>>
      tpu.wait_dma2 semaphore(%run_scoped3A : memref<!tpu.dma_semaphore, #tpu.memory_space<semaphore_mem>>) src(%dma_wait3A_308 : memref<40x128xf32, #tpu.memory_space<vmem_shared>>) dst(%arg10 : memref<40x128xf32, #tpu.memory_space<vmem>>)
      tpu.yield
    }) : () -> ()
    "tpu.region"() ({
      %run_scoped3A = tpu.sem_alloc : memref<!tpu.dma_semaphore, #tpu.memory_space<semaphore_mem>>
      %dma_start3A_301 = arith.constant 0 : i32
      %dma_start3A_302 = tpu.memref_slice %arg6[%arg0, %add3A_292, %dma_start3A_301] : memref<2x10240x128xf32, #tpu.memory_space<hbm>> -> memref<1x40x128xf32, #tpu.memory_space<hbm>>
      %dma_start3A_303 = tpu.memref_squeeze %dma_start3A_302 : memref<1x40x128xf32, #tpu.memory_space<hbm>> -> memref<40x128xf32, #tpu.memory_space<hbm>>
      %dma_start3A_304 = arith.constant 0 : i32
      %dma_start3A_305 = tpu.memref_slice %arg6[%arg0, %add3A_292, %dma_start3A_304] : memref<2x10240x128xf32, #tpu.memory_space<hbm>> -> memref<1x40x128xf32, #tpu.memory_space<hbm>>
      %dma_start3A_306 = tpu.memref_squeeze %dma_start3A_305 : memref<1x40x128xf32, #tpu.memory_space<hbm>> -> memref<40x128xf32, #tpu.memory_space<hbm>>
      tpu.enqueue_dma source(%arg10 : memref<40x128xf32, #tpu.memory_space<vmem>>) target(%dma_start3A_306 : memref<40x128xf32, #tpu.memory_space<hbm>>) target_semaphore(%run_scoped3A : memref<!tpu.dma_semaphore, #tpu.memory_space<semaphore_mem>>)
      %dma_wait3A_307 = arith.constant 0 : i32
      %dma_wait3A_308 = tpu.memref_slice %arg6[%arg0, %add3A_292, %dma_wait3A_307] : memref<2x10240x128xf32, #tpu.memory_space<hbm>> -> memref<1x40x128xf32, #tpu.memory_space<hbm>>
      %dma_wait3A_309 = tpu.memref_squeeze %dma_wait3A_308 : memref<1x40x128xf32, #tpu.memory_space<hbm>> -> memref<40x128xf32, #tpu.memory_space<hbm>>
      %dma_wait3A_310 = arith.constant 0 : i32
      %dma_wait3A_311 = tpu.memref_slice %arg6[%arg0, %add3A_292, %dma_wait3A_310] : memref<2x10240x128xf32, #tpu.memory_space<hbm>> -> memref<1x40x128xf32, #tpu.memory_space<hbm>>
      %dma_wait3A_312 = tpu.memref_squeeze %dma_wait3A_311 : memref<1x40x128xf32, #tpu.memory_space<hbm>> -> memref<40x128xf32, #tpu.memory_space<hbm>>
      tpu.wait_dma2 semaphore(%run_scoped3A : memref<!tpu.dma_semaphore, #tpu.memory_space<semaphore_mem>>) src(%arg10 : memref<40x128xf32, #tpu.memory_space<vmem>>) dst(%dma_wait3A_312 : memref<40x128xf32, #tpu.memory_space<hbm>>)
      tpu.yield
    }) : () -> ()
    %mul3A_293 = arith.constant 640 : i32
    %mul3A_294 = arith.muli %arg1, %mul3A_293 : i32
    %add3A_295 = arith.constant 560 : i32
    %add3A_296 = arith.addi %mul3A_294, %add3A_295 : i32
    "tpu.region"() ({
      %run_scoped3A = tpu.sem_alloc : memref<!tpu.dma_semaphore, #tpu.memory_space<semaphore_mem>>
      %dma_start3A_301 = arith.constant 0 : i32
      %dma_start3A_302 = tpu.memref_slice %arg7[%add3A_296, %dma_start3A_301] : memref<10240x128xf32, #tpu.memory_space<vmem_shared>> -> memref<40x128xf32, #tpu.memory_space<vmem_shared>>
      %dma_start3A_303 = arith.constant 0 : i32
      %dma_start3A_304 = tpu.memref_slice %arg7[%add3A_296, %dma_start3A_303] : memref<10240x128xf32, #tpu.memory_space<vmem_shared>> -> memref<40x128xf32, #tpu.memory_space<vmem_shared>>
      tpu.enqueue_dma source(%dma_start3A_304 : memref<40x128xf32, #tpu.memory_space<vmem_shared>>) target(%arg10 : memref<40x128xf32, #tpu.memory_space<vmem>>) target_semaphore(%run_scoped3A : memref<!tpu.dma_semaphore, #tpu.memory_space<semaphore_mem>>)
      %dma_wait3A_305 = arith.constant 0 : i32
      %dma_wait3A_306 = tpu.memref_slice %arg7[%add3A_296, %dma_wait3A_305] : memref<10240x128xf32, #tpu.memory_space<vmem_shared>> -> memref<40x128xf32, #tpu.memory_space<vmem_shared>>
      %dma_wait3A_307 = arith.constant 0 : i32
      %dma_wait3A_308 = tpu.memref_slice %arg7[%add3A_296, %dma_wait3A_307] : memref<10240x128xf32, #tpu.memory_space<vmem_shared>> -> memref<40x128xf32, #tpu.memory_space<vmem_shared>>
      tpu.wait_dma2 semaphore(%run_scoped3A : memref<!tpu.dma_semaphore, #tpu.memory_space<semaphore_mem>>) src(%dma_wait3A_308 : memref<40x128xf32, #tpu.memory_space<vmem_shared>>) dst(%arg10 : memref<40x128xf32, #tpu.memory_space<vmem>>)
      tpu.yield
    }) : () -> ()
    "tpu.region"() ({
      %run_scoped3A = tpu.sem_alloc : memref<!tpu.dma_semaphore, #tpu.memory_space<semaphore_mem>>
      %dma_start3A_301 = arith.constant 0 : i32
      %dma_start3A_302 = tpu.memref_slice %arg6[%arg0, %add3A_296, %dma_start3A_301] : memref<2x10240x128xf32, #tpu.memory_space<hbm>> -> memref<1x40x128xf32, #tpu.memory_space<hbm>>
      %dma_start3A_303 = tpu.memref_squeeze %dma_start3A_302 : memref<1x40x128xf32, #tpu.memory_space<hbm>> -> memref<40x128xf32, #tpu.memory_space<hbm>>
      %dma_start3A_304 = arith.constant 0 : i32
      %dma_start3A_305 = tpu.memref_slice %arg6[%arg0, %add3A_296, %dma_start3A_304] : memref<2x10240x128xf32, #tpu.memory_space<hbm>> -> memref<1x40x128xf32, #tpu.memory_space<hbm>>
      %dma_start3A_306 = tpu.memref_squeeze %dma_start3A_305 : memref<1x40x128xf32, #tpu.memory_space<hbm>> -> memref<40x128xf32, #tpu.memory_space<hbm>>
      tpu.enqueue_dma source(%arg10 : memref<40x128xf32, #tpu.memory_space<vmem>>) target(%dma_start3A_306 : memref<40x128xf32, #tpu.memory_space<hbm>>) target_semaphore(%run_scoped3A : memref<!tpu.dma_semaphore, #tpu.memory_space<semaphore_mem>>)
      %dma_wait3A_307 = arith.constant 0 : i32
      %dma_wait3A_308 = tpu.memref_slice %arg6[%arg0, %add3A_296, %dma_wait3A_307] : memref<2x10240x128xf32, #tpu.memory_space<hbm>> -> memref<1x40x128xf32, #tpu.memory_space<hbm>>
      %dma_wait3A_309 = tpu.memref_squeeze %dma_wait3A_308 : memref<1x40x128xf32, #tpu.memory_space<hbm>> -> memref<40x128xf32, #tpu.memory_space<hbm>>
      %dma_wait3A_310 = arith.constant 0 : i32
      %dma_wait3A_311 = tpu.memref_slice %arg6[%arg0, %add3A_296, %dma_wait3A_310] : memref<2x10240x128xf32, #tpu.memory_space<hbm>> -> memref<1x40x128xf32, #tpu.memory_space<hbm>>
      %dma_wait3A_312 = tpu.memref_squeeze %dma_wait3A_311 : memref<1x40x128xf32, #tpu.memory_space<hbm>> -> memref<40x128xf32, #tpu.memory_space<hbm>>
      tpu.wait_dma2 semaphore(%run_scoped3A : memref<!tpu.dma_semaphore, #tpu.memory_space<semaphore_mem>>) src(%arg10 : memref<40x128xf32, #tpu.memory_space<vmem>>) dst(%dma_wait3A_312 : memref<40x128xf32, #tpu.memory_space<hbm>>)
      tpu.yield
    }) : () -> ()
    %mul3A_297 = arith.constant 640 : i32
    %mul3A_298 = arith.muli %arg1, %mul3A_297 : i32
    %add3A_299 = arith.constant 600 : i32
    %add3A_300 = arith.addi %mul3A_298, %add3A_299 : i32
    "tpu.region"() ({
      %run_scoped3A = tpu.sem_alloc : memref<!tpu.dma_semaphore, #tpu.memory_space<semaphore_mem>>
      %dma_start3A_301 = arith.constant 0 : i32
      %dma_start3A_302 = tpu.memref_slice %arg7[%add3A_300, %dma_start3A_301] : memref<10240x128xf32, #tpu.memory_space<vmem_shared>> -> memref<40x128xf32, #tpu.memory_space<vmem_shared>>
      %dma_start3A_303 = arith.constant 0 : i32
      %dma_start3A_304 = tpu.memref_slice %arg7[%add3A_300, %dma_start3A_303] : memref<10240x128xf32, #tpu.memory_space<vmem_shared>> -> memref<40x128xf32, #tpu.memory_space<vmem_shared>>
      tpu.enqueue_dma source(%dma_start3A_304 : memref<40x128xf32, #tpu.memory_space<vmem_shared>>) target(%arg10 : memref<40x128xf32, #tpu.memory_space<vmem>>) target_semaphore(%run_scoped3A : memref<!tpu.dma_semaphore, #tpu.memory_space<semaphore_mem>>)
      %dma_wait3A_305 = arith.constant 0 : i32
      %dma_wait3A_306 = tpu.memref_slice %arg7[%add3A_300, %dma_wait3A_305] : memref<10240x128xf32, #tpu.memory_space<vmem_shared>> -> memref<40x128xf32, #tpu.memory_space<vmem_shared>>
      %dma_wait3A_307 = arith.constant 0 : i32
      %dma_wait3A_308 = tpu.memref_slice %arg7[%add3A_300, %dma_wait3A_307] : memref<10240x128xf32, #tpu.memory_space<vmem_shared>> -> memref<40x128xf32, #tpu.memory_space<vmem_shared>>
      tpu.wait_dma2 semaphore(%run_scoped3A : memref<!tpu.dma_semaphore, #tpu.memory_space<semaphore_mem>>) src(%dma_wait3A_308 : memref<40x128xf32, #tpu.memory_space<vmem_shared>>) dst(%arg10 : memref<40x128xf32, #tpu.memory_space<vmem>>)
      tpu.yield
    }) : () -> ()
    "tpu.region"() ({
      %run_scoped3A = tpu.sem_alloc : memref<!tpu.dma_semaphore, #tpu.memory_space<semaphore_mem>>
      %dma_start3A_301 = arith.constant 0 : i32
      %dma_start3A_302 = tpu.memref_slice %arg6[%arg0, %add3A_300, %dma_start3A_301] : memref<2x10240x128xf32, #tpu.memory_space<hbm>> -> memref<1x40x128xf32, #tpu.memory_space<hbm>>
      %dma_start3A_303 = tpu.memref_squeeze %dma_start3A_302 : memref<1x40x128xf32, #tpu.memory_space<hbm>> -> memref<40x128xf32, #tpu.memory_space<hbm>>
      %dma_start3A_304 = arith.constant 0 : i32
      %dma_start3A_305 = tpu.memref_slice %arg6[%arg0, %add3A_300, %dma_start3A_304] : memref<2x10240x128xf32, #tpu.memory_space<hbm>> -> memref<1x40x128xf32, #tpu.memory_space<hbm>>
      %dma_start3A_306 = tpu.memref_squeeze %dma_start3A_305 : memref<1x40x128xf32, #tpu.memory_space<hbm>> -> memref<40x128xf32, #tpu.memory_space<hbm>>
      tpu.enqueue_dma source(%arg10 : memref<40x128xf32, #tpu.memory_space<vmem>>) target(%dma_start3A_306 : memref<40x128xf32, #tpu.memory_space<hbm>>) target_semaphore(%run_scoped3A : memref<!tpu.dma_semaphore, #tpu.memory_space<semaphore_mem>>)
      %dma_wait3A_307 = arith.constant 0 : i32
      %dma_wait3A_308 = tpu.memref_slice %arg6[%arg0, %add3A_300, %dma_wait3A_307] : memref<2x10240x128xf32, #tpu.memory_space<hbm>> -> memref<1x40x128xf32, #tpu.memory_space<hbm>>
      %dma_wait3A_309 = tpu.memref_squeeze %dma_wait3A_308 : memref<1x40x128xf32, #tpu.memory_space<hbm>> -> memref<40x128xf32, #tpu.memory_space<hbm>>
      %dma_wait3A_310 = arith.constant 0 : i32
      %dma_wait3A_311 = tpu.memref_slice %arg6[%arg0, %add3A_300, %dma_wait3A_310] : memref<2x10240x128xf32, #tpu.memory_space<hbm>> -> memref<1x40x128xf32, #tpu.memory_space<hbm>>
      %dma_wait3A_312 = tpu.memref_squeeze %dma_wait3A_311 : memref<1x40x128xf32, #tpu.memory_space<hbm>> -> memref<40x128xf32, #tpu.memory_space<hbm>>
      tpu.wait_dma2 semaphore(%run_scoped3A : memref<!tpu.dma_semaphore, #tpu.memory_space<semaphore_mem>>) src(%arg10 : memref<40x128xf32, #tpu.memory_space<vmem>>) dst(%dma_wait3A_312 : memref<40x128xf32, #tpu.memory_space<hbm>>)
      tpu.yield
    }) : () -> ()
    return
  }
}

#map = affine_map<(d0, d1) -> (0, 0)>
#map1 = affine_map<(d0, d1) -> (0, 0, 0, 0)>
#map2 = affine_map<(d0, d1) -> (0, 0, 0)>
module attributes {stable_mosaic.version = 14 : i64} {
  func.func @_agg40s_body(%arg0: i32, %arg1: i32, %arg2: memref<10240x40xf32, #tpu.memory_space<hbm>>, %arg3: memref<32x20x4x128xi32, #tpu.memory_space<hbm>>, %arg4: memref<32x20x4x128xi32, #tpu.memory_space<hbm>>, %arg5: memref<640x40xf32, #tpu.memory_space<hbm>>, %arg6: memref<2x10240x40xf32, #tpu.memory_space<hbm>>, %arg7: memref<10240x40xf32, #tpu.memory_space<vmem_shared>>, %arg8: memref<10240x40xf32, #tpu.memory_space<vmem_shared>>, %arg9: memref<2x4x128xi32, #tpu.memory_space<vmem>>, %arg10: memref<2x4x128xi32, #tpu.memory_space<vmem>>, %arg11: memref<128x40xf32, #tpu.memory_space<vmem>>, %arg12: memref<128x40xf32, #tpu.memory_space<vmem>>, %arg13: memref<128x40xf32, #tpu.memory_space<vmem>>, %arg14: memref<128x40xf32, #tpu.memory_space<vmem>>, %arg15: memref<!tpu.dma_semaphore, #tpu.memory_space<semaphore_mem>>, %arg16: memref<!tpu.dma_semaphore, #tpu.memory_space<semaphore_mem>>, %arg17: memref<!tpu.dma_semaphore, #tpu.memory_space<semaphore_mem>>, %arg18: memref<!tpu.dma_semaphore, #tpu.memory_space<semaphore_mem>>, %arg19: memref<!tpu.dma_semaphore, #tpu.memory_space<semaphore_mem>>, %arg20: memref<!tpu.dma_semaphore, #tpu.memory_space<semaphore_mem>>, %arg21: memref<!tpu.dma_semaphore, #tpu.memory_space<semaphore_mem>>, %arg22: memref<!tpu.dma_semaphore, #tpu.memory_space<semaphore_mem>>, %arg23: memref<!tpu.dma_semaphore, #tpu.memory_space<semaphore_mem>>, %arg24: memref<!tpu.dma_semaphore, #tpu.memory_space<semaphore_mem>>) attributes {dimension_semantics = [#tpu.dimension_semantics<core_parallel>, #tpu.dimension_semantics<subcore_parallel>], iteration_bounds = array<i64: 2, 16>, scalar_prefetch = 0 : i64, scratch_operands = 18 : i64, tpu.core_type = #tpu.core_type<sc_vector_subcore>, window_params = [{transform_indices = #map}, {transform_indices = #map1}, {transform_indices = #map1}, {transform_indices = #map}, {transform_indices = #map2}]} {
    %mul3A = arith.constant 16 : i32
    %mul3A_0 = arith.muli %arg0, %mul3A : i32
    %add3A = arith.addi %mul3A_0, %arg1 : i32
    %mul3A_1 = arith.constant 640 : i32
    %mul3A_2 = arith.muli %arg1, %mul3A_1 : i32
    %mul3A_3 = arith.constant 640 : i32
    %mul3A_4 = arith.muli %arg1, %mul3A_3 : i32
    "tpu.region"() ({
      %run_scoped3A = tpu.sem_alloc : memref<!tpu.dma_semaphore, #tpu.memory_space<semaphore_mem>>
      %dma_start3A_245 = arith.constant 0 : i32
      %dma_start3A_246 = tpu.memref_slice %arg8[%mul3A_4, %dma_start3A_245] : memref<10240x40xf32, #tpu.memory_space<vmem_shared>> -> memref<640x40xf32, #tpu.memory_space<vmem_shared>>
      %dma_start3A_247 = arith.constant 0 : i32
      %dma_start3A_248 = tpu.memref_slice %arg2[%mul3A_2, %dma_start3A_247] : memref<10240x40xf32, #tpu.memory_space<hbm>> -> memref<640x40xf32, #tpu.memory_space<hbm>>
      tpu.enqueue_dma source(%dma_start3A_248 : memref<640x40xf32, #tpu.memory_space<hbm>>) target(%dma_start3A_246 : memref<640x40xf32, #tpu.memory_space<vmem_shared>>) target_semaphore(%run_scoped3A : memref<!tpu.dma_semaphore, #tpu.memory_space<semaphore_mem>>)
      %dma_wait3A_249 = arith.constant 0 : i32
      %dma_wait3A_250 = tpu.memref_slice %arg8[%mul3A_4, %dma_wait3A_249] : memref<10240x40xf32, #tpu.memory_space<vmem_shared>> -> memref<640x40xf32, #tpu.memory_space<vmem_shared>>
      %dma_wait3A_251 = arith.constant 0 : i32
      %dma_wait3A_252 = tpu.memref_slice %arg2[%mul3A_2, %dma_wait3A_251] : memref<10240x40xf32, #tpu.memory_space<hbm>> -> memref<640x40xf32, #tpu.memory_space<hbm>>
      tpu.wait_dma2 semaphore(%run_scoped3A : memref<!tpu.dma_semaphore, #tpu.memory_space<semaphore_mem>>) src(%dma_wait3A_252 : memref<640x40xf32, #tpu.memory_space<hbm>>) dst(%dma_wait3A_250 : memref<640x40xf32, #tpu.memory_space<vmem_shared>>)
      tpu.yield
    }) : () -> ()
    %eq3A = arith.constant 0 : i32
    %eq3A_5 = arith.cmpi eq, %arg0, %eq3A : i32
    %convert_element_type3A = arith.extui %eq3A_5 : i1 to i32
    %cond3A = arith.constant 0 : i32
    %cond3A_6 = arith.cmpi ne, %convert_element_type3A, %cond3A : i32
    scf.if %cond3A_6 {
      %mul3A_245 = arith.constant 640 : i32
      %mul3A_246 = arith.muli %arg1, %mul3A_245 : i32
      %mul3A_247 = arith.constant 640 : i32
      %mul3A_248 = arith.muli %arg1, %mul3A_247 : i32
      "tpu.region"() ({
        %run_scoped3A = tpu.sem_alloc : memref<!tpu.dma_semaphore, #tpu.memory_space<semaphore_mem>>
        %dma_start3A_249 = arith.constant 0 : i32
        %dma_start3A_250 = tpu.memref_slice %arg7[%mul3A_248, %dma_start3A_249] : memref<10240x40xf32, #tpu.memory_space<vmem_shared>> -> memref<640x40xf32, #tpu.memory_space<vmem_shared>>
        %dma_start3A_251 = arith.constant 0 : i32
        %dma_start3A_252 = tpu.memref_slice %arg2[%mul3A_246, %dma_start3A_251] : memref<10240x40xf32, #tpu.memory_space<hbm>> -> memref<640x40xf32, #tpu.memory_space<hbm>>
        tpu.enqueue_dma source(%dma_start3A_252 : memref<640x40xf32, #tpu.memory_space<hbm>>) target(%dma_start3A_250 : memref<640x40xf32, #tpu.memory_space<vmem_shared>>) target_semaphore(%run_scoped3A : memref<!tpu.dma_semaphore, #tpu.memory_space<semaphore_mem>>)
        %dma_wait3A_253 = arith.constant 0 : i32
        %dma_wait3A_254 = tpu.memref_slice %arg7[%mul3A_248, %dma_wait3A_253] : memref<10240x40xf32, #tpu.memory_space<vmem_shared>> -> memref<640x40xf32, #tpu.memory_space<vmem_shared>>
        %dma_wait3A_255 = arith.constant 0 : i32
        %dma_wait3A_256 = tpu.memref_slice %arg2[%mul3A_246, %dma_wait3A_255] : memref<10240x40xf32, #tpu.memory_space<hbm>> -> memref<640x40xf32, #tpu.memory_space<hbm>>
        tpu.wait_dma2 semaphore(%run_scoped3A : memref<!tpu.dma_semaphore, #tpu.memory_space<semaphore_mem>>) src(%dma_wait3A_256 : memref<640x40xf32, #tpu.memory_space<hbm>>) dst(%dma_wait3A_254 : memref<640x40xf32, #tpu.memory_space<vmem_shared>>)
        tpu.yield
      }) : () -> ()
    } else {
    }
    %eq3A_7 = arith.constant 1 : i32
    %eq3A_8 = arith.cmpi eq, %arg0, %eq3A_7 : i32
    %convert_element_type3A_9 = arith.extui %eq3A_8 : i1 to i32
    %cond3A_10 = arith.constant 0 : i32
    %cond3A_11 = arith.cmpi ne, %convert_element_type3A_9, %cond3A_10 : i32
    scf.if %cond3A_11 {
      %mul3A_245 = arith.constant 640 : i32
      %mul3A_246 = arith.muli %arg1, %mul3A_245 : i32
      "tpu.region"() ({
        %run_scoped3A = tpu.sem_alloc : memref<!tpu.dma_semaphore, #tpu.memory_space<semaphore_mem>>
        %dma_start3A_247 = arith.constant 0 : i32
        %dma_start3A_248 = tpu.memref_slice %arg7[%mul3A_246, %dma_start3A_247] : memref<10240x40xf32, #tpu.memory_space<vmem_shared>> -> memref<640x40xf32, #tpu.memory_space<vmem_shared>>
        tpu.enqueue_dma source(%arg5 : memref<640x40xf32, #tpu.memory_space<hbm>>) target(%dma_start3A_248 : memref<640x40xf32, #tpu.memory_space<vmem_shared>>) target_semaphore(%run_scoped3A : memref<!tpu.dma_semaphore, #tpu.memory_space<semaphore_mem>>)
        %dma_wait3A_249 = arith.constant 0 : i32
        %dma_wait3A_250 = tpu.memref_slice %arg7[%mul3A_246, %dma_wait3A_249] : memref<10240x40xf32, #tpu.memory_space<vmem_shared>> -> memref<640x40xf32, #tpu.memory_space<vmem_shared>>
        tpu.wait_dma2 semaphore(%run_scoped3A : memref<!tpu.dma_semaphore, #tpu.memory_space<semaphore_mem>>) src(%arg5 : memref<640x40xf32, #tpu.memory_space<hbm>>) dst(%dma_wait3A_250 : memref<640x40xf32, #tpu.memory_space<vmem_shared>>)
        tpu.yield
      }) : () -> ()
    } else {
    }
    %barrier3A = arith.constant 0 : index
    tpu.barrier barrier_id(%barrier3A)
    %dma_start3A = arith.constant 0 : i32
    %dma_start3A_12 = arith.constant 0 : i32
    %dma_start3A_13 = arith.constant 0 : i32
    %dma_start3A_14 = arith.constant 0 : i32
    %dma_start3A_15 = tpu.memref_slice %arg9[%dma_start3A_12, %dma_start3A_13, %dma_start3A_14] : memref<2x4x128xi32, #tpu.memory_space<vmem>> -> memref<1x4x128xi32, #tpu.memory_space<vmem>>
    %dma_start3A_16 = tpu.memref_squeeze %dma_start3A_15 : memref<1x4x128xi32, #tpu.memory_space<vmem>> -> memref<4x128xi32, #tpu.memory_space<vmem>>
    %dma_start3A_17 = arith.constant 0 : i32
    %dma_start3A_18 = arith.constant 0 : i32
    %dma_start3A_19 = tpu.memref_slice %arg3[%add3A, %dma_start3A, %dma_start3A_17, %dma_start3A_18] : memref<32x20x4x128xi32, #tpu.memory_space<hbm>> -> memref<1x1x4x128xi32, #tpu.memory_space<hbm>>
    %dma_start3A_20 = tpu.memref_squeeze %dma_start3A_19 : memref<1x1x4x128xi32, #tpu.memory_space<hbm>> -> memref<4x128xi32, #tpu.memory_space<hbm>>
    %dma_start3A_21 = arith.constant 0 : i32
    %dma_start3A_22 = arith.constant 0 : i32
    %dma_start3A_23 = tpu.memref_slice %arg9[%dma_start3A_12, %dma_start3A_21, %dma_start3A_22] : memref<2x4x128xi32, #tpu.memory_space<vmem>> -> memref<1x4x128xi32, #tpu.memory_space<vmem>>
    %dma_start3A_24 = tpu.memref_squeeze %dma_start3A_23 : memref<1x4x128xi32, #tpu.memory_space<vmem>> -> memref<4x128xi32, #tpu.memory_space<vmem>>
    %dma_start3A_25 = arith.constant 0 : i32
    %dma_start3A_26 = arith.constant 0 : i32
    %dma_start3A_27 = tpu.memref_slice %arg3[%add3A, %dma_start3A, %dma_start3A_25, %dma_start3A_26] : memref<32x20x4x128xi32, #tpu.memory_space<hbm>> -> memref<1x1x4x128xi32, #tpu.memory_space<hbm>>
    %dma_start3A_28 = tpu.memref_squeeze %dma_start3A_27 : memref<1x1x4x128xi32, #tpu.memory_space<hbm>> -> memref<4x128xi32, #tpu.memory_space<hbm>>
    tpu.enqueue_dma source(%dma_start3A_28 : memref<4x128xi32, #tpu.memory_space<hbm>>) target(%dma_start3A_24 : memref<4x128xi32, #tpu.memory_space<vmem>>) target_semaphore(%arg23 : memref<!tpu.dma_semaphore, #tpu.memory_space<semaphore_mem>>)
    %dma_start3A_29 = arith.constant 0 : i32
    %dma_start3A_30 = arith.constant 1 : i32
    %dma_start3A_31 = arith.constant 0 : i32
    %dma_start3A_32 = arith.constant 0 : i32
    %dma_start3A_33 = tpu.memref_slice %arg9[%dma_start3A_30, %dma_start3A_31, %dma_start3A_32] : memref<2x4x128xi32, #tpu.memory_space<vmem>> -> memref<1x4x128xi32, #tpu.memory_space<vmem>>
    %dma_start3A_34 = tpu.memref_squeeze %dma_start3A_33 : memref<1x4x128xi32, #tpu.memory_space<vmem>> -> memref<4x128xi32, #tpu.memory_space<vmem>>
    %dma_start3A_35 = arith.constant 0 : i32
    %dma_start3A_36 = arith.constant 0 : i32
    %dma_start3A_37 = tpu.memref_slice %arg4[%add3A, %dma_start3A_29, %dma_start3A_35, %dma_start3A_36] : memref<32x20x4x128xi32, #tpu.memory_space<hbm>> -> memref<1x1x4x128xi32, #tpu.memory_space<hbm>>
    %dma_start3A_38 = tpu.memref_squeeze %dma_start3A_37 : memref<1x1x4x128xi32, #tpu.memory_space<hbm>> -> memref<4x128xi32, #tpu.memory_space<hbm>>
    %dma_start3A_39 = arith.constant 0 : i32
    %dma_start3A_40 = arith.constant 0 : i32
    %dma_start3A_41 = tpu.memref_slice %arg9[%dma_start3A_30, %dma_start3A_39, %dma_start3A_40] : memref<2x4x128xi32, #tpu.memory_space<vmem>> -> memref<1x4x128xi32, #tpu.memory_space<vmem>>
    %dma_start3A_42 = tpu.memref_squeeze %dma_start3A_41 : memref<1x4x128xi32, #tpu.memory_space<vmem>> -> memref<4x128xi32, #tpu.memory_space<vmem>>
    %dma_start3A_43 = arith.constant 0 : i32
    %dma_start3A_44 = arith.constant 0 : i32
    %dma_start3A_45 = tpu.memref_slice %arg4[%add3A, %dma_start3A_29, %dma_start3A_43, %dma_start3A_44] : memref<32x20x4x128xi32, #tpu.memory_space<hbm>> -> memref<1x1x4x128xi32, #tpu.memory_space<hbm>>
    %dma_start3A_46 = tpu.memref_squeeze %dma_start3A_45 : memref<1x1x4x128xi32, #tpu.memory_space<hbm>> -> memref<4x128xi32, #tpu.memory_space<hbm>>
    tpu.enqueue_dma source(%dma_start3A_46 : memref<4x128xi32, #tpu.memory_space<hbm>>) target(%dma_start3A_42 : memref<4x128xi32, #tpu.memory_space<vmem>>) target_semaphore(%arg23 : memref<!tpu.dma_semaphore, #tpu.memory_space<semaphore_mem>>)
    %dma_start3A_47 = arith.constant 1 : i32
    %dma_start3A_48 = arith.constant 0 : i32
    %dma_start3A_49 = arith.constant 0 : i32
    %dma_start3A_50 = arith.constant 0 : i32
    %dma_start3A_51 = tpu.memref_slice %arg10[%dma_start3A_48, %dma_start3A_49, %dma_start3A_50] : memref<2x4x128xi32, #tpu.memory_space<vmem>> -> memref<1x4x128xi32, #tpu.memory_space<vmem>>
    %dma_start3A_52 = tpu.memref_squeeze %dma_start3A_51 : memref<1x4x128xi32, #tpu.memory_space<vmem>> -> memref<4x128xi32, #tpu.memory_space<vmem>>
    %dma_start3A_53 = arith.constant 0 : i32
    %dma_start3A_54 = arith.constant 0 : i32
    %dma_start3A_55 = tpu.memref_slice %arg3[%add3A, %dma_start3A_47, %dma_start3A_53, %dma_start3A_54] : memref<32x20x4x128xi32, #tpu.memory_space<hbm>> -> memref<1x1x4x128xi32, #tpu.memory_space<hbm>>
    %dma_start3A_56 = tpu.memref_squeeze %dma_start3A_55 : memref<1x1x4x128xi32, #tpu.memory_space<hbm>> -> memref<4x128xi32, #tpu.memory_space<hbm>>
    %dma_start3A_57 = arith.constant 0 : i32
    %dma_start3A_58 = arith.constant 0 : i32
    %dma_start3A_59 = tpu.memref_slice %arg10[%dma_start3A_48, %dma_start3A_57, %dma_start3A_58] : memref<2x4x128xi32, #tpu.memory_space<vmem>> -> memref<1x4x128xi32, #tpu.memory_space<vmem>>
    %dma_start3A_60 = tpu.memref_squeeze %dma_start3A_59 : memref<1x4x128xi32, #tpu.memory_space<vmem>> -> memref<4x128xi32, #tpu.memory_space<vmem>>
    %dma_start3A_61 = arith.constant 0 : i32
    %dma_start3A_62 = arith.constant 0 : i32
    %dma_start3A_63 = tpu.memref_slice %arg3[%add3A, %dma_start3A_47, %dma_start3A_61, %dma_start3A_62] : memref<32x20x4x128xi32, #tpu.memory_space<hbm>> -> memref<1x1x4x128xi32, #tpu.memory_space<hbm>>
    %dma_start3A_64 = tpu.memref_squeeze %dma_start3A_63 : memref<1x1x4x128xi32, #tpu.memory_space<hbm>> -> memref<4x128xi32, #tpu.memory_space<hbm>>
    tpu.enqueue_dma source(%dma_start3A_64 : memref<4x128xi32, #tpu.memory_space<hbm>>) target(%dma_start3A_60 : memref<4x128xi32, #tpu.memory_space<vmem>>) target_semaphore(%arg24 : memref<!tpu.dma_semaphore, #tpu.memory_space<semaphore_mem>>)
    %dma_start3A_65 = arith.constant 1 : i32
    %dma_start3A_66 = arith.constant 1 : i32
    %dma_start3A_67 = arith.constant 0 : i32
    %dma_start3A_68 = arith.constant 0 : i32
    %dma_start3A_69 = tpu.memref_slice %arg10[%dma_start3A_66, %dma_start3A_67, %dma_start3A_68] : memref<2x4x128xi32, #tpu.memory_space<vmem>> -> memref<1x4x128xi32, #tpu.memory_space<vmem>>
    %dma_start3A_70 = tpu.memref_squeeze %dma_start3A_69 : memref<1x4x128xi32, #tpu.memory_space<vmem>> -> memref<4x128xi32, #tpu.memory_space<vmem>>
    %dma_start3A_71 = arith.constant 0 : i32
    %dma_start3A_72 = arith.constant 0 : i32
    %dma_start3A_73 = tpu.memref_slice %arg4[%add3A, %dma_start3A_65, %dma_start3A_71, %dma_start3A_72] : memref<32x20x4x128xi32, #tpu.memory_space<hbm>> -> memref<1x1x4x128xi32, #tpu.memory_space<hbm>>
    %dma_start3A_74 = tpu.memref_squeeze %dma_start3A_73 : memref<1x1x4x128xi32, #tpu.memory_space<hbm>> -> memref<4x128xi32, #tpu.memory_space<hbm>>
    %dma_start3A_75 = arith.constant 0 : i32
    %dma_start3A_76 = arith.constant 0 : i32
    %dma_start3A_77 = tpu.memref_slice %arg10[%dma_start3A_66, %dma_start3A_75, %dma_start3A_76] : memref<2x4x128xi32, #tpu.memory_space<vmem>> -> memref<1x4x128xi32, #tpu.memory_space<vmem>>
    %dma_start3A_78 = tpu.memref_squeeze %dma_start3A_77 : memref<1x4x128xi32, #tpu.memory_space<vmem>> -> memref<4x128xi32, #tpu.memory_space<vmem>>
    %dma_start3A_79 = arith.constant 0 : i32
    %dma_start3A_80 = arith.constant 0 : i32
    %dma_start3A_81 = tpu.memref_slice %arg4[%add3A, %dma_start3A_65, %dma_start3A_79, %dma_start3A_80] : memref<32x20x4x128xi32, #tpu.memory_space<hbm>> -> memref<1x1x4x128xi32, #tpu.memory_space<hbm>>
    %dma_start3A_82 = tpu.memref_squeeze %dma_start3A_81 : memref<1x1x4x128xi32, #tpu.memory_space<hbm>> -> memref<4x128xi32, #tpu.memory_space<hbm>>
    tpu.enqueue_dma source(%dma_start3A_82 : memref<4x128xi32, #tpu.memory_space<hbm>>) target(%dma_start3A_78 : memref<4x128xi32, #tpu.memory_space<vmem>>) target_semaphore(%arg24 : memref<!tpu.dma_semaphore, #tpu.memory_space<semaphore_mem>>)
    %dma_wait3A = arith.constant 0 : i32
    %dma_wait3A_83 = arith.constant 0 : i32
    %dma_wait3A_84 = arith.constant 0 : i32
    %dma_wait3A_85 = arith.constant 0 : i32
    %dma_wait3A_86 = tpu.memref_slice %arg9[%dma_wait3A_83, %dma_wait3A_84, %dma_wait3A_85] : memref<2x4x128xi32, #tpu.memory_space<vmem>> -> memref<1x4x128xi32, #tpu.memory_space<vmem>>
    %dma_wait3A_87 = tpu.memref_squeeze %dma_wait3A_86 : memref<1x4x128xi32, #tpu.memory_space<vmem>> -> memref<4x128xi32, #tpu.memory_space<vmem>>
    %dma_wait3A_88 = arith.constant 0 : i32
    %dma_wait3A_89 = arith.constant 0 : i32
    %dma_wait3A_90 = tpu.memref_slice %arg3[%add3A, %dma_wait3A, %dma_wait3A_88, %dma_wait3A_89] : memref<32x20x4x128xi32, #tpu.memory_space<hbm>> -> memref<1x1x4x128xi32, #tpu.memory_space<hbm>>
    %dma_wait3A_91 = tpu.memref_squeeze %dma_wait3A_90 : memref<1x1x4x128xi32, #tpu.memory_space<hbm>> -> memref<4x128xi32, #tpu.memory_space<hbm>>
    %dma_wait3A_92 = arith.constant 0 : i32
    %dma_wait3A_93 = arith.constant 0 : i32
    %dma_wait3A_94 = tpu.memref_slice %arg9[%dma_wait3A_83, %dma_wait3A_92, %dma_wait3A_93] : memref<2x4x128xi32, #tpu.memory_space<vmem>> -> memref<1x4x128xi32, #tpu.memory_space<vmem>>
    %dma_wait3A_95 = tpu.memref_squeeze %dma_wait3A_94 : memref<1x4x128xi32, #tpu.memory_space<vmem>> -> memref<4x128xi32, #tpu.memory_space<vmem>>
    %dma_wait3A_96 = arith.constant 0 : i32
    %dma_wait3A_97 = arith.constant 0 : i32
    %dma_wait3A_98 = tpu.memref_slice %arg3[%add3A, %dma_wait3A, %dma_wait3A_96, %dma_wait3A_97] : memref<32x20x4x128xi32, #tpu.memory_space<hbm>> -> memref<1x1x4x128xi32, #tpu.memory_space<hbm>>
    %dma_wait3A_99 = tpu.memref_squeeze %dma_wait3A_98 : memref<1x1x4x128xi32, #tpu.memory_space<hbm>> -> memref<4x128xi32, #tpu.memory_space<hbm>>
    tpu.wait_dma2 semaphore(%arg23 : memref<!tpu.dma_semaphore, #tpu.memory_space<semaphore_mem>>) src(%dma_wait3A_99 : memref<4x128xi32, #tpu.memory_space<hbm>>) dst(%dma_wait3A_95 : memref<4x128xi32, #tpu.memory_space<vmem>>)
    %dma_wait3A_100 = arith.constant 0 : i32
    %dma_wait3A_101 = arith.constant 1 : i32
    %dma_wait3A_102 = arith.constant 0 : i32
    %dma_wait3A_103 = arith.constant 0 : i32
    %dma_wait3A_104 = tpu.memref_slice %arg9[%dma_wait3A_101, %dma_wait3A_102, %dma_wait3A_103] : memref<2x4x128xi32, #tpu.memory_space<vmem>> -> memref<1x4x128xi32, #tpu.memory_space<vmem>>
    %dma_wait3A_105 = tpu.memref_squeeze %dma_wait3A_104 : memref<1x4x128xi32, #tpu.memory_space<vmem>> -> memref<4x128xi32, #tpu.memory_space<vmem>>
    %dma_wait3A_106 = arith.constant 0 : i32
    %dma_wait3A_107 = arith.constant 0 : i32
    %dma_wait3A_108 = tpu.memref_slice %arg4[%add3A, %dma_wait3A_100, %dma_wait3A_106, %dma_wait3A_107] : memref<32x20x4x128xi32, #tpu.memory_space<hbm>> -> memref<1x1x4x128xi32, #tpu.memory_space<hbm>>
    %dma_wait3A_109 = tpu.memref_squeeze %dma_wait3A_108 : memref<1x1x4x128xi32, #tpu.memory_space<hbm>> -> memref<4x128xi32, #tpu.memory_space<hbm>>
    %dma_wait3A_110 = arith.constant 0 : i32
    %dma_wait3A_111 = arith.constant 0 : i32
    %dma_wait3A_112 = tpu.memref_slice %arg9[%dma_wait3A_101, %dma_wait3A_110, %dma_wait3A_111] : memref<2x4x128xi32, #tpu.memory_space<vmem>> -> memref<1x4x128xi32, #tpu.memory_space<vmem>>
    %dma_wait3A_113 = tpu.memref_squeeze %dma_wait3A_112 : memref<1x4x128xi32, #tpu.memory_space<vmem>> -> memref<4x128xi32, #tpu.memory_space<vmem>>
    %dma_wait3A_114 = arith.constant 0 : i32
    %dma_wait3A_115 = arith.constant 0 : i32
    %dma_wait3A_116 = tpu.memref_slice %arg4[%add3A, %dma_wait3A_100, %dma_wait3A_114, %dma_wait3A_115] : memref<32x20x4x128xi32, #tpu.memory_space<hbm>> -> memref<1x1x4x128xi32, #tpu.memory_space<hbm>>
    %dma_wait3A_117 = tpu.memref_squeeze %dma_wait3A_116 : memref<1x1x4x128xi32, #tpu.memory_space<hbm>> -> memref<4x128xi32, #tpu.memory_space<hbm>>
    tpu.wait_dma2 semaphore(%arg23 : memref<!tpu.dma_semaphore, #tpu.memory_space<semaphore_mem>>) src(%dma_wait3A_117 : memref<4x128xi32, #tpu.memory_space<hbm>>) dst(%dma_wait3A_113 : memref<4x128xi32, #tpu.memory_space<vmem>>)
    %dma_start3A_118 = arith.constant 0 : i32
    %dma_start3A_119 = arith.constant 0 : i32
    %dma_start3A_120 = arith.constant 0 : i32
    %dma_start3A_121 = tpu.memref_slice %arg9[%dma_start3A_118, %dma_start3A_119, %dma_start3A_120] : memref<2x4x128xi32, #tpu.memory_space<vmem>> -> memref<1x1x128xi32, #tpu.memory_space<vmem>>
    %dma_start3A_122 = tpu.memref_squeeze %dma_start3A_121 : memref<1x1x128xi32, #tpu.memory_space<vmem>> -> memref<128xi32, #tpu.memory_space<vmem>>
    %dma_start3A_123 = arith.constant 0 : i32
    %dma_start3A_124 = arith.constant 0 : i32
    %dma_start3A_125 = tpu.memref_slice %arg8[%dma_start3A_123, %dma_start3A_124] : memref<10240x40xf32, #tpu.memory_space<vmem_shared>> -> memref<10240x40xf32, #tpu.memory_space<vmem_shared>>
    tpu.enqueue_indirect_dma source(%dma_start3A_125 : memref<10240x40xf32, #tpu.memory_space<vmem_shared>>) target(%arg11 : memref<128x40xf32, #tpu.memory_space<vmem>>) offsets(%dma_start3A_122 : memref<128xi32, #tpu.memory_space<vmem>>) semaphore(%arg15 : memref<!tpu.dma_semaphore, #tpu.memory_space<semaphore_mem>>)
    %dma_start3A_126 = arith.constant 0 : i32
    %dma_start3A_127 = arith.constant 1 : i32
    %dma_start3A_128 = arith.constant 0 : i32
    %dma_start3A_129 = tpu.memref_slice %arg9[%dma_start3A_126, %dma_start3A_127, %dma_start3A_128] : memref<2x4x128xi32, #tpu.memory_space<vmem>> -> memref<1x1x128xi32, #tpu.memory_space<vmem>>
    %dma_start3A_130 = tpu.memref_squeeze %dma_start3A_129 : memref<1x1x128xi32, #tpu.memory_space<vmem>> -> memref<128xi32, #tpu.memory_space<vmem>>
    %dma_start3A_131 = arith.constant 0 : i32
    %dma_start3A_132 = arith.constant 0 : i32
    %dma_start3A_133 = tpu.memref_slice %arg8[%dma_start3A_131, %dma_start3A_132] : memref<10240x40xf32, #tpu.memory_space<vmem_shared>> -> memref<10240x40xf32, #tpu.memory_space<vmem_shared>>
    tpu.enqueue_indirect_dma source(%dma_start3A_133 : memref<10240x40xf32, #tpu.memory_space<vmem_shared>>) target(%arg12 : memref<128x40xf32, #tpu.memory_space<vmem>>) offsets(%dma_start3A_130 : memref<128xi32, #tpu.memory_space<vmem>>) semaphore(%arg16 : memref<!tpu.dma_semaphore, #tpu.memory_space<semaphore_mem>>)
    %dma_start3A_134 = arith.constant 0 : i32
    %dma_start3A_135 = arith.constant 2 : i32
    %dma_start3A_136 = arith.constant 0 : i32
    %dma_start3A_137 = tpu.memref_slice %arg9[%dma_start3A_134, %dma_start3A_135, %dma_start3A_136] : memref<2x4x128xi32, #tpu.memory_space<vmem>> -> memref<1x1x128xi32, #tpu.memory_space<vmem>>
    %dma_start3A_138 = tpu.memref_squeeze %dma_start3A_137 : memref<1x1x128xi32, #tpu.memory_space<vmem>> -> memref<128xi32, #tpu.memory_space<vmem>>
    %dma_start3A_139 = arith.constant 0 : i32
    %dma_start3A_140 = arith.constant 0 : i32
    %dma_start3A_141 = tpu.memref_slice %arg8[%dma_start3A_139, %dma_start3A_140] : memref<10240x40xf32, #tpu.memory_space<vmem_shared>> -> memref<10240x40xf32, #tpu.memory_space<vmem_shared>>
    tpu.enqueue_indirect_dma source(%dma_start3A_141 : memref<10240x40xf32, #tpu.memory_space<vmem_shared>>) target(%arg13 : memref<128x40xf32, #tpu.memory_space<vmem>>) offsets(%dma_start3A_138 : memref<128xi32, #tpu.memory_space<vmem>>) semaphore(%arg17 : memref<!tpu.dma_semaphore, #tpu.memory_space<semaphore_mem>>)
    %dma_start3A_142 = arith.constant 0 : i32
    %dma_start3A_143 = arith.constant 3 : i32
    %dma_start3A_144 = arith.constant 0 : i32
    %dma_start3A_145 = tpu.memref_slice %arg9[%dma_start3A_142, %dma_start3A_143, %dma_start3A_144] : memref<2x4x128xi32, #tpu.memory_space<vmem>> -> memref<1x1x128xi32, #tpu.memory_space<vmem>>
    %dma_start3A_146 = tpu.memref_squeeze %dma_start3A_145 : memref<1x1x128xi32, #tpu.memory_space<vmem>> -> memref<128xi32, #tpu.memory_space<vmem>>
    %dma_start3A_147 = arith.constant 0 : i32
    %dma_start3A_148 = arith.constant 0 : i32
    %dma_start3A_149 = tpu.memref_slice %arg8[%dma_start3A_147, %dma_start3A_148] : memref<10240x40xf32, #tpu.memory_space<vmem_shared>> -> memref<10240x40xf32, #tpu.memory_space<vmem_shared>>
    tpu.enqueue_indirect_dma source(%dma_start3A_149 : memref<10240x40xf32, #tpu.memory_space<vmem_shared>>) target(%arg14 : memref<128x40xf32, #tpu.memory_space<vmem>>) offsets(%dma_start3A_146 : memref<128xi32, #tpu.memory_space<vmem>>) semaphore(%arg18 : memref<!tpu.dma_semaphore, #tpu.memory_space<semaphore_mem>>)
    %scan3A = arith.constant 0 : i32
    %scan3A_150 = arith.constant 0 : i32
    %scan3A_151 = arith.constant 10 : i32
    %scan3A_152 = arith.addi %scan3A_150, %scan3A_151 : i32
    %scan3A_153 = arith.constant 1 : i32
    %scan3A_154 = scf.for %scan3A_245 = %scan3A_150 to %scan3A_152 step %scan3A_153 iter_args(%scan3A_246 = %scan3A) -> (i32)  : i32 {
      %mul3A_247 = arith.constant 2 : i32
      %mul3A_248 = arith.muli %scan3A_245, %mul3A_247 : i32
      %add3A_249 = arith.constant 0 : i32
      %add3A_250 = arith.addi %mul3A_248, %add3A_249 : i32
      %dma_wait3A_251 = arith.constant 0 : i32
      %dma_wait3A_252 = arith.constant 0 : i32
      %dma_wait3A_253 = arith.constant 0 : i32
      %dma_wait3A_254 = tpu.memref_slice %arg9[%dma_wait3A_251, %dma_wait3A_252, %dma_wait3A_253] : memref<2x4x128xi32, #tpu.memory_space<vmem>> -> memref<1x1x128xi32, #tpu.memory_space<vmem>>
      %dma_wait3A_255 = tpu.memref_squeeze %dma_wait3A_254 : memref<1x1x128xi32, #tpu.memory_space<vmem>> -> memref<128xi32, #tpu.memory_space<vmem>>
      %dma_wait3A_256 = arith.constant 0 : i32
      %dma_wait3A_257 = arith.constant 0 : i32
      %dma_wait3A_258 = tpu.memref_slice %arg8[%dma_wait3A_256, %dma_wait3A_257] : memref<10240x40xf32, #tpu.memory_space<vmem_shared>> -> memref<10240x40xf32, #tpu.memory_space<vmem_shared>>
      tpu.wait_indirect_dma semaphore(%arg15 : memref<!tpu.dma_semaphore, #tpu.memory_space<semaphore_mem>>) src(%dma_wait3A_258 : memref<10240x40xf32, #tpu.memory_space<vmem_shared>>) dst(%arg11 : memref<128x40xf32, #tpu.memory_space<vmem>>)
      %dma_start3A_259 = arith.constant 1 : i32
      %dma_start3A_260 = arith.constant 0 : i32
      %dma_start3A_261 = arith.constant 0 : i32
      %dma_start3A_262 = tpu.memref_slice %arg9[%dma_start3A_259, %dma_start3A_260, %dma_start3A_261] : memref<2x4x128xi32, #tpu.memory_space<vmem>> -> memref<1x1x128xi32, #tpu.memory_space<vmem>>
      %dma_start3A_263 = tpu.memref_squeeze %dma_start3A_262 : memref<1x1x128xi32, #tpu.memory_space<vmem>> -> memref<128xi32, #tpu.memory_space<vmem>>
      %dma_start3A_264 = arith.constant 0 : i32
      %dma_start3A_265 = arith.constant 0 : i32
      %dma_start3A_266 = tpu.memref_slice %arg7[%dma_start3A_264, %dma_start3A_265] : memref<10240x40xf32, #tpu.memory_space<vmem_shared>> -> memref<10240x40xf32, #tpu.memory_space<vmem_shared>>
      tpu.enqueue_indirect_dma source(%arg11 : memref<128x40xf32, #tpu.memory_space<vmem>>) target(%dma_start3A_266 : memref<10240x40xf32, #tpu.memory_space<vmem_shared>>) offsets(%dma_start3A_263 : memref<128xi32, #tpu.memory_space<vmem>>) semaphore(%arg19 : memref<!tpu.dma_semaphore, #tpu.memory_space<semaphore_mem>>) {add = true}
      %dma_wait3A_267 = arith.constant 0 : i32
      %dma_wait3A_268 = arith.constant 0 : i32
      %dma_wait3A_269 = arith.constant 0 : i32
      %dma_wait3A_270 = tpu.memref_slice %arg9[%dma_wait3A_267, %dma_wait3A_268, %dma_wait3A_269] : memref<2x4x128xi32, #tpu.memory_space<vmem>> -> memref<1x1x128xi32, #tpu.memory_space<vmem>>
      %dma_wait3A_271 = tpu.memref_squeeze %dma_wait3A_270 : memref<1x1x128xi32, #tpu.memory_space<vmem>> -> memref<128xi32, #tpu.memory_space<vmem>>
      %dma_wait3A_272 = arith.constant 0 : i32
      %dma_wait3A_273 = arith.constant 0 : i32
      %dma_wait3A_274 = tpu.memref_slice %arg8[%dma_wait3A_272, %dma_wait3A_273] : memref<10240x40xf32, #tpu.memory_space<vmem_shared>> -> memref<10240x40xf32, #tpu.memory_space<vmem_shared>>
      tpu.wait_indirect_dma semaphore(%arg16 : memref<!tpu.dma_semaphore, #tpu.memory_space<semaphore_mem>>) src(%dma_wait3A_274 : memref<10240x40xf32, #tpu.memory_space<vmem_shared>>) dst(%arg12 : memref<128x40xf32, #tpu.memory_space<vmem>>)
      %dma_start3A_275 = arith.constant 1 : i32
      %dma_start3A_276 = arith.constant 1 : i32
      %dma_start3A_277 = arith.constant 0 : i32
      %dma_start3A_278 = tpu.memref_slice %arg9[%dma_start3A_275, %dma_start3A_276, %dma_start3A_277] : memref<2x4x128xi32, #tpu.memory_space<vmem>> -> memref<1x1x128xi32, #tpu.memory_space<vmem>>
      %dma_start3A_279 = tpu.memref_squeeze %dma_start3A_278 : memref<1x1x128xi32, #tpu.memory_space<vmem>> -> memref<128xi32, #tpu.memory_space<vmem>>
      %dma_start3A_280 = arith.constant 0 : i32
      %dma_start3A_281 = arith.constant 0 : i32
      %dma_start3A_282 = tpu.memref_slice %arg7[%dma_start3A_280, %dma_start3A_281] : memref<10240x40xf32, #tpu.memory_space<vmem_shared>> -> memref<10240x40xf32, #tpu.memory_space<vmem_shared>>
      tpu.enqueue_indirect_dma source(%arg12 : memref<128x40xf32, #tpu.memory_space<vmem>>) target(%dma_start3A_282 : memref<10240x40xf32, #tpu.memory_space<vmem_shared>>) offsets(%dma_start3A_279 : memref<128xi32, #tpu.memory_space<vmem>>) semaphore(%arg20 : memref<!tpu.dma_semaphore, #tpu.memory_space<semaphore_mem>>) {add = true}
      %dma_wait3A_283 = arith.constant 0 : i32
      %dma_wait3A_284 = arith.constant 0 : i32
      %dma_wait3A_285 = arith.constant 0 : i32
      %dma_wait3A_286 = tpu.memref_slice %arg9[%dma_wait3A_283, %dma_wait3A_284, %dma_wait3A_285] : memref<2x4x128xi32, #tpu.memory_space<vmem>> -> memref<1x1x128xi32, #tpu.memory_space<vmem>>
      %dma_wait3A_287 = tpu.memref_squeeze %dma_wait3A_286 : memref<1x1x128xi32, #tpu.memory_space<vmem>> -> memref<128xi32, #tpu.memory_space<vmem>>
      %dma_wait3A_288 = arith.constant 0 : i32
      %dma_wait3A_289 = arith.constant 0 : i32
      %dma_wait3A_290 = tpu.memref_slice %arg8[%dma_wait3A_288, %dma_wait3A_289] : memref<10240x40xf32, #tpu.memory_space<vmem_shared>> -> memref<10240x40xf32, #tpu.memory_space<vmem_shared>>
      tpu.wait_indirect_dma semaphore(%arg17 : memref<!tpu.dma_semaphore, #tpu.memory_space<semaphore_mem>>) src(%dma_wait3A_290 : memref<10240x40xf32, #tpu.memory_space<vmem_shared>>) dst(%arg13 : memref<128x40xf32, #tpu.memory_space<vmem>>)
      %dma_start3A_291 = arith.constant 1 : i32
      %dma_start3A_292 = arith.constant 2 : i32
      %dma_start3A_293 = arith.constant 0 : i32
      %dma_start3A_294 = tpu.memref_slice %arg9[%dma_start3A_291, %dma_start3A_292, %dma_start3A_293] : memref<2x4x128xi32, #tpu.memory_space<vmem>> -> memref<1x1x128xi32, #tpu.memory_space<vmem>>
      %dma_start3A_295 = tpu.memref_squeeze %dma_start3A_294 : memref<1x1x128xi32, #tpu.memory_space<vmem>> -> memref<128xi32, #tpu.memory_space<vmem>>
      %dma_start3A_296 = arith.constant 0 : i32
      %dma_start3A_297 = arith.constant 0 : i32
      %dma_start3A_298 = tpu.memref_slice %arg7[%dma_start3A_296, %dma_start3A_297] : memref<10240x40xf32, #tpu.memory_space<vmem_shared>> -> memref<10240x40xf32, #tpu.memory_space<vmem_shared>>
      tpu.enqueue_indirect_dma source(%arg13 : memref<128x40xf32, #tpu.memory_space<vmem>>) target(%dma_start3A_298 : memref<10240x40xf32, #tpu.memory_space<vmem_shared>>) offsets(%dma_start3A_295 : memref<128xi32, #tpu.memory_space<vmem>>) semaphore(%arg21 : memref<!tpu.dma_semaphore, #tpu.memory_space<semaphore_mem>>) {add = true}
      %dma_wait3A_299 = arith.constant 0 : i32
      %dma_wait3A_300 = arith.constant 0 : i32
      %dma_wait3A_301 = arith.constant 0 : i32
      %dma_wait3A_302 = tpu.memref_slice %arg9[%dma_wait3A_299, %dma_wait3A_300, %dma_wait3A_301] : memref<2x4x128xi32, #tpu.memory_space<vmem>> -> memref<1x1x128xi32, #tpu.memory_space<vmem>>
      %dma_wait3A_303 = tpu.memref_squeeze %dma_wait3A_302 : memref<1x1x128xi32, #tpu.memory_space<vmem>> -> memref<128xi32, #tpu.memory_space<vmem>>
      %dma_wait3A_304 = arith.constant 0 : i32
      %dma_wait3A_305 = arith.constant 0 : i32
      %dma_wait3A_306 = tpu.memref_slice %arg8[%dma_wait3A_304, %dma_wait3A_305] : memref<10240x40xf32, #tpu.memory_space<vmem_shared>> -> memref<10240x40xf32, #tpu.memory_space<vmem_shared>>
      tpu.wait_indirect_dma semaphore(%arg18 : memref<!tpu.dma_semaphore, #tpu.memory_space<semaphore_mem>>) src(%dma_wait3A_306 : memref<10240x40xf32, #tpu.memory_space<vmem_shared>>) dst(%arg14 : memref<128x40xf32, #tpu.memory_space<vmem>>)
      %dma_start3A_307 = arith.constant 1 : i32
      %dma_start3A_308 = arith.constant 3 : i32
      %dma_start3A_309 = arith.constant 0 : i32
      %dma_start3A_310 = tpu.memref_slice %arg9[%dma_start3A_307, %dma_start3A_308, %dma_start3A_309] : memref<2x4x128xi32, #tpu.memory_space<vmem>> -> memref<1x1x128xi32, #tpu.memory_space<vmem>>
      %dma_start3A_311 = tpu.memref_squeeze %dma_start3A_310 : memref<1x1x128xi32, #tpu.memory_space<vmem>> -> memref<128xi32, #tpu.memory_space<vmem>>
      %dma_start3A_312 = arith.constant 0 : i32
      %dma_start3A_313 = arith.constant 0 : i32
      %dma_start3A_314 = tpu.memref_slice %arg7[%dma_start3A_312, %dma_start3A_313] : memref<10240x40xf32, #tpu.memory_space<vmem_shared>> -> memref<10240x40xf32, #tpu.memory_space<vmem_shared>>
      tpu.enqueue_indirect_dma source(%arg14 : memref<128x40xf32, #tpu.memory_space<vmem>>) target(%dma_start3A_314 : memref<10240x40xf32, #tpu.memory_space<vmem_shared>>) offsets(%dma_start3A_311 : memref<128xi32, #tpu.memory_space<vmem>>) semaphore(%arg22 : memref<!tpu.dma_semaphore, #tpu.memory_space<semaphore_mem>>) {add = true}
      %dma_wait3A_315 = arith.constant 0 : i32
      %dma_wait3A_316 = arith.constant 0 : i32
      %dma_wait3A_317 = arith.constant 0 : i32
      %dma_wait3A_318 = arith.constant 0 : i32
      %dma_wait3A_319 = tpu.memref_slice %arg10[%dma_wait3A_316, %dma_wait3A_317, %dma_wait3A_318] : memref<2x4x128xi32, #tpu.memory_space<vmem>> -> memref<1x4x128xi32, #tpu.memory_space<vmem>>
      %dma_wait3A_320 = tpu.memref_squeeze %dma_wait3A_319 : memref<1x4x128xi32, #tpu.memory_space<vmem>> -> memref<4x128xi32, #tpu.memory_space<vmem>>
      %dma_wait3A_321 = arith.constant 0 : i32
      %dma_wait3A_322 = arith.constant 0 : i32
      %dma_wait3A_323 = tpu.memref_slice %arg3[%add3A, %dma_wait3A_315, %dma_wait3A_321, %dma_wait3A_322] : memref<32x20x4x128xi32, #tpu.memory_space<hbm>> -> memref<1x1x4x128xi32, #tpu.memory_space<hbm>>
      %dma_wait3A_324 = tpu.memref_squeeze %dma_wait3A_323 : memref<1x1x4x128xi32, #tpu.memory_space<hbm>> -> memref<4x128xi32, #tpu.memory_space<hbm>>
      %dma_wait3A_325 = arith.constant 0 : i32
      %dma_wait3A_326 = arith.constant 0 : i32
      %dma_wait3A_327 = tpu.memref_slice %arg10[%dma_wait3A_316, %dma_wait3A_325, %dma_wait3A_326] : memref<2x4x128xi32, #tpu.memory_space<vmem>> -> memref<1x4x128xi32, #tpu.memory_space<vmem>>
      %dma_wait3A_328 = tpu.memref_squeeze %dma_wait3A_327 : memref<1x4x128xi32, #tpu.memory_space<vmem>> -> memref<4x128xi32, #tpu.memory_space<vmem>>
      %dma_wait3A_329 = arith.constant 0 : i32
      %dma_wait3A_330 = arith.constant 0 : i32
      %dma_wait3A_331 = tpu.memref_slice %arg3[%add3A, %dma_wait3A_315, %dma_wait3A_329, %dma_wait3A_330] : memref<32x20x4x128xi32, #tpu.memory_space<hbm>> -> memref<1x1x4x128xi32, #tpu.memory_space<hbm>>
      %dma_wait3A_332 = tpu.memref_squeeze %dma_wait3A_331 : memref<1x1x4x128xi32, #tpu.memory_space<hbm>> -> memref<4x128xi32, #tpu.memory_space<hbm>>
      tpu.wait_dma2 semaphore(%arg24 : memref<!tpu.dma_semaphore, #tpu.memory_space<semaphore_mem>>) src(%dma_wait3A_332 : memref<4x128xi32, #tpu.memory_space<hbm>>) dst(%dma_wait3A_328 : memref<4x128xi32, #tpu.memory_space<vmem>>)
      %dma_wait3A_333 = arith.constant 0 : i32
      %dma_wait3A_334 = arith.constant 1 : i32
      %dma_wait3A_335 = arith.constant 0 : i32
      %dma_wait3A_336 = arith.constant 0 : i32
      %dma_wait3A_337 = tpu.memref_slice %arg10[%dma_wait3A_334, %dma_wait3A_335, %dma_wait3A_336] : memref<2x4x128xi32, #tpu.memory_space<vmem>> -> memref<1x4x128xi32, #tpu.memory_space<vmem>>
      %dma_wait3A_338 = tpu.memref_squeeze %dma_wait3A_337 : memref<1x4x128xi32, #tpu.memory_space<vmem>> -> memref<4x128xi32, #tpu.memory_space<vmem>>
      %dma_wait3A_339 = arith.constant 0 : i32
      %dma_wait3A_340 = arith.constant 0 : i32
      %dma_wait3A_341 = tpu.memref_slice %arg4[%add3A, %dma_wait3A_333, %dma_wait3A_339, %dma_wait3A_340] : memref<32x20x4x128xi32, #tpu.memory_space<hbm>> -> memref<1x1x4x128xi32, #tpu.memory_space<hbm>>
      %dma_wait3A_342 = tpu.memref_squeeze %dma_wait3A_341 : memref<1x1x4x128xi32, #tpu.memory_space<hbm>> -> memref<4x128xi32, #tpu.memory_space<hbm>>
      %dma_wait3A_343 = arith.constant 0 : i32
      %dma_wait3A_344 = arith.constant 0 : i32
      %dma_wait3A_345 = tpu.memref_slice %arg10[%dma_wait3A_334, %dma_wait3A_343, %dma_wait3A_344] : memref<2x4x128xi32, #tpu.memory_space<vmem>> -> memref<1x4x128xi32, #tpu.memory_space<vmem>>
      %dma_wait3A_346 = tpu.memref_squeeze %dma_wait3A_345 : memref<1x4x128xi32, #tpu.memory_space<vmem>> -> memref<4x128xi32, #tpu.memory_space<vmem>>
      %dma_wait3A_347 = arith.constant 0 : i32
      %dma_wait3A_348 = arith.constant 0 : i32
      %dma_wait3A_349 = tpu.memref_slice %arg4[%add3A, %dma_wait3A_333, %dma_wait3A_347, %dma_wait3A_348] : memref<32x20x4x128xi32, #tpu.memory_space<hbm>> -> memref<1x1x4x128xi32, #tpu.memory_space<hbm>>
      %dma_wait3A_350 = tpu.memref_squeeze %dma_wait3A_349 : memref<1x1x4x128xi32, #tpu.memory_space<hbm>> -> memref<4x128xi32, #tpu.memory_space<hbm>>
      tpu.wait_dma2 semaphore(%arg24 : memref<!tpu.dma_semaphore, #tpu.memory_space<semaphore_mem>>) src(%dma_wait3A_350 : memref<4x128xi32, #tpu.memory_space<hbm>>) dst(%dma_wait3A_346 : memref<4x128xi32, #tpu.memory_space<vmem>>)
      %dma_wait3A_351 = arith.constant 1 : i32
      %dma_wait3A_352 = arith.constant 0 : i32
      %dma_wait3A_353 = arith.constant 0 : i32
      %dma_wait3A_354 = tpu.memref_slice %arg9[%dma_wait3A_351, %dma_wait3A_352, %dma_wait3A_353] : memref<2x4x128xi32, #tpu.memory_space<vmem>> -> memref<1x1x128xi32, #tpu.memory_space<vmem>>
      %dma_wait3A_355 = tpu.memref_squeeze %dma_wait3A_354 : memref<1x1x128xi32, #tpu.memory_space<vmem>> -> memref<128xi32, #tpu.memory_space<vmem>>
      %dma_wait3A_356 = arith.constant 0 : i32
      %dma_wait3A_357 = arith.constant 0 : i32
      %dma_wait3A_358 = tpu.memref_slice %arg7[%dma_wait3A_356, %dma_wait3A_357] : memref<10240x40xf32, #tpu.memory_space<vmem_shared>> -> memref<10240x40xf32, #tpu.memory_space<vmem_shared>>
      tpu.wait_indirect_dma semaphore(%arg19 : memref<!tpu.dma_semaphore, #tpu.memory_space<semaphore_mem>>) src(%arg11 : memref<128x40xf32, #tpu.memory_space<vmem>>) dst(%dma_wait3A_358 : memref<10240x40xf32, #tpu.memory_space<vmem_shared>>)
      %dma_start3A_359 = arith.constant 0 : i32
      %dma_start3A_360 = arith.constant 0 : i32
      %dma_start3A_361 = arith.constant 0 : i32
      %dma_start3A_362 = tpu.memref_slice %arg10[%dma_start3A_359, %dma_start3A_360, %dma_start3A_361] : memref<2x4x128xi32, #tpu.memory_space<vmem>> -> memref<1x1x128xi32, #tpu.memory_space<vmem>>
      %dma_start3A_363 = tpu.memref_squeeze %dma_start3A_362 : memref<1x1x128xi32, #tpu.memory_space<vmem>> -> memref<128xi32, #tpu.memory_space<vmem>>
      %dma_start3A_364 = arith.constant 0 : i32
      %dma_start3A_365 = arith.constant 0 : i32
      %dma_start3A_366 = tpu.memref_slice %arg8[%dma_start3A_364, %dma_start3A_365] : memref<10240x40xf32, #tpu.memory_space<vmem_shared>> -> memref<10240x40xf32, #tpu.memory_space<vmem_shared>>
      tpu.enqueue_indirect_dma source(%dma_start3A_366 : memref<10240x40xf32, #tpu.memory_space<vmem_shared>>) target(%arg11 : memref<128x40xf32, #tpu.memory_space<vmem>>) offsets(%dma_start3A_363 : memref<128xi32, #tpu.memory_space<vmem>>) semaphore(%arg15 : memref<!tpu.dma_semaphore, #tpu.memory_space<semaphore_mem>>)
      %dma_wait3A_367 = arith.constant 1 : i32
      %dma_wait3A_368 = arith.constant 0 : i32
      %dma_wait3A_369 = arith.constant 0 : i32
      %dma_wait3A_370 = tpu.memref_slice %arg9[%dma_wait3A_367, %dma_wait3A_368, %dma_wait3A_369] : memref<2x4x128xi32, #tpu.memory_space<vmem>> -> memref<1x1x128xi32, #tpu.memory_space<vmem>>
      %dma_wait3A_371 = tpu.memref_squeeze %dma_wait3A_370 : memref<1x1x128xi32, #tpu.memory_space<vmem>> -> memref<128xi32, #tpu.memory_space<vmem>>
      %dma_wait3A_372 = arith.constant 0 : i32
      %dma_wait3A_373 = arith.constant 0 : i32
      %dma_wait3A_374 = tpu.memref_slice %arg7[%dma_wait3A_372, %dma_wait3A_373] : memref<10240x40xf32, #tpu.memory_space<vmem_shared>> -> memref<10240x40xf32, #tpu.memory_space<vmem_shared>>
      tpu.wait_indirect_dma semaphore(%arg20 : memref<!tpu.dma_semaphore, #tpu.memory_space<semaphore_mem>>) src(%arg12 : memref<128x40xf32, #tpu.memory_space<vmem>>) dst(%dma_wait3A_374 : memref<10240x40xf32, #tpu.memory_space<vmem_shared>>)
      %dma_start3A_375 = arith.constant 0 : i32
      %dma_start3A_376 = arith.constant 1 : i32
      %dma_start3A_377 = arith.constant 0 : i32
      %dma_start3A_378 = tpu.memref_slice %arg10[%dma_start3A_375, %dma_start3A_376, %dma_start3A_377] : memref<2x4x128xi32, #tpu.memory_space<vmem>> -> memref<1x1x128xi32, #tpu.memory_space<vmem>>
      %dma_start3A_379 = tpu.memref_squeeze %dma_start3A_378 : memref<1x1x128xi32, #tpu.memory_space<vmem>> -> memref<128xi32, #tpu.memory_space<vmem>>
      %dma_start3A_380 = arith.constant 0 : i32
      %dma_start3A_381 = arith.constant 0 : i32
      %dma_start3A_382 = tpu.memref_slice %arg8[%dma_start3A_380, %dma_start3A_381] : memref<10240x40xf32, #tpu.memory_space<vmem_shared>> -> memref<10240x40xf32, #tpu.memory_space<vmem_shared>>
      tpu.enqueue_indirect_dma source(%dma_start3A_382 : memref<10240x40xf32, #tpu.memory_space<vmem_shared>>) target(%arg12 : memref<128x40xf32, #tpu.memory_space<vmem>>) offsets(%dma_start3A_379 : memref<128xi32, #tpu.memory_space<vmem>>) semaphore(%arg16 : memref<!tpu.dma_semaphore, #tpu.memory_space<semaphore_mem>>)
      %dma_wait3A_383 = arith.constant 1 : i32
      %dma_wait3A_384 = arith.constant 0 : i32
      %dma_wait3A_385 = arith.constant 0 : i32
      %dma_wait3A_386 = tpu.memref_slice %arg9[%dma_wait3A_383, %dma_wait3A_384, %dma_wait3A_385] : memref<2x4x128xi32, #tpu.memory_space<vmem>> -> memref<1x1x128xi32, #tpu.memory_space<vmem>>
      %dma_wait3A_387 = tpu.memref_squeeze %dma_wait3A_386 : memref<1x1x128xi32, #tpu.memory_space<vmem>> -> memref<128xi32, #tpu.memory_space<vmem>>
      %dma_wait3A_388 = arith.constant 0 : i32
      %dma_wait3A_389 = arith.constant 0 : i32
      %dma_wait3A_390 = tpu.memref_slice %arg7[%dma_wait3A_388, %dma_wait3A_389] : memref<10240x40xf32, #tpu.memory_space<vmem_shared>> -> memref<10240x40xf32, #tpu.memory_space<vmem_shared>>
      tpu.wait_indirect_dma semaphore(%arg21 : memref<!tpu.dma_semaphore, #tpu.memory_space<semaphore_mem>>) src(%arg13 : memref<128x40xf32, #tpu.memory_space<vmem>>) dst(%dma_wait3A_390 : memref<10240x40xf32, #tpu.memory_space<vmem_shared>>)
      %dma_start3A_391 = arith.constant 0 : i32
      %dma_start3A_392 = arith.constant 2 : i32
      %dma_start3A_393 = arith.constant 0 : i32
      %dma_start3A_394 = tpu.memref_slice %arg10[%dma_start3A_391, %dma_start3A_392, %dma_start3A_393] : memref<2x4x128xi32, #tpu.memory_space<vmem>> -> memref<1x1x128xi32, #tpu.memory_space<vmem>>
      %dma_start3A_395 = tpu.memref_squeeze %dma_start3A_394 : memref<1x1x128xi32, #tpu.memory_space<vmem>> -> memref<128xi32, #tpu.memory_space<vmem>>
      %dma_start3A_396 = arith.constant 0 : i32
      %dma_start3A_397 = arith.constant 0 : i32
      %dma_start3A_398 = tpu.memref_slice %arg8[%dma_start3A_396, %dma_start3A_397] : memref<10240x40xf32, #tpu.memory_space<vmem_shared>> -> memref<10240x40xf32, #tpu.memory_space<vmem_shared>>
      tpu.enqueue_indirect_dma source(%dma_start3A_398 : memref<10240x40xf32, #tpu.memory_space<vmem_shared>>) target(%arg13 : memref<128x40xf32, #tpu.memory_space<vmem>>) offsets(%dma_start3A_395 : memref<128xi32, #tpu.memory_space<vmem>>) semaphore(%arg17 : memref<!tpu.dma_semaphore, #tpu.memory_space<semaphore_mem>>)
      %dma_wait3A_399 = arith.constant 1 : i32
      %dma_wait3A_400 = arith.constant 0 : i32
      %dma_wait3A_401 = arith.constant 0 : i32
      %dma_wait3A_402 = tpu.memref_slice %arg9[%dma_wait3A_399, %dma_wait3A_400, %dma_wait3A_401] : memref<2x4x128xi32, #tpu.memory_space<vmem>> -> memref<1x1x128xi32, #tpu.memory_space<vmem>>
      %dma_wait3A_403 = tpu.memref_squeeze %dma_wait3A_402 : memref<1x1x128xi32, #tpu.memory_space<vmem>> -> memref<128xi32, #tpu.memory_space<vmem>>
      %dma_wait3A_404 = arith.constant 0 : i32
      %dma_wait3A_405 = arith.constant 0 : i32
      %dma_wait3A_406 = tpu.memref_slice %arg7[%dma_wait3A_404, %dma_wait3A_405] : memref<10240x40xf32, #tpu.memory_space<vmem_shared>> -> memref<10240x40xf32, #tpu.memory_space<vmem_shared>>
      tpu.wait_indirect_dma semaphore(%arg22 : memref<!tpu.dma_semaphore, #tpu.memory_space<semaphore_mem>>) src(%arg14 : memref<128x40xf32, #tpu.memory_space<vmem>>) dst(%dma_wait3A_406 : memref<10240x40xf32, #tpu.memory_space<vmem_shared>>)
      %dma_start3A_407 = arith.constant 0 : i32
      %dma_start3A_408 = arith.constant 3 : i32
      %dma_start3A_409 = arith.constant 0 : i32
      %dma_start3A_410 = tpu.memref_slice %arg10[%dma_start3A_407, %dma_start3A_408, %dma_start3A_409] : memref<2x4x128xi32, #tpu.memory_space<vmem>> -> memref<1x1x128xi32, #tpu.memory_space<vmem>>
      %dma_start3A_411 = tpu.memref_squeeze %dma_start3A_410 : memref<1x1x128xi32, #tpu.memory_space<vmem>> -> memref<128xi32, #tpu.memory_space<vmem>>
      %dma_start3A_412 = arith.constant 0 : i32
      %dma_start3A_413 = arith.constant 0 : i32
      %dma_start3A_414 = tpu.memref_slice %arg8[%dma_start3A_412, %dma_start3A_413] : memref<10240x40xf32, #tpu.memory_space<vmem_shared>> -> memref<10240x40xf32, #tpu.memory_space<vmem_shared>>
      tpu.enqueue_indirect_dma source(%dma_start3A_414 : memref<10240x40xf32, #tpu.memory_space<vmem_shared>>) target(%arg14 : memref<128x40xf32, #tpu.memory_space<vmem>>) offsets(%dma_start3A_411 : memref<128xi32, #tpu.memory_space<vmem>>) semaphore(%arg18 : memref<!tpu.dma_semaphore, #tpu.memory_space<semaphore_mem>>)
      %add3A_415 = arith.constant 2 : i32
      %add3A_416 = arith.addi %add3A_250, %add3A_415 : i32
      %rem3A = arith.constant 20 : i32
      %rem3A_417 = arith.remsi %add3A_416, %rem3A : i32
      %dma_start3A_418 = arith.constant 0 : i32
      %dma_start3A_419 = arith.constant 0 : i32
      %dma_start3A_420 = arith.constant 0 : i32
      %dma_start3A_421 = tpu.memref_slice %arg9[%dma_start3A_418, %dma_start3A_419, %dma_start3A_420] : memref<2x4x128xi32, #tpu.memory_space<vmem>> -> memref<1x4x128xi32, #tpu.memory_space<vmem>>
      %dma_start3A_422 = tpu.memref_squeeze %dma_start3A_421 : memref<1x4x128xi32, #tpu.memory_space<vmem>> -> memref<4x128xi32, #tpu.memory_space<vmem>>
      %dma_start3A_423 = arith.constant 0 : i32
      %dma_start3A_424 = arith.constant 0 : i32
      %dma_start3A_425 = tpu.memref_slice %arg3[%add3A, %rem3A_417, %dma_start3A_423, %dma_start3A_424] : memref<32x20x4x128xi32, #tpu.memory_space<hbm>> -> memref<1x1x4x128xi32, #tpu.memory_space<hbm>>
      %dma_start3A_426 = tpu.memref_squeeze %dma_start3A_425 : memref<1x1x4x128xi32, #tpu.memory_space<hbm>> -> memref<4x128xi32, #tpu.memory_space<hbm>>
      %dma_start3A_427 = arith.constant 0 : i32
      %dma_start3A_428 = arith.constant 0 : i32
      %dma_start3A_429 = tpu.memref_slice %arg9[%dma_start3A_418, %dma_start3A_427, %dma_start3A_428] : memref<2x4x128xi32, #tpu.memory_space<vmem>> -> memref<1x4x128xi32, #tpu.memory_space<vmem>>
      %dma_start3A_430 = tpu.memref_squeeze %dma_start3A_429 : memref<1x4x128xi32, #tpu.memory_space<vmem>> -> memref<4x128xi32, #tpu.memory_space<vmem>>
      %dma_start3A_431 = arith.constant 0 : i32
      %dma_start3A_432 = arith.constant 0 : i32
      %dma_start3A_433 = tpu.memref_slice %arg3[%add3A, %rem3A_417, %dma_start3A_431, %dma_start3A_432] : memref<32x20x4x128xi32, #tpu.memory_space<hbm>> -> memref<1x1x4x128xi32, #tpu.memory_space<hbm>>
      %dma_start3A_434 = tpu.memref_squeeze %dma_start3A_433 : memref<1x1x4x128xi32, #tpu.memory_space<hbm>> -> memref<4x128xi32, #tpu.memory_space<hbm>>
      tpu.enqueue_dma source(%dma_start3A_434 : memref<4x128xi32, #tpu.memory_space<hbm>>) target(%dma_start3A_430 : memref<4x128xi32, #tpu.memory_space<vmem>>) target_semaphore(%arg23 : memref<!tpu.dma_semaphore, #tpu.memory_space<semaphore_mem>>)
      %dma_start3A_435 = arith.constant 1 : i32
      %dma_start3A_436 = arith.constant 0 : i32
      %dma_start3A_437 = arith.constant 0 : i32
      %dma_start3A_438 = tpu.memref_slice %arg9[%dma_start3A_435, %dma_start3A_436, %dma_start3A_437] : memref<2x4x128xi32, #tpu.memory_space<vmem>> -> memref<1x4x128xi32, #tpu.memory_space<vmem>>
      %dma_start3A_439 = tpu.memref_squeeze %dma_start3A_438 : memref<1x4x128xi32, #tpu.memory_space<vmem>> -> memref<4x128xi32, #tpu.memory_space<vmem>>
      %dma_start3A_440 = arith.constant 0 : i32
      %dma_start3A_441 = arith.constant 0 : i32
      %dma_start3A_442 = tpu.memref_slice %arg4[%add3A, %rem3A_417, %dma_start3A_440, %dma_start3A_441] : memref<32x20x4x128xi32, #tpu.memory_space<hbm>> -> memref<1x1x4x128xi32, #tpu.memory_space<hbm>>
      %dma_start3A_443 = tpu.memref_squeeze %dma_start3A_442 : memref<1x1x4x128xi32, #tpu.memory_space<hbm>> -> memref<4x128xi32, #tpu.memory_space<hbm>>
      %dma_start3A_444 = arith.constant 0 : i32
      %dma_start3A_445 = arith.constant 0 : i32
      %dma_start3A_446 = tpu.memref_slice %arg9[%dma_start3A_435, %dma_start3A_444, %dma_start3A_445] : memref<2x4x128xi32, #tpu.memory_space<vmem>> -> memref<1x4x128xi32, #tpu.memory_space<vmem>>
      %dma_start3A_447 = tpu.memref_squeeze %dma_start3A_446 : memref<1x4x128xi32, #tpu.memory_space<vmem>> -> memref<4x128xi32, #tpu.memory_space<vmem>>
      %dma_start3A_448 = arith.constant 0 : i32
      %dma_start3A_449 = arith.constant 0 : i32
      %dma_start3A_450 = tpu.memref_slice %arg4[%add3A, %rem3A_417, %dma_start3A_448, %dma_start3A_449] : memref<32x20x4x128xi32, #tpu.memory_space<hbm>> -> memref<1x1x4x128xi32, #tpu.memory_space<hbm>>
      %dma_start3A_451 = tpu.memref_squeeze %dma_start3A_450 : memref<1x1x4x128xi32, #tpu.memory_space<hbm>> -> memref<4x128xi32, #tpu.memory_space<hbm>>
      tpu.enqueue_dma source(%dma_start3A_451 : memref<4x128xi32, #tpu.memory_space<hbm>>) target(%dma_start3A_447 : memref<4x128xi32, #tpu.memory_space<vmem>>) target_semaphore(%arg23 : memref<!tpu.dma_semaphore, #tpu.memory_space<semaphore_mem>>)
      %mul3A_452 = arith.constant 2 : i32
      %mul3A_453 = arith.muli %scan3A_245, %mul3A_452 : i32
      %add3A_454 = arith.constant 1 : i32
      %add3A_455 = arith.addi %mul3A_453, %add3A_454 : i32
      %dma_wait3A_456 = arith.constant 0 : i32
      %dma_wait3A_457 = arith.constant 0 : i32
      %dma_wait3A_458 = arith.constant 0 : i32
      %dma_wait3A_459 = tpu.memref_slice %arg9[%dma_wait3A_456, %dma_wait3A_457, %dma_wait3A_458] : memref<2x4x128xi32, #tpu.memory_space<vmem>> -> memref<1x1x128xi32, #tpu.memory_space<vmem>>
      %dma_wait3A_460 = tpu.memref_squeeze %dma_wait3A_459 : memref<1x1x128xi32, #tpu.memory_space<vmem>> -> memref<128xi32, #tpu.memory_space<vmem>>
      %dma_wait3A_461 = arith.constant 0 : i32
      %dma_wait3A_462 = arith.constant 0 : i32
      %dma_wait3A_463 = tpu.memref_slice %arg8[%dma_wait3A_461, %dma_wait3A_462] : memref<10240x40xf32, #tpu.memory_space<vmem_shared>> -> memref<10240x40xf32, #tpu.memory_space<vmem_shared>>
      tpu.wait_indirect_dma semaphore(%arg15 : memref<!tpu.dma_semaphore, #tpu.memory_space<semaphore_mem>>) src(%dma_wait3A_463 : memref<10240x40xf32, #tpu.memory_space<vmem_shared>>) dst(%arg11 : memref<128x40xf32, #tpu.memory_space<vmem>>)
      %dma_start3A_464 = arith.constant 1 : i32
      %dma_start3A_465 = arith.constant 0 : i32
      %dma_start3A_466 = arith.constant 0 : i32
      %dma_start3A_467 = tpu.memref_slice %arg10[%dma_start3A_464, %dma_start3A_465, %dma_start3A_466] : memref<2x4x128xi32, #tpu.memory_space<vmem>> -> memref<1x1x128xi32, #tpu.memory_space<vmem>>
      %dma_start3A_468 = tpu.memref_squeeze %dma_start3A_467 : memref<1x1x128xi32, #tpu.memory_space<vmem>> -> memref<128xi32, #tpu.memory_space<vmem>>
      %dma_start3A_469 = arith.constant 0 : i32
      %dma_start3A_470 = arith.constant 0 : i32
      %dma_start3A_471 = tpu.memref_slice %arg7[%dma_start3A_469, %dma_start3A_470] : memref<10240x40xf32, #tpu.memory_space<vmem_shared>> -> memref<10240x40xf32, #tpu.memory_space<vmem_shared>>
      tpu.enqueue_indirect_dma source(%arg11 : memref<128x40xf32, #tpu.memory_space<vmem>>) target(%dma_start3A_471 : memref<10240x40xf32, #tpu.memory_space<vmem_shared>>) offsets(%dma_start3A_468 : memref<128xi32, #tpu.memory_space<vmem>>) semaphore(%arg19 : memref<!tpu.dma_semaphore, #tpu.memory_space<semaphore_mem>>) {add = true}
      %dma_wait3A_472 = arith.constant 0 : i32
      %dma_wait3A_473 = arith.constant 0 : i32
      %dma_wait3A_474 = arith.constant 0 : i32
      %dma_wait3A_475 = tpu.memref_slice %arg9[%dma_wait3A_472, %dma_wait3A_473, %dma_wait3A_474] : memref<2x4x128xi32, #tpu.memory_space<vmem>> -> memref<1x1x128xi32, #tpu.memory_space<vmem>>
      %dma_wait3A_476 = tpu.memref_squeeze %dma_wait3A_475 : memref<1x1x128xi32, #tpu.memory_space<vmem>> -> memref<128xi32, #tpu.memory_space<vmem>>
      %dma_wait3A_477 = arith.constant 0 : i32
      %dma_wait3A_478 = arith.constant 0 : i32
      %dma_wait3A_479 = tpu.memref_slice %arg8[%dma_wait3A_477, %dma_wait3A_478] : memref<10240x40xf32, #tpu.memory_space<vmem_shared>> -> memref<10240x40xf32, #tpu.memory_space<vmem_shared>>
      tpu.wait_indirect_dma semaphore(%arg16 : memref<!tpu.dma_semaphore, #tpu.memory_space<semaphore_mem>>) src(%dma_wait3A_479 : memref<10240x40xf32, #tpu.memory_space<vmem_shared>>) dst(%arg12 : memref<128x40xf32, #tpu.memory_space<vmem>>)
      %dma_start3A_480 = arith.constant 1 : i32
      %dma_start3A_481 = arith.constant 1 : i32
      %dma_start3A_482 = arith.constant 0 : i32
      %dma_start3A_483 = tpu.memref_slice %arg10[%dma_start3A_480, %dma_start3A_481, %dma_start3A_482] : memref<2x4x128xi32, #tpu.memory_space<vmem>> -> memref<1x1x128xi32, #tpu.memory_space<vmem>>
      %dma_start3A_484 = tpu.memref_squeeze %dma_start3A_483 : memref<1x1x128xi32, #tpu.memory_space<vmem>> -> memref<128xi32, #tpu.memory_space<vmem>>
      %dma_start3A_485 = arith.constant 0 : i32
      %dma_start3A_486 = arith.constant 0 : i32
      %dma_start3A_487 = tpu.memref_slice %arg7[%dma_start3A_485, %dma_start3A_486] : memref<10240x40xf32, #tpu.memory_space<vmem_shared>> -> memref<10240x40xf32, #tpu.memory_space<vmem_shared>>
      tpu.enqueue_indirect_dma source(%arg12 : memref<128x40xf32, #tpu.memory_space<vmem>>) target(%dma_start3A_487 : memref<10240x40xf32, #tpu.memory_space<vmem_shared>>) offsets(%dma_start3A_484 : memref<128xi32, #tpu.memory_space<vmem>>) semaphore(%arg20 : memref<!tpu.dma_semaphore, #tpu.memory_space<semaphore_mem>>) {add = true}
      %dma_wait3A_488 = arith.constant 0 : i32
      %dma_wait3A_489 = arith.constant 0 : i32
      %dma_wait3A_490 = arith.constant 0 : i32
      %dma_wait3A_491 = tpu.memref_slice %arg9[%dma_wait3A_488, %dma_wait3A_489, %dma_wait3A_490] : memref<2x4x128xi32, #tpu.memory_space<vmem>> -> memref<1x1x128xi32, #tpu.memory_space<vmem>>
      %dma_wait3A_492 = tpu.memref_squeeze %dma_wait3A_491 : memref<1x1x128xi32, #tpu.memory_space<vmem>> -> memref<128xi32, #tpu.memory_space<vmem>>
      %dma_wait3A_493 = arith.constant 0 : i32
      %dma_wait3A_494 = arith.constant 0 : i32
      %dma_wait3A_495 = tpu.memref_slice %arg8[%dma_wait3A_493, %dma_wait3A_494] : memref<10240x40xf32, #tpu.memory_space<vmem_shared>> -> memref<10240x40xf32, #tpu.memory_space<vmem_shared>>
      tpu.wait_indirect_dma semaphore(%arg17 : memref<!tpu.dma_semaphore, #tpu.memory_space<semaphore_mem>>) src(%dma_wait3A_495 : memref<10240x40xf32, #tpu.memory_space<vmem_shared>>) dst(%arg13 : memref<128x40xf32, #tpu.memory_space<vmem>>)
      %dma_start3A_496 = arith.constant 1 : i32
      %dma_start3A_497 = arith.constant 2 : i32
      %dma_start3A_498 = arith.constant 0 : i32
      %dma_start3A_499 = tpu.memref_slice %arg10[%dma_start3A_496, %dma_start3A_497, %dma_start3A_498] : memref<2x4x128xi32, #tpu.memory_space<vmem>> -> memref<1x1x128xi32, #tpu.memory_space<vmem>>
      %dma_start3A_500 = tpu.memref_squeeze %dma_start3A_499 : memref<1x1x128xi32, #tpu.memory_space<vmem>> -> memref<128xi32, #tpu.memory_space<vmem>>
      %dma_start3A_501 = arith.constant 0 : i32
      %dma_start3A_502 = arith.constant 0 : i32
      %dma_start3A_503 = tpu.memref_slice %arg7[%dma_start3A_501, %dma_start3A_502] : memref<10240x40xf32, #tpu.memory_space<vmem_shared>> -> memref<10240x40xf32, #tpu.memory_space<vmem_shared>>
      tpu.enqueue_indirect_dma source(%arg13 : memref<128x40xf32, #tpu.memory_space<vmem>>) target(%dma_start3A_503 : memref<10240x40xf32, #tpu.memory_space<vmem_shared>>) offsets(%dma_start3A_500 : memref<128xi32, #tpu.memory_space<vmem>>) semaphore(%arg21 : memref<!tpu.dma_semaphore, #tpu.memory_space<semaphore_mem>>) {add = true}
      %dma_wait3A_504 = arith.constant 0 : i32
      %dma_wait3A_505 = arith.constant 0 : i32
      %dma_wait3A_506 = arith.constant 0 : i32
      %dma_wait3A_507 = tpu.memref_slice %arg9[%dma_wait3A_504, %dma_wait3A_505, %dma_wait3A_506] : memref<2x4x128xi32, #tpu.memory_space<vmem>> -> memref<1x1x128xi32, #tpu.memory_space<vmem>>
      %dma_wait3A_508 = tpu.memref_squeeze %dma_wait3A_507 : memref<1x1x128xi32, #tpu.memory_space<vmem>> -> memref<128xi32, #tpu.memory_space<vmem>>
      %dma_wait3A_509 = arith.constant 0 : i32
      %dma_wait3A_510 = arith.constant 0 : i32
      %dma_wait3A_511 = tpu.memref_slice %arg8[%dma_wait3A_509, %dma_wait3A_510] : memref<10240x40xf32, #tpu.memory_space<vmem_shared>> -> memref<10240x40xf32, #tpu.memory_space<vmem_shared>>
      tpu.wait_indirect_dma semaphore(%arg18 : memref<!tpu.dma_semaphore, #tpu.memory_space<semaphore_mem>>) src(%dma_wait3A_511 : memref<10240x40xf32, #tpu.memory_space<vmem_shared>>) dst(%arg14 : memref<128x40xf32, #tpu.memory_space<vmem>>)
      %dma_start3A_512 = arith.constant 1 : i32
      %dma_start3A_513 = arith.constant 3 : i32
      %dma_start3A_514 = arith.constant 0 : i32
      %dma_start3A_515 = tpu.memref_slice %arg10[%dma_start3A_512, %dma_start3A_513, %dma_start3A_514] : memref<2x4x128xi32, #tpu.memory_space<vmem>> -> memref<1x1x128xi32, #tpu.memory_space<vmem>>
      %dma_start3A_516 = tpu.memref_squeeze %dma_start3A_515 : memref<1x1x128xi32, #tpu.memory_space<vmem>> -> memref<128xi32, #tpu.memory_space<vmem>>
      %dma_start3A_517 = arith.constant 0 : i32
      %dma_start3A_518 = arith.constant 0 : i32
      %dma_start3A_519 = tpu.memref_slice %arg7[%dma_start3A_517, %dma_start3A_518] : memref<10240x40xf32, #tpu.memory_space<vmem_shared>> -> memref<10240x40xf32, #tpu.memory_space<vmem_shared>>
      tpu.enqueue_indirect_dma source(%arg14 : memref<128x40xf32, #tpu.memory_space<vmem>>) target(%dma_start3A_519 : memref<10240x40xf32, #tpu.memory_space<vmem_shared>>) offsets(%dma_start3A_516 : memref<128xi32, #tpu.memory_space<vmem>>) semaphore(%arg22 : memref<!tpu.dma_semaphore, #tpu.memory_space<semaphore_mem>>) {add = true}
      %dma_wait3A_520 = arith.constant 0 : i32
      %dma_wait3A_521 = arith.constant 0 : i32
      %dma_wait3A_522 = arith.constant 0 : i32
      %dma_wait3A_523 = arith.constant 0 : i32
      %dma_wait3A_524 = tpu.memref_slice %arg9[%dma_wait3A_521, %dma_wait3A_522, %dma_wait3A_523] : memref<2x4x128xi32, #tpu.memory_space<vmem>> -> memref<1x4x128xi32, #tpu.memory_space<vmem>>
      %dma_wait3A_525 = tpu.memref_squeeze %dma_wait3A_524 : memref<1x4x128xi32, #tpu.memory_space<vmem>> -> memref<4x128xi32, #tpu.memory_space<vmem>>
      %dma_wait3A_526 = arith.constant 0 : i32
      %dma_wait3A_527 = arith.constant 0 : i32
      %dma_wait3A_528 = tpu.memref_slice %arg3[%add3A, %dma_wait3A_520, %dma_wait3A_526, %dma_wait3A_527] : memref<32x20x4x128xi32, #tpu.memory_space<hbm>> -> memref<1x1x4x128xi32, #tpu.memory_space<hbm>>
      %dma_wait3A_529 = tpu.memref_squeeze %dma_wait3A_528 : memref<1x1x4x128xi32, #tpu.memory_space<hbm>> -> memref<4x128xi32, #tpu.memory_space<hbm>>
      %dma_wait3A_530 = arith.constant 0 : i32
      %dma_wait3A_531 = arith.constant 0 : i32
      %dma_wait3A_532 = tpu.memref_slice %arg9[%dma_wait3A_521, %dma_wait3A_530, %dma_wait3A_531] : memref<2x4x128xi32, #tpu.memory_space<vmem>> -> memref<1x4x128xi32, #tpu.memory_space<vmem>>
      %dma_wait3A_533 = tpu.memref_squeeze %dma_wait3A_532 : memref<1x4x128xi32, #tpu.memory_space<vmem>> -> memref<4x128xi32, #tpu.memory_space<vmem>>
      %dma_wait3A_534 = arith.constant 0 : i32
      %dma_wait3A_535 = arith.constant 0 : i32
      %dma_wait3A_536 = tpu.memref_slice %arg3[%add3A, %dma_wait3A_520, %dma_wait3A_534, %dma_wait3A_535] : memref<32x20x4x128xi32, #tpu.memory_space<hbm>> -> memref<1x1x4x128xi32, #tpu.memory_space<hbm>>
      %dma_wait3A_537 = tpu.memref_squeeze %dma_wait3A_536 : memref<1x1x4x128xi32, #tpu.memory_space<hbm>> -> memref<4x128xi32, #tpu.memory_space<hbm>>
      tpu.wait_dma2 semaphore(%arg23 : memref<!tpu.dma_semaphore, #tpu.memory_space<semaphore_mem>>) src(%dma_wait3A_537 : memref<4x128xi32, #tpu.memory_space<hbm>>) dst(%dma_wait3A_533 : memref<4x128xi32, #tpu.memory_space<vmem>>)
      %dma_wait3A_538 = arith.constant 0 : i32
      %dma_wait3A_539 = arith.constant 1 : i32
      %dma_wait3A_540 = arith.constant 0 : i32
      %dma_wait3A_541 = arith.constant 0 : i32
      %dma_wait3A_542 = tpu.memref_slice %arg9[%dma_wait3A_539, %dma_wait3A_540, %dma_wait3A_541] : memref<2x4x128xi32, #tpu.memory_space<vmem>> -> memref<1x4x128xi32, #tpu.memory_space<vmem>>
      %dma_wait3A_543 = tpu.memref_squeeze %dma_wait3A_542 : memref<1x4x128xi32, #tpu.memory_space<vmem>> -> memref<4x128xi32, #tpu.memory_space<vmem>>
      %dma_wait3A_544 = arith.constant 0 : i32
      %dma_wait3A_545 = arith.constant 0 : i32
      %dma_wait3A_546 = tpu.memref_slice %arg4[%add3A, %dma_wait3A_538, %dma_wait3A_544, %dma_wait3A_545] : memref<32x20x4x128xi32, #tpu.memory_space<hbm>> -> memref<1x1x4x128xi32, #tpu.memory_space<hbm>>
      %dma_wait3A_547 = tpu.memref_squeeze %dma_wait3A_546 : memref<1x1x4x128xi32, #tpu.memory_space<hbm>> -> memref<4x128xi32, #tpu.memory_space<hbm>>
      %dma_wait3A_548 = arith.constant 0 : i32
      %dma_wait3A_549 = arith.constant 0 : i32
      %dma_wait3A_550 = tpu.memref_slice %arg9[%dma_wait3A_539, %dma_wait3A_548, %dma_wait3A_549] : memref<2x4x128xi32, #tpu.memory_space<vmem>> -> memref<1x4x128xi32, #tpu.memory_space<vmem>>
      %dma_wait3A_551 = tpu.memref_squeeze %dma_wait3A_550 : memref<1x4x128xi32, #tpu.memory_space<vmem>> -> memref<4x128xi32, #tpu.memory_space<vmem>>
      %dma_wait3A_552 = arith.constant 0 : i32
      %dma_wait3A_553 = arith.constant 0 : i32
      %dma_wait3A_554 = tpu.memref_slice %arg4[%add3A, %dma_wait3A_538, %dma_wait3A_552, %dma_wait3A_553] : memref<32x20x4x128xi32, #tpu.memory_space<hbm>> -> memref<1x1x4x128xi32, #tpu.memory_space<hbm>>
      %dma_wait3A_555 = tpu.memref_squeeze %dma_wait3A_554 : memref<1x1x4x128xi32, #tpu.memory_space<hbm>> -> memref<4x128xi32, #tpu.memory_space<hbm>>
      tpu.wait_dma2 semaphore(%arg23 : memref<!tpu.dma_semaphore, #tpu.memory_space<semaphore_mem>>) src(%dma_wait3A_555 : memref<4x128xi32, #tpu.memory_space<hbm>>) dst(%dma_wait3A_551 : memref<4x128xi32, #tpu.memory_space<vmem>>)
      %dma_wait3A_556 = arith.constant 1 : i32
      %dma_wait3A_557 = arith.constant 0 : i32
      %dma_wait3A_558 = arith.constant 0 : i32
      %dma_wait3A_559 = tpu.memref_slice %arg9[%dma_wait3A_556, %dma_wait3A_557, %dma_wait3A_558] : memref<2x4x128xi32, #tpu.memory_space<vmem>> -> memref<1x1x128xi32, #tpu.memory_space<vmem>>
      %dma_wait3A_560 = tpu.memref_squeeze %dma_wait3A_559 : memref<1x1x128xi32, #tpu.memory_space<vmem>> -> memref<128xi32, #tpu.memory_space<vmem>>
      %dma_wait3A_561 = arith.constant 0 : i32
      %dma_wait3A_562 = arith.constant 0 : i32
      %dma_wait3A_563 = tpu.memref_slice %arg7[%dma_wait3A_561, %dma_wait3A_562] : memref<10240x40xf32, #tpu.memory_space<vmem_shared>> -> memref<10240x40xf32, #tpu.memory_space<vmem_shared>>
      tpu.wait_indirect_dma semaphore(%arg19 : memref<!tpu.dma_semaphore, #tpu.memory_space<semaphore_mem>>) src(%arg11 : memref<128x40xf32, #tpu.memory_space<vmem>>) dst(%dma_wait3A_563 : memref<10240x40xf32, #tpu.memory_space<vmem_shared>>)
      %dma_start3A_564 = arith.constant 0 : i32
      %dma_start3A_565 = arith.constant 0 : i32
      %dma_start3A_566 = arith.constant 0 : i32
      %dma_start3A_567 = tpu.memref_slice %arg9[%dma_start3A_564, %dma_start3A_565, %dma_start3A_566] : memref<2x4x128xi32, #tpu.memory_space<vmem>> -> memref<1x1x128xi32, #tpu.memory_space<vmem>>
      %dma_start3A_568 = tpu.memref_squeeze %dma_start3A_567 : memref<1x1x128xi32, #tpu.memory_space<vmem>> -> memref<128xi32, #tpu.memory_space<vmem>>
      %dma_start3A_569 = arith.constant 0 : i32
      %dma_start3A_570 = arith.constant 0 : i32
      %dma_start3A_571 = tpu.memref_slice %arg8[%dma_start3A_569, %dma_start3A_570] : memref<10240x40xf32, #tpu.memory_space<vmem_shared>> -> memref<10240x40xf32, #tpu.memory_space<vmem_shared>>
      tpu.enqueue_indirect_dma source(%dma_start3A_571 : memref<10240x40xf32, #tpu.memory_space<vmem_shared>>) target(%arg11 : memref<128x40xf32, #tpu.memory_space<vmem>>) offsets(%dma_start3A_568 : memref<128xi32, #tpu.memory_space<vmem>>) semaphore(%arg15 : memref<!tpu.dma_semaphore, #tpu.memory_space<semaphore_mem>>)
      %dma_wait3A_572 = arith.constant 1 : i32
      %dma_wait3A_573 = arith.constant 0 : i32
      %dma_wait3A_574 = arith.constant 0 : i32
      %dma_wait3A_575 = tpu.memref_slice %arg9[%dma_wait3A_572, %dma_wait3A_573, %dma_wait3A_574] : memref<2x4x128xi32, #tpu.memory_space<vmem>> -> memref<1x1x128xi32, #tpu.memory_space<vmem>>
      %dma_wait3A_576 = tpu.memref_squeeze %dma_wait3A_575 : memref<1x1x128xi32, #tpu.memory_space<vmem>> -> memref<128xi32, #tpu.memory_space<vmem>>
      %dma_wait3A_577 = arith.constant 0 : i32
      %dma_wait3A_578 = arith.constant 0 : i32
      %dma_wait3A_579 = tpu.memref_slice %arg7[%dma_wait3A_577, %dma_wait3A_578] : memref<10240x40xf32, #tpu.memory_space<vmem_shared>> -> memref<10240x40xf32, #tpu.memory_space<vmem_shared>>
      tpu.wait_indirect_dma semaphore(%arg20 : memref<!tpu.dma_semaphore, #tpu.memory_space<semaphore_mem>>) src(%arg12 : memref<128x40xf32, #tpu.memory_space<vmem>>) dst(%dma_wait3A_579 : memref<10240x40xf32, #tpu.memory_space<vmem_shared>>)
      %dma_start3A_580 = arith.constant 0 : i32
      %dma_start3A_581 = arith.constant 1 : i32
      %dma_start3A_582 = arith.constant 0 : i32
      %dma_start3A_583 = tpu.memref_slice %arg9[%dma_start3A_580, %dma_start3A_581, %dma_start3A_582] : memref<2x4x128xi32, #tpu.memory_space<vmem>> -> memref<1x1x128xi32, #tpu.memory_space<vmem>>
      %dma_start3A_584 = tpu.memref_squeeze %dma_start3A_583 : memref<1x1x128xi32, #tpu.memory_space<vmem>> -> memref<128xi32, #tpu.memory_space<vmem>>
      %dma_start3A_585 = arith.constant 0 : i32
      %dma_start3A_586 = arith.constant 0 : i32
      %dma_start3A_587 = tpu.memref_slice %arg8[%dma_start3A_585, %dma_start3A_586] : memref<10240x40xf32, #tpu.memory_space<vmem_shared>> -> memref<10240x40xf32, #tpu.memory_space<vmem_shared>>
      tpu.enqueue_indirect_dma source(%dma_start3A_587 : memref<10240x40xf32, #tpu.memory_space<vmem_shared>>) target(%arg12 : memref<128x40xf32, #tpu.memory_space<vmem>>) offsets(%dma_start3A_584 : memref<128xi32, #tpu.memory_space<vmem>>) semaphore(%arg16 : memref<!tpu.dma_semaphore, #tpu.memory_space<semaphore_mem>>)
      %dma_wait3A_588 = arith.constant 1 : i32
      %dma_wait3A_589 = arith.constant 0 : i32
      %dma_wait3A_590 = arith.constant 0 : i32
      %dma_wait3A_591 = tpu.memref_slice %arg9[%dma_wait3A_588, %dma_wait3A_589, %dma_wait3A_590] : memref<2x4x128xi32, #tpu.memory_space<vmem>> -> memref<1x1x128xi32, #tpu.memory_space<vmem>>
      %dma_wait3A_592 = tpu.memref_squeeze %dma_wait3A_591 : memref<1x1x128xi32, #tpu.memory_space<vmem>> -> memref<128xi32, #tpu.memory_space<vmem>>
      %dma_wait3A_593 = arith.constant 0 : i32
      %dma_wait3A_594 = arith.constant 0 : i32
      %dma_wait3A_595 = tpu.memref_slice %arg7[%dma_wait3A_593, %dma_wait3A_594] : memref<10240x40xf32, #tpu.memory_space<vmem_shared>> -> memref<10240x40xf32, #tpu.memory_space<vmem_shared>>
      tpu.wait_indirect_dma semaphore(%arg21 : memref<!tpu.dma_semaphore, #tpu.memory_space<semaphore_mem>>) src(%arg13 : memref<128x40xf32, #tpu.memory_space<vmem>>) dst(%dma_wait3A_595 : memref<10240x40xf32, #tpu.memory_space<vmem_shared>>)
      %dma_start3A_596 = arith.constant 0 : i32
      %dma_start3A_597 = arith.constant 2 : i32
      %dma_start3A_598 = arith.constant 0 : i32
      %dma_start3A_599 = tpu.memref_slice %arg9[%dma_start3A_596, %dma_start3A_597, %dma_start3A_598] : memref<2x4x128xi32, #tpu.memory_space<vmem>> -> memref<1x1x128xi32, #tpu.memory_space<vmem>>
      %dma_start3A_600 = tpu.memref_squeeze %dma_start3A_599 : memref<1x1x128xi32, #tpu.memory_space<vmem>> -> memref<128xi32, #tpu.memory_space<vmem>>
      %dma_start3A_601 = arith.constant 0 : i32
      %dma_start3A_602 = arith.constant 0 : i32
      %dma_start3A_603 = tpu.memref_slice %arg8[%dma_start3A_601, %dma_start3A_602] : memref<10240x40xf32, #tpu.memory_space<vmem_shared>> -> memref<10240x40xf32, #tpu.memory_space<vmem_shared>>
      tpu.enqueue_indirect_dma source(%dma_start3A_603 : memref<10240x40xf32, #tpu.memory_space<vmem_shared>>) target(%arg13 : memref<128x40xf32, #tpu.memory_space<vmem>>) offsets(%dma_start3A_600 : memref<128xi32, #tpu.memory_space<vmem>>) semaphore(%arg17 : memref<!tpu.dma_semaphore, #tpu.memory_space<semaphore_mem>>)
      %dma_wait3A_604 = arith.constant 1 : i32
      %dma_wait3A_605 = arith.constant 0 : i32
      %dma_wait3A_606 = arith.constant 0 : i32
      %dma_wait3A_607 = tpu.memref_slice %arg9[%dma_wait3A_604, %dma_wait3A_605, %dma_wait3A_606] : memref<2x4x128xi32, #tpu.memory_space<vmem>> -> memref<1x1x128xi32, #tpu.memory_space<vmem>>
      %dma_wait3A_608 = tpu.memref_squeeze %dma_wait3A_607 : memref<1x1x128xi32, #tpu.memory_space<vmem>> -> memref<128xi32, #tpu.memory_space<vmem>>
      %dma_wait3A_609 = arith.constant 0 : i32
      %dma_wait3A_610 = arith.constant 0 : i32
      %dma_wait3A_611 = tpu.memref_slice %arg7[%dma_wait3A_609, %dma_wait3A_610] : memref<10240x40xf32, #tpu.memory_space<vmem_shared>> -> memref<10240x40xf32, #tpu.memory_space<vmem_shared>>
      tpu.wait_indirect_dma semaphore(%arg22 : memref<!tpu.dma_semaphore, #tpu.memory_space<semaphore_mem>>) src(%arg14 : memref<128x40xf32, #tpu.memory_space<vmem>>) dst(%dma_wait3A_611 : memref<10240x40xf32, #tpu.memory_space<vmem_shared>>)
      %dma_start3A_612 = arith.constant 0 : i32
      %dma_start3A_613 = arith.constant 3 : i32
      %dma_start3A_614 = arith.constant 0 : i32
      %dma_start3A_615 = tpu.memref_slice %arg9[%dma_start3A_612, %dma_start3A_613, %dma_start3A_614] : memref<2x4x128xi32, #tpu.memory_space<vmem>> -> memref<1x1x128xi32, #tpu.memory_space<vmem>>
      %dma_start3A_616 = tpu.memref_squeeze %dma_start3A_615 : memref<1x1x128xi32, #tpu.memory_space<vmem>> -> memref<128xi32, #tpu.memory_space<vmem>>
      %dma_start3A_617 = arith.constant 0 : i32
      %dma_start3A_618 = arith.constant 0 : i32
      %dma_start3A_619 = tpu.memref_slice %arg8[%dma_start3A_617, %dma_start3A_618] : memref<10240x40xf32, #tpu.memory_space<vmem_shared>> -> memref<10240x40xf32, #tpu.memory_space<vmem_shared>>
      tpu.enqueue_indirect_dma source(%dma_start3A_619 : memref<10240x40xf32, #tpu.memory_space<vmem_shared>>) target(%arg14 : memref<128x40xf32, #tpu.memory_space<vmem>>) offsets(%dma_start3A_616 : memref<128xi32, #tpu.memory_space<vmem>>) semaphore(%arg18 : memref<!tpu.dma_semaphore, #tpu.memory_space<semaphore_mem>>)
      %add3A_620 = arith.constant 2 : i32
      %add3A_621 = arith.addi %add3A_455, %add3A_620 : i32
      %rem3A_622 = arith.constant 20 : i32
      %rem3A_623 = arith.remsi %add3A_621, %rem3A_622 : i32
      %dma_start3A_624 = arith.constant 0 : i32
      %dma_start3A_625 = arith.constant 0 : i32
      %dma_start3A_626 = arith.constant 0 : i32
      %dma_start3A_627 = tpu.memref_slice %arg10[%dma_start3A_624, %dma_start3A_625, %dma_start3A_626] : memref<2x4x128xi32, #tpu.memory_space<vmem>> -> memref<1x4x128xi32, #tpu.memory_space<vmem>>
      %dma_start3A_628 = tpu.memref_squeeze %dma_start3A_627 : memref<1x4x128xi32, #tpu.memory_space<vmem>> -> memref<4x128xi32, #tpu.memory_space<vmem>>
      %dma_start3A_629 = arith.constant 0 : i32
      %dma_start3A_630 = arith.constant 0 : i32
      %dma_start3A_631 = tpu.memref_slice %arg3[%add3A, %rem3A_623, %dma_start3A_629, %dma_start3A_630] : memref<32x20x4x128xi32, #tpu.memory_space<hbm>> -> memref<1x1x4x128xi32, #tpu.memory_space<hbm>>
      %dma_start3A_632 = tpu.memref_squeeze %dma_start3A_631 : memref<1x1x4x128xi32, #tpu.memory_space<hbm>> -> memref<4x128xi32, #tpu.memory_space<hbm>>
      %dma_start3A_633 = arith.constant 0 : i32
      %dma_start3A_634 = arith.constant 0 : i32
      %dma_start3A_635 = tpu.memref_slice %arg10[%dma_start3A_624, %dma_start3A_633, %dma_start3A_634] : memref<2x4x128xi32, #tpu.memory_space<vmem>> -> memref<1x4x128xi32, #tpu.memory_space<vmem>>
      %dma_start3A_636 = tpu.memref_squeeze %dma_start3A_635 : memref<1x4x128xi32, #tpu.memory_space<vmem>> -> memref<4x128xi32, #tpu.memory_space<vmem>>
      %dma_start3A_637 = arith.constant 0 : i32
      %dma_start3A_638 = arith.constant 0 : i32
      %dma_start3A_639 = tpu.memref_slice %arg3[%add3A, %rem3A_623, %dma_start3A_637, %dma_start3A_638] : memref<32x20x4x128xi32, #tpu.memory_space<hbm>> -> memref<1x1x4x128xi32, #tpu.memory_space<hbm>>
      %dma_start3A_640 = tpu.memref_squeeze %dma_start3A_639 : memref<1x1x4x128xi32, #tpu.memory_space<hbm>> -> memref<4x128xi32, #tpu.memory_space<hbm>>
      tpu.enqueue_dma source(%dma_start3A_640 : memref<4x128xi32, #tpu.memory_space<hbm>>) target(%dma_start3A_636 : memref<4x128xi32, #tpu.memory_space<vmem>>) target_semaphore(%arg24 : memref<!tpu.dma_semaphore, #tpu.memory_space<semaphore_mem>>)
      %dma_start3A_641 = arith.constant 1 : i32
      %dma_start3A_642 = arith.constant 0 : i32
      %dma_start3A_643 = arith.constant 0 : i32
      %dma_start3A_644 = tpu.memref_slice %arg10[%dma_start3A_641, %dma_start3A_642, %dma_start3A_643] : memref<2x4x128xi32, #tpu.memory_space<vmem>> -> memref<1x4x128xi32, #tpu.memory_space<vmem>>
      %dma_start3A_645 = tpu.memref_squeeze %dma_start3A_644 : memref<1x4x128xi32, #tpu.memory_space<vmem>> -> memref<4x128xi32, #tpu.memory_space<vmem>>
      %dma_start3A_646 = arith.constant 0 : i32
      %dma_start3A_647 = arith.constant 0 : i32
      %dma_start3A_648 = tpu.memref_slice %arg4[%add3A, %rem3A_623, %dma_start3A_646, %dma_start3A_647] : memref<32x20x4x128xi32, #tpu.memory_space<hbm>> -> memref<1x1x4x128xi32, #tpu.memory_space<hbm>>
      %dma_start3A_649 = tpu.memref_squeeze %dma_start3A_648 : memref<1x1x4x128xi32, #tpu.memory_space<hbm>> -> memref<4x128xi32, #tpu.memory_space<hbm>>
      %dma_start3A_650 = arith.constant 0 : i32
      %dma_start3A_651 = arith.constant 0 : i32
      %dma_start3A_652 = tpu.memref_slice %arg10[%dma_start3A_641, %dma_start3A_650, %dma_start3A_651] : memref<2x4x128xi32, #tpu.memory_space<vmem>> -> memref<1x4x128xi32, #tpu.memory_space<vmem>>
      %dma_start3A_653 = tpu.memref_squeeze %dma_start3A_652 : memref<1x4x128xi32, #tpu.memory_space<vmem>> -> memref<4x128xi32, #tpu.memory_space<vmem>>
      %dma_start3A_654 = arith.constant 0 : i32
      %dma_start3A_655 = arith.constant 0 : i32
      %dma_start3A_656 = tpu.memref_slice %arg4[%add3A, %rem3A_623, %dma_start3A_654, %dma_start3A_655] : memref<32x20x4x128xi32, #tpu.memory_space<hbm>> -> memref<1x1x4x128xi32, #tpu.memory_space<hbm>>
      %dma_start3A_657 = tpu.memref_squeeze %dma_start3A_656 : memref<1x1x4x128xi32, #tpu.memory_space<hbm>> -> memref<4x128xi32, #tpu.memory_space<hbm>>
      tpu.enqueue_dma source(%dma_start3A_657 : memref<4x128xi32, #tpu.memory_space<hbm>>) target(%dma_start3A_653 : memref<4x128xi32, #tpu.memory_space<vmem>>) target_semaphore(%arg24 : memref<!tpu.dma_semaphore, #tpu.memory_space<semaphore_mem>>)
      %scan3A_658 = arith.constant 0 : i32
      scf.yield %scan3A_658 : i32
    }
    %scan3A_155 = arith.constant 10 : i32
    %dma_wait3A_156 = arith.constant 0 : i32
    %dma_wait3A_157 = arith.constant 0 : i32
    %dma_wait3A_158 = arith.constant 0 : i32
    %dma_wait3A_159 = tpu.memref_slice %arg9[%dma_wait3A_156, %dma_wait3A_157, %dma_wait3A_158] : memref<2x4x128xi32, #tpu.memory_space<vmem>> -> memref<1x1x128xi32, #tpu.memory_space<vmem>>
    %dma_wait3A_160 = tpu.memref_squeeze %dma_wait3A_159 : memref<1x1x128xi32, #tpu.memory_space<vmem>> -> memref<128xi32, #tpu.memory_space<vmem>>
    %dma_wait3A_161 = arith.constant 0 : i32
    %dma_wait3A_162 = arith.constant 0 : i32
    %dma_wait3A_163 = tpu.memref_slice %arg8[%dma_wait3A_161, %dma_wait3A_162] : memref<10240x40xf32, #tpu.memory_space<vmem_shared>> -> memref<10240x40xf32, #tpu.memory_space<vmem_shared>>
    tpu.wait_indirect_dma semaphore(%arg15 : memref<!tpu.dma_semaphore, #tpu.memory_space<semaphore_mem>>) src(%dma_wait3A_163 : memref<10240x40xf32, #tpu.memory_space<vmem_shared>>) dst(%arg11 : memref<128x40xf32, #tpu.memory_space<vmem>>)
    %dma_wait3A_164 = arith.constant 0 : i32
    %dma_wait3A_165 = arith.constant 0 : i32
    %dma_wait3A_166 = arith.constant 0 : i32
    %dma_wait3A_167 = tpu.memref_slice %arg9[%dma_wait3A_164, %dma_wait3A_165, %dma_wait3A_166] : memref<2x4x128xi32, #tpu.memory_space<vmem>> -> memref<1x1x128xi32, #tpu.memory_space<vmem>>
    %dma_wait3A_168 = tpu.memref_squeeze %dma_wait3A_167 : memref<1x1x128xi32, #tpu.memory_space<vmem>> -> memref<128xi32, #tpu.memory_space<vmem>>
    %dma_wait3A_169 = arith.constant 0 : i32
    %dma_wait3A_170 = arith.constant 0 : i32
    %dma_wait3A_171 = tpu.memref_slice %arg8[%dma_wait3A_169, %dma_wait3A_170] : memref<10240x40xf32, #tpu.memory_space<vmem_shared>> -> memref<10240x40xf32, #tpu.memory_space<vmem_shared>>
    tpu.wait_indirect_dma semaphore(%arg16 : memref<!tpu.dma_semaphore, #tpu.memory_space<semaphore_mem>>) src(%dma_wait3A_171 : memref<10240x40xf32, #tpu.memory_space<vmem_shared>>) dst(%arg12 : memref<128x40xf32, #tpu.memory_space<vmem>>)
    %dma_wait3A_172 = arith.constant 0 : i32
    %dma_wait3A_173 = arith.constant 0 : i32
    %dma_wait3A_174 = arith.constant 0 : i32
    %dma_wait3A_175 = tpu.memref_slice %arg9[%dma_wait3A_172, %dma_wait3A_173, %dma_wait3A_174] : memref<2x4x128xi32, #tpu.memory_space<vmem>> -> memref<1x1x128xi32, #tpu.memory_space<vmem>>
    %dma_wait3A_176 = tpu.memref_squeeze %dma_wait3A_175 : memref<1x1x128xi32, #tpu.memory_space<vmem>> -> memref<128xi32, #tpu.memory_space<vmem>>
    %dma_wait3A_177 = arith.constant 0 : i32
    %dma_wait3A_178 = arith.constant 0 : i32
    %dma_wait3A_179 = tpu.memref_slice %arg8[%dma_wait3A_177, %dma_wait3A_178] : memref<10240x40xf32, #tpu.memory_space<vmem_shared>> -> memref<10240x40xf32, #tpu.memory_space<vmem_shared>>
    tpu.wait_indirect_dma semaphore(%arg17 : memref<!tpu.dma_semaphore, #tpu.memory_space<semaphore_mem>>) src(%dma_wait3A_179 : memref<10240x40xf32, #tpu.memory_space<vmem_shared>>) dst(%arg13 : memref<128x40xf32, #tpu.memory_space<vmem>>)
    %dma_wait3A_180 = arith.constant 0 : i32
    %dma_wait3A_181 = arith.constant 0 : i32
    %dma_wait3A_182 = arith.constant 0 : i32
    %dma_wait3A_183 = tpu.memref_slice %arg9[%dma_wait3A_180, %dma_wait3A_181, %dma_wait3A_182] : memref<2x4x128xi32, #tpu.memory_space<vmem>> -> memref<1x1x128xi32, #tpu.memory_space<vmem>>
    %dma_wait3A_184 = tpu.memref_squeeze %dma_wait3A_183 : memref<1x1x128xi32, #tpu.memory_space<vmem>> -> memref<128xi32, #tpu.memory_space<vmem>>
    %dma_wait3A_185 = arith.constant 0 : i32
    %dma_wait3A_186 = arith.constant 0 : i32
    %dma_wait3A_187 = tpu.memref_slice %arg8[%dma_wait3A_185, %dma_wait3A_186] : memref<10240x40xf32, #tpu.memory_space<vmem_shared>> -> memref<10240x40xf32, #tpu.memory_space<vmem_shared>>
    tpu.wait_indirect_dma semaphore(%arg18 : memref<!tpu.dma_semaphore, #tpu.memory_space<semaphore_mem>>) src(%dma_wait3A_187 : memref<10240x40xf32, #tpu.memory_space<vmem_shared>>) dst(%arg14 : memref<128x40xf32, #tpu.memory_space<vmem>>)
    %dma_wait3A_188 = arith.constant 0 : i32
    %dma_wait3A_189 = arith.constant 0 : i32
    %dma_wait3A_190 = arith.constant 0 : i32
    %dma_wait3A_191 = arith.constant 0 : i32
    %dma_wait3A_192 = tpu.memref_slice %arg10[%dma_wait3A_189, %dma_wait3A_190, %dma_wait3A_191] : memref<2x4x128xi32, #tpu.memory_space<vmem>> -> memref<1x4x128xi32, #tpu.memory_space<vmem>>
    %dma_wait3A_193 = tpu.memref_squeeze %dma_wait3A_192 : memref<1x4x128xi32, #tpu.memory_space<vmem>> -> memref<4x128xi32, #tpu.memory_space<vmem>>
    %dma_wait3A_194 = arith.constant 0 : i32
    %dma_wait3A_195 = arith.constant 0 : i32
    %dma_wait3A_196 = tpu.memref_slice %arg3[%add3A, %dma_wait3A_188, %dma_wait3A_194, %dma_wait3A_195] : memref<32x20x4x128xi32, #tpu.memory_space<hbm>> -> memref<1x1x4x128xi32, #tpu.memory_space<hbm>>
    %dma_wait3A_197 = tpu.memref_squeeze %dma_wait3A_196 : memref<1x1x4x128xi32, #tpu.memory_space<hbm>> -> memref<4x128xi32, #tpu.memory_space<hbm>>
    %dma_wait3A_198 = arith.constant 0 : i32
    %dma_wait3A_199 = arith.constant 0 : i32
    %dma_wait3A_200 = tpu.memref_slice %arg10[%dma_wait3A_189, %dma_wait3A_198, %dma_wait3A_199] : memref<2x4x128xi32, #tpu.memory_space<vmem>> -> memref<1x4x128xi32, #tpu.memory_space<vmem>>
    %dma_wait3A_201 = tpu.memref_squeeze %dma_wait3A_200 : memref<1x4x128xi32, #tpu.memory_space<vmem>> -> memref<4x128xi32, #tpu.memory_space<vmem>>
    %dma_wait3A_202 = arith.constant 0 : i32
    %dma_wait3A_203 = arith.constant 0 : i32
    %dma_wait3A_204 = tpu.memref_slice %arg3[%add3A, %dma_wait3A_188, %dma_wait3A_202, %dma_wait3A_203] : memref<32x20x4x128xi32, #tpu.memory_space<hbm>> -> memref<1x1x4x128xi32, #tpu.memory_space<hbm>>
    %dma_wait3A_205 = tpu.memref_squeeze %dma_wait3A_204 : memref<1x1x4x128xi32, #tpu.memory_space<hbm>> -> memref<4x128xi32, #tpu.memory_space<hbm>>
    tpu.wait_dma2 semaphore(%arg24 : memref<!tpu.dma_semaphore, #tpu.memory_space<semaphore_mem>>) src(%dma_wait3A_205 : memref<4x128xi32, #tpu.memory_space<hbm>>) dst(%dma_wait3A_201 : memref<4x128xi32, #tpu.memory_space<vmem>>)
    %dma_wait3A_206 = arith.constant 0 : i32
    %dma_wait3A_207 = arith.constant 1 : i32
    %dma_wait3A_208 = arith.constant 0 : i32
    %dma_wait3A_209 = arith.constant 0 : i32
    %dma_wait3A_210 = tpu.memref_slice %arg10[%dma_wait3A_207, %dma_wait3A_208, %dma_wait3A_209] : memref<2x4x128xi32, #tpu.memory_space<vmem>> -> memref<1x4x128xi32, #tpu.memory_space<vmem>>
    %dma_wait3A_211 = tpu.memref_squeeze %dma_wait3A_210 : memref<1x4x128xi32, #tpu.memory_space<vmem>> -> memref<4x128xi32, #tpu.memory_space<vmem>>
    %dma_wait3A_212 = arith.constant 0 : i32
    %dma_wait3A_213 = arith.constant 0 : i32
    %dma_wait3A_214 = tpu.memref_slice %arg4[%add3A, %dma_wait3A_206, %dma_wait3A_212, %dma_wait3A_213] : memref<32x20x4x128xi32, #tpu.memory_space<hbm>> -> memref<1x1x4x128xi32, #tpu.memory_space<hbm>>
    %dma_wait3A_215 = tpu.memref_squeeze %dma_wait3A_214 : memref<1x1x4x128xi32, #tpu.memory_space<hbm>> -> memref<4x128xi32, #tpu.memory_space<hbm>>
    %dma_wait3A_216 = arith.constant 0 : i32
    %dma_wait3A_217 = arith.constant 0 : i32
    %dma_wait3A_218 = tpu.memref_slice %arg10[%dma_wait3A_207, %dma_wait3A_216, %dma_wait3A_217] : memref<2x4x128xi32, #tpu.memory_space<vmem>> -> memref<1x4x128xi32, #tpu.memory_space<vmem>>
    %dma_wait3A_219 = tpu.memref_squeeze %dma_wait3A_218 : memref<1x4x128xi32, #tpu.memory_space<vmem>> -> memref<4x128xi32, #tpu.memory_space<vmem>>
    %dma_wait3A_220 = arith.constant 0 : i32
    %dma_wait3A_221 = arith.constant 0 : i32
    %dma_wait3A_222 = tpu.memref_slice %arg4[%add3A, %dma_wait3A_206, %dma_wait3A_220, %dma_wait3A_221] : memref<32x20x4x128xi32, #tpu.memory_space<hbm>> -> memref<1x1x4x128xi32, #tpu.memory_space<hbm>>
    %dma_wait3A_223 = tpu.memref_squeeze %dma_wait3A_222 : memref<1x1x4x128xi32, #tpu.memory_space<hbm>> -> memref<4x128xi32, #tpu.memory_space<hbm>>
    tpu.wait_dma2 semaphore(%arg24 : memref<!tpu.dma_semaphore, #tpu.memory_space<semaphore_mem>>) src(%dma_wait3A_223 : memref<4x128xi32, #tpu.memory_space<hbm>>) dst(%dma_wait3A_219 : memref<4x128xi32, #tpu.memory_space<vmem>>)
    %barrier3A_224 = arith.constant 0 : index
    tpu.barrier barrier_id(%barrier3A_224)
    %mul3A_225 = arith.constant 640 : i32
    %mul3A_226 = arith.muli %arg1, %mul3A_225 : i32
    %add3A_227 = arith.constant 0 : i32
    %add3A_228 = arith.addi %mul3A_226, %add3A_227 : i32
    "tpu.region"() ({
      %run_scoped3A = tpu.sem_alloc : memref<!tpu.dma_semaphore, #tpu.memory_space<semaphore_mem>>
      %dma_start3A_245 = arith.constant 0 : i32
      %dma_start3A_246 = tpu.memref_slice %arg7[%add3A_228, %dma_start3A_245] : memref<10240x40xf32, #tpu.memory_space<vmem_shared>> -> memref<128x40xf32, #tpu.memory_space<vmem_shared>>
      %dma_start3A_247 = arith.constant 0 : i32
      %dma_start3A_248 = tpu.memref_slice %arg7[%add3A_228, %dma_start3A_247] : memref<10240x40xf32, #tpu.memory_space<vmem_shared>> -> memref<128x40xf32, #tpu.memory_space<vmem_shared>>
      tpu.enqueue_dma source(%dma_start3A_248 : memref<128x40xf32, #tpu.memory_space<vmem_shared>>) target(%arg11 : memref<128x40xf32, #tpu.memory_space<vmem>>) target_semaphore(%run_scoped3A : memref<!tpu.dma_semaphore, #tpu.memory_space<semaphore_mem>>)
      %dma_wait3A_249 = arith.constant 0 : i32
      %dma_wait3A_250 = tpu.memref_slice %arg7[%add3A_228, %dma_wait3A_249] : memref<10240x40xf32, #tpu.memory_space<vmem_shared>> -> memref<128x40xf32, #tpu.memory_space<vmem_shared>>
      %dma_wait3A_251 = arith.constant 0 : i32
      %dma_wait3A_252 = tpu.memref_slice %arg7[%add3A_228, %dma_wait3A_251] : memref<10240x40xf32, #tpu.memory_space<vmem_shared>> -> memref<128x40xf32, #tpu.memory_space<vmem_shared>>
      tpu.wait_dma2 semaphore(%run_scoped3A : memref<!tpu.dma_semaphore, #tpu.memory_space<semaphore_mem>>) src(%dma_wait3A_252 : memref<128x40xf32, #tpu.memory_space<vmem_shared>>) dst(%arg11 : memref<128x40xf32, #tpu.memory_space<vmem>>)
      tpu.yield
    }) : () -> ()
    "tpu.region"() ({
      %run_scoped3A = tpu.sem_alloc : memref<!tpu.dma_semaphore, #tpu.memory_space<semaphore_mem>>
      %dma_start3A_245 = arith.constant 0 : i32
      %dma_start3A_246 = tpu.memref_slice %arg6[%arg0, %add3A_228, %dma_start3A_245] : memref<2x10240x40xf32, #tpu.memory_space<hbm>> -> memref<1x128x40xf32, #tpu.memory_space<hbm>>
      %dma_start3A_247 = tpu.memref_squeeze %dma_start3A_246 : memref<1x128x40xf32, #tpu.memory_space<hbm>> -> memref<128x40xf32, #tpu.memory_space<hbm>>
      %dma_start3A_248 = arith.constant 0 : i32
      %dma_start3A_249 = tpu.memref_slice %arg6[%arg0, %add3A_228, %dma_start3A_248] : memref<2x10240x40xf32, #tpu.memory_space<hbm>> -> memref<1x128x40xf32, #tpu.memory_space<hbm>>
      %dma_start3A_250 = tpu.memref_squeeze %dma_start3A_249 : memref<1x128x40xf32, #tpu.memory_space<hbm>> -> memref<128x40xf32, #tpu.memory_space<hbm>>
      tpu.enqueue_dma source(%arg11 : memref<128x40xf32, #tpu.memory_space<vmem>>) target(%dma_start3A_250 : memref<128x40xf32, #tpu.memory_space<hbm>>) target_semaphore(%run_scoped3A : memref<!tpu.dma_semaphore, #tpu.memory_space<semaphore_mem>>)
      %dma_wait3A_251 = arith.constant 0 : i32
      %dma_wait3A_252 = tpu.memref_slice %arg6[%arg0, %add3A_228, %dma_wait3A_251] : memref<2x10240x40xf32, #tpu.memory_space<hbm>> -> memref<1x128x40xf32, #tpu.memory_space<hbm>>
      %dma_wait3A_253 = tpu.memref_squeeze %dma_wait3A_252 : memref<1x128x40xf32, #tpu.memory_space<hbm>> -> memref<128x40xf32, #tpu.memory_space<hbm>>
      %dma_wait3A_254 = arith.constant 0 : i32
      %dma_wait3A_255 = tpu.memref_slice %arg6[%arg0, %add3A_228, %dma_wait3A_254] : memref<2x10240x40xf32, #tpu.memory_space<hbm>> -> memref<1x128x40xf32, #tpu.memory_space<hbm>>
      %dma_wait3A_256 = tpu.memref_squeeze %dma_wait3A_255 : memref<1x128x40xf32, #tpu.memory_space<hbm>> -> memref<128x40xf32, #tpu.memory_space<hbm>>
      tpu.wait_dma2 semaphore(%run_scoped3A : memref<!tpu.dma_semaphore, #tpu.memory_space<semaphore_mem>>) src(%arg11 : memref<128x40xf32, #tpu.memory_space<vmem>>) dst(%dma_wait3A_256 : memref<128x40xf32, #tpu.memory_space<hbm>>)
      tpu.yield
    }) : () -> ()
    %mul3A_229 = arith.constant 640 : i32
    %mul3A_230 = arith.muli %arg1, %mul3A_229 : i32
    %add3A_231 = arith.constant 128 : i32
    %add3A_232 = arith.addi %mul3A_230, %add3A_231 : i32
    "tpu.region"() ({
      %run_scoped3A = tpu.sem_alloc : memref<!tpu.dma_semaphore, #tpu.memory_space<semaphore_mem>>
      %dma_start3A_245 = arith.constant 0 : i32
      %dma_start3A_246 = tpu.memref_slice %arg7[%add3A_232, %dma_start3A_245] : memref<10240x40xf32, #tpu.memory_space<vmem_shared>> -> memref<128x40xf32, #tpu.memory_space<vmem_shared>>
      %dma_start3A_247 = arith.constant 0 : i32
      %dma_start3A_248 = tpu.memref_slice %arg7[%add3A_232, %dma_start3A_247] : memref<10240x40xf32, #tpu.memory_space<vmem_shared>> -> memref<128x40xf32, #tpu.memory_space<vmem_shared>>
      tpu.enqueue_dma source(%dma_start3A_248 : memref<128x40xf32, #tpu.memory_space<vmem_shared>>) target(%arg11 : memref<128x40xf32, #tpu.memory_space<vmem>>) target_semaphore(%run_scoped3A : memref<!tpu.dma_semaphore, #tpu.memory_space<semaphore_mem>>)
      %dma_wait3A_249 = arith.constant 0 : i32
      %dma_wait3A_250 = tpu.memref_slice %arg7[%add3A_232, %dma_wait3A_249] : memref<10240x40xf32, #tpu.memory_space<vmem_shared>> -> memref<128x40xf32, #tpu.memory_space<vmem_shared>>
      %dma_wait3A_251 = arith.constant 0 : i32
      %dma_wait3A_252 = tpu.memref_slice %arg7[%add3A_232, %dma_wait3A_251] : memref<10240x40xf32, #tpu.memory_space<vmem_shared>> -> memref<128x40xf32, #tpu.memory_space<vmem_shared>>
      tpu.wait_dma2 semaphore(%run_scoped3A : memref<!tpu.dma_semaphore, #tpu.memory_space<semaphore_mem>>) src(%dma_wait3A_252 : memref<128x40xf32, #tpu.memory_space<vmem_shared>>) dst(%arg11 : memref<128x40xf32, #tpu.memory_space<vmem>>)
      tpu.yield
    }) : () -> ()
    "tpu.region"() ({
      %run_scoped3A = tpu.sem_alloc : memref<!tpu.dma_semaphore, #tpu.memory_space<semaphore_mem>>
      %dma_start3A_245 = arith.constant 0 : i32
      %dma_start3A_246 = tpu.memref_slice %arg6[%arg0, %add3A_232, %dma_start3A_245] : memref<2x10240x40xf32, #tpu.memory_space<hbm>> -> memref<1x128x40xf32, #tpu.memory_space<hbm>>
      %dma_start3A_247 = tpu.memref_squeeze %dma_start3A_246 : memref<1x128x40xf32, #tpu.memory_space<hbm>> -> memref<128x40xf32, #tpu.memory_space<hbm>>
      %dma_start3A_248 = arith.constant 0 : i32
      %dma_start3A_249 = tpu.memref_slice %arg6[%arg0, %add3A_232, %dma_start3A_248] : memref<2x10240x40xf32, #tpu.memory_space<hbm>> -> memref<1x128x40xf32, #tpu.memory_space<hbm>>
      %dma_start3A_250 = tpu.memref_squeeze %dma_start3A_249 : memref<1x128x40xf32, #tpu.memory_space<hbm>> -> memref<128x40xf32, #tpu.memory_space<hbm>>
      tpu.enqueue_dma source(%arg11 : memref<128x40xf32, #tpu.memory_space<vmem>>) target(%dma_start3A_250 : memref<128x40xf32, #tpu.memory_space<hbm>>) target_semaphore(%run_scoped3A : memref<!tpu.dma_semaphore, #tpu.memory_space<semaphore_mem>>)
      %dma_wait3A_251 = arith.constant 0 : i32
      %dma_wait3A_252 = tpu.memref_slice %arg6[%arg0, %add3A_232, %dma_wait3A_251] : memref<2x10240x40xf32, #tpu.memory_space<hbm>> -> memref<1x128x40xf32, #tpu.memory_space<hbm>>
      %dma_wait3A_253 = tpu.memref_squeeze %dma_wait3A_252 : memref<1x128x40xf32, #tpu.memory_space<hbm>> -> memref<128x40xf32, #tpu.memory_space<hbm>>
      %dma_wait3A_254 = arith.constant 0 : i32
      %dma_wait3A_255 = tpu.memref_slice %arg6[%arg0, %add3A_232, %dma_wait3A_254] : memref<2x10240x40xf32, #tpu.memory_space<hbm>> -> memref<1x128x40xf32, #tpu.memory_space<hbm>>
      %dma_wait3A_256 = tpu.memref_squeeze %dma_wait3A_255 : memref<1x128x40xf32, #tpu.memory_space<hbm>> -> memref<128x40xf32, #tpu.memory_space<hbm>>
      tpu.wait_dma2 semaphore(%run_scoped3A : memref<!tpu.dma_semaphore, #tpu.memory_space<semaphore_mem>>) src(%arg11 : memref<128x40xf32, #tpu.memory_space<vmem>>) dst(%dma_wait3A_256 : memref<128x40xf32, #tpu.memory_space<hbm>>)
      tpu.yield
    }) : () -> ()
    %mul3A_233 = arith.constant 640 : i32
    %mul3A_234 = arith.muli %arg1, %mul3A_233 : i32
    %add3A_235 = arith.constant 256 : i32
    %add3A_236 = arith.addi %mul3A_234, %add3A_235 : i32
    "tpu.region"() ({
      %run_scoped3A = tpu.sem_alloc : memref<!tpu.dma_semaphore, #tpu.memory_space<semaphore_mem>>
      %dma_start3A_245 = arith.constant 0 : i32
      %dma_start3A_246 = tpu.memref_slice %arg7[%add3A_236, %dma_start3A_245] : memref<10240x40xf32, #tpu.memory_space<vmem_shared>> -> memref<128x40xf32, #tpu.memory_space<vmem_shared>>
      %dma_start3A_247 = arith.constant 0 : i32
      %dma_start3A_248 = tpu.memref_slice %arg7[%add3A_236, %dma_start3A_247] : memref<10240x40xf32, #tpu.memory_space<vmem_shared>> -> memref<128x40xf32, #tpu.memory_space<vmem_shared>>
      tpu.enqueue_dma source(%dma_start3A_248 : memref<128x40xf32, #tpu.memory_space<vmem_shared>>) target(%arg11 : memref<128x40xf32, #tpu.memory_space<vmem>>) target_semaphore(%run_scoped3A : memref<!tpu.dma_semaphore, #tpu.memory_space<semaphore_mem>>)
      %dma_wait3A_249 = arith.constant 0 : i32
      %dma_wait3A_250 = tpu.memref_slice %arg7[%add3A_236, %dma_wait3A_249] : memref<10240x40xf32, #tpu.memory_space<vmem_shared>> -> memref<128x40xf32, #tpu.memory_space<vmem_shared>>
      %dma_wait3A_251 = arith.constant 0 : i32
      %dma_wait3A_252 = tpu.memref_slice %arg7[%add3A_236, %dma_wait3A_251] : memref<10240x40xf32, #tpu.memory_space<vmem_shared>> -> memref<128x40xf32, #tpu.memory_space<vmem_shared>>
      tpu.wait_dma2 semaphore(%run_scoped3A : memref<!tpu.dma_semaphore, #tpu.memory_space<semaphore_mem>>) src(%dma_wait3A_252 : memref<128x40xf32, #tpu.memory_space<vmem_shared>>) dst(%arg11 : memref<128x40xf32, #tpu.memory_space<vmem>>)
      tpu.yield
    }) : () -> ()
    "tpu.region"() ({
      %run_scoped3A = tpu.sem_alloc : memref<!tpu.dma_semaphore, #tpu.memory_space<semaphore_mem>>
      %dma_start3A_245 = arith.constant 0 : i32
      %dma_start3A_246 = tpu.memref_slice %arg6[%arg0, %add3A_236, %dma_start3A_245] : memref<2x10240x40xf32, #tpu.memory_space<hbm>> -> memref<1x128x40xf32, #tpu.memory_space<hbm>>
      %dma_start3A_247 = tpu.memref_squeeze %dma_start3A_246 : memref<1x128x40xf32, #tpu.memory_space<hbm>> -> memref<128x40xf32, #tpu.memory_space<hbm>>
      %dma_start3A_248 = arith.constant 0 : i32
      %dma_start3A_249 = tpu.memref_slice %arg6[%arg0, %add3A_236, %dma_start3A_248] : memref<2x10240x40xf32, #tpu.memory_space<hbm>> -> memref<1x128x40xf32, #tpu.memory_space<hbm>>
      %dma_start3A_250 = tpu.memref_squeeze %dma_start3A_249 : memref<1x128x40xf32, #tpu.memory_space<hbm>> -> memref<128x40xf32, #tpu.memory_space<hbm>>
      tpu.enqueue_dma source(%arg11 : memref<128x40xf32, #tpu.memory_space<vmem>>) target(%dma_start3A_250 : memref<128x40xf32, #tpu.memory_space<hbm>>) target_semaphore(%run_scoped3A : memref<!tpu.dma_semaphore, #tpu.memory_space<semaphore_mem>>)
      %dma_wait3A_251 = arith.constant 0 : i32
      %dma_wait3A_252 = tpu.memref_slice %arg6[%arg0, %add3A_236, %dma_wait3A_251] : memref<2x10240x40xf32, #tpu.memory_space<hbm>> -> memref<1x128x40xf32, #tpu.memory_space<hbm>>
      %dma_wait3A_253 = tpu.memref_squeeze %dma_wait3A_252 : memref<1x128x40xf32, #tpu.memory_space<hbm>> -> memref<128x40xf32, #tpu.memory_space<hbm>>
      %dma_wait3A_254 = arith.constant 0 : i32
      %dma_wait3A_255 = tpu.memref_slice %arg6[%arg0, %add3A_236, %dma_wait3A_254] : memref<2x10240x40xf32, #tpu.memory_space<hbm>> -> memref<1x128x40xf32, #tpu.memory_space<hbm>>
      %dma_wait3A_256 = tpu.memref_squeeze %dma_wait3A_255 : memref<1x128x40xf32, #tpu.memory_space<hbm>> -> memref<128x40xf32, #tpu.memory_space<hbm>>
      tpu.wait_dma2 semaphore(%run_scoped3A : memref<!tpu.dma_semaphore, #tpu.memory_space<semaphore_mem>>) src(%arg11 : memref<128x40xf32, #tpu.memory_space<vmem>>) dst(%dma_wait3A_256 : memref<128x40xf32, #tpu.memory_space<hbm>>)
      tpu.yield
    }) : () -> ()
    %mul3A_237 = arith.constant 640 : i32
    %mul3A_238 = arith.muli %arg1, %mul3A_237 : i32
    %add3A_239 = arith.constant 384 : i32
    %add3A_240 = arith.addi %mul3A_238, %add3A_239 : i32
    "tpu.region"() ({
      %run_scoped3A = tpu.sem_alloc : memref<!tpu.dma_semaphore, #tpu.memory_space<semaphore_mem>>
      %dma_start3A_245 = arith.constant 0 : i32
      %dma_start3A_246 = tpu.memref_slice %arg7[%add3A_240, %dma_start3A_245] : memref<10240x40xf32, #tpu.memory_space<vmem_shared>> -> memref<128x40xf32, #tpu.memory_space<vmem_shared>>
      %dma_start3A_247 = arith.constant 0 : i32
      %dma_start3A_248 = tpu.memref_slice %arg7[%add3A_240, %dma_start3A_247] : memref<10240x40xf32, #tpu.memory_space<vmem_shared>> -> memref<128x40xf32, #tpu.memory_space<vmem_shared>>
      tpu.enqueue_dma source(%dma_start3A_248 : memref<128x40xf32, #tpu.memory_space<vmem_shared>>) target(%arg11 : memref<128x40xf32, #tpu.memory_space<vmem>>) target_semaphore(%run_scoped3A : memref<!tpu.dma_semaphore, #tpu.memory_space<semaphore_mem>>)
      %dma_wait3A_249 = arith.constant 0 : i32
      %dma_wait3A_250 = tpu.memref_slice %arg7[%add3A_240, %dma_wait3A_249] : memref<10240x40xf32, #tpu.memory_space<vmem_shared>> -> memref<128x40xf32, #tpu.memory_space<vmem_shared>>
      %dma_wait3A_251 = arith.constant 0 : i32
      %dma_wait3A_252 = tpu.memref_slice %arg7[%add3A_240, %dma_wait3A_251] : memref<10240x40xf32, #tpu.memory_space<vmem_shared>> -> memref<128x40xf32, #tpu.memory_space<vmem_shared>>
      tpu.wait_dma2 semaphore(%run_scoped3A : memref<!tpu.dma_semaphore, #tpu.memory_space<semaphore_mem>>) src(%dma_wait3A_252 : memref<128x40xf32, #tpu.memory_space<vmem_shared>>) dst(%arg11 : memref<128x40xf32, #tpu.memory_space<vmem>>)
      tpu.yield
    }) : () -> ()
    "tpu.region"() ({
      %run_scoped3A = tpu.sem_alloc : memref<!tpu.dma_semaphore, #tpu.memory_space<semaphore_mem>>
      %dma_start3A_245 = arith.constant 0 : i32
      %dma_start3A_246 = tpu.memref_slice %arg6[%arg0, %add3A_240, %dma_start3A_245] : memref<2x10240x40xf32, #tpu.memory_space<hbm>> -> memref<1x128x40xf32, #tpu.memory_space<hbm>>
      %dma_start3A_247 = tpu.memref_squeeze %dma_start3A_246 : memref<1x128x40xf32, #tpu.memory_space<hbm>> -> memref<128x40xf32, #tpu.memory_space<hbm>>
      %dma_start3A_248 = arith.constant 0 : i32
      %dma_start3A_249 = tpu.memref_slice %arg6[%arg0, %add3A_240, %dma_start3A_248] : memref<2x10240x40xf32, #tpu.memory_space<hbm>> -> memref<1x128x40xf32, #tpu.memory_space<hbm>>
      %dma_start3A_250 = tpu.memref_squeeze %dma_start3A_249 : memref<1x128x40xf32, #tpu.memory_space<hbm>> -> memref<128x40xf32, #tpu.memory_space<hbm>>
      tpu.enqueue_dma source(%arg11 : memref<128x40xf32, #tpu.memory_space<vmem>>) target(%dma_start3A_250 : memref<128x40xf32, #tpu.memory_space<hbm>>) target_semaphore(%run_scoped3A : memref<!tpu.dma_semaphore, #tpu.memory_space<semaphore_mem>>)
      %dma_wait3A_251 = arith.constant 0 : i32
      %dma_wait3A_252 = tpu.memref_slice %arg6[%arg0, %add3A_240, %dma_wait3A_251] : memref<2x10240x40xf32, #tpu.memory_space<hbm>> -> memref<1x128x40xf32, #tpu.memory_space<hbm>>
      %dma_wait3A_253 = tpu.memref_squeeze %dma_wait3A_252 : memref<1x128x40xf32, #tpu.memory_space<hbm>> -> memref<128x40xf32, #tpu.memory_space<hbm>>
      %dma_wait3A_254 = arith.constant 0 : i32
      %dma_wait3A_255 = tpu.memref_slice %arg6[%arg0, %add3A_240, %dma_wait3A_254] : memref<2x10240x40xf32, #tpu.memory_space<hbm>> -> memref<1x128x40xf32, #tpu.memory_space<hbm>>
      %dma_wait3A_256 = tpu.memref_squeeze %dma_wait3A_255 : memref<1x128x40xf32, #tpu.memory_space<hbm>> -> memref<128x40xf32, #tpu.memory_space<hbm>>
      tpu.wait_dma2 semaphore(%run_scoped3A : memref<!tpu.dma_semaphore, #tpu.memory_space<semaphore_mem>>) src(%arg11 : memref<128x40xf32, #tpu.memory_space<vmem>>) dst(%dma_wait3A_256 : memref<128x40xf32, #tpu.memory_space<hbm>>)
      tpu.yield
    }) : () -> ()
    %mul3A_241 = arith.constant 640 : i32
    %mul3A_242 = arith.muli %arg1, %mul3A_241 : i32
    %add3A_243 = arith.constant 512 : i32
    %add3A_244 = arith.addi %mul3A_242, %add3A_243 : i32
    "tpu.region"() ({
      %run_scoped3A = tpu.sem_alloc : memref<!tpu.dma_semaphore, #tpu.memory_space<semaphore_mem>>
      %dma_start3A_245 = arith.constant 0 : i32
      %dma_start3A_246 = tpu.memref_slice %arg7[%add3A_244, %dma_start3A_245] : memref<10240x40xf32, #tpu.memory_space<vmem_shared>> -> memref<128x40xf32, #tpu.memory_space<vmem_shared>>
      %dma_start3A_247 = arith.constant 0 : i32
      %dma_start3A_248 = tpu.memref_slice %arg7[%add3A_244, %dma_start3A_247] : memref<10240x40xf32, #tpu.memory_space<vmem_shared>> -> memref<128x40xf32, #tpu.memory_space<vmem_shared>>
      tpu.enqueue_dma source(%dma_start3A_248 : memref<128x40xf32, #tpu.memory_space<vmem_shared>>) target(%arg11 : memref<128x40xf32, #tpu.memory_space<vmem>>) target_semaphore(%run_scoped3A : memref<!tpu.dma_semaphore, #tpu.memory_space<semaphore_mem>>)
      %dma_wait3A_249 = arith.constant 0 : i32
      %dma_wait3A_250 = tpu.memref_slice %arg7[%add3A_244, %dma_wait3A_249] : memref<10240x40xf32, #tpu.memory_space<vmem_shared>> -> memref<128x40xf32, #tpu.memory_space<vmem_shared>>
      %dma_wait3A_251 = arith.constant 0 : i32
      %dma_wait3A_252 = tpu.memref_slice %arg7[%add3A_244, %dma_wait3A_251] : memref<10240x40xf32, #tpu.memory_space<vmem_shared>> -> memref<128x40xf32, #tpu.memory_space<vmem_shared>>
      tpu.wait_dma2 semaphore(%run_scoped3A : memref<!tpu.dma_semaphore, #tpu.memory_space<semaphore_mem>>) src(%dma_wait3A_252 : memref<128x40xf32, #tpu.memory_space<vmem_shared>>) dst(%arg11 : memref<128x40xf32, #tpu.memory_space<vmem>>)
      tpu.yield
    }) : () -> ()
    "tpu.region"() ({
      %run_scoped3A = tpu.sem_alloc : memref<!tpu.dma_semaphore, #tpu.memory_space<semaphore_mem>>
      %dma_start3A_245 = arith.constant 0 : i32
      %dma_start3A_246 = tpu.memref_slice %arg6[%arg0, %add3A_244, %dma_start3A_245] : memref<2x10240x40xf32, #tpu.memory_space<hbm>> -> memref<1x128x40xf32, #tpu.memory_space<hbm>>
      %dma_start3A_247 = tpu.memref_squeeze %dma_start3A_246 : memref<1x128x40xf32, #tpu.memory_space<hbm>> -> memref<128x40xf32, #tpu.memory_space<hbm>>
      %dma_start3A_248 = arith.constant 0 : i32
      %dma_start3A_249 = tpu.memref_slice %arg6[%arg0, %add3A_244, %dma_start3A_248] : memref<2x10240x40xf32, #tpu.memory_space<hbm>> -> memref<1x128x40xf32, #tpu.memory_space<hbm>>
      %dma_start3A_250 = tpu.memref_squeeze %dma_start3A_249 : memref<1x128x40xf32, #tpu.memory_space<hbm>> -> memref<128x40xf32, #tpu.memory_space<hbm>>
      tpu.enqueue_dma source(%arg11 : memref<128x40xf32, #tpu.memory_space<vmem>>) target(%dma_start3A_250 : memref<128x40xf32, #tpu.memory_space<hbm>>) target_semaphore(%run_scoped3A : memref<!tpu.dma_semaphore, #tpu.memory_space<semaphore_mem>>)
      %dma_wait3A_251 = arith.constant 0 : i32
      %dma_wait3A_252 = tpu.memref_slice %arg6[%arg0, %add3A_244, %dma_wait3A_251] : memref<2x10240x40xf32, #tpu.memory_space<hbm>> -> memref<1x128x40xf32, #tpu.memory_space<hbm>>
      %dma_wait3A_253 = tpu.memref_squeeze %dma_wait3A_252 : memref<1x128x40xf32, #tpu.memory_space<hbm>> -> memref<128x40xf32, #tpu.memory_space<hbm>>
      %dma_wait3A_254 = arith.constant 0 : i32
      %dma_wait3A_255 = tpu.memref_slice %arg6[%arg0, %add3A_244, %dma_wait3A_254] : memref<2x10240x40xf32, #tpu.memory_space<hbm>> -> memref<1x128x40xf32, #tpu.memory_space<hbm>>
      %dma_wait3A_256 = tpu.memref_squeeze %dma_wait3A_255 : memref<1x128x40xf32, #tpu.memory_space<hbm>> -> memref<128x40xf32, #tpu.memory_space<hbm>>
      tpu.wait_dma2 semaphore(%run_scoped3A : memref<!tpu.dma_semaphore, #tpu.memory_space<semaphore_mem>>) src(%arg11 : memref<128x40xf32, #tpu.memory_space<vmem>>) dst(%dma_wait3A_256 : memref<128x40xf32, #tpu.memory_space<hbm>>)
      tpu.yield
    }) : () -> ()
    return
  }
}

module attributes {stable_mosaic.version = 14 : i64} {
  func.func @_prescale_body(%arg0: memref<2x10240x16xf32, #tpu.memory_space<vmem>>, %arg1: memref<10000x128xf32, #tpu.memory_space<vmem>>, %arg2: memref<10240x128xf32, #tpu.memory_space<vmem>>, %arg3: memref<10240x1xf32, #tpu.memory_space<vmem>>) attributes {dimension_semantics = [], scalar_prefetch = 0 : i64, scratch_operands = 0 : i64, tpu.core_type = #tpu.core_type<tc>} {
    %get3A = arith.constant 0 : index
    %get3A_0 = arith.constant 0 : index
    %get3A_1 = arith.constant 0 : index
    %get3A_2 = vector.load %arg0[%get3A, %get3A_0, %get3A_1] : memref<2x10240x16xf32, #tpu.memory_space<vmem>>, vector<1x10240x16xf32>
    %get3A_3 = vector.shape_cast %get3A_2 : vector<1x10240x16xf32> to vector<10240x16xf32>
    %get3A_4 = arith.constant 1 : index
    %get3A_5 = arith.constant 0 : index
    %get3A_6 = arith.constant 0 : index
    %get3A_7 = vector.load %arg0[%get3A_4, %get3A_5, %get3A_6] : memref<2x10240x16xf32, #tpu.memory_space<vmem>>, vector<1x10240x16xf32>
    %get3A_8 = vector.shape_cast %get3A_7 : vector<1x10240x16xf32> to vector<10240x16xf32>
    %add3A = arith.addf %get3A_3, %get3A_8 : vector<10240x16xf32>
    %add3A_9 = arith.constant 1.000000e+00 : f32
    %add3A_10 = vector.broadcast %add3A_9 : f32 to vector<10240x16xf32>
    %add3A_11 = arith.addf %add3A, %add3A_10 : vector<10240x16xf32>
    %rsqrt3A = math.rsqrt %add3A_11 : vector<10240x16xf32>
    %slice3A = vector.extract_strided_slice %rsqrt3A {offsets = [0, 0], sizes = [10240, 1], strides = [1, 1]} : vector<10240x16xf32> to vector<10240x1xf32>
    %get3A_12 = arith.constant 0 : index
    %get3A_13 = arith.constant 0 : index
    %get3A_14 = vector.load %arg1[%get3A_12, %get3A_13] : memref<10000x128xf32, #tpu.memory_space<vmem>>, vector<10000x128xf32>
    %slice3A_15 = vector.extract_strided_slice %slice3A {offsets = [0, 0], sizes = [10000, 1], strides = [1, 1]} : vector<10240x1xf32> to vector<10000x1xf32>
    %mul3A = vector.broadcast %slice3A_15 : vector<10000x1xf32> to vector<10000x128xf32>
    %mul3A_16 = arith.mulf %get3A_14, %mul3A : vector<10000x128xf32>
    %broadcast_in_dim3A = arith.constant 0.000000e+00 : f32
    %broadcast_in_dim3A_17 = vector.broadcast %broadcast_in_dim3A : f32 to vector<240x128xf32>
    %concatenate3A = tpu.concatenate %mul3A_16, %broadcast_in_dim3A_17 in 0 : vector<10000x128xf32>, vector<240x128xf32> -> vector<10240x128xf32>
    %swap3A = arith.constant 0 : index
    %swap3A_18 = arith.constant 0 : index
    %swap3A_19 = vector.load %arg2[%swap3A, %swap3A_18] : memref<10240x128xf32, #tpu.memory_space<vmem>>, vector<10240x128xf32>
    tpu.vector_store %arg2[%swap3A, %swap3A_18], %concatenate3A {strides = array<i32>} : memref<10240x128xf32, #tpu.memory_space<vmem>>, vector<10240x128xf32>,
    %swap3A_20 = arith.constant 0 : index
    %swap3A_21 = arith.constant 0 : index
    %swap3A_22 = vector.load %arg3[%swap3A_20, %swap3A_21] : memref<10240x1xf32, #tpu.memory_space<vmem>>, vector<10240x1xf32>
    tpu.vector_store %arg3[%swap3A_20, %swap3A_21], %slice3A {strides = array<i32>} : memref<10240x1xf32, #tpu.memory_space<vmem>>, vector<10240x1xf32>,
    return
  }
}

module attributes {stable_mosaic.version = 14 : i64} {
  func.func @_dense_body_bf16(%arg0: i32, %arg1: memref<2x2048x128xf32, #tpu.memory_space<vmem>>, %arg2: memref<2048x1xf32, #tpu.memory_space<vmem>>, %arg3: memref<128x256xbf16, #tpu.memory_space<vmem>>, %arg4: memref<256xf32, #tpu.memory_space<vmem>>, %arg5: memref<256x40xbf16, #tpu.memory_space<vmem>>, %arg6: memref<2048x40xf32, #tpu.memory_space<vmem>>) attributes {dimension_semantics = [#tpu.dimension_semantics<arbitrary>], iteration_bounds = array<i64: 5>, scalar_prefetch = 0 : i64, scratch_operands = 0 : i64, tpu.core_type = #tpu.core_type<tc>, window_params = [{transform_indices = @transform_0, window_bounds = array<i64: 2, 2048, 128>}, {transform_indices = @transform_1, window_bounds = array<i64: 2048, 1>}, {pipeline_mode = #tpu.pipeline_mode<synchronous>, transform_indices = @transform_2, window_bounds = array<i64: 128, 256>}, {pipeline_mode = #tpu.pipeline_mode<synchronous>, transform_indices = @transform_3, window_bounds = array<i64: 256>}, {pipeline_mode = #tpu.pipeline_mode<synchronous>, transform_indices = @transform_4, window_bounds = array<i64: 256, 40>}, {transform_indices = @transform_5, window_bounds = array<i64: 2048, 40>}]} {
    %get3A = arith.constant 0 : index
    %get3A_0 = arith.constant 0 : index
    %get3A_1 = arith.constant 0 : index
    %get3A_2 = vector.load %arg1[%get3A, %get3A_0, %get3A_1] : memref<2x2048x128xf32, #tpu.memory_space<vmem>>, vector<1x2048x128xf32>
    %get3A_3 = vector.shape_cast %get3A_2 : vector<1x2048x128xf32> to vector<2048x128xf32>
    %get3A_4 = arith.constant 1 : index
    %get3A_5 = arith.constant 0 : index
    %get3A_6 = arith.constant 0 : index
    %get3A_7 = vector.load %arg1[%get3A_4, %get3A_5, %get3A_6] : memref<2x2048x128xf32, #tpu.memory_space<vmem>>, vector<1x2048x128xf32>
    %get3A_8 = vector.shape_cast %get3A_7 : vector<1x2048x128xf32> to vector<2048x128xf32>
    %add3A = arith.addf %get3A_3, %get3A_8 : vector<2048x128xf32>
    %get3A_9 = arith.constant 0 : index
    %get3A_10 = arith.constant 0 : index
    %get3A_11 = vector.load %arg2[%get3A_9, %get3A_10] : memref<2048x1xf32, #tpu.memory_space<vmem>>, vector<2048x1xf32>
    %mul3A = vector.broadcast %get3A_11 : vector<2048x1xf32> to vector<2048x128xf32>
    %mul3A_12 = arith.mulf %add3A, %mul3A : vector<2048x128xf32>
    %convert_element_type3A = arith.truncf %mul3A_12 : vector<2048x128xf32> to vector<2048x128xbf16>
    %get3A_13 = arith.constant 0 : index
    %get3A_14 = arith.constant 0 : index
    %get3A_15 = vector.load %arg3[%get3A_13, %get3A_14] : memref<128x256xbf16, #tpu.memory_space<vmem>>, vector<128x256xbf16>
    %dot_general3A = arith.constant dense<0.000000e+00> : vector<2048x256xf32>
    %dot_general3A_16 = tpu.matmul %convert_element_type3A, %get3A_15, %dot_general3A {dimension_numbers = #tpu.dot_dimension_numbers<[1], [0], [0], [1], [0, 0, 1, 1], [], []>, transpose_lhs_hint = false} : vector<2048x128xbf16>, vector<128x256xbf16>, vector<2048x256xf32> -> vector<2048x256xf32>
    %get3A_17 = arith.constant 0 : index
    %get3A_18 = vector.load %arg4[%get3A_17] : memref<256xf32, #tpu.memory_space<vmem>>, vector<256xf32>
    %broadcast_in_dim3A = vector.shape_cast %get3A_18 : vector<256xf32> to vector<1x256xf32>
    %add3A_19 = vector.broadcast %broadcast_in_dim3A : vector<1x256xf32> to vector<2048x256xf32>
    %add3A_20 = arith.addf %dot_general3A_16, %add3A_19 : vector<2048x256xf32>
    %max3A = arith.constant 0.000000e+00 : f32
    %max3A_21 = vector.broadcast %max3A : f32 to vector<2048x256xf32>
    %max3A_22 = arith.maximumf %add3A_20, %max3A_21 : vector<2048x256xf32>
    %convert_element_type3A_23 = arith.truncf %max3A_22 : vector<2048x256xf32> to vector<2048x256xbf16>
    %get3A_24 = arith.constant 0 : index
    %get3A_25 = arith.constant 0 : index
    %get3A_26 = vector.load %arg5[%get3A_24, %get3A_25] : memref<256x40xbf16, #tpu.memory_space<vmem>>, vector<256x40xbf16>
    %dot_general3A_27 = arith.constant dense<0.000000e+00> : vector<2048x40xf32>
    %dot_general3A_28 = tpu.matmul %convert_element_type3A_23, %get3A_26, %dot_general3A_27 {dimension_numbers = #tpu.dot_dimension_numbers<[1], [0], [0], [1], [0, 0, 1, 1], [], []>, transpose_lhs_hint = false} : vector<2048x256xbf16>, vector<256x40xbf16>, vector<2048x40xf32> -> vector<2048x40xf32>
    %get3A_29 = arith.constant 0 : index
    %get3A_30 = arith.constant 0 : index
    %get3A_31 = vector.load %arg2[%get3A_29, %get3A_30] : memref<2048x1xf32, #tpu.memory_space<vmem>>, vector<2048x1xf32>
    %mul3A_32 = vector.broadcast %get3A_31 : vector<2048x1xf32> to vector<2048x40xf32>
    %mul3A_33 = arith.mulf %dot_general3A_28, %mul3A_32 : vector<2048x40xf32>
    %swap3A = arith.constant 0 : index
    %swap3A_34 = arith.constant 0 : index
    %swap3A_35 = vector.load %arg6[%swap3A, %swap3A_34] : memref<2048x40xf32, #tpu.memory_space<vmem>>, vector<2048x40xf32>
    tpu.vector_store %arg6[%swap3A, %swap3A_34], %mul3A_33 {strides = array<i32>} : memref<2048x40xf32, #tpu.memory_space<vmem>>, vector<2048x40xf32>,
    return
  }
  func.func @transform_0(%arg0: i32) -> (i32, i32, i32) {
    %c0_i32 = arith.constant 0 : i32
    %c0_i32_0 = arith.constant 0 : i32
    %c0_i32_1 = arith.constant 0 : i32
    return %c0_i32, %arg0, %c0_i32_0 : i32, i32, i32
  }
  func.func @transform_1(%arg0: i32) -> (i32, i32) {
    %c0_i32 = arith.constant 0 : i32
    %c0_i32_0 = arith.constant 0 : i32
    return %arg0, %c0_i32 : i32, i32
  }
  func.func @transform_2(%arg0: i32) -> (i32, i32) {
    %c0_i32 = arith.constant 0 : i32
    %c0_i32_0 = arith.constant 0 : i32
    %c0_i32_1 = arith.constant 0 : i32
    return %c0_i32, %c0_i32_0 : i32, i32
  }
  func.func @transform_3(%arg0: i32) -> i32 {
    %c0_i32 = arith.constant 0 : i32
    %c0_i32_0 = arith.constant 0 : i32
    return %c0_i32 : i32
  }
  func.func @transform_4(%arg0: i32) -> (i32, i32) {
    %c0_i32 = arith.constant 0 : i32
    %c0_i32_0 = arith.constant 0 : i32
    %c0_i32_1 = arith.constant 0 : i32
    return %c0_i32, %c0_i32_0 : i32, i32
  }
  func.func @transform_5(%arg0: i32) -> (i32, i32) {
    %c0_i32 = arith.constant 0 : i32
    %c0_i32_0 = arith.constant 0 : i32
    return %arg0, %c0_i32 : i32, i32
  }
}

module attributes {stable_mosaic.version = 14 : i64} {
  func.func @_finish_body(%arg0: memref<2x10240x40xf32, #tpu.memory_space<vmem>>, %arg1: memref<10240x1xf32, #tpu.memory_space<vmem>>, %arg2: memref<40xf32, #tpu.memory_space<vmem>>, %arg3: memref<10000x40xf32, #tpu.memory_space<vmem>>) attributes {dimension_semantics = [], scalar_prefetch = 0 : i64, scratch_operands = 0 : i64, tpu.core_type = #tpu.core_type<tc>} {
    %get3A = arith.constant 0 : index
    %get3A_0 = arith.constant 0 : index
    %get3A_1 = arith.constant 0 : index
    %get3A_2 = vector.load %arg0[%get3A, %get3A_0, %get3A_1] : memref<2x10240x40xf32, #tpu.memory_space<vmem>>, vector<1x10240x40xf32>
    %get3A_3 = vector.shape_cast %get3A_2 : vector<1x10240x40xf32> to vector<10240x40xf32>
    %get3A_4 = arith.constant 1 : index
    %get3A_5 = arith.constant 0 : index
    %get3A_6 = arith.constant 0 : index
    %get3A_7 = vector.load %arg0[%get3A_4, %get3A_5, %get3A_6] : memref<2x10240x40xf32, #tpu.memory_space<vmem>>, vector<1x10240x40xf32>
    %get3A_8 = vector.shape_cast %get3A_7 : vector<1x10240x40xf32> to vector<10240x40xf32>
    %add3A = arith.addf %get3A_3, %get3A_8 : vector<10240x40xf32>
    %get3A_9 = arith.constant 0 : index
    %get3A_10 = arith.constant 0 : index
    %get3A_11 = vector.load %arg1[%get3A_9, %get3A_10] : memref<10240x1xf32, #tpu.memory_space<vmem>>, vector<10240x1xf32>
    %mul3A = vector.broadcast %get3A_11 : vector<10240x1xf32> to vector<10240x40xf32>
    %mul3A_12 = arith.mulf %add3A, %mul3A : vector<10240x40xf32>
    %slice3A = vector.extract_strided_slice %mul3A_12 {offsets = [0, 0], sizes = [10000, 40], strides = [1, 1]} : vector<10240x40xf32> to vector<10000x40xf32>
    %get3A_13 = arith.constant 0 : index
    %get3A_14 = vector.load %arg2[%get3A_13] : memref<40xf32, #tpu.memory_space<vmem>>, vector<40xf32>
    %broadcast_in_dim3A = vector.shape_cast %get3A_14 : vector<40xf32> to vector<1x40xf32>
    %add3A_15 = vector.broadcast %broadcast_in_dim3A : vector<1x40xf32> to vector<10000x40xf32>
    %add3A_16 = arith.addf %slice3A, %add3A_15 : vector<10000x40xf32>
    %reduce_max3A = arith.constant dense<0xFF800000> : vector<10000xf32>
    %reduce_max3A_17 = vector.multi_reduction <maximumf>, %add3A_16, %reduce_max3A [1] : vector<10000x40xf32> to vector<10000xf32>
    %broadcast_in_dim3A_18 = vector.shape_cast %reduce_max3A_17 : vector<10000xf32> to vector<10000x1xf32>
    %sub3A = vector.broadcast %broadcast_in_dim3A_18 : vector<10000x1xf32> to vector<10000x40xf32>
    %sub3A_19 = arith.subf %add3A_16, %sub3A : vector<10000x40xf32>
    %exp3A = math.exp %sub3A_19 : vector<10000x40xf32>
    %reduce_sum3A = arith.constant dense<0.000000e+00> : vector<10000xf32>
    %reduce_sum3A_20 = vector.multi_reduction <add>, %exp3A, %reduce_sum3A [1] : vector<10000x40xf32> to vector<10000xf32>
    %broadcast_in_dim3A_21 = vector.shape_cast %reduce_sum3A_20 : vector<10000xf32> to vector<10000x1xf32>
    %log3A = math.log %broadcast_in_dim3A_21 : vector<10000x1xf32>
    %sub3A_22 = vector.broadcast %log3A : vector<10000x1xf32> to vector<10000x40xf32>
    %sub3A_23 = arith.subf %sub3A_19, %sub3A_22 : vector<10000x40xf32>
    %swap3A = arith.constant 0 : index
    %swap3A_24 = arith.constant 0 : index
    %swap3A_25 = vector.load %arg3[%swap3A, %swap3A_24] : memref<10000x40xf32, #tpu.memory_space<vmem>>, vector<10000x40xf32>
    tpu.vector_store %arg3[%swap3A, %swap3A_24], %sub3A_23 {strides = array<i32>} : memref<10000x40xf32, #tpu.memory_space<vmem>>, vector<10000x40xf32>,
    return
  }
}

</mosaic_0001>

<sc_bundles>
// kernel: kernel.11.cloned.1.call-start
scs
__scs_entry_jumppad:
0x0: {  	(pc) =	sbr.rel $0x88, $3  }
0x1: {  	(tag) =	ssettag $0x0;
	lr =	simm.s32 $0x1  }
0x2: {  	[smem:$0x3F9B] =	sst lr;
	_ =	strace $0xD0000000  }
0x3: {  	_ = 	snop  }
0x4: {  	_ = 	snop  }
0x5: {  	_ = 	snop  }
0x6: {  	_ = 	snop  }
0x7: {  	_ = 	snop  }
__scs_overlays_trampoline_lowered:
0x8: {  	[smem:$0x3FAA] =	sst s0  }
0x9: {  	[smem:$0x3FAB] =	sst s1  }
0xa: {  	[smem:$0x3FAC] =	sst s2  }
0xb: {  	[smem:$0x3FAD] =	sst s3  }
0xc: {  	[smem:$0x3FAE] =	sst s4  }
0xd: {  	[smem:$0x3FAF] =	sst s5  }
0xe: {  	[smem:$0x3FB0] =	sst s6  }
0xf: {  	[smem:$0x3FB1] =	sst s7  }
0x10: {  	[smem:$0x3FB2] =	sst s8  }
0x11: {  	[smem:$0x3FB3] =	sst s9;
	s0 =	simm.s32 @!p0 $0x0  }
0x12: {  	s1 =	sld [smem:$0x3F99];
	s0 =	simm.s32 @p0 $0x1  }
0x13: {  	[smem:$0x3FB4] =	sst s0;
	s0 =	simm.s32 @!p1 $0x0  }
0x14: {  	s2 =	sld [smem:$0x3F98];
	s0 =	simm.s32 @p1 $0x1  }
0x15: {  	[smem:$0x3FB5] =	sst s0;
	s0 =	simm.s32 @!p2 $0x0  }
0x16: {  	s3 =	sld [smem:$0x3FDB];
	s0 =	simm.s32 @p2 $0x1  }
0x17: {  	s4 =	simm.s32 $0x1BF5;
	[smem:$0x3FB7] =	sst s0  }
0x18: {  	s0 =	sld [smem:$0x3F9A];
	_ =	swait.ge [sflag:s4], $0x0  }
0x19: {  	s7 =	sld [smem:$0x3F9B]  }
0x1a: {  	s8 =	sadd.s32 $0xFFFFE003, lr  }
0x1b: {  	s9 =	sadd.s32 $0xFFFFFEF7, lr;
	s5 =	simm.s32 $0xFFFFFFFF;
	p2 =	slt.u32 s8, $0xFFFFF086  }
0x1c: {  	p1 =	slt.u32 s9, $0xF7A;
	s5 =	simm.s32 @!p2 $0x0  }
0x1d: {  	s5 =	simm.s32 @p1 $0x1;
	p0 =	seq.s32 s7, s2  }
0x1e: {  	s7 =	smul.u32 @!p0 $0xF7A, s2;
	p2 =	seq.s32 @!p0 s5, $0x0  }
0x1f: {  	s9 =	smul.u32 $0xF7A, s1;
	s8 =	simm.s32 @!p0 $0x1BF5;
	p2 =	por !p2, p0  }
0x20: {  	[sflag:s8] =	ssyncset.s32 @!p0 $0xFFFFF086;
	s6 =	sadd.s32 @!p0 s3, s7;
	s7 =	simm.s32 @!p0 $0x108  }
0x21: {  	s3 =	sadd.s32 s3, s9;
	s6 =	sadd.s32 @!p0 $0x88, s6;
	s7 =	simm.s32 @p2 $0x1082  }
0x22: {  	[simem:s7], [sflag:s8] =	dma.local @!p0 [hbm:s6], $0xF7A  }
0x23: {  	s9 =	sor.u32 $0xD0000000, s2;
	s6 =	simm.s32 $0x108;
	_ =	swait.ge @!p0 [sflag:s8], $0x0  }
0x24: {  	s3 =	sadd.s32 $0x88, s3;
	s6 =	simm.s32 @!p1 $0x1082;
	[sflag:s4] =	ssyncset.s32 $0xFFFFF086  }
0x25: {  	[simem:s6], [sflag:s4] =	dma.local [hbm:s3], $0xF7A  }
0x26: {  	[smem:$0x3F9B] =	sst s1;
	(tag) =	ssettag s2;
	_ =	strace s9  }
0x27: {  	s1 =	sld [smem:$0x3FAB]  }
0x28: {  	s2 =	sld [smem:$0x3FAC]  }
0x29: {  	s4 =	sld [smem:$0x3FAE]  }
0x2a: {  	p0 =	seq.s32 s5, $0x0;
	s5 =	sld [smem:$0x3FAF]  }
0x2b: {  	s6 =	sld [smem:$0x3FB0]  }
0x2c: {  	s7 =	sld [smem:$0x3FB1]  }
0x2d: {  	s3 =	simm.s32 $0x108;
	s8 =	sld [smem:$0x3FB2]  }
0x2e: {  	s3 =	simm.s32 @!p0 $0x1082;
	s9 =	sld [smem:$0x3FB3]  }
0x2f: {  	lr =	sadd.s32 s0, s3;
	s0 =	sld [smem:$0x3FAA]  }
0x30: {  	s3 =	sld [smem:$0x3FAD]  }
0x31: {  	[smem:$0x3FB6] =	sst s10  }
0x32: {  	s10 =	sld [smem:$0x3FB4];
	_ =	sdelay $0x3  }
0x33: {  	p0 =	seq.s32 s10, $0x1;
	s10 =	sld [smem:$0x3FB6];
	_ =	sdelay $0x3  }
0x34: {  	[smem:$0x3FB6] =	sst s10  }
0x35: {  	s10 =	sld [smem:$0x3FB5];
	_ =	sdelay $0x3  }
0x36: {  	p1 =	seq.s32 s10, $0x1;
	s10 =	sld [smem:$0x3FB6];
	_ =	sdelay $0x3  }
0x37: {  	[smem:$0x3FB6] =	sst s10  }
0x38: {  	s10 =	sld [smem:$0x3FB7]  }
0x39: {  	_ = 	snop;
	(pc) =	sbr.ind lr, $3  }
0x3a: {  	_ = 	snop  }
0x3b: {  	_ = 	snop  }
0x3c: {  	p2 =	seq.s32 s10, $0x1;
	s10 =	sld [smem:$0x3FB6]  }
0x3d: {  	_ =	shalt  }
0x3e: {  	_ =	shalt  }
0x3f: {  	_ =	shalt  }
0x40: {  	_ =	shalt  }
0x41: {  	_ =	shalt  }
0x42: {  	_ =	shalt  }
0x43: {  	_ =	shalt  }
0x44: {  	_ =	shalt  }
0x45: {  	_ =	shalt  }
0x46: {  	_ =	shalt  }
0x47: {  	_ =	shalt  }
0x48: {  	_ =	shalt  }
0x49: {  	_ =	shalt  }
0x4a: {  	_ =	shalt  }
0x4b: {  	_ =	shalt  }
0x4c: {  	_ =	shalt  }
0x4d: {  	_ =	shalt  }
0x4e: {  	_ =	shalt  }
0x4f: {  	_ =	shalt  }
0x50: {  	_ =	shalt  }
0x51: {  	_ =	shalt  }
0x52: {  	_ =	shalt  }
0x53: {  	_ =	shalt  }
0x54: {  	_ =	shalt  }
0x55: {  	_ =	shalt  }
0x56: {  	_ =	shalt  }
0x57: {  	_ =	shalt  }
0x58: {  	_ =	shalt  }
0x59: {  	_ =	shalt  }
0x5a: {  	_ =	shalt  }
0x5b: {  	_ =	shalt  }
0x5c: {  	_ =	shalt  }
0x5d: {  	_ =	shalt  }
0x5e: {  	_ =	shalt  }
0x5f: {  	_ =	shalt  }
0x60: {  	_ =	shalt  }
0x61: {  	_ =	shalt  }
0x62: {  	_ =	shalt  }
0x63: {  	_ =	shalt  }
0x64: {  	_ =	shalt  }
0x65: {  	_ =	shalt  }
0x66: {  	_ =	shalt  }
0x67: {  	_ =	shalt  }
0x68: {  	_ =	shalt  }
0x69: {  	_ =	shalt  }
0x6a: {  	_ =	shalt  }
0x6b: {  	_ =	shalt  }
0x6c: {  	_ =	shalt  }
0x6d: {  	_ =	shalt  }
0x6e: {  	_ =	shalt  }
0x6f: {  	_ =	shalt  }
0x70: {  	_ =	shalt  }
0x71: {  	_ =	shalt  }
0x72: {  	_ =	shalt  }
0x73: {  	_ =	shalt  }
0x74: {  	_ =	shalt  }
0x75: {  	_ =	shalt  }
0x76: {  	_ =	shalt  }
0x77: {  	_ =	shalt  }
0x78: {  	_ =	shalt  }
0x79: {  	_ =	shalt  }
0x7a: {  	_ =	shalt  }
0x7b: {  	_ =	shalt  }
0x7c: {  	_ =	shalt  }
0x7d: {  	_ =	shalt  }
0x7e: {  	_ =	shalt  }
0x7f: {  	_ =	shalt  }
0x80: {  	_ =	shalt  }
0x81: {  	_ =	shalt  }
0x82: {  	_ =	shalt  }
0x83: {  	_ =	shalt  }
0x84: {  	_ =	shalt  }
0x85: {  	_ =	shalt  }
0x86: {  	_ =	shalt  }
0x87: {  	_ =	shalt  }
.Lfunc_end0:
.L_simem_size_0:
called_computation.1_lowered:
.L_overlay_start_0:
0x88: {  	s2 =	sld [smem:$0x3FD9]  }
0x89: {  	s3 =	sld [smem:$0x3FFE];
	_ =	sdelay $0x1  }
0x8a: {  	s1 =	srdreg.scid  }
0x8b: {  	s0 =	sand.u32 $0x1, s1  }
0x8c: {  	s16 =	sshll.u32 s0, $0xA;
	s2 =	sadd.s32 s3, s2  }
0x8d: {  	s2 =	sadd.s32 s2, s16  }
0x8e: {  	[smem:$0x3FC2] =	sst s2  }
0x8f: {  	_ = 	snop  }
0x90: {  	(tm) =	ssettm $0x1  }
0x91: {  	s17 =	sld [smem:$0x3FFB];
	_ =	sdelay $0x3  }
0x92: {  	_ =	strace s17  }
0x93: {  	s2 =	sld [smem:$0x3FFC];
	_ =	sdelay $0x3  }
0x94: {  	_ =	strace s2  }
0x95: {  	s2 =	sld [smem:$0x3FFD];
	_ =	sdelay $0x3  }
0x96: {  	_ =	strace s2  }
0x97: {  	_ =	strace $0x8FFFFFFF  }
0x98: {  	s18 =	sld [smem:$0x3FDB];
	_ =	sdelay $0x1  }
0x99: {  	s19 =	simm.s32 $_scs_section_size  }
0x9a: {  	s4 =	simm.s32 $_size__tile_overlayer_lowered;
	s5 =	simm.s32 $_tile_overlayer_lowered  }
0x9b: {  	s22 =	simm.s32 $0x1BFF;
	s21 =	sshll.u32 s5, $0x1;
	s2 =	sadd.s32 s19, s18  }
0x9c: {  	s6 =	simm.s32 $0x0;
	s20 =	sshll.u32 s4, $0x1;
	s4 =	sadd.s32 s21, s2  }
0x9d: {  	[timem:s6], [sflag:s22] =	dma.local [hbm:s4], s20  }
0x9e: {  	_ =	swait.ge [sflag:s22], s20  }
0x9f: {  	s3 =	ssub.s32 $0x0, s20;
	[sflag:s22] =	ssyncset.done $0x0  }
0xa0: {  	[sflag:s22] =	ssyncadd.s32 s3;
	_ =	sdelay $0x1  }
0xa1: {  	s23 =	simm.s32 $0x1B8B  }
0xa2: {  	_ =	swait.ge [sflag:s23], $0x1  }
0xa3: {  	[sflag:s23] =	ssyncset.done $0x0  }
0xa4: {  	s25 =	simm.s32 $0x1B8E;
	s24 =	sld [smem:$0x3FFE];
	[sflag:s23] =	ssyncadd.s32 $0xFFFFFFFF  }
0xa5: {  	s26 =	simm.s32 $execute0_lowered;
	[smem:$0x3FD2] =	sst s25  }
0xa6: {  	s4 =	sshll.u32 s26, $0x1;
	_ =	strace $0x80000049;
	[dreg:$0x1] =	wrdreg $0xFFFFFFFF  }
0xa7: {  	s28 =	simm.s32 $_size_execute0_lowered;
	s2 =	sadd.s32 s2, s4;
	[dreg:$0x0] =	wrdreg $0x0  }
0xa8: {  	s4 =	sshll.u32 s28, $0x1;
	[dreg:$0x2] =	wrdreg s2  }
0xa9: {  	[dreg:$0x3] =	wrdreg s4  }
0xaa: {  	[dreg:$0x4] =	wrdreg $0xC0  }
0xab: {  	_ =	task [dreg:s6], $0x5FFFF  }
0xac: {  	[dreg:$0x1] =	wrdreg $0xFFFFFFFF  }
0xad: {  	[dreg:$0x0] =	wrdreg $0x60  }
0xae: {  	[dreg:$0x2] =	wrdreg s24  }
0xaf: {  	[dreg:$0x3] =	wrdreg $0x0  }
0xb0: {  	[dreg:$0x4] =	wrdreg $0x9  }
0xb1: {  	_ =	task.clear_ibuf [dreg:s6], $0x5FFFF;
	_ =	strace $0x90000049  }
0xb2: {  	s29 =	simm.s32 $0x9;
	_ =	strace $0x8000004B  }
0xb3: {  	_ =	swait.ge [sflag:s29], $0x1  }
0xb4: {  	[sflag:s29] =	ssyncadd.s32 $0xFFFFFFFF  }
0xb5: {  	_ =	strace $0x9000004B  }
0xb6: {  	_ =	sfence  }
0xb7: {  	s30 =	sld [smem:$0x0];
	_ =	sdelay $0x2  }
0xb8: {  	s31 =	sshll.u32 s1, $0xD;
	s1 =	sshrl.u32 s1, $0x2  }
0xb9: {  	s3 =	sand.u32 $0x4000, s31;
	s1 =	sadd.s32 s1, s30  }
0xba: {  	s0 =	sor.u32 s3, s0;
	s1 =	sshll.u32 s1, $0x11  }
0xbb: {  	s0 =	sor.u32 s1, s0  }
0xbc: {  	s0 =	sadd.s32 $0x8F2B, s0  }
0xbd: {  	[sflag:s0] =	ssyncadd.remote.s32 $0x1  }
0xbe: {  	_ =	sfence.sel $0xFFFF  }
0xbf: {  	[dreg:$0x0] =	wrdreg $0xFFFFFFFF;
	(pc) =	sbr.abs _section_cstart, $3  }
0xc0: {  	[dreg:$0x1] =	wrdreg $0xFFFFFFFF  }
0xc1: {  	_ =	task.clear_ibuf [dreg:s6], $0x2FFFF;
	_ =	strace $0x9FFFFFFF  }
0xc2: {  	(tm) =	ssettm $0x7FFFFFFF  }
0xc3: {  	_ =	shalt  }
tec
execute0_lowered:
.L_overlay_start_1:
0x0: {  	(tag) =	ssettag $0x1  }
0x1: {  	s2 =	rddreg [dreg:$0x0]  }
0x2: {  	s1 =	rddreg [dreg:$0x1];
	s0 =	simm.s32 $0x0;
	s15 =	srdreg.scid  }
0x3: {  	s25 =	stileid.u32;
	s14 =	simm.s32 $0x14480;
	s23 =	simm.s32 $0x14500  }
0x4: {  	s24 =	simm.s32 $0x14580;
	[smem:$0x7FF] =	sst s0;
	s6 =	smul.u32 $0x2800, s25  }
0x5: {  	s5 =	sand.u32 $0x1, s15;
	s4 =	sadd.s32 $0xC200, s2;
	s12 =	smul.u32 $0x14000, s25  }
0x6: {  	s9 =	sadd.s32 $0xC0200, s2;
	_ =	strace $0x8000004A;
	[dreg:$0x3] =	wrdreg s14  }
0x7: {  	s0 =	ssub.s32 $0x2, s5;
	s10 =	smul.u32 $0x140000, s5;
	[dreg:$0x4] =	wrdreg s23  }
0x8: {  	s8 =	sshll.u32 s5, $0x4;
	p0 =	seq.s32 s5, $0x1;
	[dreg:$0x5] =	wrdreg s24  }
0x9: {  	s7 =	sshrl.u32 s0, $0x1;
	s16 =	sor.u32 s25, s8;
	s26 =	sadd.s32 s4, s6  }
0xa: {  	s5 =	sor.u32 $0x1400, s12;
	s8 =	sor.u32 $0x3C00, s12;
	s6 =	simm.s32 $0x14600  }
0xb: {  	s0 =	ssub.s32 s0, s7;
	s17 =	sadd.s32 s12, s10;
	s3 =	smul.u32 $0xC800, s16  }
0xc: {  	s19 =	sadd.s32 s10, s5;
	[dreg:$0x6] =	wrdreg s6;
	s16 =	simm.s32 $0x14880  }
0xd: {  	s21 =	sadd.s32 s10, s8;
	s8 =	sadd.s32 s8, s1;
	[dreg:$0x7] =	wrdreg s16  }
0xe: {  	s18 =	sshrl.u32 s17, $0x3;
	s17 =	simm.s32 $0x14900;
	[smem:$0x7EF] =	sst s8  }
0xf: {  	s11 =	sshrl.u32 s19, $0x3;
	s19 =	simm.s32 $0x14A00;
	[dreg:$0x8] =	wrdreg s17  }
0x10: {  	s14 =	sadd.s32 $0x7800, s12;
	s0 =	smax.u32 s0, $0x1;
	[dreg:$0xa] =	wrdreg s19  }
0x11: {  	s16 =	sadd.s32 s10, s14;
	s7 =	sadd.s32 s9, s18;
	[smem:$0x7FC] =	sst s0  }
0x12: {  	s11 =	sadd.s32 s9, s11;
	s18 =	simm.s32 $0x14980;
	[dreg:$0x11] =	wrdreg s3  }
0x13: {  	s16 =	sshrl.u32 s16, $0x3;
	[dreg:$0x13] =	wrdreg s7;
	s7 =	sor.u32 $0x2800, s12  }
0x14: {  	s19 =	sadd.s32 $0xB400, s12;
	[dreg:$0x14] =	wrdreg s11;
	s13 =	sadd.s32 s10, s7  }
0x15: {  	[dreg:$0x9] =	wrdreg s18;
	s16 =	sadd.s32 s9, s16;
	s20 =	sshrl.u32 s13, $0x3  }
0x16: {  	[dreg:$0x19] =	wrdreg s16;
	s16 =	sadd.s32 $0xA000, s12;
	s11 =	sadd.s32 s9, s20  }
0x17: {  	s13 =	sshrl.u32 s21, $0x3;
	[dreg:$0x15] =	wrdreg s11;
	s11 =	sadd.s32 $0x5000, s12  }
0x18: {  	s7 =	sadd.s32 s7, s1;
	s13 =	sadd.s32 s9, s13;
	s22 =	sadd.s32 s10, s11  }
0x19: {  	s21 =	simm.s32 $0x14D00;
	[dreg:$0x16] =	wrdreg s13;
	s13 =	sshrl.u32 s22, $0x3  }
0x1a: {  	s18 =	sadd.s32 s10, s16;
	[smem:$0x7EE] =	sst s7;
	s13 =	sadd.s32 s9, s13  }
0x1b: {  	s20 =	simm.s32 $0x14C80;
	[dreg:$0x17] =	wrdreg s13;
	s13 =	sadd.s32 $0x6400, s12  }
0x1c: {  	[dreg:$0xc] =	wrdreg s21;
	s18 =	sshrl.u32 s18, $0x3;
	s15 =	sadd.s32 s10, s13  }
0x1d: {  	[dreg:$0xb] =	wrdreg s20;
	s23 =	sadd.s32 s9, s18;
	s15 =	sshrl.u32 s15, $0x3  }
0x1e: {  	s20 =	sadd.s32 s10, s19;
	[dreg:$0x1b] =	wrdreg s23;
	s15 =	sadd.s32 s9, s15  }
0x1f: {  	s18 =	sadd.s32 $0xDC00, s12;
	[dreg:$0x18] =	wrdreg s15;
	s15 =	sadd.s32 $0x8C00, s12  }
0x20: {  	s21 =	sadd.s32 s10, s18;
	s18 =	sadd.s32 s18, s1;
	s17 =	sadd.s32 s10, s15  }
0x21: {  	s22 =	simm.s32 $0x14D80;
	[smem:$0x7F7] =	sst s18;
	s17 =	sshrl.u32 s17, $0x3  }
0x22: {  	s24 =	sshrl.u32 s20, $0x3;
	[dreg:$0xd] =	wrdreg s22;
	s17 =	sadd.s32 s9, s17  }
0x23: {  	s21 =	sshrl.u32 s21, $0x3;
	[dreg:$0x1a] =	wrdreg s17;
	s17 =	sadd.s32 s9, s24  }
0x24: {  	s22 =	sadd.s32 $0xF000, s12;
	[dreg:$0x1c] =	wrdreg s17;
	s17 =	sadd.s32 $0xC800, s12  }
0x25: {  	s21 =	sadd.s32 s9, s21;
	s23 =	sadd.s32 s10, s22;
	s6 =	sadd.s32 s10, s17  }
0x26: {  	[dreg:$0x1e] =	wrdreg s21;
	s17 =	sadd.s32 s17, s1;
	s20 =	sshrl.u32 s6, $0x3  }
0x27: {  	s24 =	sshrl.u32 s23, $0x3;
	[smem:$0x7F6] =	sst s17;
	s20 =	sadd.s32 s9, s20  }
0x28: {  	s21 =	sadd.s32 $0x11800, s12;
	[dreg:$0x1d] =	wrdreg s20;
	s20 =	sadd.s32 s9, s24  }
0x29: {  	s24 =	sadd.s32 s10, s21;
	[dreg:$0x1f] =	wrdreg s20;
	s20 =	sadd.s32 $0x10400, s12  }
0x2a: {  	s12 =	sadd.s32 $0x12C00, s12;
	s24 =	sshrl.u32 s24, $0x3;
	s6 =	sadd.s32 s10, s20  }
0x2b: {  	s10 =	sadd.s32 s10, s12;
	s24 =	sadd.s32 s9, s24;
	s23 =	sshrl.u32 s6, $0x3  }
0x2c: {  	[smem:$0x7E7] =	sst s24;
	s10 =	sshrl.u32 s10, $0x3;
	s6 =	simm.s32 $0x14E00  }
0x2d: {  	s24 =	smul.u32 $0x50000, s25;
	s23 =	sadd.s32 s9, s23;
	[dreg:$0xe] =	wrdreg s6  }
0x2e: {  	s9 =	sadd.s32 s9, s10;
	[smem:$0x7E6] =	sst s23;
	s23 =	sadd.s32 $0x34200, s2  }
0x2f: {  	[smem:$0x7E8] =	sst s9;
	s25 =	sshrl.u32 s24, $0x2;
	s24 =	sadd.s32 $0x5C200, s2  }
0x30: {  	s26 =	smov.u32 @p0 s23;
	[dreg:$0x10] =	wrdreg s24  }
0x31: {  	s9 =	sadd.s32 s25, s1;
	s25 =	sadd.s32 s21, s1;
	[dreg:$0x12] =	wrdreg s26  }
0x32: {  	[smem:$0x7FA] =	sst s25  }
0x33: {  	s23 =	sadd.s32 $0x8E200, s2;
	s26 =	sshrl.u32 s3, $0x3;
	[smem:$0x7FD] =	sst s9  }
0x34: {  	[dreg:$0xf] =	wrdreg s23;
	s6 =	sadd.s32 s24, s26  }
0x35: {  	s2 =	sor.u32 $0x80, s26;
	s10 =	sadd.s32 s23, s26;
	[smem:$0x7E9] =	sst s6  }
0x36: {  	s28 =	simm.s32 $0xB;
	[smem:$0x7EA] =	sst s10;
	s26 =	sadd.s32 s24, s2  }
0x37: {  	s29 =	simm.s32 $0x28;
	s2 =	sadd.s32 s23, s2;
	[smem:$0x7EB] =	sst s26  }
0x38: {  	s30 =	simm.s32 $0x1A000;
	s6 =	sadd.s32 s5, s1;
	[smem:$0x7EC] =	sst s2  }
0x39: {  	s31 =	simm.s32 $0xA;
	s10 =	sadd.s32 s11, s1;
	[smem:$0x7ED] =	sst s6  }
0x3a: {  	s0 =	simm.s32 $0x16400;
	s11 =	sadd.s32 s13, s1;
	[smem:$0x7F0] =	sst s10  }
0x3b: {  	s7 =	simm.s32 $0x17800;
	s13 =	sadd.s32 s14, s1;
	[smem:$0x7F1] =	sst s11  }
0x3c: {  	s18 =	simm.s32 $0x7;
	s14 =	sadd.s32 s15, s1;
	[smem:$0x7F2] =	sst s13  }
0x3d: {  	s17 =	simm.s32 $0x6;
	s15 =	sadd.s32 s16, s1;
	[smem:$0x7F3] =	sst s14  }
0x3e: {  	s21 =	simm.s32 $0x14080;
	s16 =	sadd.s32 s19, s1;
	[smem:$0x7F4] =	sst s15  }
0x3f: {  	s8 =	smov.u32 s9;
	s19 =	sadd.s32 s22, s1;
	[smem:$0x7F5] =	sst s16  }
0x40: {  	s25 =	simm.s32 $0x8;
	s22 =	sadd.s32 s20, s1;
	[smem:$0x7F8] =	sst s19  }
0x41: {  	s20 =	simm.s32 $0xD;
	s5 =	simm.s32 $0x2;
	[smem:$0x7F9] =	sst s22  }
0x42: {  	s26 =	sadd.s32 s12, s1;
	s22 =	simm.s32 $0x14100;
	s11 =	simm.s32 $0x18C00  }
0x43: {  	s12 =	simm.s32 $0x1;
	s13 =	simm.s32 $0x3;
	s14 =	simm.s32 $0x4  }
0x44: {  	s15 =	simm.s32 $0x5;
	s16 =	simm.s32 $0xC;
	s19 =	simm.s32 $0x9  }
0x45: {  	s10 =	simm.s32 $0x0;
	[smem:$0x7FB] =	sst s26;
	s26 =	simm.s32 $0x14180  }
.LBB2_1:
0x46: {  	s2 =	stileid.u32  }
0x47: {  	[smem:$0x7E5] =	sst s10;
	s2 =	sshll.u32 s2, $0x6  }
0x48: {  	s8 =	sshrl.u32 s8, $0x3;
	s6 =	rddreg [dreg:$0x12];
	s2 =	sor.u32 $0x1C0D, s2  }
0x49: {  	[spmem:s8], [sflag:s2] =	dma.local [hbm:s6], $0x2800  }
0x4a: {  	_ =	swait.ge [sflag:s20], $0x2800  }
0x4b: {  	[sflag:s20] =	ssyncset.done $0x0  }
0x4c: {  	[sflag:s20] =	ssyncadd.s32 $0xFFFFD800  }
0x4d: {  	[bflag:$0x0] =	sbarrier.arrive $0xFFFF  }
0x4e: {  	s8 =	sld [smem:$0x7E9]  }
0x4f: {  	s10 =	smov.u32 s3  }
0x50: {  	s3 =	simm.s32 $0x0;
	s6 =	simm.s32 $0x14000;
	s9 =	sld [smem:$0x7EA]  }
0x51: {  	[tilespmem:s6], [sflag:$0xB] =	stream.linear.gather [hbm4b:s8+s3], $0x280, $0x38;
	[tilespmem:$0x1B400] =	vst v63  }
0x52: {  	s20 =	simm.s32 $0x14400;
	s6 =	sld [smem:$0x7EB]  }
0x53: {  	[tilespmem:s20], [sflag:$0xB] =	stream.linear.gather [hbm4b:s9+s3], $0x280, $0x38;
	[tilespmem:$0x1B400] =	vst v63  }
0x54: {  	s2 =	sld [smem:$0x7EC];
	s20 =	simm.s32 $0x14800  }
0x55: {  	[tilespmem:s20], [sflag:$0xC] =	stream.linear.gather [hbm4b:s6+s3], $0x280, $0x38;
	[tilespmem:$0x1B400] =	vst v63  }
0x56: {  	s6 =	simm.s32 $0x14C00  }
0x57: {  	[tilespmem:s6], [sflag:$0xC] =	stream.linear.gather [hbm4b:s2+s3], $0x280, $0x38;
	[tilespmem:$0x1B400] =	vst v63  }
0x58: {  	_ =	swait.ge [sflag:s28], $0x280  }
0x59: {  	[sflag:s28] =	ssyncset.done $0x0  }
0x5a: {  	[sflag:s28] =	ssyncadd.s32 $0xFFFFFD80  }
0x5b: {  	_ =	swait.ge [sflag:s28], $0x280  }
0x5c: {  	[sflag:s28] =	ssyncset.done $0x0  }
0x5d: {  	s8 =	simm.s32 $0x14000;
	s6 =	simm.s32 $0x15000;
	[sflag:s28] =	ssyncadd.s32 $0xFFFFFD80  }
0x5e: {  	[tilespmem:s6], [sflag:$0x1] =	stream.indirect.gather [hbm4b:s4+s29], $0x80, s8, s29, $0xb8;
	[tilespmem:$0x1B400] =	vst v63  }
0x5f: {  	_ = 	snop  }
0x60: {  	[tilespmem:s0], [sflag:$0x2] =	stream.indirect.gather [hbm4b:s4+s29], $0x80, s21, s29, $0xb8;
	[tilespmem:$0x1B400] =	vst v63  }
0x61: {  	_ = 	snop  }
0x62: {  	[tilespmem:s7], [sflag:$0x3] =	stream.indirect.gather [hbm4b:s4+s29], $0x80, s22, s29, $0xb8;
	[tilespmem:$0x1B400] =	vst v63  }
0x63: {  	_ = 	snop  }
0x64: {  	[tilespmem:s11], [sflag:$0x4] =	stream.indirect.gather [hbm4b:s4+s29], $0x80, s26, s29, $0xb8;
	[tilespmem:$0x1B400] =	vst v63  }
0x65: {  	s8 =	simm.s32 $0x14200  }
0x66: {  	[tilespmem:s30], [sflag:$0x5] =	stream.indirect.gather [hbm4b:s4+s29], $0x80, s8, s29, $0xb8;
	[tilespmem:$0x1B400] =	vst v63  }
0x67: {  	_ =	swait.ge [sflag:s12], $0x1400  }
0x68: {  	[sflag:s12] =	ssyncset.done $0x0  }
0x69: {  	s9 =	simm.s32 $0x14400;
	[sflag:s12] =	ssyncadd.s32 $0xFFFFEC00  }
0x6a: {  	[spmem:s1] =	stream.indirect.scatter.add.f32 [tilespmem:s6], [sflag:$0x6], $0x80, s9, s29, $0xb8;
	[tilespmem:$0x1B400] =	vst v63  }
0x6b: {  	_ =	swait.ge [sflag:s5], $0x1400  }
0x6c: {  	[sflag:s5] =	ssyncset.done $0x0  }
0x6d: {  	s8 =	rddreg [dreg:$0x3];
	[sflag:s5] =	ssyncadd.s32 $0xFFFFEC00  }
0x6e: {  	[spmem:s1] =	stream.indirect.scatter.add.f32 [tilespmem:s0], [sflag:$0x7], $0x80, s8, s29, $0xb8;
	[tilespmem:$0x1B400] =	vst v63  }
0x6f: {  	_ =	swait.ge [sflag:s13], $0x1400  }
0x70: {  	[sflag:s13] =	ssyncset.done $0x0  }
0x71: {  	s6 =	rddreg [dreg:$0x4];
	[sflag:s13] =	ssyncadd.s32 $0xFFFFEC00  }
0x72: {  	[spmem:s1] =	stream.indirect.scatter.add.f32 [tilespmem:s7], [sflag:$0x8], $0x80, s6, s29, $0xb8;
	[tilespmem:$0x1B400] =	vst v63  }
0x73: {  	_ =	swait.ge [sflag:s14], $0x1400  }
0x74: {  	[sflag:s14] =	ssyncset.done $0x0  }
0x75: {  	s8 =	rddreg [dreg:$0x5];
	[sflag:s14] =	ssyncadd.s32 $0xFFFFEC00  }
0x76: {  	[spmem:s1] =	stream.indirect.scatter.add.f32 [tilespmem:s11], [sflag:$0x9], $0x80, s8, s29, $0xb8;
	[tilespmem:$0x1B400] =	vst v63  }
0x77: {  	_ =	swait.ge [sflag:s15], $0x1400  }
0x78: {  	[sflag:s15] =	ssyncset.done $0x0  }
0x79: {  	s6 =	rddreg [dreg:$0x6];
	[sflag:s15] =	ssyncadd.s32 $0xFFFFEC00  }
0x7a: {  	[spmem:s1] =	stream.indirect.scatter.add.f32 [tilespmem:s30], [sflag:$0xA], $0x80, s6, s29, $0xb8;
	[tilespmem:$0x1B400] =	vst v63  }
0x7b: {  	_ =	swait.ge [sflag:s16], $0x280  }
0x7c: {  	[sflag:s16] =	ssyncset.done $0x0  }
0x7d: {  	[sflag:s16] =	ssyncadd.s32 $0xFFFFFD80  }
0x7e: {  	_ =	swait.ge [sflag:s16], $0x280  }
0x7f: {  	[sflag:s16] =	ssyncset.done $0x0  }
0x80: {  	[sflag:s16] =	ssyncadd.s32 $0xFFFFFD80  }
0x81: {  	_ =	swait.ge [sflag:s17], $0x1400  }
0x82: {  	[sflag:s17] =	ssyncset.done $0x0  }
0x83: {  	s9 =	simm.s32 $0x15000;
	[sflag:s17] =	ssyncadd.s32 $0xFFFFEC00  }
0x84: {  	[tilespmem:s9], [sflag:$0x1] =	stream.indirect.gather [hbm4b:s4+s29], $0x80, s20, s29, $0xb8;
	[tilespmem:$0x1B400] =	vst v63  }
0x85: {  	_ =	swait.ge [sflag:s18], $0x1400  }
0x86: {  	[sflag:s18] =	ssyncset.done $0x0  }
0x87: {  	s8 =	rddreg [dreg:$0x7];
	[sflag:s18] =	ssyncadd.s32 $0xFFFFEC00  }
0x88: {  	[tilespmem:s0], [sflag:$0x2] =	stream.indirect.gather [hbm4b:s4+s29], $0x80, s8, s29, $0xb8;
	[tilespmem:$0x1B400] =	vst v63  }
0x89: {  	_ =	swait.ge [sflag:s25], $0x1400  }
0x8a: {  	[sflag:s25] =	ssyncset.done $0x0  }
0x8b: {  	s6 =	rddreg [dreg:$0x8];
	[sflag:s25] =	ssyncadd.s32 $0xFFFFEC00  }
0x8c: {  	[tilespmem:s7], [sflag:$0x3] =	stream.indirect.gather [hbm4b:s4+s29], $0x80, s6, s29, $0xb8;
	[tilespmem:$0x1B400] =	vst v63  }
0x8d: {  	_ =	swait.ge [sflag:s19], $0x1400  }
0x8e: {  	p0 =	por $0x0, $0x0;
	[sflag:s19] =	ssyncset.done $0x0  }
0x8f: {  	s2 =	simm.s32 $0x800;
	s8 =	rddreg [dreg:$0x9];
	[sflag:s19] =	ssyncadd.s32 $0xFFFFEC00  }
0x90: {  	[tilespmem:s11], [sflag:$0x4] =	stream.indirect.gather [hbm4b:s4+s29], $0x80, s8, s29, $0xb8;
	[tilespmem:$0x1B400] =	vst v63  }
0x91: {  	s2 =	simm.s32 @p0 $0x0;
	_ =	swait.ge [sflag:s31], $0x1400  }
0x92: {  	s2 =	sadd.s32 s10, s2;
	[sflag:s31] =	ssyncset.done $0x0  }
0x93: {  	s2 =	sshrl.u32 s2, $0x3;
	s8 =	rddreg [dreg:$0xa];
	[sflag:s31] =	ssyncadd.s32 $0xFFFFEC00  }
0x94: {  	[tilespmem:s30], [sflag:$0x5] =	stream.indirect.gather [hbm4b:s4+s29], $0x80, s8, s29, $0xb8;
	[tilespmem:$0x1B400] =	vst v63  }
0x95: {  	s6 =	smov.u32 s10;
	s10 =	simm.s32 $0x14000;
	s8 =	sadd.s32 s24, s2  }
0x96: {  	[tilespmem:s10], [sflag:$0xB] =	stream.linear.gather [hbm4b:s8+s3], $0x280, $0x38;
	[tilespmem:$0x1B400] =	vst v63  }
0x97: {  	s2 =	sadd.s32 s23, s2;
	s10 =	simm.s32 $0x14400  }
0x98: {  	[tilespmem:s10], [sflag:$0xB] =	stream.linear.gather [hbm4b:s2+s3], $0x280, $0x38;
	[tilespmem:$0x1B400] =	vst v63  }
0x99: {  	_ =	swait.ge [sflag:s12], $0x1400  }
0x9a: {  	[sflag:s12] =	ssyncset.done $0x0  }
0x9b: {  	s10 =	simm.s32 $0x14C00;
	[sflag:s12] =	ssyncadd.s32 $0xFFFFEC00  }
0x9c: {  	[spmem:s1] =	stream.indirect.scatter.add.f32 [tilespmem:s9], [sflag:$0x6], $0x80, s10, s29, $0xb8;
	[tilespmem:$0x1B400] =	vst v63  }
0x9d: {  	_ =	swait.ge [sflag:s5], $0x1400  }
0x9e: {  	[sflag:s5] =	ssyncset.done $0x0  }
0x9f: {  	s10 =	rddreg [dreg:$0xb];
	[sflag:s5] =	ssyncadd.s32 $0xFFFFEC00  }
0xa0: {  	[spmem:s1] =	stream.indirect.scatter.add.f32 [tilespmem:s0], [sflag:$0x7], $0x80, s10, s29, $0xb8;
	[tilespmem:$0x1B400] =	vst v63  }
0xa1: {  	_ =	swait.ge [sflag:s13], $0x1400  }
0xa2: {  	[sflag:s13] =	ssyncset.done $0x0  }
0xa3: {  	s10 =	rddreg [dreg:$0xc];
	[sflag:s13] =	ssyncadd.s32 $0xFFFFEC00  }
0xa4: {  	[spmem:s1] =	stream.indirect.scatter.add.f32 [tilespmem:s7], [sflag:$0x8], $0x80, s10, s29, $0xb8;
	[tilespmem:$0x1B400] =	vst v63  }
0xa5: {  	_ =	swait.ge [sflag:s14], $0x1400  }
0xa6: {  	[sflag:s14] =	ssyncset.done $0x0  }
0xa7: {  	s10 =	rddreg [dreg:$0xd];
	[sflag:s14] =	ssyncadd.s32 $0xFFFFEC00  }
0xa8: {  	[spmem:s1] =	stream.indirect.scatter.add.f32 [tilespmem:s11], [sflag:$0x9], $0x80, s10, s29, $0xb8;
	[tilespmem:$0x1B400] =	vst v63  }
0xa9: {  	_ =	swait.ge [sflag:s15], $0x1400  }
0xaa: {  	[sflag:s15] =	ssyncset.done $0x0  }
0xab: {  	s10 =	rddreg [dreg:$0xe];
	[sflag:s15] =	ssyncadd.s32 $0xFFFFEC00  }
0xac: {  	[spmem:s1] =	stream.indirect.scatter.add.f32 [tilespmem:s30], [sflag:$0xA], $0x80, s10, s29, $0xb8;
	[tilespmem:$0x1B400] =	vst v63  }
0xad: {  	_ =	swait.ge [sflag:s28], $0x280  }
0xae: {  	[sflag:s28] =	ssyncset.done $0x0  }
0xaf: {  	[sflag:s28] =	ssyncadd.s32 $0xFFFFFD80  }
0xb0: {  	_ =	swait.ge [sflag:s28], $0x280  }
0xb1: {  	[sflag:s28] =	ssyncset.done $0x0  }
0xb2: {  	[sflag:s28] =	ssyncadd.s32 $0xFFFFFD80  }
0xb3: {  	_ =	swait.ge [sflag:s17], $0x1400  }
0xb4: {  	[sflag:s17] =	ssyncset.done $0x0  }
0xb5: {  	s8 =	simm.s32 $0x14000;
	[sflag:s17] =	ssyncadd.s32 $0xFFFFEC00  }
0xb6: {  	[tilespmem:s9], [sflag:$0x1] =	stream.indirect.gather [hbm4b:s4+s29], $0x80, s8, s29, $0xb8;
	[tilespmem:$0x1B400] =	vst v63  }
0xb7: {  	_ =	swait.ge [sflag:s18], $0x1400  }
0xb8: {  	[sflag:s18] =	ssyncset.done $0x0  }
0xb9: {  	[sflag:s18] =	ssyncadd.s32 $0xFFFFEC00  }
0xba: {  	[tilespmem:s0], [sflag:$0x2] =	stream.indirect.gather [hbm4b:s4+s29], $0x80, s21, s29, $0xb8;
	[tilespmem:$0x1B400] =	vst v63  }
0xbb: {  	_ =	swait.ge [sflag:s25], $0x1400  }
0xbc: {  	[sflag:s25] =	ssyncset.done $0x0  }
0xbd: {  	[sflag:s25] =	ssyncadd.s32 $0xFFFFEC00  }
0xbe: {  	[tilespmem:s7], [sflag:$0x3] =	stream.indirect.gather [hbm4b:s4+s29], $0x80, s22, s29, $0xb8;
	[tilespmem:$0x1B400] =	vst v63  }
0xbf: {  	_ =	swait.ge [sflag:s19], $0x1400  }
0xc0: {  	[sflag:s19] =	ssyncset.done $0x0  }
0xc1: {  	s2 =	simm.s32 $0xC00;
	[sflag:s19] =	ssyncadd.s32 $0xFFFFEC00  }
0xc2: {  	[tilespmem:s11], [sflag:$0x4] =	stream.indirect.gather [hbm4b:s4+s29], $0x80, s26, s29, $0xb8;
	[tilespmem:$0x1B400] =	vst v63  }
0xc3: {  	s2 =	simm.s32 @p0 $0x400;
	_ =	swait.ge [sflag:s31], $0x1400  }
0xc4: {  	s2 =	sadd.s32 s6, s2;
	s0 =	simm.s32 $0x1A000;
	[sflag:s31] =	ssyncset.done $0x0  }
0xc5: {  	s22 =	sshrl.u32 s2, $0x3;
	s26 =	simm.s32 $0x14200;
	[sflag:s31] =	ssyncadd.s32 $0xFFFFEC00  }
0xc6: {  	[tilespmem:s30], [sflag:$0x5] =	stream.indirect.gather [hbm4b:s4+s29], $0x80, s26, s29, $0xb8;
	[tilespmem:$0x1B400] =	vst v63  }
0xc7: {  	s7 =	simm.s32 $0x16400;
	s2 =	sadd.s32 s24, s22;
	s10 =	sadd.s32 s23, s22  }
0xc8: {  	[tilespmem:s20], [sflag:$0xC] =	stream.linear.gather [hbm4b:s2+s3], $0x280, $0x38;
	[tilespmem:$0x1B400] =	vst v63  }
0xc9: {  	s11 =	simm.s32 $0x18C00;
	s30 =	simm.s32 $0x17800;
	s2 =	simm.s32 $0x1400  }
.LBB2_2:
0xca: {  	s21 =	simm.s32 $0x14C00;
	s6 =	simm.s32 $0x0  }
0xcb: {  	[tilespmem:s21], [sflag:$0xC] =	stream.linear.gather [hbm4b:s10+s6], $0x280, $0x38;
	[tilespmem:$0x1B400] =	vst v63  }
0xcc: {  	_ =	swait.ge [sflag:s12], $0x1400  }
0xcd: {  	[sflag:s12] =	ssyncset.done $0x0  }
0xce: {  	s9 =	simm.s32 $0x15000;
	s22 =	simm.s32 $0x14400;
	[sflag:s12] =	ssyncadd.s32 $0xFFFFEC00  }
0xcf: {  	[spmem:s1] =	stream.indirect.scatter.add.f32 [tilespmem:s9], [sflag:$0x6], $0x80, s22, s29, $0xb8;
	[tilespmem:$0x1B400] =	vst v63  }
0xd0: {  	_ =	swait.ge [sflag:s5], $0x1400  }
0xd1: {  	[sflag:s5] =	ssyncset.done $0x0  }
0xd2: {  	s3 =	rddreg [dreg:$0x3];
	[sflag:s5] =	ssyncadd.s32 $0xFFFFEC00  }
0xd3: {  	[spmem:s1] =	stream.indirect.scatter.add.f32 [tilespmem:s7], [sflag:$0x7], $0x80, s3, s29, $0xb8;
	[tilespmem:$0x1B400] =	vst v63  }
0xd4: {  	_ =	swait.ge [sflag:s13], $0x1400  }
0xd5: {  	[sflag:s13] =	ssyncset.done $0x0  }
0xd6: {  	s23 =	rddreg [dreg:$0x4];
	[sflag:s13] =	ssyncadd.s32 $0xFFFFEC00  }
0xd7: {  	[spmem:s1] =	stream.indirect.scatter.add.f32 [tilespmem:s30], [sflag:$0x8], $0x80, s23, s29, $0xb8;
	[tilespmem:$0x1B400] =	vst v63  }
0xd8: {  	_ =	swait.ge [sflag:s14], $0x1400  }
0xd9: {  	[sflag:s14] =	ssyncset.done $0x0  }
0xda: {  	s24 =	rddreg [dreg:$0x5];
	[sflag:s14] =	ssyncadd.s32 $0xFFFFEC00  }
0xdb: {  	[spmem:s1] =	stream.indirect.scatter.add.f32 [tilespmem:s11], [sflag:$0x9], $0x80, s24, s29, $0xb8;
	[tilespmem:$0x1B400] =	vst v63  }
0xdc: {  	_ =	swait.ge [sflag:s15], $0x1400  }
0xdd: {  	[sflag:s15] =	ssyncset.done $0x0  }
0xde: {  	s26 =	rddreg [dreg:$0x6];
	[sflag:s15] =	ssyncadd.s32 $0xFFFFEC00  }
0xdf: {  	[spmem:s1] =	stream.indirect.scatter.add.f32 [tilespmem:s0], [sflag:$0xA], $0x80, s26, s29, $0xb8;
	[tilespmem:$0x1B400] =	vst v63  }
0xe0: {  	_ =	swait.ge [sflag:s16], $0x280  }
0xe1: {  	[sflag:s16] =	ssyncset.done $0x0  }
0xe2: {  	[sflag:s16] =	ssyncadd.s32 $0xFFFFFD80  }
0xe3: {  	_ =	swait.ge [sflag:s16], $0x280  }
0xe4: {  	[sflag:s16] =	ssyncset.done $0x0  }
0xe5: {  	[sflag:s16] =	ssyncadd.s32 $0xFFFFFD80  }
0xe6: {  	_ =	swait.ge [sflag:s17], $0x1400  }
0xe7: {  	[sflag:s17] =	ssyncset.done $0x0  }
0xe8: {  	[sflag:s17] =	ssyncadd.s32 $0xFFFFEC00  }
0xe9: {  	[tilespmem:s9], [sflag:$0x1] =	stream.indirect.gather [hbm4b:s4+s29], $0x80, s20, s29, $0xb8;
	[tilespmem:$0x1B400] =	vst v63  }
0xea: {  	_ =	swait.ge [sflag:s18], $0x1400  }
0xeb: {  	[sflag:s18] =	ssyncset.done $0x0  }
0xec: {  	s3 =	rddreg [dreg:$0x7];
	[sflag:s18] =	ssyncadd.s32 $0xFFFFEC00  }
0xed: {  	[tilespmem:s7], [sflag:$0x2] =	stream.indirect.gather [hbm4b:s4+s29], $0x80, s3, s29, $0xb8;
	[tilespmem:$0x1B400] =	vst v63  }
0xee: {  	_ =	swait.ge [sflag:s25], $0x1400  }
0xef: {  	[sflag:s25] =	ssyncset.done $0x0  }
0xf0: {  	s20 =	rddreg [dreg:$0x8];
	[sflag:s25] =	ssyncadd.s32 $0xFFFFEC00  }
0xf1: {  	[tilespmem:s30], [sflag:$0x3] =	stream.indirect.gather [hbm4b:s4+s29], $0x80, s20, s29, $0xb8;
	[tilespmem:$0x1B400] =	vst v63  }
0xf2: {  	_ =	swait.ge [sflag:s19], $0x1400  }
0xf3: {  	[sflag:s19] =	ssyncset.done $0x0  }
0xf4: {  	s23 =	rddreg [dreg:$0x9];
	[sflag:s19] =	ssyncadd.s32 $0xFFFFEC00  }
0xf5: {  	[tilespmem:s11], [sflag:$0x4] =	stream.indirect.gather [hbm4b:s4+s29], $0x80, s23, s29, $0xb8;
	[tilespmem:$0x1B400] =	vst v63  }
0xf6: {  	s8 =	smov.u32 s2;
	_ =	swait.ge [sflag:s31], $0x1400  }
0xf7: {  	p1 =	seq.s32 s8, $0xCC00;
	s10 =	sadd.s32 $0xFFFFFC00, s8;
	s24 =	rddreg [dreg:$0xa]  }
0xf8: {  	s10 =	simm.s32 @p1 $0x0;
	[sflag:s31] =	ssyncset.done $0x0;
	s3 =	rddreg [dreg:$0x11]  }
0xf9: {  	s23 =	rddreg [dreg:$0xf];
	[sflag:s31] =	ssyncadd.s32 $0xFFFFEC00;
	s10 =	sadd.s32 s3, s10  }
0xfa: {  	[tilespmem:s0], [sflag:$0x5] =	stream.indirect.gather [hbm4b:s4+s29], $0x80, s24, s29, $0xb8;
	[tilespmem:$0x1B400] =	vst v63  }
0xfb: {  	s8 =	simm.s32 @p1 $0x400;
	s10 =	sshrl.u32 s10, $0x3;
	s24 =	rddreg [dreg:$0x10]  }
0xfc: {  	s8 =	sadd.s32 s3, s8;
	s3 =	simm.s32 $0x14000;
	s20 =	sadd.s32 s24, s10  }
0xfd: {  	[tilespmem:s3], [sflag:$0xB] =	stream.linear.gather [hbm4b:s20+s6], $0x280, $0x38;
	[tilespmem:$0x1B400] =	vst v63  }
0xfe: {  	s10 =	sadd.s32 s23, s10  }
0xff: {  	[tilespmem:s22], [sflag:$0xB] =	stream.linear.gather [hbm4b:s10+s6], $0x280, $0x38;
	[tilespmem:$0x1B400] =	vst v63  }
0x100: {  	_ =	swait.ge [sflag:s12], $0x1400  }
0x101: {  	[sflag:s12] =	ssyncset.done $0x0  }
0x102: {  	[sflag:s12] =	ssyncadd.s32 $0xFFFFEC00  }
0x103: {  	[spmem:s1] =	stream.indirect.scatter.add.f32 [tilespmem:s9], [sflag:$0x6], $0x80, s21, s29, $0xb8;
	[tilespmem:$0x1B400] =	vst v63  }
0x104: {  	_ =	swait.ge [sflag:s5], $0x1400  }
0x105: {  	[sflag:s5] =	ssyncset.done $0x0  }
0x106: {  	s20 =	rddreg [dreg:$0xb];
	[sflag:s5] =	ssyncadd.s32 $0xFFFFEC00  }
0x107: {  	[spmem:s1] =	stream.indirect.scatter.add.f32 [tilespmem:s7], [sflag:$0x7], $0x80, s20, s29, $0xb8;
	[tilespmem:$0x1B400] =	vst v63  }
0x108: {  	_ =	swait.ge [sflag:s13], $0x1400  }
0x109: {  	[sflag:s13] =	ssyncset.done $0x0  }
0x10a: {  	s20 =	rddreg [dreg:$0xc];
	[sflag:s13] =	ssyncadd.s32 $0xFFFFEC00  }
0x10b: {  	[spmem:s1] =	stream.indirect.scatter.add.f32 [tilespmem:s30], [sflag:$0x8], $0x80, s20, s29, $0xb8;
	[tilespmem:$0x1B400] =	vst v63  }
0x10c: {  	_ =	swait.ge [sflag:s14], $0x1400  }
0x10d: {  	[sflag:s14] =	ssyncset.done $0x0  }
0x10e: {  	s20 =	rddreg [dreg:$0xd];
	[sflag:s14] =	ssyncadd.s32 $0xFFFFEC00  }
0x10f: {  	[spmem:s1] =	stream.indirect.scatter.add.f32 [tilespmem:s11], [sflag:$0x9], $0x80, s20, s29, $0xb8;
	[tilespmem:$0x1B400] =	vst v63  }
0x110: {  	_ =	swait.ge [sflag:s15], $0x1400  }
0x111: {  	[sflag:s15] =	ssyncset.done $0x0  }
0x112: {  	s20 =	rddreg [dreg:$0xe];
	[sflag:s15] =	ssyncadd.s32 $0xFFFFEC00  }
0x113: {  	[spmem:s1] =	stream.indirect.scatter.add.f32 [tilespmem:s0], [sflag:$0xA], $0x80, s20, s29, $0xb8;
	[tilespmem:$0x1B400] =	vst v63  }
0x114: {  	_ =	swait.ge [sflag:s28], $0x280  }
0x115: {  	[sflag:s28] =	ssyncset.done $0x0  }
0x116: {  	[sflag:s28] =	ssyncadd.s32 $0xFFFFFD80  }
0x117: {  	_ =	swait.ge [sflag:s28], $0x280  }
0x118: {  	[sflag:s28] =	ssyncset.done $0x0  }
0x119: {  	[sflag:s28] =	ssyncadd.s32 $0xFFFFFD80  }
0x11a: {  	_ =	swait.ge [sflag:s17], $0x1400  }
0x11b: {  	[sflag:s17] =	ssyncset.done $0x0  }
0x11c: {  	[sflag:s17] =	ssyncadd.s32 $0xFFFFEC00  }
0x11d: {  	[tilespmem:s9], [sflag:$0x1] =	stream.indirect.gather [hbm4b:s4+s29], $0x80, s3, s29, $0xb8;
	[tilespmem:$0x1B400] =	vst v63  }
0x11e: {  	_ =	swait.ge [sflag:s18], $0x1400  }
0x11f: {  	[sflag:s18] =	ssyncset.done $0x0  }
0x120: {  	s21 =	simm.s32 $0x14080;
	[sflag:s18] =	ssyncadd.s32 $0xFFFFEC00  }
0x121: {  	[tilespmem:s7], [sflag:$0x2] =	stream.indirect.gather [hbm4b:s4+s29], $0x80, s21, s29, $0xb8;
	[tilespmem:$0x1B400] =	vst v63  }
0x122: {  	_ =	swait.ge [sflag:s25], $0x1400  }
0x123: {  	[sflag:s25] =	ssyncset.done $0x0  }
0x124: {  	s10 =	simm.s32 $0x14100;
	[sflag:s25] =	ssyncadd.s32 $0xFFFFEC00  }
0x125: {  	[tilespmem:s30], [sflag:$0x3] =	stream.indirect.gather [hbm4b:s4+s29], $0x80, s10, s29, $0xb8;
	[tilespmem:$0x1B400] =	vst v63  }
0x126: {  	_ =	swait.ge [sflag:s19], $0x1400  }
0x127: {  	[sflag:s19] =	ssyncset.done $0x0  }
0x128: {  	p0 =	sne.s32 s2, $0xCC00;
	s20 =	simm.s32 $0x14180;
	[sflag:s19] =	ssyncadd.s32 $0xFFFFEC00  }
0x129: {  	[tilespmem:s11], [sflag:$0x4] =	stream.indirect.gather [hbm4b:s4+s29], $0x80, s20, s29, $0xb8;
	[tilespmem:$0x1B400] =	vst v63  }
0x12a: {  	s2 =	sadd.s32 $0x800, s2;
	s26 =	simm.s32 $0x14800;
	_ =	swait.ge [sflag:s31], $0x1400  }
.Ltmp0:
0x12b: {  	s8 =	sshrl.u32 s8, $0x3;
	[sflag:s31] =	ssyncset.done $0x0;
	(pc) =	sbr.rel @p0 .LBB2_2-.Ltmp0, $4  }
0x12c: {  	s9 =	sadd.s32 s24, s8;
	s24 =	simm.s32 $0x14200;
	[sflag:s31] =	ssyncadd.s32 $0xFFFFEC00  }
0x12d: {  	[tilespmem:s0], [sflag:$0x5] =	stream.indirect.gather [hbm4b:s4+s29], $0x80, s24, s29, $0xb8;
	[tilespmem:$0x1B400] =	vst v63  }
0x12e: {  	s22 =	simm.s32 $0x14C00;
	s10 =	sadd.s32 s23, s8;
	s20 =	simm.s32 $0x14800  }
0x12f: {  	[tilespmem:s26], [sflag:$0xC] =	stream.linear.gather [hbm4b:s9+s6], $0x280, $0x38;
	[tilespmem:$0x1B400] =	vst v63  }
0x130: {  	s3 =	simm.s32 $0x0  }
0x131: {  	[tilespmem:s22], [sflag:$0xC] =	stream.linear.gather [hbm4b:s10+s3], $0x280, $0x38;
	[tilespmem:$0x1B400] =	vst v63  }
0x132: {  	_ =	swait.ge [sflag:s12], $0x1400  }
0x133: {  	[sflag:s12] =	ssyncset.done $0x0  }
0x134: {  	[sflag:s12] =	ssyncadd.s32 $0xFFFFEC00  }
0x135: {  	_ =	swait.ge [sflag:s5], $0x1400  }
0x136: {  	[sflag:s5] =	ssyncset.done $0x0  }
0x137: {  	[sflag:s5] =	ssyncadd.s32 $0xFFFFEC00  }
0x138: {  	_ =	swait.ge [sflag:s13], $0x1400  }
0x139: {  	[sflag:s13] =	ssyncset.done $0x0  }
0x13a: {  	[sflag:s13] =	ssyncadd.s32 $0xFFFFEC00  }
0x13b: {  	_ =	swait.ge [sflag:s14], $0x1400  }
0x13c: {  	[sflag:s14] =	ssyncset.done $0x0  }
0x13d: {  	[sflag:s14] =	ssyncadd.s32 $0xFFFFEC00  }
0x13e: {  	_ =	swait.ge [sflag:s15], $0x1400  }
0x13f: {  	[sflag:s15] =	ssyncset.done $0x0  }
0x140: {  	[sflag:s15] =	ssyncadd.s32 $0xFFFFEC00  }
0x141: {  	_ =	swait.ge [sflag:s16], $0x280  }
0x142: {  	[sflag:s16] =	ssyncset.done $0x0  }
0x143: {  	[sflag:s16] =	ssyncadd.s32 $0xFFFFFD80  }
0x144: {  	_ =	swait.ge [sflag:s16], $0x280  }
0x145: {  	[sflag:s16] =	ssyncset.done $0x0  }
0x146: {  	[sflag:s16] =	ssyncadd.s32 $0xFFFFFD80  }
0x147: {  	[bflag:$0x0] =	sbarrier.arrive $0xFFFF  }
0x148: {  	s8 =	sld [smem:$0x7FD];
	_ =	sdelay $0x1  }
0x149: {  	s6 =	simm.s32 $0x15000;
	s20 =	simm.s32 $0xD  }
0x14a: {  	[tilespmem:s6], [sflag:$0xD] =	stream.linear.gather [spmem:s8], $0x1400, $0x38;
	[tilespmem:$0x1B400] =	vst v63  }
0x14b: {  	_ =	swait.ge [sflag:s20], $0x1400  }
0x14c: {  	[sflag:s20] =	ssyncset.done $0x0  }
0x14d: {  	s2 =	rddreg [dreg:$0x13];
	[sflag:s20] =	ssyncadd.s32 $0xFFFFEC00  }
0x14e: {  	[hbm4b:s2+s3] =	stream.linear.scatter [tilespmem:s6], [sflag:$0xD], $0x1400, $0x38;
	[tilespmem:$0x1B400] =	vst v63  }
0x14f: {  	_ =	swait.ge [sflag:s20], $0x1400  }
0x150: {  	s11 =	sld [smem:$0x7ED]  }
0x151: {  	[sflag:s20] =	ssyncset.done $0x0  }
0x152: {  	[sflag:s20] =	ssyncadd.s32 $0xFFFFEC00  }
0x153: {  	[tilespmem:s6], [sflag:$0xD] =	stream.linear.gather [spmem:s11], $0x1400, $0x38;
	[tilespmem:$0x1B400] =	vst v63  }
0x154: {  	_ =	swait.ge [sflag:s20], $0x1400  }
0x155: {  	[sflag:s20] =	ssyncset.done $0x0  }
0x156: {  	s22 =	rddreg [dreg:$0x14];
	[sflag:s20] =	ssyncadd.s32 $0xFFFFEC00  }
0x157: {  	[hbm4b:s22+s3] =	stream.linear.scatter [tilespmem:s6], [sflag:$0xD], $0x1400, $0x38;
	[tilespmem:$0x1B400] =	vst v63  }
0x158: {  	_ =	swait.ge [sflag:s20], $0x1400  }
0x159: {  	s23 =	sld [smem:$0x7EE]  }
0x15a: {  	[sflag:s20] =	ssyncset.done $0x0  }
0x15b: {  	[sflag:s20] =	ssyncadd.s32 $0xFFFFEC00  }
0x15c: {  	[tilespmem:s6], [sflag:$0xD] =	stream.linear.gather [spmem:s23], $0x1400, $0x38;
	[tilespmem:$0x1B400] =	vst v63  }
0x15d: {  	_ =	swait.ge [sflag:s20], $0x1400  }
0x15e: {  	[sflag:s20] =	ssyncset.done $0x0  }
0x15f: {  	s24 =	rddreg [dreg:$0x15];
	[sflag:s20] =	ssyncadd.s32 $0xFFFFEC00  }
0x160: {  	[hbm4b:s24+s3] =	stream.linear.scatter [tilespmem:s6], [sflag:$0xD], $0x1400, $0x38;
	[tilespmem:$0x1B400] =	vst v63  }
0x161: {  	_ =	swait.ge [sflag:s20], $0x1400  }
0x162: {  	s26 =	sld [smem:$0x7EF]  }
0x163: {  	[sflag:s20] =	ssyncset.done $0x0  }
0x164: {  	[sflag:s20] =	ssyncadd.s32 $0xFFFFEC00  }
0x165: {  	[tilespmem:s6], [sflag:$0xD] =	stream.linear.gather [spmem:s26], $0x1400, $0x38;
	[tilespmem:$0x1B400] =	vst v63  }
0x166: {  	_ =	swait.ge [sflag:s20], $0x1400  }
0x167: {  	[sflag:s20] =	ssyncset.done $0x0  }
0x168: {  	s0 =	rddreg [dreg:$0x16];
	[sflag:s20] =	ssyncadd.s32 $0xFFFFEC00  }
0x169: {  	[hbm4b:s0+s3] =	stream.linear.scatter [tilespmem:s6], [sflag:$0xD], $0x1400, $0x38;
	[tilespmem:$0x1B400] =	vst v63  }
0x16a: {  	_ =	swait.ge [sflag:s20], $0x1400  }
0x16b: {  	s7 =	sld [smem:$0x7F0]  }
0x16c: {  	[sflag:s20] =	ssyncset.done $0x0  }
0x16d: {  	[sflag:s20] =	ssyncadd.s32 $0xFFFFEC00  }
0x16e: {  	[tilespmem:s6], [sflag:$0xD] =	stream.linear.gather [spmem:s7], $0x1400, $0x38;
	[tilespmem:$0x1B400] =	vst v63  }
0x16f: {  	_ =	swait.ge [sflag:s20], $0x1400  }
0x170: {  	[sflag:s20] =	ssyncset.done $0x0  }
0x171: {  	s9 =	rddreg [dreg:$0x17];
	[sflag:s20] =	ssyncadd.s32 $0xFFFFEC00  }
0x172: {  	[hbm4b:s9+s3] =	stream.linear.scatter [tilespmem:s6], [sflag:$0xD], $0x1400, $0x38;
	[tilespmem:$0x1B400] =	vst v63  }
0x173: {  	_ =	swait.ge [sflag:s20], $0x1400  }
0x174: {  	s10 =	sld [smem:$0x7F1]  }
0x175: {  	[sflag:s20] =	ssyncset.done $0x0  }
0x176: {  	[sflag:s20] =	ssyncadd.s32 $0xFFFFEC00  }
0x177: {  	[tilespmem:s6], [sflag:$0xD] =	stream.linear.gather [spmem:s10], $0x1400, $0x38;
	[tilespmem:$0x1B400] =	vst v63  }
0x178: {  	_ =	swait.ge [sflag:s20], $0x1400  }
0x179: {  	[sflag:s20] =	ssyncset.done $0x0  }
0x17a: {  	s11 =	rddreg [dreg:$0x18];
	[sflag:s20] =	ssyncadd.s32 $0xFFFFEC00  }
0x17b: {  	[hbm4b:s11+s3] =	stream.linear.scatter [tilespmem:s6], [sflag:$0xD], $0x1400, $0x38;
	[tilespmem:$0x1B400] =	vst v63  }
0x17c: {  	_ =	swait.ge [sflag:s20], $0x1400  }
0x17d: {  	s22 =	sld [smem:$0x7F2]  }
0x17e: {  	[sflag:s20] =	ssyncset.done $0x0  }
0x17f: {  	[sflag:s20] =	ssyncadd.s32 $0xFFFFEC00  }
0x180: {  	[tilespmem:s6], [sflag:$0xD] =	stream.linear.gather [spmem:s22], $0x1400, $0x38;
	[tilespmem:$0x1B400] =	vst v63  }
0x181: {  	_ =	swait.ge [sflag:s20], $0x1400  }
0x182: {  	[sflag:s20] =	ssyncset.done $0x0  }
0x183: {  	s23 =	rddreg [dreg:$0x19];
	[sflag:s20] =	ssyncadd.s32 $0xFFFFEC00  }
0x184: {  	[hbm4b:s23+s3] =	stream.linear.scatter [tilespmem:s6], [sflag:$0xD], $0x1400, $0x38;
	[tilespmem:$0x1B400] =	vst v63  }
0x185: {  	_ =	swait.ge [sflag:s20], $0x1400  }
0x186: {  	s24 =	sld [smem:$0x7F3]  }
0x187: {  	[sflag:s20] =	ssyncset.done $0x0  }
0x188: {  	[sflag:s20] =	ssyncadd.s32 $0xFFFFEC00  }
0x189: {  	[tilespmem:s6], [sflag:$0xD] =	stream.linear.gather [spmem:s24], $0x1400, $0x38;
	[tilespmem:$0x1B400] =	vst v63  }
0x18a: {  	_ =	swait.ge [sflag:s20], $0x1400  }
0x18b: {  	[sflag:s20] =	ssyncset.done $0x0  }
0x18c: {  	s26 =	rddreg [dreg:$0x1a];
	[sflag:s20] =	ssyncadd.s32 $0xFFFFEC00  }
0x18d: {  	[hbm4b:s26+s3] =	stream.linear.scatter [tilespmem:s6], [sflag:$0xD], $0x1400, $0x38;
	[tilespmem:$0x1B400] =	vst v63  }
0x18e: {  	_ =	swait.ge [sflag:s20], $0x1400  }
0x18f: {  	s0 =	sld [smem:$0x7F4]  }
0x190: {  	[sflag:s20] =	ssyncset.done $0x0  }
0x191: {  	[sflag:s20] =	ssyncadd.s32 $0xFFFFEC00  }
0x192: {  	[tilespmem:s6], [sflag:$0xD] =	stream.linear.gather [spmem:s0], $0x1400, $0x38;
	[tilespmem:$0x1B400] =	vst v63  }
0x193: {  	_ =	swait.ge [sflag:s20], $0x1400  }
0x194: {  	[sflag:s20] =	ssyncset.done $0x0  }
0x195: {  	s7 =	rddreg [dreg:$0x1b];
	[sflag:s20] =	ssyncadd.s32 $0xFFFFEC00  }
0x196: {  	[hbm4b:s7+s3] =	stream.linear.scatter [tilespmem:s6], [sflag:$0xD], $0x1400, $0x38;
	[tilespmem:$0x1B400] =	vst v63  }
0x197: {  	_ =	swait.ge [sflag:s20], $0x1400  }
0x198: {  	s9 =	sld [smem:$0x7F5]  }
0x199: {  	[sflag:s20] =	ssyncset.done $0x0  }
0x19a: {  	[sflag:s20] =	ssyncadd.s32 $0xFFFFEC00  }
0x19b: {  	[tilespmem:s6], [sflag:$0xD] =	stream.linear.gather [spmem:s9], $0x1400, $0x38;
	[tilespmem:$0x1B400] =	vst v63  }
0x19c: {  	_ =	swait.ge [sflag:s20], $0x1400  }
0x19d: {  	[sflag:s20] =	ssyncset.done $0x0  }
0x19e: {  	s10 =	rddreg [dreg:$0x1c];
	[sflag:s20] =	ssyncadd.s32 $0xFFFFEC00  }
0x19f: {  	[hbm4b:s10+s3] =	stream.linear.scatter [tilespmem:s6], [sflag:$0xD], $0x1400, $0x38;
	[tilespmem:$0x1B400] =	vst v63  }
0x1a0: {  	_ =	swait.ge [sflag:s20], $0x1400  }
0x1a1: {  	s11 =	sld [smem:$0x7F6]  }
0x1a2: {  	[sflag:s20] =	ssyncset.done $0x0  }
0x1a3: {  	[sflag:s20] =	ssyncadd.s32 $0xFFFFEC00  }
0x1a4: {  	[tilespmem:s6], [sflag:$0xD] =	stream.linear.gather [spmem:s11], $0x1400, $0x38;
	[tilespmem:$0x1B400] =	vst v63  }
0x1a5: {  	_ =	swait.ge [sflag:s20], $0x1400  }
0x1a6: {  	[sflag:s20] =	ssyncset.done $0x0  }
0x1a7: {  	s22 =	rddreg [dreg:$0x1d];
	[sflag:s20] =	ssyncadd.s32 $0xFFFFEC00  }
0x1a8: {  	[hbm4b:s22+s3] =	stream.linear.scatter [tilespmem:s6], [sflag:$0xD], $0x1400, $0x38;
	[tilespmem:$0x1B400] =	vst v63  }
0x1a9: {  	_ =	swait.ge [sflag:s20], $0x1400  }
0x1aa: {  	s23 =	sld [smem:$0x7F7]  }
0x1ab: {  	[sflag:s20] =	ssyncset.done $0x0  }
0x1ac: {  	[sflag:s20] =	ssyncadd.s32 $0xFFFFEC00  }
0x1ad: {  	[tilespmem:s6], [sflag:$0xD] =	stream.linear.gather [spmem:s23], $0x1400, $0x38;
	[tilespmem:$0x1B400] =	vst v63  }
0x1ae: {  	_ =	swait.ge [sflag:s20], $0x1400  }
0x1af: {  	[sflag:s20] =	ssyncset.done $0x0  }
0x1b0: {  	s24 =	rddreg [dreg:$0x1e];
	[sflag:s20] =	ssyncadd.s32 $0xFFFFEC00  }
0x1b1: {  	[hbm4b:s24+s3] =	stream.linear.scatter [tilespmem:s6], [sflag:$0xD], $0x1400, $0x38;
	[tilespmem:$0x1B400] =	vst v63  }
0x1b2: {  	_ =	swait.ge [sflag:s20], $0x1400  }
0x1b3: {  	s26 =	sld [smem:$0x7F8]  }
0x1b4: {  	[sflag:s20] =	ssyncset.done $0x0  }
0x1b5: {  	[sflag:s20] =	ssyncadd.s32 $0xFFFFEC00  }
0x1b6: {  	[tilespmem:s6], [sflag:$0xD] =	stream.linear.gather [spmem:s26], $0x1400, $0x38;
	[tilespmem:$0x1B400] =	vst v63  }
0x1b7: {  	_ =	swait.ge [sflag:s20], $0x1400  }
0x1b8: {  	[sflag:s20] =	ssyncset.done $0x0  }
0x1b9: {  	s0 =	rddreg [dreg:$0x1f];
	[sflag:s20] =	ssyncadd.s32 $0xFFFFEC00  }
0x1ba: {  	[hbm4b:s0+s3] =	stream.linear.scatter [tilespmem:s6], [sflag:$0xD], $0x1400, $0x38;
	[tilespmem:$0x1B400] =	vst v63  }
0x1bb: {  	_ =	swait.ge [sflag:s20], $0x1400  }
0x1bc: {  	s7 =	sld [smem:$0x7F9]  }
0x1bd: {  	[sflag:s20] =	ssyncset.done $0x0  }
0x1be: {  	[sflag:s20] =	ssyncadd.s32 $0xFFFFEC00  }
0x1bf: {  	[tilespmem:s6], [sflag:$0xD] =	stream.linear.gather [spmem:s7], $0x1400, $0x38;
	[tilespmem:$0x1B400] =	vst v63  }
0x1c0: {  	_ =	swait.ge [sflag:s20], $0x1400  }
0x1c1: {  	s9 =	sld [smem:$0x7E6]  }
0x1c2: {  	[sflag:s20] =	ssyncset.done $0x0  }
0x1c3: {  	[sflag:s20] =	ssyncadd.s32 $0xFFFFEC00  }
0x1c4: {  	[hbm4b:s9+s3] =	stream.linear.scatter [tilespmem:s6], [sflag:$0xD], $0x1400, $0x38;
	[tilespmem:$0x1B400] =	vst v63  }
0x1c5: {  	_ =	swait.ge [sflag:s20], $0x1400  }
0x1c6: {  	s10 =	sld [smem:$0x7FA]  }
0x1c7: {  	[sflag:s20] =	ssyncset.done $0x0  }
0x1c8: {  	[sflag:s20] =	ssyncadd.s32 $0xFFFFEC00  }
0x1c9: {  	[tilespmem:s6], [sflag:$0xD] =	stream.linear.gather [spmem:s10], $0x1400, $0x38;
	[tilespmem:$0x1B400] =	vst v63  }
0x1ca: {  	_ =	swait.ge [sflag:s20], $0x1400  }
0x1cb: {  	s11 =	sld [smem:$0x7E7]  }
0x1cc: {  	[sflag:s20] =	ssyncset.done $0x0  }
0x1cd: {  	[sflag:s20] =	ssyncadd.s32 $0xFFFFEC00  }
0x1ce: {  	[hbm4b:s11+s3] =	stream.linear.scatter [tilespmem:s6], [sflag:$0xD], $0x1400, $0x38;
	[tilespmem:$0x1B400] =	vst v63  }
0x1cf: {  	_ =	swait.ge [sflag:s20], $0x1400  }
0x1d0: {  	s22 =	sld [smem:$0x7FB]  }
0x1d1: {  	[sflag:s20] =	ssyncset.done $0x0  }
0x1d2: {  	[sflag:s20] =	ssyncadd.s32 $0xFFFFEC00  }
0x1d3: {  	[tilespmem:s6], [sflag:$0xD] =	stream.linear.gather [spmem:s22], $0x1400, $0x38;
	[tilespmem:$0x1B400] =	vst v63  }
0x1d4: {  	_ =	swait.ge [sflag:s20], $0x1400  }
0x1d5: {  	s23 =	sld [smem:$0x7E8]  }
0x1d6: {  	[sflag:s20] =	ssyncset.done $0x0  }
0x1d7: {  	[sflag:s20] =	ssyncadd.s32 $0xFFFFEC00  }
0x1d8: {  	[hbm4b:s23+s3] =	stream.linear.scatter [tilespmem:s6], [sflag:$0xD], $0x1400, $0x38;
	[tilespmem:$0x1B400] =	vst v63  }
0x1d9: {  	_ =	swait.ge [sflag:s20], $0x1400  }
0x1da: {  	s24 =	sld [smem:$0x7E5]  }
0x1db: {  	s26 =	sld [smem:$0x7FC];
	_ =	sdelay $0x1  }
0x1dc: {  	s10 =	sadd.s32 $0x1, s24  }
0x1dd: {  	p0 =	sne.s32 s10, s26  }
.Ltmp1:
0x1de: {  	_ = 	snop;
	(pc) =	sbr.rel @p0 .LBB2_1-.Ltmp1, $4  }
0x1df: {  	s30 =	simm.s32 $0x1A000;
	s0 =	simm.s32 $0x16400  }
0x1e0: {  	s7 =	simm.s32 $0x17800;
	s11 =	simm.s32 $0x18C00;
	s3 =	rddreg [dreg:$0x11]  }
0x1e1: {  	s22 =	simm.s32 $0x14100;
	[sflag:s20] =	ssyncset.done $0x0;
	s23 =	rddreg [dreg:$0xf]  }
0x1e2: {  	[sflag:s20] =	ssyncadd.s32 $0xFFFFEC00;
	s24 =	rddreg [dreg:$0x10];
	s26 =	simm.s32 $0x14180  }
0x1e3: {  	_ =	sfence.sel $0x180000  }
0x1e4: {  	[bflag:$0x0] =	sbarrier.arrive $0xFFFF  }
0x1e5: {  	_ =	strace $0x9000004A  }
0x1e6: {  	s0 =	stileid.u32;
	[bflag:$0x2] =	sbarrier.arrive $0xFFFF  }
0x1e7: {  	p0 =	sne.s32 s0, $0x0;
	s0 =	rddreg [dreg:$0x2]  }
0x1e8: {  	s0 =	sadd.s32 @!p0 $0x100000, s0  }
0x1e9: {  	[sflag:s0] =	ssyncadd.tile.s32 @!p0 $0x1;
	_ =	shalt  }
.Lfunc_end2:
_tile_overlayer_lowered:
.L_overlay_start_2:
0x1ea: {  	(tag) =	ssettag $0x2  }
0x1eb: {  	s0 =	rddreg [dreg:$0x0];
	s2 =	stileid.u32  }
0x1ec: {  	s1 =	rddreg [dreg:$0x1];
	p0 =	sne.s32 s2, $0x0  }
0x1ed: {  	s3 =	rddreg [dreg:$0x2];
	[bflag:$0x3] =	sbarrier.arrive $0xFFFF;
	s2 =	simm.s32 @!p0 $0x1C0D  }
0x1ee: {  	[timem:s3], [sflag:s2] =	dma.local @!p0 [hbm:s0], s1  }
0x1ef: {  	s0 =	simm.s32 @!p0 $0xD  }
0x1f0: {  	_ =	swait.ge @!p0 [sflag:s0], s1  }
0x1f1: {  	s1 =	ssub.s32 @!p0 $0x0, s1;
	[sflag:s0] =	ssyncset.done @!p0 $0x0  }
0x1f2: {  	[sflag:s0] =	ssyncadd.s32 @!p0 s1  }
0x1f3: {  	[bflag:$0x3] =	sbarrier.arrive $0xFFFF  }
0x1f4: {  	_ =	shalt  }

// kernel: kernel.14.cloned.1.call-start
scs
__scs_entry_jumppad:
0x0: {  	(pc) =	sbr.rel $0x88, $3  }
0x1: {  	(tag) =	ssettag $0x0;
	lr =	simm.s32 $0x1  }
0x2: {  	[smem:$0x3F9B] =	sst lr;
	_ =	strace $0xD0000000  }
0x3: {  	_ = 	snop  }
0x4: {  	_ = 	snop  }
0x5: {  	_ = 	snop  }
0x6: {  	_ = 	snop  }
0x7: {  	_ = 	snop  }
__scs_overlays_trampoline_lowered:
0x8: {  	[smem:$0x3FAA] =	sst s0  }
0x9: {  	[smem:$0x3FAB] =	sst s1  }
0xa: {  	[smem:$0x3FAC] =	sst s2  }
0xb: {  	[smem:$0x3FAD] =	sst s3  }
0xc: {  	[smem:$0x3FAE] =	sst s4  }
0xd: {  	[smem:$0x3FAF] =	sst s5  }
0xe: {  	[smem:$0x3FB0] =	sst s6  }
0xf: {  	[smem:$0x3FB1] =	sst s7  }
0x10: {  	[smem:$0x3FB2] =	sst s8  }
0x11: {  	[smem:$0x3FB3] =	sst s9;
	s0 =	simm.s32 @!p0 $0x0  }
0x12: {  	s1 =	sld [smem:$0x3F99];
	s0 =	simm.s32 @p0 $0x1  }
0x13: {  	[smem:$0x3FB4] =	sst s0;
	s0 =	simm.s32 @!p1 $0x0  }
0x14: {  	s2 =	sld [smem:$0x3F98];
	s0 =	simm.s32 @p1 $0x1  }
0x15: {  	[smem:$0x3FB5] =	sst s0;
	s0 =	simm.s32 @!p2 $0x0  }
0x16: {  	s3 =	sld [smem:$0x3FDB];
	s0 =	simm.s32 @p2 $0x1  }
0x17: {  	s4 =	simm.s32 $0x1BF5;
	[smem:$0x3FB7] =	sst s0  }
0x18: {  	s0 =	sld [smem:$0x3F9A];
	_ =	swait.ge [sflag:s4], $0x0  }
0x19: {  	s7 =	sld [smem:$0x3F9B]  }
0x1a: {  	s8 =	sadd.s32 $0xFFFFE003, lr  }
0x1b: {  	s9 =	sadd.s32 $0xFFFFFEF7, lr;
	s5 =	simm.s32 $0xFFFFFFFF;
	p2 =	slt.u32 s8, $0xFFFFF086  }
0x1c: {  	p1 =	slt.u32 s9, $0xF7A;
	s5 =	simm.s32 @!p2 $0x0  }
0x1d: {  	s5 =	simm.s32 @p1 $0x1;
	p0 =	seq.s32 s7, s2  }
0x1e: {  	s7 =	smul.u32 @!p0 $0xF7A, s2;
	p2 =	seq.s32 @!p0 s5, $0x0  }
0x1f: {  	s9 =	smul.u32 $0xF7A, s1;
	s8 =	simm.s32 @!p0 $0x1BF5;
	p2 =	por !p2, p0  }
0x20: {  	[sflag:s8] =	ssyncset.s32 @!p0 $0xFFFFF086;
	s6 =	sadd.s32 @!p0 s3, s7;
	s7 =	simm.s32 @!p0 $0x108  }
0x21: {  	s3 =	sadd.s32 s3, s9;
	s6 =	sadd.s32 @!p0 $0x88, s6;
	s7 =	simm.s32 @p2 $0x1082  }
0x22: {  	[simem:s7], [sflag:s8] =	dma.local @!p0 [hbm:s6], $0xF7A  }
0x23: {  	s9 =	sor.u32 $0xD0000000, s2;
	s6 =	simm.s32 $0x108;
	_ =	swait.ge @!p0 [sflag:s8], $0x0  }
0x24: {  	s3 =	sadd.s32 $0x88, s3;
	s6 =	simm.s32 @!p1 $0x1082;
	[sflag:s4] =	ssyncset.s32 $0xFFFFF086  }
0x25: {  	[simem:s6], [sflag:s4] =	dma.local [hbm:s3], $0xF7A  }
0x26: {  	[smem:$0x3F9B] =	sst s1;
	(tag) =	ssettag s2;
	_ =	strace s9  }
0x27: {  	s1 =	sld [smem:$0x3FAB]  }
0x28: {  	s2 =	sld [smem:$0x3FAC]  }
0x29: {  	s4 =	sld [smem:$0x3FAE]  }
0x2a: {  	p0 =	seq.s32 s5, $0x0;
	s5 =	sld [smem:$0x3FAF]  }
0x2b: {  	s6 =	sld [smem:$0x3FB0]  }
0x2c: {  	s7 =	sld [smem:$0x3FB1]  }
0x2d: {  	s3 =	simm.s32 $0x108;
	s8 =	sld [smem:$0x3FB2]  }
0x2e: {  	s3 =	simm.s32 @!p0 $0x1082;
	s9 =	sld [smem:$0x3FB3]  }
0x2f: {  	lr =	sadd.s32 s0, s3;
	s0 =	sld [smem:$0x3FAA]  }
0x30: {  	s3 =	sld [smem:$0x3FAD]  }
0x31: {  	[smem:$0x3FB6] =	sst s10  }
0x32: {  	s10 =	sld [smem:$0x3FB4];
	_ =	sdelay $0x3  }
0x33: {  	p0 =	seq.s32 s10, $0x1;
	s10 =	sld [smem:$0x3FB6];
	_ =	sdelay $0x3  }
0x34: {  	[smem:$0x3FB6] =	sst s10  }
0x35: {  	s10 =	sld [smem:$0x3FB5];
	_ =	sdelay $0x3  }
0x36: {  	p1 =	seq.s32 s10, $0x1;
	s10 =	sld [smem:$0x3FB6];
	_ =	sdelay $0x3  }
0x37: {  	[smem:$0x3FB6] =	sst s10  }
0x38: {  	s10 =	sld [smem:$0x3FB7]  }
0x39: {  	_ = 	snop;
	(pc) =	sbr.ind lr, $3  }
0x3a: {  	_ = 	snop  }
0x3b: {  	_ = 	snop  }
0x3c: {  	p2 =	seq.s32 s10, $0x1;
	s10 =	sld [smem:$0x3FB6]  }
0x3d: {  	_ =	shalt  }
0x3e: {  	_ =	shalt  }
0x3f: {  	_ =	shalt  }
0x40: {  	_ =	shalt  }
0x41: {  	_ =	shalt  }
0x42: {  	_ =	shalt  }
0x43: {  	_ =	shalt  }
0x44: {  	_ =	shalt  }
0x45: {  	_ =	shalt  }
0x46: {  	_ =	shalt  }
0x47: {  	_ =	shalt  }
0x48: {  	_ =	shalt  }
0x49: {  	_ =	shalt  }
0x4a: {  	_ =	shalt  }
0x4b: {  	_ =	shalt  }
0x4c: {  	_ =	shalt  }
0x4d: {  	_ =	shalt  }
0x4e: {  	_ =	shalt  }
0x4f: {  	_ =	shalt  }
0x50: {  	_ =	shalt  }
0x51: {  	_ =	shalt  }
0x52: {  	_ =	shalt  }
0x53: {  	_ =	shalt  }
0x54: {  	_ =	shalt  }
0x55: {  	_ =	shalt  }
0x56: {  	_ =	shalt  }
0x57: {  	_ =	shalt  }
0x58: {  	_ =	shalt  }
0x59: {  	_ =	shalt  }
0x5a: {  	_ =	shalt  }
0x5b: {  	_ =	shalt  }
0x5c: {  	_ =	shalt  }
0x5d: {  	_ =	shalt  }
0x5e: {  	_ =	shalt  }
0x5f: {  	_ =	shalt  }
0x60: {  	_ =	shalt  }
0x61: {  	_ =	shalt  }
0x62: {  	_ =	shalt  }
0x63: {  	_ =	shalt  }
0x64: {  	_ =	shalt  }
0x65: {  	_ =	shalt  }
0x66: {  	_ =	shalt  }
0x67: {  	_ =	shalt  }
0x68: {  	_ =	shalt  }
0x69: {  	_ =	shalt  }
0x6a: {  	_ =	shalt  }
0x6b: {  	_ =	shalt  }
0x6c: {  	_ =	shalt  }
0x6d: {  	_ =	shalt  }
0x6e: {  	_ =	shalt  }
0x6f: {  	_ =	shalt  }
0x70: {  	_ =	shalt  }
0x71: {  	_ =	shalt  }
0x72: {  	_ =	shalt  }
0x73: {  	_ =	shalt  }
0x74: {  	_ =	shalt  }
0x75: {  	_ =	shalt  }
0x76: {  	_ =	shalt  }
0x77: {  	_ =	shalt  }
0x78: {  	_ =	shalt  }
0x79: {  	_ =	shalt  }
0x7a: {  	_ =	shalt  }
0x7b: {  	_ =	shalt  }
0x7c: {  	_ =	shalt  }
0x7d: {  	_ =	shalt  }
0x7e: {  	_ =	shalt  }
0x7f: {  	_ =	shalt  }
0x80: {  	_ =	shalt  }
0x81: {  	_ =	shalt  }
0x82: {  	_ =	shalt  }
0x83: {  	_ =	shalt  }
0x84: {  	_ =	shalt  }
0x85: {  	_ =	shalt  }
0x86: {  	_ =	shalt  }
0x87: {  	_ =	shalt  }
.Lfunc_end0:
.L_simem_size_0:
called_computation.2_lowered:
.L_overlay_start_0:
0x88: {  	s2 =	sld [smem:$0x3FD9]  }
0x89: {  	s3 =	sld [smem:$0x3FFE];
	_ =	sdelay $0x1  }
0x8a: {  	s1 =	srdreg.scid  }
0x8b: {  	s0 =	sand.u32 $0x1, s1  }
0x8c: {  	s17 =	sshll.u32 s0, $0xA;
	s2 =	sadd.s32 s3, s2  }
0x8d: {  	s2 =	sadd.s32 s2, s17  }
0x8e: {  	[smem:$0x3FC2] =	sst s2  }
0x8f: {  	_ = 	snop  }
0x90: {  	s2 =	sld [smem:$0x3FD0];
	(tm) =	ssettm $0x1  }
0x91: {  	s18 =	sld [smem:$0x3FFB];
	_ =	sdelay $0x3  }
0x92: {  	_ =	strace s18  }
0x93: {  	s3 =	sld [smem:$0x3FFC];
	_ =	sdelay $0x3  }
0x94: {  	_ =	strace s3  }
0x95: {  	s3 =	sld [smem:$0x3FFD];
	_ =	sdelay $0x3  }
0x96: {  	_ =	strace s3  }
0x97: {  	_ =	strace $0x8FFFFFFF  }
0x98: {  	s19 =	sld [smem:$0x3FDB];
	_ =	sdelay $0x1  }
0x99: {  	s4 =	simm.s32 $_scs_section_size  }
0x9a: {  	s5 =	simm.s32 $_size__tile_overlayer_lowered;
	s6 =	simm.s32 $_tile_overlayer_lowered  }
0x9b: {  	s22 =	simm.s32 $0x1BFF;
	s21 =	sshll.u32 s6, $0x1;
	s3 =	sadd.s32 s4, s19  }
0x9c: {  	s7 =	simm.s32 $0x0;
	s20 =	sshll.u32 s5, $0x1;
	s5 =	sadd.s32 s21, s3  }
0x9d: {  	[timem:s7], [sflag:s22] =	dma.local [hbm:s5], s20  }
0x9e: {  	_ =	swait.ge [sflag:s22], s20  }
0x9f: {  	s4 =	ssub.s32 $0x0, s20;
	[sflag:s22] =	ssyncset.done $0x0  }
0xa0: {  	[sflag:s22] =	ssyncadd.s32 s4;
	_ =	sdelay $0x1  }
0xa1: {  	s23 =	simm.s32 $0x1B8B  }
0xa2: {  	_ =	swait.ge [sflag:s23], $0x1  }
0xa3: {  	[sflag:s23] =	ssyncset.done $0x0  }
0xa4: {  	s25 =	simm.s32 $0x1B8E;
	s24 =	sld [smem:$0x3FFE];
	[sflag:s23] =	ssyncadd.s32 $0xFFFFFFFF  }
0xa5: {  	s26 =	simm.s32 $execute0_lowered;
	[smem:$0x3FD2] =	sst s25  }
0xa6: {  	s5 =	sshll.u32 s26, $0x1;
	_ =	strace $0x8000004C;
	[dreg:$0x1] =	wrdreg $0xFFFFFFFF  }
0xa7: {  	s28 =	simm.s32 $_size_execute0_lowered;
	s3 =	sadd.s32 s3, s5;
	[dreg:$0x0] =	wrdreg $0x0  }
0xa8: {  	s5 =	sshll.u32 s28, $0x1;
	[dreg:$0x2] =	wrdreg s3  }
0xa9: {  	[dreg:$0x3] =	wrdreg s5  }
0xaa: {  	[dreg:$0x4] =	wrdreg $0xC0  }
0xab: {  	_ =	task [dreg:s7], $0x5FFFF  }
0xac: {  	[dreg:$0x1] =	wrdreg $0xFFFFFFFF  }
0xad: {  	[dreg:$0x0] =	wrdreg $0x60  }
0xae: {  	[dreg:$0x2] =	wrdreg s24  }
0xaf: {  	[dreg:$0x3] =	wrdreg s2  }
0xb0: {  	[dreg:$0x4] =	wrdreg $0x0  }
0xb1: {  	[dreg:$0x5] =	wrdreg $0x64000  }
0xb2: {  	[dreg:$0x6] =	wrdreg $0x9  }
0xb3: {  	_ =	task.clear_ibuf [dreg:s7], $0x7FFFF;
	_ =	strace $0x9000004C  }
0xb4: {  	s29 =	simm.s32 $0x9;
	_ =	strace $0x8000004E  }
0xb5: {  	_ =	swait.ge [sflag:s29], $0x1  }
0xb6: {  	[sflag:s29] =	ssyncadd.s32 $0xFFFFFFFF  }
0xb7: {  	_ =	strace $0x9000004E  }
0xb8: {  	_ =	sfence  }
0xb9: {  	s30 =	sld [smem:$0x0];
	_ =	sdelay $0x2  }
0xba: {  	s31 =	sshll.u32 s1, $0xD;
	s1 =	sshrl.u32 s1, $0x2  }
0xbb: {  	s3 =	sand.u32 $0x4000, s31;
	s1 =	sadd.s32 s1, s30  }
0xbc: {  	s0 =	sor.u32 s3, s0;
	s1 =	sshll.u32 s1, $0x11  }
0xbd: {  	s0 =	sor.u32 s1, s0  }
0xbe: {  	s0 =	sadd.s32 $0x8F2B, s0  }
0xbf: {  	[sflag:s0] =	ssyncadd.remote.s32 $0x1  }
0xc0: {  	_ =	sfence.sel $0xFFFF  }
0xc1: {  	[dreg:$0x0] =	wrdreg $0xFFFFFFFF;
	(pc) =	sbr.abs _section_cstart, $3  }
0xc2: {  	[dreg:$0x1] =	wrdreg $0xFFFFFFFF  }
0xc3: {  	_ =	task.clear_ibuf [dreg:s7], $0x2FFFF;
	_ =	strace $0x9FFFFFFF  }
0xc4: {  	(tm) =	ssettm $0x7FFFFFFF  }
0xc5: {  	_ =	shalt  }
tec
execute0_lowered:
.L_overlay_start_1:
0x0: {  	(tag) =	ssettag $0x1  }
0x1: {  	s0 =	rddreg [dreg:$0x0]  }
0x2: {  	s2 =	rddreg [dreg:$0x1]  }
0x3: {  	s3 =	rddreg [dreg:$0x2]  }
0x4: {  	s13 =	stileid.u32;
	s4 =	rddreg [dreg:$0x3]  }
0x5: {  	s5 =	simm.s32 $0x0;
	s7 =	srdreg.scid;
	s20 =	simm.s32 $0xCA80  }
0x6: {  	s22 =	simm.s32 $0xCB00;
	s23 =	simm.s32 $0xCB80;
	s24 =	simm.s32 $0xCC80  }
0x7: {  	s25 =	simm.s32 $0xCD00;
	s26 =	simm.s32 $0xCD80;
	[smem:$0x7FF] =	sst s5  }
0x8: {  	s29 =	simm.s32 $0xC800;
	_ =	strace $0x8000004D;
	[dreg:$0x5] =	wrdreg s20  }
0x9: {  	s30 =	simm.s32 $0xCA00;
	s31 =	simm.s32 $0xCC00;
	[dreg:$0x6] =	wrdreg s22  }
0xa: {  	s1 =	smul.u32 $0x14000, s13;
	s7 =	sand.u32 $0x1, s7;
	[dreg:$0x7] =	wrdreg s23  }
0xb: {  	s9 =	sadd.s32 $0x34200, s0;
	s10 =	ssub.s32 $0x2, s7;
	[dreg:$0x8] =	wrdreg s24  }
0xc: {  	s12 =	sshll.u32 s7, $0x4;
	p0 =	seq.s32 s7, $0x1;
	[dreg:$0x9] =	wrdreg s25  }
0xd: {  	s7 =	smul.u32 $0x140000, s7;
	[dreg:$0xa] =	wrdreg s26;
	s6 =	sshrl.u32 s1, $0x3  }
0xe: {  	s11 =	sshrl.u32 s10, $0x1;
	s28 =	sor.u32 s13, s12;
	s12 =	sadd.s32 s1, s4  }
0xf: {  	s13 =	sshll.u32 s13, $0x6;
	s19 =	sadd.s32 s1, s3;
	s16 =	sadd.s32 $0x8000, s1  }
0x10: {  	s8 =	sadd.s32 s6, s0;
	s6 =	sadd.s32 $0x2200, s0;
	s0 =	sadd.s32 $0x36A00, s0  }
0x11: {  	s10 =	ssub.s32 s10, s11;
	s14 =	sor.u32 $0x1C0B, s13;
	s13 =	sadd.s32 $0x4000, s1  }
0x12: {  	s17 =	sadd.s32 s7, s16;
	s23 =	sadd.s32 s16, s3;
	s16 =	simm.s32 $0x8  }
0x13: {  	s18 =	sadd.s32 $0xC200, s8;
	s8 =	smul.u32 $0x2800, s28;
	[dreg:$0xf] =	wrdreg s14  }
0x14: {  	s14 =	sadd.s32 s1, s7;
	s15 =	sadd.s32 s7, s13;
	[dreg:$0x1c] =	wrdreg s23  }
0x15: {  	s17 =	sshrl.u32 s17, $0x3;
	s28 =	simm.s32 $0xCE80;
	[dreg:$0xe] =	wrdreg s18  }
0x16: {  	s22 =	sadd.s32 s13, s3;
	s26 =	smax.u32 s10, $0x1;
	[dreg:$0xb] =	wrdreg s28  }
0x17: {  	s23 =	simm.s32 $0xA;
	s13 =	simm.s32 $0x0;
	[dreg:$0x1b] =	wrdreg s22  }
0x18: {  	s14 =	sshrl.u32 s14, $0x3;
	s18 =	smov.u32 @p0 s9;
	[dreg:$0x1f] =	wrdreg s26  }
0x19: {  	s15 =	sshrl.u32 s15, $0x3;
	s28 =	sshrl.u32 s12, $0x3;
	[dreg:$0x16] =	wrdreg s18  }
0x1a: {  	s12 =	simm.s32 $0xD000;
	s14 =	sadd.s32 s0, s14;
	[smem:$0x7FD] =	sst s28  }
0x1b: {  	s22 =	simm.s32 $0x4;
	s15 =	sadd.s32 s0, s15;
	[dreg:$0x11] =	wrdreg s14  }
0x1c: {  	s26 =	simm.s32 $0x7;
	[dreg:$0x12] =	wrdreg s15;
	s14 =	sadd.s32 s0, s17  }
0x1d: {  	s11 =	sshrl.u32 s8, $0x3;
	s15 =	simm.s32 $0xCF80;
	[dreg:$0x13] =	wrdreg s14  }
0x1e: {  	s18 =	sor.u32 $0x40, s11;
	s20 =	sadd.s32 s6, s11;
	[dreg:$0xd] =	wrdreg s15  }
0x1f: {  	s14 =	sadd.s32 $0xC000, s1;
	s1 =	sadd.s32 $0x10000, s1;
	[dreg:$0x18] =	wrdreg s20  }
0x20: {  	s15 =	simm.s32 $0x15000;
	s20 =	simm.s32 $0x2;
	s21 =	sadd.s32 s7, s14  }
0x21: {  	s7 =	sadd.s32 s7, s1;
	s24 =	sadd.s32 s14, s3;
	s14 =	smov.u32 s19  }
0x22: {  	s25 =	sadd.s32 s1, s3;
	s1 =	simm.s32 $0xCE00;
	[dreg:$0x1d] =	wrdreg s24  }
0x23: {  	s19 =	simm.s32 $0x1;
	s17 =	sshrl.u32 s21, $0x3;
	[dreg:$0x1e] =	wrdreg s25  }
0x24: {  	s7 =	sshrl.u32 s7, $0x3;
	s21 =	sadd.s32 s2, s18;
	[dreg:$0x10] =	wrdreg s14  }
0x25: {  	s24 =	simm.s32 $0x5;
	s17 =	sadd.s32 s0, s17;
	[dreg:$0x19] =	wrdreg s21  }
0x26: {  	s25 =	simm.s32 $0x6;
	s0 =	sadd.s32 s0, s7;
	[dreg:$0x14] =	wrdreg s17  }
0x27: {  	s7 =	simm.s32 $0xCF00;
	s21 =	simm.s32 $0x3;
	[dreg:$0x15] =	wrdreg s0  }
0x28: {  	[dreg:$0xc] =	wrdreg s7;
	s17 =	sadd.s32 s2, s11;
	s0 =	sadd.s32 s6, s18  }
0x29: {  	s11 =	simm.s32 $0x80;
	s7 =	simm.s32 $0x11000;
	[dreg:$0x17] =	wrdreg s17  }
0x2a: {  	s18 =	simm.s32 $0x19000;
	[dreg:$0x1a] =	wrdreg s0;
	s0 =	simm.s32 $0x9  }
.LBB2_1:
0x2b: {  	[smem:$0x7FC] =	sst s13  }
0x2c: {  	s17 =	sld [smem:$0x7FD]  }
0x2d: {  	s9 =	rddreg [dreg:$0xe]  }
0x2e: {  	s28 =	simm.s32 $0xB;
	s10 =	rddreg [dreg:$0xf]  }
0x2f: {  	[spmem:s17], [sflag:s10] =	dma.local [hbm:s9], $0x2800  }
0x30: {  	_ =	swait.ge [sflag:s28], $0x2800  }
0x31: {  	[sflag:s28] =	ssyncset.done $0x0  }
0x32: {  	s14 =	sshrl.u32 s14, $0x3;
	s17 =	rddreg [dreg:$0x16];
	[sflag:s28] =	ssyncadd.s32 $0xFFFFD800  }
0x33: {  	[spmem:s14], [sflag:s10] =	dma.local [hbm:s17], $0x2800  }
0x34: {  	_ =	swait.ge [sflag:s28], $0x2800  }
0x35: {  	[sflag:s28] =	ssyncset.done $0x0  }
0x36: {  	[sflag:s28] =	ssyncadd.s32 $0xFFFFD800  }
0x37: {  	[bflag:$0x0] =	sbarrier.arrive $0xFFFF  }
0x38: {  	s14 =	rddreg [dreg:$0x17]  }
0x39: {  	[tilespmem:s29], [sflag:$0x9] =	stream.linear.gather [hbm4b:s14+s5], $0x200, $0x38;
	[tilespmem:$0x1D000] =	vst v63  }
0x3a: {  	s17 =	rddreg [dreg:$0x18]  }
0x3b: {  	[tilespmem:s30], [sflag:$0x9] =	stream.linear.gather [hbm4b:s17+s5], $0x200, $0x38;
	[tilespmem:$0x1D000] =	vst v63  }
0x3c: {  	s10 =	rddreg [dreg:$0x19]  }
0x3d: {  	[tilespmem:s31], [sflag:$0xA] =	stream.linear.gather [hbm4b:s10+s5], $0x200, $0x38;
	[tilespmem:$0x1D000] =	vst v63  }
0x3e: {  	s13 =	rddreg [dreg:$0x1a]  }
0x3f: {  	[tilespmem:s1], [sflag:$0xA] =	stream.linear.gather [hbm4b:s13+s5], $0x200, $0x38;
	[tilespmem:$0x1D000] =	vst v63  }
0x40: {  	_ =	swait.ge [sflag:s0], $0x200  }
0x41: {  	[sflag:s0] =	ssyncset.done $0x0  }
0x42: {  	[sflag:s0] =	ssyncadd.s32 $0xFFFFFE00  }
0x43: {  	_ =	swait.ge [sflag:s0], $0x200  }
0x44: {  	[sflag:s0] =	ssyncset.done $0x0  }
0x45: {  	[sflag:s0] =	ssyncadd.s32 $0xFFFFFE00  }
0x46: {  	[tilespmem:s12], [sflag:$0x1] =	stream.indirect.gather [spmem:s4], $0x28, s29, s11, $0xb8;
	[tilespmem:$0x1D000] =	vst v63  }
0x47: {  	s13 =	simm.s32 $0xC880  }
0x48: {  	[tilespmem:s7], [sflag:$0x2] =	stream.indirect.gather [spmem:s4], $0x28, s13, s11, $0xb8;
	[tilespmem:$0x1D000] =	vst v63  }
0x49: {  	s28 =	simm.s32 $0xC900  }
0x4a: {  	[tilespmem:s15], [sflag:$0x3] =	stream.indirect.gather [spmem:s4], $0x28, s28, s11, $0xb8;
	[tilespmem:$0x1D000] =	vst v63  }
0x4b: {  	s14 =	simm.s32 $0xC980  }
0x4c: {  	[tilespmem:s18], [sflag:$0x4] =	stream.indirect.gather [spmem:s4], $0x28, s14, s11, $0xb8;
	[tilespmem:$0x1D000] =	vst v63  }
0x4d: {  	_ =	swait.ge [sflag:s19], $0x1400  }
0x4e: {  	[sflag:s19] =	ssyncset.done $0x0  }
0x4f: {  	[sflag:s19] =	ssyncadd.s32 $0xFFFFEC00  }
0x50: {  	[spmem:s3] =	stream.indirect.scatter.add.f32 [tilespmem:s12], [sflag:$0x5], $0x28, s30, s11, $0xb8;
	[tilespmem:$0x1D000] =	vst v63  }
0x51: {  	_ =	swait.ge [sflag:s20], $0x1400  }
0x52: {  	[sflag:s20] =	ssyncset.done $0x0  }
0x53: {  	s17 =	rddreg [dreg:$0x5];
	[sflag:s20] =	ssyncadd.s32 $0xFFFFEC00  }
0x54: {  	[spmem:s3] =	stream.indirect.scatter.add.f32 [tilespmem:s7], [sflag:$0x6], $0x28, s17, s11, $0xb8;
	[tilespmem:$0x1D000] =	vst v63  }
0x55: {  	_ =	swait.ge [sflag:s21], $0x1400  }
0x56: {  	[sflag:s21] =	ssyncset.done $0x0  }
0x57: {  	s10 =	rddreg [dreg:$0x6];
	[sflag:s21] =	ssyncadd.s32 $0xFFFFEC00  }
0x58: {  	[spmem:s3] =	stream.indirect.scatter.add.f32 [tilespmem:s15], [sflag:$0x7], $0x28, s10, s11, $0xb8;
	[tilespmem:$0x1D000] =	vst v63  }
0x59: {  	_ =	swait.ge [sflag:s22], $0x1400  }
0x5a: {  	[sflag:s22] =	ssyncset.done $0x0  }
0x5b: {  	s14 =	rddreg [dreg:$0x7];
	[sflag:s22] =	ssyncadd.s32 $0xFFFFEC00  }
0x5c: {  	[spmem:s3] =	stream.indirect.scatter.add.f32 [tilespmem:s18], [sflag:$0x8], $0x28, s14, s11, $0xb8;
	[tilespmem:$0x1D000] =	vst v63  }
0x5d: {  	_ =	swait.ge [sflag:s23], $0x200  }
0x5e: {  	[sflag:s23] =	ssyncset.done $0x0  }
0x5f: {  	[sflag:s23] =	ssyncadd.s32 $0xFFFFFE00  }
0x60: {  	_ =	swait.ge [sflag:s23], $0x200  }
0x61: {  	[sflag:s23] =	ssyncset.done $0x0  }
0x62: {  	[sflag:s23] =	ssyncadd.s32 $0xFFFFFE00  }
0x63: {  	_ =	swait.ge [sflag:s24], $0x1400  }
0x64: {  	[sflag:s24] =	ssyncset.done $0x0  }
0x65: {  	[sflag:s24] =	ssyncadd.s32 $0xFFFFEC00  }
0x66: {  	[tilespmem:s12], [sflag:$0x1] =	stream.indirect.gather [spmem:s4], $0x28, s31, s11, $0xb8;
	[tilespmem:$0x1D000] =	vst v63  }
0x67: {  	_ =	swait.ge [sflag:s25], $0x1400  }
0x68: {  	[sflag:s25] =	ssyncset.done $0x0  }
0x69: {  	s17 =	rddreg [dreg:$0x8];
	[sflag:s25] =	ssyncadd.s32 $0xFFFFEC00  }
0x6a: {  	[tilespmem:s7], [sflag:$0x2] =	stream.indirect.gather [spmem:s4], $0x28, s17, s11, $0xb8;
	[tilespmem:$0x1D000] =	vst v63  }
0x6b: {  	_ =	swait.ge [sflag:s26], $0x1400  }
0x6c: {  	p0 =	por $0x0, $0x0;
	[sflag:s26] =	ssyncset.done $0x0  }
0x6d: {  	s9 =	simm.s32 $0x400;
	s10 =	rddreg [dreg:$0x9];
	[sflag:s26] =	ssyncadd.s32 $0xFFFFEC00  }
0x6e: {  	[tilespmem:s15], [sflag:$0x3] =	stream.indirect.gather [spmem:s4], $0x28, s10, s11, $0xb8;
	[tilespmem:$0x1D000] =	vst v63  }
0x6f: {  	s9 =	simm.s32 @p0 $0x0;
	_ =	swait.ge [sflag:s16], $0x1400  }
0x70: {  	s9 =	sadd.s32 s8, s9;
	[sflag:s16] =	ssyncset.done $0x0  }
0x71: {  	s9 =	sshrl.u32 s9, $0x3;
	s14 =	rddreg [dreg:$0xa];
	[sflag:s16] =	ssyncadd.s32 $0xFFFFEC00  }
0x72: {  	[tilespmem:s18], [sflag:$0x4] =	stream.indirect.gather [spmem:s4], $0x28, s14, s11, $0xb8;
	[tilespmem:$0x1D000] =	vst v63  }
0x73: {  	s17 =	sadd.s32 s2, s9  }
0x74: {  	[tilespmem:s29], [sflag:$0x9] =	stream.linear.gather [hbm4b:s17+s5], $0x200, $0x38;
	[tilespmem:$0x1D000] =	vst v63  }
0x75: {  	s9 =	sadd.s32 s6, s9  }
0x76: {  	[tilespmem:s30], [sflag:$0x9] =	stream.linear.gather [hbm4b:s9+s5], $0x200, $0x38;
	[tilespmem:$0x1D000] =	vst v63  }
0x77: {  	_ =	swait.ge [sflag:s19], $0x1400  }
0x78: {  	[sflag:s19] =	ssyncset.done $0x0  }
0x79: {  	[sflag:s19] =	ssyncadd.s32 $0xFFFFEC00  }
0x7a: {  	[spmem:s3] =	stream.indirect.scatter.add.f32 [tilespmem:s12], [sflag:$0x5], $0x28, s1, s11, $0xb8;
	[tilespmem:$0x1D000] =	vst v63  }
0x7b: {  	_ =	swait.ge [sflag:s20], $0x1400  }
0x7c: {  	[sflag:s20] =	ssyncset.done $0x0  }
0x7d: {  	s14 =	rddreg [dreg:$0xb];
	[sflag:s20] =	ssyncadd.s32 $0xFFFFEC00  }
0x7e: {  	[spmem:s3] =	stream.indirect.scatter.add.f32 [tilespmem:s7], [sflag:$0x6], $0x28, s14, s11, $0xb8;
	[tilespmem:$0x1D000] =	vst v63  }
0x7f: {  	_ =	swait.ge [sflag:s21], $0x1400  }
0x80: {  	[sflag:s21] =	ssyncset.done $0x0  }
0x81: {  	s17 =	rddreg [dreg:$0xc];
	[sflag:s21] =	ssyncadd.s32 $0xFFFFEC00  }
0x82: {  	[spmem:s3] =	stream.indirect.scatter.add.f32 [tilespmem:s15], [sflag:$0x7], $0x28, s17, s11, $0xb8;
	[tilespmem:$0x1D000] =	vst v63  }
0x83: {  	_ =	swait.ge [sflag:s22], $0x1400  }
0x84: {  	[sflag:s22] =	ssyncset.done $0x0  }
0x85: {  	s10 =	rddreg [dreg:$0xd];
	[sflag:s22] =	ssyncadd.s32 $0xFFFFEC00  }
0x86: {  	[spmem:s3] =	stream.indirect.scatter.add.f32 [tilespmem:s18], [sflag:$0x8], $0x28, s10, s11, $0xb8;
	[tilespmem:$0x1D000] =	vst v63  }
0x87: {  	_ =	swait.ge [sflag:s0], $0x200  }
0x88: {  	[sflag:s0] =	ssyncset.done $0x0  }
0x89: {  	[sflag:s0] =	ssyncadd.s32 $0xFFFFFE00  }
0x8a: {  	_ =	swait.ge [sflag:s0], $0x200  }
0x8b: {  	[sflag:s0] =	ssyncset.done $0x0  }
0x8c: {  	[sflag:s0] =	ssyncadd.s32 $0xFFFFFE00  }
0x8d: {  	_ =	swait.ge [sflag:s24], $0x1400  }
0x8e: {  	[sflag:s24] =	ssyncset.done $0x0  }
0x8f: {  	[sflag:s24] =	ssyncadd.s32 $0xFFFFEC00  }
0x90: {  	[tilespmem:s12], [sflag:$0x1] =	stream.indirect.gather [spmem:s4], $0x28, s29, s11, $0xb8;
	[tilespmem:$0x1D000] =	vst v63  }
0x91: {  	_ =	swait.ge [sflag:s25], $0x1400  }
0x92: {  	[sflag:s25] =	ssyncset.done $0x0  }
0x93: {  	[sflag:s25] =	ssyncadd.s32 $0xFFFFEC00  }
0x94: {  	[tilespmem:s7], [sflag:$0x2] =	stream.indirect.gather [spmem:s4], $0x28, s13, s11, $0xb8;
	[tilespmem:$0x1D000] =	vst v63  }
0x95: {  	s9 =	simm.s32 $0x600;
	_ =	swait.ge [sflag:s26], $0x1400  }
0x96: {  	s9 =	simm.s32 @p0 $0x200;
	[sflag:s26] =	ssyncset.done $0x0  }
0x97: {  	s9 =	sadd.s32 s8, s9;
	[sflag:s26] =	ssyncadd.s32 $0xFFFFEC00  }
0x98: {  	[tilespmem:s15], [sflag:$0x3] =	stream.indirect.gather [spmem:s4], $0x28, s28, s11, $0xb8;
	[tilespmem:$0x1D000] =	vst v63  }
0x99: {  	s9 =	sshrl.u32 s9, $0x3;
	_ =	swait.ge [sflag:s16], $0x1400  }
0x9a: {  	s14 =	simm.s32 $0xC900;
	s17 =	smov.u32 s2;
	[sflag:s16] =	ssyncset.done $0x0  }
0x9b: {  	s2 =	simm.s32 $0xC980;
	s13 =	simm.s32 $0xC980;
	[sflag:s16] =	ssyncadd.s32 $0xFFFFEC00  }
0x9c: {  	[tilespmem:s18], [sflag:$0x4] =	stream.indirect.gather [spmem:s4], $0x28, s13, s11, $0xb8;
	[tilespmem:$0x1D000] =	vst v63  }
0x9d: {  	s10 =	simm.s32 $0xA00;
	s28 =	sadd.s32 s6, s9;
	s13 =	sadd.s32 s17, s9  }
0x9e: {  	[tilespmem:s31], [sflag:$0xA] =	stream.linear.gather [hbm4b:s13+s5], $0x200, $0x38;
	[tilespmem:$0x1D000] =	vst v63  }
.LBB2_2:
0x9f: {  	[tilespmem:s1], [sflag:$0xA] =	stream.linear.gather [hbm4b:s28+s5], $0x200, $0x38;
	[tilespmem:$0x1D000] =	vst v63  }
0xa0: {  	_ =	swait.ge [sflag:s19], $0x1400  }
0xa1: {  	[sflag:s19] =	ssyncset.done $0x0  }
0xa2: {  	[sflag:s19] =	ssyncadd.s32 $0xFFFFEC00  }
0xa3: {  	[spmem:s3] =	stream.indirect.scatter.add.f32 [tilespmem:s12], [sflag:$0x5], $0x28, s30, s11, $0xb8;
	[tilespmem:$0x1D000] =	vst v63  }
0xa4: {  	_ =	swait.ge [sflag:s20], $0x1400  }
0xa5: {  	[sflag:s20] =	ssyncset.done $0x0  }
0xa6: {  	s28 =	rddreg [dreg:$0x5];
	[sflag:s20] =	ssyncadd.s32 $0xFFFFEC00  }
0xa7: {  	[spmem:s3] =	stream.indirect.scatter.add.f32 [tilespmem:s7], [sflag:$0x6], $0x28, s28, s11, $0xb8;
	[tilespmem:$0x1D000] =	vst v63  }
0xa8: {  	_ =	swait.ge [sflag:s21], $0x1400  }
0xa9: {  	[sflag:s21] =	ssyncset.done $0x0  }
0xaa: {  	s28 =	rddreg [dreg:$0x6];
	[sflag:s21] =	ssyncadd.s32 $0xFFFFEC00  }
0xab: {  	[spmem:s3] =	stream.indirect.scatter.add.f32 [tilespmem:s15], [sflag:$0x7], $0x28, s28, s11, $0xb8;
	[tilespmem:$0x1D000] =	vst v63  }
0xac: {  	_ =	swait.ge [sflag:s22], $0x1400  }
0xad: {  	[sflag:s22] =	ssyncset.done $0x0  }
0xae: {  	s28 =	rddreg [dreg:$0x7];
	[sflag:s22] =	ssyncadd.s32 $0xFFFFEC00  }
0xaf: {  	[spmem:s3] =	stream.indirect.scatter.add.f32 [tilespmem:s18], [sflag:$0x8], $0x28, s28, s11, $0xb8;
	[tilespmem:$0x1D000] =	vst v63  }
0xb0: {  	_ =	swait.ge [sflag:s23], $0x200  }
0xb1: {  	[sflag:s23] =	ssyncset.done $0x0  }
0xb2: {  	[sflag:s23] =	ssyncadd.s32 $0xFFFFFE00  }
0xb3: {  	_ =	swait.ge [sflag:s23], $0x200  }
0xb4: {  	[sflag:s23] =	ssyncset.done $0x0  }
0xb5: {  	[sflag:s23] =	ssyncadd.s32 $0xFFFFFE00  }
0xb6: {  	_ =	swait.ge [sflag:s24], $0x1400  }
0xb7: {  	[sflag:s24] =	ssyncset.done $0x0  }
0xb8: {  	[sflag:s24] =	ssyncadd.s32 $0xFFFFEC00  }
0xb9: {  	[tilespmem:s12], [sflag:$0x1] =	stream.indirect.gather [spmem:s4], $0x28, s31, s11, $0xb8;
	[tilespmem:$0x1D000] =	vst v63  }
0xba: {  	_ =	swait.ge [sflag:s25], $0x1400  }
0xbb: {  	[sflag:s25] =	ssyncset.done $0x0  }
0xbc: {  	s28 =	rddreg [dreg:$0x8];
	[sflag:s25] =	ssyncadd.s32 $0xFFFFEC00  }
0xbd: {  	[tilespmem:s7], [sflag:$0x2] =	stream.indirect.gather [spmem:s4], $0x28, s28, s11, $0xb8;
	[tilespmem:$0x1D000] =	vst v63  }
0xbe: {  	_ =	swait.ge [sflag:s26], $0x1400  }
0xbf: {  	[sflag:s26] =	ssyncset.done $0x0  }
0xc0: {  	s9 =	smov.u32 s10;
	s28 =	rddreg [dreg:$0x9];
	[sflag:s26] =	ssyncadd.s32 $0xFFFFEC00  }
0xc1: {  	[tilespmem:s15], [sflag:$0x3] =	stream.indirect.gather [spmem:s4], $0x28, s28, s11, $0xb8;
	[tilespmem:$0x1D000] =	vst v63  }
0xc2: {  	p1 =	seq.s32 s9, $0x2A00;
	s28 =	sadd.s32 $0xFFFFFE00, s9  }
0xc3: {  	_ =	swait.ge [sflag:s16], $0x1400;
	s28 =	simm.s32 @p1 $0x0  }
0xc4: {  	[sflag:s16] =	ssyncset.done $0x0;
	s28 =	sadd.s32 s8, s28  }
0xc5: {  	s13 =	rddreg [dreg:$0xa];
	[sflag:s16] =	ssyncadd.s32 $0xFFFFEC00;
	s28 =	sshrl.u32 s28, $0x3  }
0xc6: {  	[tilespmem:s18], [sflag:$0x4] =	stream.indirect.gather [spmem:s4], $0x28, s13, s11, $0xb8;
	[tilespmem:$0x1D000] =	vst v63  }
0xc7: {  	s13 =	sadd.s32 s17, s28  }
0xc8: {  	[tilespmem:s29], [sflag:$0x9] =	stream.linear.gather [hbm4b:s13+s5], $0x200, $0x38;
	[tilespmem:$0x1D000] =	vst v63  }
0xc9: {  	s28 =	sadd.s32 s6, s28  }
0xca: {  	[tilespmem:s30], [sflag:$0x9] =	stream.linear.gather [hbm4b:s28+s5], $0x200, $0x38;
	[tilespmem:$0x1D000] =	vst v63  }
0xcb: {  	_ =	swait.ge [sflag:s19], $0x1400  }
0xcc: {  	[sflag:s19] =	ssyncset.done $0x0  }
0xcd: {  	[sflag:s19] =	ssyncadd.s32 $0xFFFFEC00  }
0xce: {  	[spmem:s3] =	stream.indirect.scatter.add.f32 [tilespmem:s12], [sflag:$0x5], $0x28, s1, s11, $0xb8;
	[tilespmem:$0x1D000] =	vst v63  }
0xcf: {  	_ =	swait.ge [sflag:s20], $0x1400  }
0xd0: {  	[sflag:s20] =	ssyncset.done $0x0  }
0xd1: {  	s13 =	rddreg [dreg:$0xb];
	[sflag:s20] =	ssyncadd.s32 $0xFFFFEC00  }
0xd2: {  	[spmem:s3] =	stream.indirect.scatter.add.f32 [tilespmem:s7], [sflag:$0x6], $0x28, s13, s11, $0xb8;
	[tilespmem:$0x1D000] =	vst v63  }
0xd3: {  	_ =	swait.ge [sflag:s21], $0x1400  }
0xd4: {  	[sflag:s21] =	ssyncset.done $0x0  }
0xd5: {  	s13 =	rddreg [dreg:$0xc];
	[sflag:s21] =	ssyncadd.s32 $0xFFFFEC00  }
0xd6: {  	[spmem:s3] =	stream.indirect.scatter.add.f32 [tilespmem:s15], [sflag:$0x7], $0x28, s13, s11, $0xb8;
	[tilespmem:$0x1D000] =	vst v63  }
0xd7: {  	_ =	swait.ge [sflag:s22], $0x1400  }
0xd8: {  	[sflag:s22] =	ssyncset.done $0x0  }
0xd9: {  	s13 =	rddreg [dreg:$0xd];
	[sflag:s22] =	ssyncadd.s32 $0xFFFFEC00  }
0xda: {  	[spmem:s3] =	stream.indirect.scatter.add.f32 [tilespmem:s18], [sflag:$0x8], $0x28, s13, s11, $0xb8;
	[tilespmem:$0x1D000] =	vst v63  }
0xdb: {  	_ =	swait.ge [sflag:s0], $0x200  }
0xdc: {  	[sflag:s0] =	ssyncset.done $0x0  }
0xdd: {  	[sflag:s0] =	ssyncadd.s32 $0xFFFFFE00  }
0xde: {  	_ =	swait.ge [sflag:s0], $0x200  }
0xdf: {  	[sflag:s0] =	ssyncset.done $0x0  }
0xe0: {  	[sflag:s0] =	ssyncadd.s32 $0xFFFFFE00  }
0xe1: {  	_ =	swait.ge [sflag:s24], $0x1400  }
0xe2: {  	[sflag:s24] =	ssyncset.done $0x0  }
0xe3: {  	[sflag:s24] =	ssyncadd.s32 $0xFFFFEC00  }
0xe4: {  	[tilespmem:s12], [sflag:$0x1] =	stream.indirect.gather [spmem:s4], $0x28, s29, s11, $0xb8;
	[tilespmem:$0x1D000] =	vst v63  }
0xe5: {  	_ =	swait.ge [sflag:s25], $0x1400  }
0xe6: {  	[sflag:s25] =	ssyncset.done $0x0  }
0xe7: {  	s13 =	simm.s32 $0xC880;
	[sflag:s25] =	ssyncadd.s32 $0xFFFFEC00  }
0xe8: {  	[tilespmem:s7], [sflag:$0x2] =	stream.indirect.gather [spmem:s4], $0x28, s13, s11, $0xb8;
	[tilespmem:$0x1D000] =	vst v63  }
0xe9: {  	_ =	swait.ge [sflag:s26], $0x1400  }
0xea: {  	[sflag:s26] =	ssyncset.done $0x0  }
0xeb: {  	[sflag:s26] =	ssyncadd.s32 $0xFFFFEC00  }
0xec: {  	[tilespmem:s15], [sflag:$0x3] =	stream.indirect.gather [spmem:s4], $0x28, s14, s11, $0xb8;
	[tilespmem:$0x1D000] =	vst v63  }
0xed: {  	p0 =	sne.s32 s10, $0x2A00;
	s9 =	simm.s32 @p1 $0x200;
	_ =	swait.ge [sflag:s16], $0x1400  }
.Ltmp0:
0xee: {  	s9 =	sadd.s32 s8, s9;
	[sflag:s16] =	ssyncset.done $0x0;
	(pc) =	sbr.rel @p0 .LBB2_2-.Ltmp0, $4  }
0xef: {  	s9 =	sshrl.u32 s9, $0x3;
	[sflag:s16] =	ssyncadd.s32 $0xFFFFEC00  }
0xf0: {  	[tilespmem:s18], [sflag:$0x4] =	stream.indirect.gather [spmem:s4], $0x28, s2, s11, $0xb8;
	[tilespmem:$0x1D000] =	vst v63  }
0xf1: {  	s10 =	sadd.s32 $0x400, s10;
	s28 =	sadd.s32 s6, s9;
	s13 =	sadd.s32 s17, s9  }
0xf2: {  	[tilespmem:s31], [sflag:$0xA] =	stream.linear.gather [hbm4b:s13+s5], $0x200, $0x38;
	[tilespmem:$0x1D000] =	vst v63  }
0xf3: {  	[tilespmem:s1], [sflag:$0xA] =	stream.linear.gather [hbm4b:s28+s5], $0x200, $0x38;
	[tilespmem:$0x1D000] =	vst v63  }
0xf4: {  	_ =	swait.ge [sflag:s19], $0x1400  }
0xf5: {  	[sflag:s19] =	ssyncset.done $0x0  }
0xf6: {  	[sflag:s19] =	ssyncadd.s32 $0xFFFFEC00  }
0xf7: {  	_ =	swait.ge [sflag:s20], $0x1400  }
0xf8: {  	[sflag:s20] =	ssyncset.done $0x0  }
0xf9: {  	[sflag:s20] =	ssyncadd.s32 $0xFFFFEC00  }
0xfa: {  	_ =	swait.ge [sflag:s21], $0x1400  }
0xfb: {  	[sflag:s21] =	ssyncset.done $0x0  }
0xfc: {  	[sflag:s21] =	ssyncadd.s32 $0xFFFFEC00  }
0xfd: {  	_ =	swait.ge [sflag:s22], $0x1400  }
0xfe: {  	[sflag:s22] =	ssyncset.done $0x0  }
0xff: {  	[sflag:s22] =	ssyncadd.s32 $0xFFFFEC00  }
0x100: {  	_ =	swait.ge [sflag:s23], $0x200  }
0x101: {  	[sflag:s23] =	ssyncset.done $0x0  }
0x102: {  	[sflag:s23] =	ssyncadd.s32 $0xFFFFFE00  }
0x103: {  	_ =	swait.ge [sflag:s23], $0x200  }
0x104: {  	[sflag:s23] =	ssyncset.done $0x0  }
0x105: {  	[sflag:s23] =	ssyncadd.s32 $0xFFFFFE00  }
0x106: {  	[bflag:$0x0] =	sbarrier.arrive $0xFFFF  }
0x107: {  	s10 =	simm.s32 $0xB;
	s14 =	rddreg [dreg:$0x10]  }
0x108: {  	[tilespmem:s12], [sflag:$0xB] =	stream.linear.gather [spmem:s14], $0x4000, $0x38;
	[tilespmem:$0x1D000] =	vst v63  }
0x109: {  	_ =	swait.ge [sflag:s10], $0x4000  }
0x10a: {  	[sflag:s10] =	ssyncset.done $0x0  }
0x10b: {  	s9 =	rddreg [dreg:$0x11];
	[sflag:s10] =	ssyncadd.s32 $0xFFFFC000  }
0x10c: {  	[hbm4b:s9+s5] =	stream.linear.scatter [tilespmem:s12], [sflag:$0xB], $0x4000, $0x38;
	[tilespmem:$0x1D000] =	vst v63  }
0x10d: {  	_ =	swait.ge [sflag:s10], $0x4000  }
0x10e: {  	[sflag:s10] =	ssyncset.done $0x0  }
0x10f: {  	s2 =	rddreg [dreg:$0x1b];
	[sflag:s10] =	ssyncadd.s32 $0xFFFFC000  }
0x110: {  	[tilespmem:s12], [sflag:$0xB] =	stream.linear.gather [spmem:s2], $0x4000, $0x38;
	[tilespmem:$0x1D000] =	vst v63  }
0x111: {  	_ =	swait.ge [sflag:s10], $0x4000  }
0x112: {  	[sflag:s10] =	ssyncset.done $0x0  }
0x113: {  	s13 =	rddreg [dreg:$0x12];
	[sflag:s10] =	ssyncadd.s32 $0xFFFFC000  }
0x114: {  	[hbm4b:s13+s5] =	stream.linear.scatter [tilespmem:s12], [sflag:$0xB], $0x4000, $0x38;
	[tilespmem:$0x1D000] =	vst v63  }
0x115: {  	_ =	swait.ge [sflag:s10], $0x4000  }
0x116: {  	[sflag:s10] =	ssyncset.done $0x0  }
0x117: {  	s28 =	rddreg [dreg:$0x1c];
	[sflag:s10] =	ssyncadd.s32 $0xFFFFC000  }
0x118: {  	[tilespmem:s12], [sflag:$0xB] =	stream.linear.gather [spmem:s28], $0x4000, $0x38;
	[tilespmem:$0x1D000] =	vst v63  }
0x119: {  	_ =	swait.ge [sflag:s10], $0x4000  }
0x11a: {  	[sflag:s10] =	ssyncset.done $0x0  }
0x11b: {  	s2 =	rddreg [dreg:$0x13];
	[sflag:s10] =	ssyncadd.s32 $0xFFFFC000  }
0x11c: {  	[hbm4b:s2+s5] =	stream.linear.scatter [tilespmem:s12], [sflag:$0xB], $0x4000, $0x38;
	[tilespmem:$0x1D000] =	vst v63  }
0x11d: {  	_ =	swait.ge [sflag:s10], $0x4000  }
0x11e: {  	[sflag:s10] =	ssyncset.done $0x0  }
0x11f: {  	s13 =	rddreg [dreg:$0x1d];
	[sflag:s10] =	ssyncadd.s32 $0xFFFFC000  }
0x120: {  	[tilespmem:s12], [sflag:$0xB] =	stream.linear.gather [spmem:s13], $0x4000, $0x38;
	[tilespmem:$0x1D000] =	vst v63  }
0x121: {  	_ =	swait.ge [sflag:s10], $0x4000  }
0x122: {  	[sflag:s10] =	ssyncset.done $0x0  }
0x123: {  	s28 =	rddreg [dreg:$0x14];
	[sflag:s10] =	ssyncadd.s32 $0xFFFFC000  }
0x124: {  	[hbm4b:s28+s5] =	stream.linear.scatter [tilespmem:s12], [sflag:$0xB], $0x4000, $0x38;
	[tilespmem:$0x1D000] =	vst v63  }
0x125: {  	_ =	swait.ge [sflag:s10], $0x4000  }
0x126: {  	[sflag:s10] =	ssyncset.done $0x0  }
0x127: {  	s2 =	rddreg [dreg:$0x1e];
	[sflag:s10] =	ssyncadd.s32 $0xFFFFC000  }
0x128: {  	[tilespmem:s12], [sflag:$0xB] =	stream.linear.gather [spmem:s2], $0x4000, $0x38;
	[tilespmem:$0x1D000] =	vst v63  }
0x129: {  	_ =	swait.ge [sflag:s10], $0x4000  }
0x12a: {  	[sflag:s10] =	ssyncset.done $0x0  }
0x12b: {  	s13 =	rddreg [dreg:$0x15];
	[sflag:s10] =	ssyncadd.s32 $0xFFFFC000  }
0x12c: {  	[hbm4b:s13+s5] =	stream.linear.scatter [tilespmem:s12], [sflag:$0xB], $0x4000, $0x38;
	[tilespmem:$0x1D000] =	vst v63  }
0x12d: {  	_ =	swait.ge [sflag:s10], $0x4000  }
0x12e: {  	s13 =	sld [smem:$0x7FC];
	_ =	sdelay $0x2  }
0x12f: {  	s28 =	rddreg [dreg:$0x1f];
	s13 =	sadd.s32 $0x1, s13  }
0x130: {  	p0 =	sne.s32 s13, s28  }
.Ltmp1:
0x131: {  	_ = 	snop;
	(pc) =	sbr.rel @p0 .LBB2_1-.Ltmp1, $3  }
0x132: {  	_ =	sdelay $0x1  }
0x133: {  	[sflag:s10] =	ssyncset.done $0x0  }
0x134: {  	s2 =	smov.u32 s17;
	[sflag:s10] =	ssyncadd.s32 $0xFFFFC000  }
0x135: {  	_ =	sfence.sel $0x180000  }
0x136: {  	[bflag:$0x0] =	sbarrier.arrive $0xFFFF  }
0x137: {  	_ =	strace $0x9000004D  }
0x138: {  	s0 =	stileid.u32;
	[bflag:$0x2] =	sbarrier.arrive $0xFFFF  }
0x139: {  	p0 =	sne.s32 s0, $0x0;
	s0 =	rddreg [dreg:$0x4]  }
0x13a: {  	s0 =	sadd.s32 @!p0 $0x100000, s0  }
0x13b: {  	[sflag:s0] =	ssyncadd.tile.s32 @!p0 $0x1;
	_ =	shalt  }
.Lfunc_end2:
_tile_overlayer_lowered:
.L_overlay_start_2:
0x13c: {  	(tag) =	ssettag $0x2  }
0x13d: {  	s0 =	rddreg [dreg:$0x0];
	s2 =	stileid.u32  }
0x13e: {  	s1 =	rddreg [dreg:$0x1];
	p0 =	sne.s32 s2, $0x0  }
0x13f: {  	s3 =	rddreg [dreg:$0x2];
	[bflag:$0x3] =	sbarrier.arrive $0xFFFF;
	s2 =	simm.s32 @!p0 $0x1C0B  }
0x140: {  	[timem:s3], [sflag:s2] =	dma.local @!p0 [hbm:s0], s1  }
0x141: {  	s0 =	simm.s32 @!p0 $0xB  }
0x142: {  	_ =	swait.ge @!p0 [sflag:s0], s1  }
0x143: {  	s1 =	ssub.s32 @!p0 $0x0, s1;
	[sflag:s0] =	ssyncset.done @!p0 $0x0  }
0x144: {  	[sflag:s0] =	ssyncadd.s32 @!p0 s1  }
0x145: {  	[bflag:$0x3] =	sbarrier.arrive $0xFFFF  }
0x146: {  	_ =	shalt  }

// kernel: kernel.8.cloned.1.call-start
scs
__scs_entry_jumppad:
0x0: {  	(pc) =	sbr.rel $0x88, $3  }
0x1: {  	(tag) =	ssettag $0x0;
	lr =	simm.s32 $0x1  }
0x2: {  	[smem:$0x3F9B] =	sst lr;
	_ =	strace $0xD0000000  }
0x3: {  	_ = 	snop  }
0x4: {  	_ = 	snop  }
0x5: {  	_ = 	snop  }
0x6: {  	_ = 	snop  }
0x7: {  	_ = 	snop  }
__scs_overlays_trampoline_lowered:
0x8: {  	[smem:$0x3FAA] =	sst s0  }
0x9: {  	[smem:$0x3FAB] =	sst s1  }
0xa: {  	[smem:$0x3FAC] =	sst s2  }
0xb: {  	[smem:$0x3FAD] =	sst s3  }
0xc: {  	[smem:$0x3FAE] =	sst s4  }
0xd: {  	[smem:$0x3FAF] =	sst s5  }
0xe: {  	[smem:$0x3FB0] =	sst s6  }
0xf: {  	[smem:$0x3FB1] =	sst s7  }
0x10: {  	[smem:$0x3FB2] =	sst s8  }
0x11: {  	[smem:$0x3FB3] =	sst s9;
	s0 =	simm.s32 @!p0 $0x0  }
0x12: {  	s1 =	sld [smem:$0x3F99];
	s0 =	simm.s32 @p0 $0x1  }
0x13: {  	[smem:$0x3FB4] =	sst s0;
	s0 =	simm.s32 @!p1 $0x0  }
0x14: {  	s2 =	sld [smem:$0x3F98];
	s0 =	simm.s32 @p1 $0x1  }
0x15: {  	[smem:$0x3FB5] =	sst s0;
	s0 =	simm.s32 @!p2 $0x0  }
0x16: {  	s3 =	sld [smem:$0x3FDB];
	s0 =	simm.s32 @p2 $0x1  }
0x17: {  	s4 =	simm.s32 $0x1BF5;
	[smem:$0x3FB7] =	sst s0  }
0x18: {  	s0 =	sld [smem:$0x3F9A];
	_ =	swait.ge [sflag:s4], $0x0  }
0x19: {  	s7 =	sld [smem:$0x3F9B]  }
0x1a: {  	s8 =	sadd.s32 $0xFFFFE003, lr  }
0x1b: {  	s9 =	sadd.s32 $0xFFFFFEF7, lr;
	s5 =	simm.s32 $0xFFFFFFFF;
	p2 =	slt.u32 s8, $0xFFFFF086  }
0x1c: {  	p1 =	slt.u32 s9, $0xF7A;
	s5 =	simm.s32 @!p2 $0x0  }
0x1d: {  	s5 =	simm.s32 @p1 $0x1;
	p0 =	seq.s32 s7, s2  }
0x1e: {  	s7 =	smul.u32 @!p0 $0xF7A, s2;
	p2 =	seq.s32 @!p0 s5, $0x0  }
0x1f: {  	s9 =	smul.u32 $0xF7A, s1;
	s8 =	simm.s32 @!p0 $0x1BF5;
	p2 =	por !p2, p0  }
0x20: {  	[sflag:s8] =	ssyncset.s32 @!p0 $0xFFFFF086;
	s6 =	sadd.s32 @!p0 s3, s7;
	s7 =	simm.s32 @!p0 $0x108  }
0x21: {  	s3 =	sadd.s32 s3, s9;
	s6 =	sadd.s32 @!p0 $0x88, s6;
	s7 =	simm.s32 @p2 $0x1082  }
0x22: {  	[simem:s7], [sflag:s8] =	dma.local @!p0 [hbm:s6], $0xF7A  }
0x23: {  	s9 =	sor.u32 $0xD0000000, s2;
	s6 =	simm.s32 $0x108;
	_ =	swait.ge @!p0 [sflag:s8], $0x0  }
0x24: {  	s3 =	sadd.s32 $0x88, s3;
	s6 =	simm.s32 @!p1 $0x1082;
	[sflag:s4] =	ssyncset.s32 $0xFFFFF086  }
0x25: {  	[simem:s6], [sflag:s4] =	dma.local [hbm:s3], $0xF7A  }
0x26: {  	[smem:$0x3F9B] =	sst s1;
	(tag) =	ssettag s2;
	_ =	strace s9  }
0x27: {  	s1 =	sld [smem:$0x3FAB]  }
0x28: {  	s2 =	sld [smem:$0x3FAC]  }
0x29: {  	s4 =	sld [smem:$0x3FAE]  }
0x2a: {  	p0 =	seq.s32 s5, $0x0;
	s5 =	sld [smem:$0x3FAF]  }
0x2b: {  	s6 =	sld [smem:$0x3FB0]  }
0x2c: {  	s7 =	sld [smem:$0x3FB1]  }
0x2d: {  	s3 =	simm.s32 $0x108;
	s8 =	sld [smem:$0x3FB2]  }
0x2e: {  	s3 =	simm.s32 @!p0 $0x1082;
	s9 =	sld [smem:$0x3FB3]  }
0x2f: {  	lr =	sadd.s32 s0, s3;
	s0 =	sld [smem:$0x3FAA]  }
0x30: {  	s3 =	sld [smem:$0x3FAD]  }
0x31: {  	[smem:$0x3FB6] =	sst s10  }
0x32: {  	s10 =	sld [smem:$0x3FB4];
	_ =	sdelay $0x3  }
0x33: {  	p0 =	seq.s32 s10, $0x1;
	s10 =	sld [smem:$0x3FB6];
	_ =	sdelay $0x3  }
0x34: {  	[smem:$0x3FB6] =	sst s10  }
0x35: {  	s10 =	sld [smem:$0x3FB5];
	_ =	sdelay $0x3  }
0x36: {  	p1 =	seq.s32 s10, $0x1;
	s10 =	sld [smem:$0x3FB6];
	_ =	sdelay $0x3  }
0x37: {  	[smem:$0x3FB6] =	sst s10  }
0x38: {  	s10 =	sld [smem:$0x3FB7]  }
0x39: {  	_ = 	snop;
	(pc) =	sbr.ind lr, $3  }
0x3a: {  	_ = 	snop  }
0x3b: {  	_ = 	snop  }
0x3c: {  	p2 =	seq.s32 s10, $0x1;
	s10 =	sld [smem:$0x3FB6]  }
0x3d: {  	_ =	shalt  }
0x3e: {  	_ =	shalt  }
0x3f: {  	_ =	shalt  }
0x40: {  	_ =	shalt  }
0x41: {  	_ =	shalt  }
0x42: {  	_ =	shalt  }
0x43: {  	_ =	shalt  }
0x44: {  	_ =	shalt  }
0x45: {  	_ =	shalt  }
0x46: {  	_ =	shalt  }
0x47: {  	_ =	shalt  }
0x48: {  	_ =	shalt  }
0x49: {  	_ =	shalt  }
0x4a: {  	_ =	shalt  }
0x4b: {  	_ =	shalt  }
0x4c: {  	_ =	shalt  }
0x4d: {  	_ =	shalt  }
0x4e: {  	_ =	shalt  }
0x4f: {  	_ =	shalt  }
0x50: {  	_ =	shalt  }
0x51: {  	_ =	shalt  }
0x52: {  	_ =	shalt  }
0x53: {  	_ =	shalt  }
0x54: {  	_ =	shalt  }
0x55: {  	_ =	shalt  }
0x56: {  	_ =	shalt  }
0x57: {  	_ =	shalt  }
0x58: {  	_ =	shalt  }
0x59: {  	_ =	shalt  }
0x5a: {  	_ =	shalt  }
0x5b: {  	_ =	shalt  }
0x5c: {  	_ =	shalt  }
0x5d: {  	_ =	shalt  }
0x5e: {  	_ =	shalt  }
0x5f: {  	_ =	shalt  }
0x60: {  	_ =	shalt  }
0x61: {  	_ =	shalt  }
0x62: {  	_ =	shalt  }
0x63: {  	_ =	shalt  }
0x64: {  	_ =	shalt  }
0x65: {  	_ =	shalt  }
0x66: {  	_ =	shalt  }
0x67: {  	_ =	shalt  }
0x68: {  	_ =	shalt  }
0x69: {  	_ =	shalt  }
0x6a: {  	_ =	shalt  }
0x6b: {  	_ =	shalt  }
0x6c: {  	_ =	shalt  }
0x6d: {  	_ =	shalt  }
0x6e: {  	_ =	shalt  }
0x6f: {  	_ =	shalt  }
0x70: {  	_ =	shalt  }
0x71: {  	_ =	shalt  }
0x72: {  	_ =	shalt  }
0x73: {  	_ =	shalt  }
0x74: {  	_ =	shalt  }
0x75: {  	_ =	shalt  }
0x76: {  	_ =	shalt  }
0x77: {  	_ =	shalt  }
0x78: {  	_ =	shalt  }
0x79: {  	_ =	shalt  }
0x7a: {  	_ =	shalt  }
0x7b: {  	_ =	shalt  }
0x7c: {  	_ =	shalt  }
0x7d: {  	_ =	shalt  }
0x7e: {  	_ =	shalt  }
0x7f: {  	_ =	shalt  }
0x80: {  	_ =	shalt  }
0x81: {  	_ =	shalt  }
0x82: {  	_ =	shalt  }
0x83: {  	_ =	shalt  }
0x84: {  	_ =	shalt  }
0x85: {  	_ =	shalt  }
0x86: {  	_ =	shalt  }
0x87: {  	_ =	shalt  }
.Lfunc_end0:
.L_simem_size_0:
called_computation_lowered:
.L_overlay_start_0:
0x88: {  	s2 =	sld [smem:$0x3FD9]  }
0x89: {  	s3 =	sld [smem:$0x3FFE];
	_ =	sdelay $0x1  }
0x8a: {  	s1 =	srdreg.scid  }
0x8b: {  	s0 =	sand.u32 $0x1, s1  }
0x8c: {  	s16 =	sshll.u32 s0, $0xA;
	s2 =	sadd.s32 s3, s2  }
0x8d: {  	s2 =	sadd.s32 s2, s16  }
0x8e: {  	[smem:$0x3FC2] =	sst s2  }
0x8f: {  	_ = 	snop  }
0x90: {  	(tm) =	ssettm $0x1  }
0x91: {  	s17 =	sld [smem:$0x3FFB];
	_ =	sdelay $0x3  }
0x92: {  	_ =	strace s17  }
0x93: {  	s2 =	sld [smem:$0x3FFC];
	_ =	sdelay $0x3  }
0x94: {  	_ =	strace s2  }
0x95: {  	s2 =	sld [smem:$0x3FFD];
	_ =	sdelay $0x3  }
0x96: {  	_ =	strace s2  }
0x97: {  	_ =	strace $0x8FFFFFFF  }
0x98: {  	s18 =	sld [smem:$0x3FDB];
	_ =	sdelay $0x1  }
0x99: {  	s19 =	simm.s32 $_scs_section_size  }
0x9a: {  	s4 =	simm.s32 $_size__tile_overlayer_lowered;
	s5 =	simm.s32 $_tile_overlayer_lowered  }
0x9b: {  	s22 =	simm.s32 $0x1BFF;
	s21 =	sshll.u32 s5, $0x1;
	s2 =	sadd.s32 s19, s18  }
0x9c: {  	s6 =	simm.s32 $0x0;
	s20 =	sshll.u32 s4, $0x1;
	s4 =	sadd.s32 s21, s2  }
0x9d: {  	[timem:s6], [sflag:s22] =	dma.local [hbm:s4], s20  }
0x9e: {  	_ =	swait.ge [sflag:s22], s20  }
0x9f: {  	s3 =	ssub.s32 $0x0, s20;
	[sflag:s22] =	ssyncset.done $0x0  }
0xa0: {  	[sflag:s22] =	ssyncadd.s32 s3;
	_ =	sdelay $0x1  }
0xa1: {  	s23 =	simm.s32 $0x1B8B  }
0xa2: {  	_ =	swait.ge [sflag:s23], $0x1  }
0xa3: {  	[sflag:s23] =	ssyncset.done $0x0  }
0xa4: {  	s25 =	simm.s32 $0x1B8E;
	s24 =	sld [smem:$0x3FFE];
	[sflag:s23] =	ssyncadd.s32 $0xFFFFFFFF  }
0xa5: {  	s26 =	simm.s32 $execute0_lowered;
	[smem:$0x3FD2] =	sst s25  }
0xa6: {  	s4 =	sshll.u32 s26, $0x1;
	_ =	strace $0x80000046;
	[dreg:$0x1] =	wrdreg $0xFFFFFFFF  }
0xa7: {  	s28 =	simm.s32 $_size_execute0_lowered;
	s2 =	sadd.s32 s2, s4;
	[dreg:$0x0] =	wrdreg $0x0  }
0xa8: {  	s4 =	sshll.u32 s28, $0x1;
	[dreg:$0x2] =	wrdreg s2  }
0xa9: {  	[dreg:$0x3] =	wrdreg s4  }
0xaa: {  	[dreg:$0x4] =	wrdreg $0xC0  }
0xab: {  	_ =	task [dreg:s6], $0x5FFFF  }
0xac: {  	[dreg:$0x1] =	wrdreg $0xFFFFFFFF  }
0xad: {  	[dreg:$0x0] =	wrdreg $0x60  }
0xae: {  	[dreg:$0x2] =	wrdreg s24  }
0xaf: {  	[dreg:$0x3] =	wrdreg $0x0  }
0xb0: {  	[dreg:$0x4] =	wrdreg $0x9  }
0xb1: {  	_ =	task.clear_ibuf [dreg:s6], $0x5FFFF;
	_ =	strace $0x90000046  }
0xb2: {  	s29 =	simm.s32 $0x9;
	_ =	strace $0x80000048  }
0xb3: {  	_ =	swait.ge [sflag:s29], $0x1  }
0xb4: {  	[sflag:s29] =	ssyncadd.s32 $0xFFFFFFFF  }
0xb5: {  	_ =	strace $0x90000048  }
0xb6: {  	_ =	sfence  }
0xb7: {  	s30 =	sld [smem:$0x0];
	_ =	sdelay $0x2  }
0xb8: {  	s31 =	sshll.u32 s1, $0xD;
	s1 =	sshrl.u32 s1, $0x2  }
0xb9: {  	s3 =	sand.u32 $0x4000, s31;
	s1 =	sadd.s32 s1, s30  }
0xba: {  	s0 =	sor.u32 s3, s0;
	s1 =	sshll.u32 s1, $0x11  }
0xbb: {  	s0 =	sor.u32 s1, s0  }
0xbc: {  	s0 =	sadd.s32 $0x8F2B, s0  }
0xbd: {  	[sflag:s0] =	ssyncadd.remote.s32 $0x1  }
0xbe: {  	_ =	sfence.sel $0xFFFF  }
0xbf: {  	[dreg:$0x0] =	wrdreg $0xFFFFFFFF;
	(pc) =	sbr.abs _section_cstart, $3  }
0xc0: {  	[dreg:$0x1] =	wrdreg $0xFFFFFFFF  }
0xc1: {  	_ =	task.clear_ibuf [dreg:s6], $0x2FFFF;
	_ =	strace $0x9FFFFFFF  }
0xc2: {  	(tm) =	ssettm $0x7FFFFFFF  }
0xc3: {  	_ =	shalt  }
tec
execute0_lowered:
.L_overlay_start_1:
0x0: {  	(tag) =	ssettag $0x1  }
0x1: {  	s5 =	rddreg [dreg:$0x0]  }
0x2: {  	s0 =	srdreg.scid;
	s2 =	rddreg [dreg:$0x1]  }
0x3: {  	s3 =	simm.s32 $0x0;
	s10 =	simm.s32 $0x6800;
	s11 =	simm.s32 $0x80  }
0x4: {  	s12 =	simm.s32 $0x2800;
	s13 =	simm.s32 $0x6880;
	s14 =	simm.s32 $0x6900  }
0x5: {  	s15 =	simm.s32 $0x6980;
	s16 =	simm.s32 $0x6A00;
	s17 =	simm.s32 $0x1  }
0x6: {  	s18 =	simm.s32 $0x2;
	s19 =	simm.s32 $0x3;
	s20 =	simm.s32 $0x4  }
0x7: {  	s21 =	simm.s32 $0x5;
	s4 =	sand.u32 $0x1, s0;
	s0 =	stileid.u32  }
0x8: {  	s22 =	simm.s32 $0x0;
	[smem:$0x7FF] =	sst s3;
	s7 =	smul.u32 $0x140000, s4  }
0x9: {  	s1 =	sshll.u32 s4, $0x4;
	s8 =	smul.u32 $0x14000, s0;
	s4 =	ssub.s32 $0x2, s4  }
0xa: {  	s9 =	smul.u32 $0x50000, s0;
	s1 =	sor.u32 s0, s1;
	s31 =	sshrl.u32 s4, $0x1  }
0xb: {  	s6 =	smul.u32 $0x500, s1;
	s1 =	rddreg [dreg:$0x2];
	_ =	strace $0x80000047  }
0xc: {  	s7 =	sadd.s32 s8, s7;
	s9 =	sshrl.u32 s9, $0x2;
	s8 =	ssub.s32 s4, s31  }
0xd: {  	s7 =	sshrl.u32 s7, $0x3;
	s4 =	sadd.s32 s9, s2;
	s6 =	sadd.s32 s6, s5  }
0xe: {  	s9 =	simm.s32 $0x6;
	s7 =	sadd.s32 s7, s5;
	s5 =	sadd.s32 $0x2200, s6  }
0xf: {  	v0 =	vimm.f32 $1.000000000e+00;
	v1 =	vimm.f32 $0.0e+00;
	s6 =	sadd.s32 $0xC200, s7;
	s7 =	smax.u32 s8, $0x1;
	s8 =	simm.s32 $0x9000  }
.LBB2_1:
0x10: {  	s23 =	sand.u32 $0xFE00, s3  }
0x11: {  	s24 =	sshrl.u32 s23, $0x2  }
0x12: {  	s23 =	simm.s32 $0x200;
	[tilespmem:s24+$0x2800] =	vst v0;
	s24 =	simm.s32 $0x0  }
.LBB2_2:
0x13: {  	p0 =	sne.s32 s23, $0x4FE00;
	[tilespmem:s24+$0x9000] =	vst v1;
	s24 =	smov.u32 s23;
	s23 =	sadd.s32 $0x200, s23  }
.Ltmp0:
0x14: {  	(pc) =	sbr.rel @p0 .LBB2_2-.Ltmp0, $4  }
0x15: {  	_ = 	snop  }
0x16: {  	s25 =	sand.u32 $0xFE00, s24  }
0x17: {  	s25 =	sshrl.u32 s25, $0x2  }
0x18: {  	s24 =	sshra.s32 s24, $0x2;
	[tilespmem:s25+$0x2800] =	vst v0  }
0x19: {  	[tilespmem:s24+$0x9000] =	vst v1  }
0x1a: {  	[spmem:s4] =	stream.linear.scatter [tilespmem:s8], [sflag:$0x6], $0x14000, $0x38;
	[tilespmem:$0x1D000] =	vst v63  }
0x1b: {  	_ =	swait.ge [sflag:s9], $0x14000  }
0x1c: {  	[sflag:s9] =	ssyncset.done $0x0  }
0x1d: {  	[sflag:s9] =	ssyncadd.s32 $0xFFFEC000  }
0x1e: {  	[bflag:$0x0] =	sbarrier.arrive $0xFFFF  }
0x1f: {  	[tilespmem:s10], [sflag:$0x6] =	stream.linear.gather [hbm4b:s5+s3], $0x2800, $0x38;
	[tilespmem:$0x1D000] =	vst v63  }
0x20: {  	_ =	swait.ge [sflag:s9], $0x2800  }
0x21: {  	[sflag:s9] =	ssyncset.done $0x0  }
0x22: {  	[sflag:s9] =	ssyncadd.s32 $0xFFFFD800  }
0x23: {  	[spmem:s2] =	stream.indirect.scatter.add.f32 [tilespmem:s12], [sflag:$0x1], $0x10, s10, s11, $0xb8;
	[tilespmem:$0x1D000] =	vst v63  }
0x24: {  	_ = 	snop  }
0x25: {  	[spmem:s2] =	stream.indirect.scatter.add.f32 [tilespmem:s12], [sflag:$0x2], $0x10, s13, s11, $0xb8;
	[tilespmem:$0x1D000] =	vst v63  }
0x26: {  	_ = 	snop  }
0x27: {  	[spmem:s2] =	stream.indirect.scatter.add.f32 [tilespmem:s12], [sflag:$0x3], $0x10, s14, s11, $0xb8;
	[tilespmem:$0x1D000] =	vst v63  }
0x28: {  	_ = 	snop  }
0x29: {  	[spmem:s2] =	stream.indirect.scatter.add.f32 [tilespmem:s12], [sflag:$0x4], $0x10, s15, s11, $0xb8;
	[tilespmem:$0x1D000] =	vst v63  }
0x2a: {  	_ = 	snop  }
0x2b: {  	[spmem:s2] =	stream.indirect.scatter.add.f32 [tilespmem:s12], [sflag:$0x5], $0x10, s16, s11, $0xb8;
	[tilespmem:$0x1D000] =	vst v63  }
0x2c: {  	_ =	swait.ge [sflag:s17], $0x800  }
0x2d: {  	[sflag:s17] =	ssyncset.done $0x0  }
0x2e: {  	s23 =	simm.s32 $0x6A80;
	[sflag:s17] =	ssyncadd.s32 $0xFFFFF800  }
0x2f: {  	[spmem:s2] =	stream.indirect.scatter.add.f32 [tilespmem:s12], [sflag:$0x1], $0x10, s23, s11, $0xb8;
	[tilespmem:$0x1D000] =	vst v63  }
0x30: {  	_ =	swait.ge [sflag:s18], $0x800  }
0x31: {  	[sflag:s18] =	ssyncset.done $0x0  }
0x32: {  	s29 =	simm.s32 $0x6B00;
	[sflag:s18] =	ssyncadd.s32 $0xFFFFF800  }
0x33: {  	[spmem:s2] =	stream.indirect.scatter.add.f32 [tilespmem:s12], [sflag:$0x2], $0x10, s29, s11, $0xb8;
	[tilespmem:$0x1D000] =	vst v63  }
0x34: {  	_ =	swait.ge [sflag:s19], $0x800  }
0x35: {  	[sflag:s19] =	ssyncset.done $0x0  }
0x36: {  	s30 =	simm.s32 $0x6B80;
	[sflag:s19] =	ssyncadd.s32 $0xFFFFF800  }
0x37: {  	[spmem:s2] =	stream.indirect.scatter.add.f32 [tilespmem:s12], [sflag:$0x3], $0x10, s30, s11, $0xb8;
	[tilespmem:$0x1D000] =	vst v63  }
0x38: {  	_ =	swait.ge [sflag:s20], $0x800  }
0x39: {  	[sflag:s20] =	ssyncset.done $0x0  }
0x3a: {  	s31 =	simm.s32 $0x6C00;
	[sflag:s20] =	ssyncadd.s32 $0xFFFFF800  }
0x3b: {  	[spmem:s2] =	stream.indirect.scatter.add.f32 [tilespmem:s12], [sflag:$0x4], $0x10, s31, s11, $0xb8;
	[tilespmem:$0x1D000] =	vst v63  }
0x3c: {  	_ =	swait.ge [sflag:s21], $0x800  }
0x3d: {  	[sflag:s21] =	ssyncset.done $0x0  }
0x3e: {  	s24 =	simm.s32 $0x6C80;
	s23 =	simm.s32 $0xFFFF7400;
	[sflag:s21] =	ssyncadd.s32 $0xFFFFF800  }
.LBB2_4:
0x3f: {  	[spmem:s2] =	stream.indirect.scatter.add.f32 [tilespmem:s12], [sflag:$0x5], $0x10, s24, s11, $0xb8;
	[tilespmem:$0x1D000] =	vst v63  }
0x40: {  	s24 =	smov.u32 s23  }
0x41: {  	p0 =	sne.s32 s23, $0xFFFFF600;
	s23 =	sadd.s32 $0xA00, s23;
	_ =	swait.ge [sflag:s17], $0x800  }
0x42: {  	s24 =	sshra.s32 s24, $0x2;
	[sflag:s17] =	ssyncset.done $0x0  }
0x43: {  	s25 =	sadd.s32 $0x9000, s24;
	[sflag:s17] =	ssyncadd.s32 $0xFFFFF800  }
0x44: {  	[spmem:s2] =	stream.indirect.scatter.add.f32 [tilespmem:s12], [sflag:$0x1], $0x10, s25, s11, $0xb8;
	[tilespmem:$0x1D000] =	vst v63  }
0x45: {  	_ =	swait.ge [sflag:s18], $0x800  }
0x46: {  	[sflag:s18] =	ssyncset.done $0x0  }
0x47: {  	s25 =	sadd.s32 $0x9080, s24;
	[sflag:s18] =	ssyncadd.s32 $0xFFFFF800  }
0x48: {  	[spmem:s2] =	stream.indirect.scatter.add.f32 [tilespmem:s12], [sflag:$0x2], $0x10, s25, s11, $0xb8;
	[tilespmem:$0x1D000] =	vst v63  }
0x49: {  	_ =	swait.ge [sflag:s19], $0x800  }
0x4a: {  	[sflag:s19] =	ssyncset.done $0x0  }
0x4b: {  	s25 =	sadd.s32 $0x9100, s24;
	[sflag:s19] =	ssyncadd.s32 $0xFFFFF800  }
0x4c: {  	[spmem:s2] =	stream.indirect.scatter.add.f32 [tilespmem:s12], [sflag:$0x3], $0x10, s25, s11, $0xb8;
	[tilespmem:$0x1D000] =	vst v63  }
0x4d: {  	_ =	swait.ge [sflag:s20], $0x800  }
0x4e: {  	[sflag:s20] =	ssyncset.done $0x0  }
.Ltmp1:
0x4f: {  	s25 =	sadd.s32 $0x9180, s24;
	[sflag:s20] =	ssyncadd.s32 $0xFFFFF800;
	(pc) =	sbr.rel @p0 .LBB2_4-.Ltmp1, $4  }
0x50: {  	[spmem:s2] =	stream.indirect.scatter.add.f32 [tilespmem:s12], [sflag:$0x4], $0x10, s25, s11, $0xb8;
	[tilespmem:$0x1D000] =	vst v63  }
0x51: {  	_ =	swait.ge [sflag:s21], $0x800  }
0x52: {  	[sflag:s21] =	ssyncset.done $0x0  }
0x53: {  	s24 =	sadd.s32 $0x9200, s24;
	[sflag:s21] =	ssyncadd.s32 $0xFFFFF800  }
0x54: {  	[spmem:s2] =	stream.indirect.scatter.add.f32 [tilespmem:s12], [sflag:$0x5], $0x10, s24, s11, $0xb8;
	[tilespmem:$0x1D000] =	vst v63  }
0x55: {  	_ =	swait.ge [sflag:s17], $0x800  }
0x56: {  	[sflag:s17] =	ssyncset.done $0x0  }
0x57: {  	[sflag:s17] =	ssyncadd.s32 $0xFFFFF800  }
0x58: {  	_ =	swait.ge [sflag:s18], $0x800  }
0x59: {  	[sflag:s18] =	ssyncset.done $0x0  }
0x5a: {  	[sflag:s18] =	ssyncadd.s32 $0xFFFFF800  }
0x5b: {  	_ =	swait.ge [sflag:s19], $0x800  }
0x5c: {  	[sflag:s19] =	ssyncset.done $0x0  }
0x5d: {  	[sflag:s19] =	ssyncadd.s32 $0xFFFFF800  }
0x5e: {  	_ =	swait.ge [sflag:s20], $0x800  }
0x5f: {  	[sflag:s20] =	ssyncset.done $0x0  }
0x60: {  	[sflag:s20] =	ssyncadd.s32 $0xFFFFF800  }
0x61: {  	_ =	swait.ge [sflag:s21], $0x800  }
0x62: {  	[sflag:s21] =	ssyncset.done $0x0  }
0x63: {  	[sflag:s21] =	ssyncadd.s32 $0xFFFFF800  }
0x64: {  	[bflag:$0x0] =	sbarrier.arrive $0xFFFF  }
0x65: {  	[tilespmem:s8], [sflag:$0x6] =	stream.linear.gather [spmem:s4], $0x14000, $0x38;
	[tilespmem:$0x1D000] =	vst v63  }
0x66: {  	s22 =	sadd.s32 $0x1, s22;
	_ =	swait.ge [sflag:s9], $0x14000  }
0x67: {  	p0 =	sne.s32 s22, s7;
	[sflag:s9] =	ssyncset.done $0x0  }
.Ltmp2:
0x68: {  	[sflag:s9] =	ssyncadd.s32 $0xFFFEC000;
	(pc) =	sbr.rel @p0 .LBB2_1-.Ltmp2, $4  }
0x69: {  	[hbm4b:s6+s3] =	stream.linear.scatter [tilespmem:s8], [sflag:$0x6], $0x14000, $0x38;
	[tilespmem:$0x1D000] =	vst v63  }
0x6a: {  	_ =	swait.ge [sflag:s9], $0x14000  }
0x6b: {  	[sflag:s9] =	ssyncset.done $0x0  }
0x6c: {  	[sflag:s9] =	ssyncadd.s32 $0xFFFEC000  }
0x6d: {  	_ =	sfence.sel $0x180000  }
0x6e: {  	[bflag:$0x0] =	sbarrier.arrive $0xFFFF  }
0x6f: {  	p0 =	sne.s32 s0, $0x0;
	_ =	strace $0x90000047  }
0x70: {  	s0 =	sadd.s32 @!p0 $0x100000, s1;
	[bflag:$0x2] =	sbarrier.arrive $0xFFFF  }
0x71: {  	[sflag:s0] =	ssyncadd.tile.s32 @!p0 $0x1;
	_ =	shalt  }
.Lfunc_end2:
_tile_overlayer_lowered:
.L_overlay_start_2:
0x72: {  	(tag) =	ssettag $0x2  }
0x73: {  	s0 =	rddreg [dreg:$0x0];
	s2 =	stileid.u32  }
0x74: {  	s1 =	rddreg [dreg:$0x1];
	p0 =	sne.s32 s2, $0x0  }
0x75: {  	s3 =	rddreg [dreg:$0x2];
	[bflag:$0x3] =	sbarrier.arrive $0xFFFF;
	s2 =	simm.s32 @!p0 $0x1C06  }
0x76: {  	[timem:s3], [sflag:s2] =	dma.local @!p0 [hbm:s0], s1  }
0x77: {  	s0 =	simm.s32 @!p0 $0x6  }
0x78: {  	_ =	swait.ge @!p0 [sflag:s0], s1  }
0x79: {  	s1 =	ssub.s32 @!p0 $0x0, s1;
	[sflag:s0] =	ssyncset.done @!p0 $0x0  }
0x7a: {  	[sflag:s0] =	ssyncadd.s32 @!p0 s1  }
0x7b: {  	[bflag:$0x3] =	sbarrier.arrive $0xFFFF  }
0x7c: {  	_ =	shalt  }

</sc_bundles>
